<compile_context>
chip_gen: v7x
topology: tpu7x:2x2x1
jax: 0.10.2.dev20260603
libtpu: 0.0.44.dev20260713+nightly
codegen_flags: <defaults>
</compile_context>

<pallas_src>
import functools

import jax
import jax.numpy as jnp
from jax import lax
from jax.experimental import pallas as pl
from jax.experimental.pallas import tpu as pltpu
from jax.experimental.pallas import tpu_sc as plsc

IN_F = 512
ASSOC = 50000
OUT_F = 512
TOTAL = IN_F + ASSOC + OUT_F
NC = 2
NS = 16
NW = NC * NS
L = 16
SL = 3200
PT = NS * SL
C = 4096
CI = 2048


def _tanh16(v):
  e = jnp.exp(v + v)
  return 1.0 - 2.0 / (e + 1.0)


def _edge_phase(wid, src_h, dst_h, w_h, acc_sh, a_sh, a_loc,
                srcb, wb, dstb, valb, sem_in, sem_sc, n_edges, n_chunks):
  e8 = n_edges // 8
  start = 8 * ((e8 * wid) // NW)
  end = 8 * ((e8 * (wid + 1)) // NW)
  iota = lax.iota(jnp.int32, L)

  def chunk_base(k):
    b0 = start + k * C
    b = jnp.minimum(b0, end - C)
    return b, b0 - b

  def in_descs(k, h):
    b, _ = chunk_base(k)
    d = [pltpu.make_async_copy(src_h.at[pl.ds(b, C)], srcb[h],
                               sem_in.at[h]),
         pltpu.make_async_copy(w_h.at[pl.ds(b, C)], wb[h], sem_in.at[h])]
    for j in range(C // CI):
      d.append(pltpu.make_async_copy(dst_h.at[pl.ds(b + j * CI, CI)],
                                     dstb[h][j], sem_in.at[h]))
    return d

  def sc_descs(h):
    return [pltpu.make_async_copy(valb[h].at[pl.ds(j * CI, CI)],
                                  acc_sh.at[dstb[h][j]], sem_sc.at[h])
            for j in range(C // CI)]

  def compute(k, h):
    _, pinv = chunk_base(k)

    @plsc.parallel_loop(0, C, step=L, unroll=4)
    def g_body(o):
      q = pl.ds(o, L)
      sv = srcb[h][q]
      av = plsc.load_gather(a_loc, [sv])
      wv = jnp.where((o + iota) >= pinv, wb[h][q], 0.0)
      valb[h][q] = av * wv

  def run_chunk(k, h, drain_h):
    if drain_h is not None:
      for d in sc_descs(drain_h):
        d.wait()
    for d in in_descs(k + 1, (h + 1) % 3):
      d.start()
    for d in in_descs(k, h):
      d.wait()
    compute(k, h)
    for d in sc_descs(h):
      d.start(add=True)

  a_copy = pltpu.make_async_copy(a_sh, a_loc, sem_in.at[2])
  a_copy.start()
  for d in in_descs(0, 0):
    d.start()
  a_copy.wait()
  run_chunk(0, 0, None)
  run_chunk(1, 1, None)

  def triple_body(p, carry):
    k = 2 + 3 * p
    for h_off in range(3):
      kk = k + h_off
      h = (2 + h_off) % 3
      run_chunk(kk, h, (h + 1) % 3)
    return carry

  lax.fori_loop(0, (n_chunks - 2) // 3, triple_body, 0)

  for d in sc_descs((n_chunks - 2) % 3):
    d.wait()
  for d in sc_descs((n_chunks - 1) % 3):
    d.wait()
  for d in in_descs(n_chunks, n_chunks % 3):
    d.wait()


def _publish_a(off, acc_sh, a_sh, msto, abuf):
  pltpu.sync_copy(msto, acc_sh.at[pl.ds(off, SL)])
  pltpu.sync_copy(abuf, a_sh.at[pl.ds(off, SL)])
  plsc.subcore_barrier()


def _fused_body(x_h, si_h, di_h, wi_h, src_h, dst_h, w_h, y_h, p1_h,
                acc_sh, a_sh, a_loc, m0, m1, msto, abuf, x_loc,
                sib, dib, wib, vib, srcb, wb, dstb, valb,
                sem_in, sem_sc, sem_x,
                n_in, n_edges, n_chunks):
  c = lax.axis_index("c")
  s = lax.axis_index("s")
  wid = s * NC + c
  off = s * SL

  zeros = jnp.zeros((L,), jnp.float32)

  @plsc.parallel_loop(0, SL, step=L, unroll=4)
  def z_body(o):
    msto[pl.ds(o, L)] = zeros
  pltpu.sync_copy(msto, acc_sh.at[pl.ds(off, SL)])
  pltpu.sync_copy(x_h, x_loc)
  plsc.subcore_barrier()

  per = n_in // NS
  base = s * per
  pltpu.sync_copy(si_h.at[pl.ds(base, per)], sib)
  pltpu.sync_copy(wi_h.at[pl.ds(base, per)], wib)
  pltpu.sync_copy(di_h.at[pl.ds(base, per)], dib)

  @plsc.parallel_loop(0, per, step=L, unroll=4)
  def g_body(o):
    q = pl.ds(o, L)
    sv = sib[q]
    av = plsc.load_gather(x_loc, [sv])
    vib[q] = av * wib[q]
  pltpu.sync_copy(vib, acc_sh.at[dib], add=True)
  plsc.subcore_barrier()

  pltpu.sync_copy(acc_sh.at[pl.ds(off, SL)], m0)
  scale = jnp.where(c == 0, 1.0, 0.0).astype(jnp.float32)

  @plsc.parallel_loop(0, SL, step=L, unroll=4)
  def t_body(o):
    q = pl.ds(o, L)
    m = m0[q]
    abuf[q] = _tanh16(m)
    msto[q] = m * scale
  _publish_a(off, acc_sh, a_sh, msto, abuf)
  _edge_phase(wid, src_h, dst_h, w_h, acc_sh, a_sh, a_loc,
              srcb, wb, dstb, valb, sem_in, sem_sc, n_edges, n_chunks)
  plsc.subcore_barrier()

  pltpu.sync_copy(acc_sh.at[pl.ds(off, SL)],
                  p1_h.at[pl.ds(c * PT + off, SL)])
  plsc.subcore_barrier()

  @pl.when(s == 0)
  def _():
    pl.semaphore_signal(sem_x, 1, core_index=1 - c)
    pl.semaphore_wait(sem_x, 1)

  plsc.subcore_barrier()

  pltpu.sync_copy(p1_h.at[pl.ds((1 - c) * PT + off, SL)], m1)
  pltpu.sync_copy(acc_sh.at[pl.ds(off, SL)], m0)

  @plsc.parallel_loop(0, SL, step=L, unroll=4)
  def t2_body(o):
    q = pl.ds(o, L)
    m = m0[q] + m1[q]
    abuf[q] = _tanh16(m)
    msto[q] = m * scale
  _publish_a(off, acc_sh, a_sh, msto, abuf)
  _edge_phase(wid, src_h, dst_h, w_h, acc_sh, a_sh, a_loc,
              srcb, wb, dstb, valb, sem_in, sem_sc, n_edges, n_chunks)
  plsc.subcore_barrier()

  tail_lo = IN_F + ASSOC - (NS - 1) * SL

  @pl.when(s == NS - 1)
  def _():
    pltpu.sync_copy(acc_sh.at[pl.ds((NS - 1) * SL, SL)], m0)
    pltpu.sync_copy(m0.at[pl.ds(tail_lo, OUT_F)],
                    y_h.at[pl.ds(c * OUT_F, OUT_F)])


def _out_body(t_ref, y_ref):
  y_ref[:] = jnp.tanh(t_ref[0, :] + t_ref[1, :])


@functools.lru_cache(maxsize=None)
def _build(e_as, e_in):
  assert e_in % (NS * L) == 0
  assert e_as % 8 == 0
  assert (e_as // NW) - 8 >= C
  mesh = plsc.VectorSubcoreMesh(core_axis_name="c", subcore_axis_name="s")
  partials = jax.ShapeDtypeStruct((NC * PT,), jnp.float32)
  sc_params = pltpu.CompilerParams(needs_layout_passes=False)

  max_count = 8 * ((e_as // 8 + NW - 1) // NW)
  nch = -(-max_count // C)
  nch = 2 + 3 * (-(-(nch - 2) // 3))

  edge_scratch = [
      tuple(pltpu.VMEM((C,), jnp.int32) for _ in range(3)),
      tuple(pltpu.VMEM((C,), jnp.float32) for _ in range(3)),
      tuple(tuple(pltpu.VMEM((CI,), jnp.int32) for _ in range(C // CI))
            for _ in range(3)),
      tuple(pltpu.VMEM((C,), jnp.float32) for _ in range(3)),
      pltpu.SemaphoreType.DMA((3,)),
      pltpu.SemaphoreType.DMA((3,)),
  ]

  kfused = pl.kernel(
      functools.partial(_fused_body, n_in=e_in, n_edges=e_as, n_chunks=nch),
      out_type=(jax.ShapeDtypeStruct((NC * OUT_F,), jnp.float32), partials),
      mesh=mesh,
      compiler_params=sc_params,
      scratch_types=[
          pltpu.VMEM_SHARED((PT,), jnp.float32),
          pltpu.VMEM_SHARED((PT,), jnp.float32),
          pltpu.VMEM((PT,), jnp.float32),
          pltpu.VMEM((SL,), jnp.float32),
          pltpu.VMEM((SL,), jnp.float32),
          pltpu.VMEM((SL,), jnp.float32),
          pltpu.VMEM((SL,), jnp.float32),
          pltpu.VMEM((IN_F,), jnp.float32),
          pltpu.VMEM((e_in // NS,), jnp.int32),
          pltpu.VMEM((e_in // NS,), jnp.int32),
          pltpu.VMEM((e_in // NS,), jnp.float32),
          pltpu.VMEM((e_in // NS,), jnp.float32),
      ] + edge_scratch + [pltpu.SemaphoreType.REGULAR],
  )

  kout = pl.pallas_call(
      _out_body,
      out_shape=jax.ShapeDtypeStruct((OUT_F,), jnp.float32),
  )
  return kfused, kout


def kernel(x, w_in, w_assoc, src_in, dst_in, src_assoc, dst_assoc):
  kfused, kout = _build(src_assoc.shape[0], src_in.shape[0])
  xv = x.reshape(IN_F)
  tails, _ = kfused(xv, src_in, dst_in, w_in, src_assoc, dst_assoc, w_assoc)
  return kout(tails.reshape(NC, OUT_F))

# --- scband reference (transcript-rebuilt; emitter-appended) ---
"""Pipeline reference for scband-chaotic-rnn-53266184405811 (READ-ONLY COPY).

The authoritative reference and input builder live on the scoring server;
editing this copy changes nothing except your own understanding.
"""

import jax, jax.numpy as jnp
import numpy as np

IN_F = 512
OUT_F = 512
ASSOC = 50000
P = 0.001
TOTAL = IN_F + ASSOC + OUT_F


def setup_inputs(seed: int = 0) -> dict:
    key = jax.random.key(seed)
    rng = np.random.RandomState(0)
    # Random sparse directed graph (Bernoulli(p) connectivity, sampled by expected edge count)
    e_in = int(IN_F * ASSOC * P)
    src_in = rng.randint(0, IN_F, size=e_in).astype(np.int32)
    dst_in = rng.randint(IN_F, IN_F + ASSOC, size=e_in).astype(np.int32)
    e_as = int(ASSOC * (ASSOC + OUT_F) * P)
    src_assoc = rng.randint(IN_F, IN_F + ASSOC, size=e_as).astype(np.int32)
    dst_assoc = rng.randint(IN_F, TOTAL, size=e_as).astype(np.int32)
    k1, k2, k3 = jax.random.split(key, 3)
    x = jax.random.normal(k1, (1, IN_F), dtype=jnp.float32)
    w_in = jax.random.normal(k2, (e_in,), dtype=jnp.float32) * 0.05
    w_assoc = jax.random.normal(k3, (e_as,), dtype=jnp.float32) * 0.01
    return {
        "x": x,
        "w_in": w_in,
        "w_assoc": w_assoc,
        "src_in": jnp.asarray(src_in),
        "dst_in": jnp.asarray(dst_in),
        "src_assoc": jnp.asarray(src_assoc),
        "dst_assoc": jnp.asarray(dst_assoc),
    }


def reference(x, w_in, w_assoc, src_in, dst_in, src_assoc, dst_assoc):
    # Neuron memory accumulator over the whole graph
    mem = jnp.zeros((TOTAL,), dtype=jnp.float32)
    xv = x[0]
    # Input phase: each input neuron forwards X[i] * edge_weight into connected
    # associative neurons' memory (scatter-add of gathered messages).
    mem = mem.at[dst_in].add(xv[src_in] * w_in)
    # Associative propagation waves: working associative neurons fire
    # activation(sum(memory)) * edge_weight into downstream neurons until
    # all associative neurons have activated (fixed-depth unrolled waves).
    for _ in range(2):
        a = jnp.tanh(mem)
        mem = mem.at[dst_assoc].add(a[src_assoc] * w_assoc)
    # Output phase: output neurons apply the activation to their accumulated memory
    Y = jnp.tanh(mem[IN_F + ASSOC:])
    return Y

if __name__ == "__main__":
    import jax
    _d = setup_inputs()
    print(jax.jit(kernel)(*tuple(_d.values())))

</pallas_src>

<mosaic_0001>
#map = affine_map<(d0, d1) -> (0)>
module attributes {stable_mosaic.version = 14 : i64} {
  func.func @_fused_body(%arg0: i32, %arg1: i32, %arg2: memref<512xf32, #tpu.memory_space<hbm>>, %arg3: memref<25600xi32, #tpu.memory_space<hbm>>, %arg4: memref<25600xi32, #tpu.memory_space<hbm>>, %arg5: memref<25600xf32, #tpu.memory_space<hbm>>, %arg6: memref<2525600xi32, #tpu.memory_space<hbm>>, %arg7: memref<2525600xi32, #tpu.memory_space<hbm>>, %arg8: memref<2525600xf32, #tpu.memory_space<hbm>>, %arg9: memref<1024xf32, #tpu.memory_space<hbm>>, %arg10: memref<102400xf32, #tpu.memory_space<hbm>>, %arg11: memref<51200xf32, #tpu.memory_space<vmem_shared>>, %arg12: memref<51200xf32, #tpu.memory_space<vmem_shared>>, %arg13: memref<51200xf32, #tpu.memory_space<vmem>>, %arg14: memref<3200xf32, #tpu.memory_space<vmem>>, %arg15: memref<3200xf32, #tpu.memory_space<vmem>>, %arg16: memref<3200xf32, #tpu.memory_space<vmem>>, %arg17: memref<3200xf32, #tpu.memory_space<vmem>>, %arg18: memref<512xf32, #tpu.memory_space<vmem>>, %arg19: memref<1600xi32, #tpu.memory_space<vmem>>, %arg20: memref<1600xi32, #tpu.memory_space<vmem>>, %arg21: memref<1600xf32, #tpu.memory_space<vmem>>, %arg22: memref<1600xf32, #tpu.memory_space<vmem>>, %arg23: memref<4096xi32, #tpu.memory_space<vmem>>, %arg24: memref<4096xi32, #tpu.memory_space<vmem>>, %arg25: memref<4096xi32, #tpu.memory_space<vmem>>, %arg26: memref<4096xf32, #tpu.memory_space<vmem>>, %arg27: memref<4096xf32, #tpu.memory_space<vmem>>, %arg28: memref<4096xf32, #tpu.memory_space<vmem>>, %arg29: memref<2048xi32, #tpu.memory_space<vmem>>, %arg30: memref<2048xi32, #tpu.memory_space<vmem>>, %arg31: memref<2048xi32, #tpu.memory_space<vmem>>, %arg32: memref<2048xi32, #tpu.memory_space<vmem>>, %arg33: memref<2048xi32, #tpu.memory_space<vmem>>, %arg34: memref<2048xi32, #tpu.memory_space<vmem>>, %arg35: memref<4096xf32, #tpu.memory_space<vmem>>, %arg36: memref<4096xf32, #tpu.memory_space<vmem>>, %arg37: memref<4096xf32, #tpu.memory_space<vmem>>, %arg38: memref<3x!tpu.dma_semaphore, #tpu.memory_space<semaphore_mem>>, %arg39: memref<3x!tpu.dma_semaphore, #tpu.memory_space<semaphore_mem>>, %arg40: memref<!tpu.semaphore, #tpu.memory_space<semaphore_mem>>) attributes {dimension_semantics = [#tpu.dimension_semantics<core_parallel>, #tpu.dimension_semantics<subcore_parallel>], iteration_bounds = array<i64: 2, 16>, scalar_prefetch = 0 : i64, scratch_operands = 30 : i64, tpu.core_type = #tpu.core_type<sc_vector_subcore>, window_params = [{transform_indices = #map}, {transform_indices = #map}, {transform_indices = #map}, {transform_indices = #map}, {transform_indices = #map}, {transform_indices = #map}, {transform_indices = #map}, {transform_indices = #map}, {transform_indices = #map}]} {
    %mul3A = arith.constant 2 : i32
    %mul3A_0 = arith.muli %arg1, %mul3A : i32
    %add3A = arith.addi %mul3A_0, %arg0 : i32
    %mul3A_1 = arith.constant 3200 : i32
    %mul3A_2 = arith.muli %arg1, %mul3A_1 : i32
    %broadcast_in_dim3A = arith.constant 0.000000e+00 : f32
    %broadcast_in_dim3A_3 = vector.broadcast %broadcast_in_dim3A : f32 to vector<16xf32>
    %parallel_loop3A = arith.constant 0 : i32
    %parallel_loop3A_4 = arith.constant 3200 : i32
    %parallel_loop3A_5 = arith.constant 16 : i32
    scf.for %parallel_loop3A_681 = %parallel_loop3A to %parallel_loop3A_4 step %parallel_loop3A_5  : i32 {
      %parallel_loop3A_682 = arith.index_cast %parallel_loop3A_681 : i32 to index
      %parallel_loop3A_683 = tpu.vector_load %arg16[%parallel_loop3A_682] {strides = array<i32>} : memref<3200xf32, #tpu.memory_space<vmem>>, vector<16xf32>,
      tpu.vector_store %arg16[%parallel_loop3A_682], %broadcast_in_dim3A_3 {strides = array<i32>} : memref<3200xf32, #tpu.memory_space<vmem>>, vector<16xf32>,
    } {sc.loop_unroll_factor = 4 : i64, sc.parallel_access}
    "tpu.region"() ({
      %run_scoped3A = tpu.sem_alloc : memref<!tpu.dma_semaphore, #tpu.memory_space<semaphore_mem>>
      %dma_start3A_681 = tpu.memref_slice %arg11[%mul3A_2] : memref<51200xf32, #tpu.memory_space<vmem_shared>> -> memref<3200xf32, #tpu.memory_space<vmem_shared>>
      %dma_start3A_682 = tpu.memref_slice %arg11[%mul3A_2] : memref<51200xf32, #tpu.memory_space<vmem_shared>> -> memref<3200xf32, #tpu.memory_space<vmem_shared>>
      tpu.enqueue_dma source(%arg16 : memref<3200xf32, #tpu.memory_space<vmem>>) target(%dma_start3A_682 : memref<3200xf32, #tpu.memory_space<vmem_shared>>) target_semaphore(%run_scoped3A : memref<!tpu.dma_semaphore, #tpu.memory_space<semaphore_mem>>)
      %dma_wait3A_683 = tpu.memref_slice %arg11[%mul3A_2] : memref<51200xf32, #tpu.memory_space<vmem_shared>> -> memref<3200xf32, #tpu.memory_space<vmem_shared>>
      %dma_wait3A_684 = tpu.memref_slice %arg11[%mul3A_2] : memref<51200xf32, #tpu.memory_space<vmem_shared>> -> memref<3200xf32, #tpu.memory_space<vmem_shared>>
      tpu.wait_dma2 semaphore(%run_scoped3A : memref<!tpu.dma_semaphore, #tpu.memory_space<semaphore_mem>>) src(%arg16 : memref<3200xf32, #tpu.memory_space<vmem>>) dst(%dma_wait3A_684 : memref<3200xf32, #tpu.memory_space<vmem_shared>>)
      tpu.yield
    }) : () -> ()
    "tpu.region"() ({
      %run_scoped3A = tpu.sem_alloc : memref<!tpu.dma_semaphore, #tpu.memory_space<semaphore_mem>>
      tpu.enqueue_dma source(%arg2 : memref<512xf32, #tpu.memory_space<hbm>>) target(%arg18 : memref<512xf32, #tpu.memory_space<vmem>>) target_semaphore(%run_scoped3A : memref<!tpu.dma_semaphore, #tpu.memory_space<semaphore_mem>>)
      tpu.wait_dma2 semaphore(%run_scoped3A : memref<!tpu.dma_semaphore, #tpu.memory_space<semaphore_mem>>) src(%arg2 : memref<512xf32, #tpu.memory_space<hbm>>) dst(%arg18 : memref<512xf32, #tpu.memory_space<vmem>>)
      tpu.yield
    }) : () -> ()
    %barrier3A = arith.constant 0 : index
    tpu.barrier barrier_id(%barrier3A)
    %mul3A_6 = arith.constant 1600 : i32
    %mul3A_7 = arith.muli %arg1, %mul3A_6 : i32
    "tpu.region"() ({
      %run_scoped3A = tpu.sem_alloc : memref<!tpu.dma_semaphore, #tpu.memory_space<semaphore_mem>>
      %dma_start3A_681 = tpu.memref_slice %arg3[%mul3A_7] : memref<25600xi32, #tpu.memory_space<hbm>> -> memref<1600xi32, #tpu.memory_space<hbm>>
      %dma_start3A_682 = tpu.memref_slice %arg3[%mul3A_7] : memref<25600xi32, #tpu.memory_space<hbm>> -> memref<1600xi32, #tpu.memory_space<hbm>>
      tpu.enqueue_dma source(%dma_start3A_682 : memref<1600xi32, #tpu.memory_space<hbm>>) target(%arg19 : memref<1600xi32, #tpu.memory_space<vmem>>) target_semaphore(%run_scoped3A : memref<!tpu.dma_semaphore, #tpu.memory_space<semaphore_mem>>)
      %dma_wait3A_683 = tpu.memref_slice %arg3[%mul3A_7] : memref<25600xi32, #tpu.memory_space<hbm>> -> memref<1600xi32, #tpu.memory_space<hbm>>
      %dma_wait3A_684 = tpu.memref_slice %arg3[%mul3A_7] : memref<25600xi32, #tpu.memory_space<hbm>> -> memref<1600xi32, #tpu.memory_space<hbm>>
      tpu.wait_dma2 semaphore(%run_scoped3A : memref<!tpu.dma_semaphore, #tpu.memory_space<semaphore_mem>>) src(%dma_wait3A_684 : memref<1600xi32, #tpu.memory_space<hbm>>) dst(%arg19 : memref<1600xi32, #tpu.memory_space<vmem>>)
      tpu.yield
    }) : () -> ()
    "tpu.region"() ({
      %run_scoped3A = tpu.sem_alloc : memref<!tpu.dma_semaphore, #tpu.memory_space<semaphore_mem>>
      %dma_start3A_681 = tpu.memref_slice %arg5[%mul3A_7] : memref<25600xf32, #tpu.memory_space<hbm>> -> memref<1600xf32, #tpu.memory_space<hbm>>
      %dma_start3A_682 = tpu.memref_slice %arg5[%mul3A_7] : memref<25600xf32, #tpu.memory_space<hbm>> -> memref<1600xf32, #tpu.memory_space<hbm>>
      tpu.enqueue_dma source(%dma_start3A_682 : memref<1600xf32, #tpu.memory_space<hbm>>) target(%arg21 : memref<1600xf32, #tpu.memory_space<vmem>>) target_semaphore(%run_scoped3A : memref<!tpu.dma_semaphore, #tpu.memory_space<semaphore_mem>>)
      %dma_wait3A_683 = tpu.memref_slice %arg5[%mul3A_7] : memref<25600xf32, #tpu.memory_space<hbm>> -> memref<1600xf32, #tpu.memory_space<hbm>>
      %dma_wait3A_684 = tpu.memref_slice %arg5[%mul3A_7] : memref<25600xf32, #tpu.memory_space<hbm>> -> memref<1600xf32, #tpu.memory_space<hbm>>
      tpu.wait_dma2 semaphore(%run_scoped3A : memref<!tpu.dma_semaphore, #tpu.memory_space<semaphore_mem>>) src(%dma_wait3A_684 : memref<1600xf32, #tpu.memory_space<hbm>>) dst(%arg21 : memref<1600xf32, #tpu.memory_space<vmem>>)
      tpu.yield
    }) : () -> ()
    "tpu.region"() ({
      %run_scoped3A = tpu.sem_alloc : memref<!tpu.dma_semaphore, #tpu.memory_space<semaphore_mem>>
      %dma_start3A_681 = tpu.memref_slice %arg4[%mul3A_7] : memref<25600xi32, #tpu.memory_space<hbm>> -> memref<1600xi32, #tpu.memory_space<hbm>>
      %dma_start3A_682 = tpu.memref_slice %arg4[%mul3A_7] : memref<25600xi32, #tpu.memory_space<hbm>> -> memref<1600xi32, #tpu.memory_space<hbm>>
      tpu.enqueue_dma source(%dma_start3A_682 : memref<1600xi32, #tpu.memory_space<hbm>>) target(%arg20 : memref<1600xi32, #tpu.memory_space<vmem>>) target_semaphore(%run_scoped3A : memref<!tpu.dma_semaphore, #tpu.memory_space<semaphore_mem>>)
      %dma_wait3A_683 = tpu.memref_slice %arg4[%mul3A_7] : memref<25600xi32, #tpu.memory_space<hbm>> -> memref<1600xi32, #tpu.memory_space<hbm>>
      %dma_wait3A_684 = tpu.memref_slice %arg4[%mul3A_7] : memref<25600xi32, #tpu.memory_space<hbm>> -> memref<1600xi32, #tpu.memory_space<hbm>>
      tpu.wait_dma2 semaphore(%run_scoped3A : memref<!tpu.dma_semaphore, #tpu.memory_space<semaphore_mem>>) src(%dma_wait3A_684 : memref<1600xi32, #tpu.memory_space<hbm>>) dst(%arg20 : memref<1600xi32, #tpu.memory_space<vmem>>)
      tpu.yield
    }) : () -> ()
    %parallel_loop3A_8 = arith.constant 0 : i32
    %parallel_loop3A_9 = arith.constant 1600 : i32
    %parallel_loop3A_10 = arith.constant 16 : i32
    scf.for %parallel_loop3A_681 = %parallel_loop3A_8 to %parallel_loop3A_9 step %parallel_loop3A_10  : i32 {
      %parallel_loop3A_682 = arith.index_cast %parallel_loop3A_681 : i32 to index
      %parallel_loop3A_683 = tpu.vector_load %arg19[%parallel_loop3A_682] {strides = array<i32>} : memref<1600xi32, #tpu.memory_space<vmem>>, vector<16xi32>,
      %parallel_loop3A_684 = tpu.vector_load_idx %arg18[%parallel_loop3A_683] : memref<512xf32, #tpu.memory_space<vmem>>[vector<16xi32>], vector<16xf32>,
      %parallel_loop3A_685 = arith.index_cast %parallel_loop3A_681 : i32 to index
      %parallel_loop3A_686 = tpu.vector_load %arg21[%parallel_loop3A_685] {strides = array<i32>} : memref<1600xf32, #tpu.memory_space<vmem>>, vector<16xf32>,
      %parallel_loop3A_687 = arith.mulf %parallel_loop3A_684, %parallel_loop3A_686 : vector<16xf32>
      %parallel_loop3A_688 = arith.index_cast %parallel_loop3A_681 : i32 to index
      %parallel_loop3A_689 = tpu.vector_load %arg22[%parallel_loop3A_688] {strides = array<i32>} : memref<1600xf32, #tpu.memory_space<vmem>>, vector<16xf32>,
      tpu.vector_store %arg22[%parallel_loop3A_688], %parallel_loop3A_687 {strides = array<i32>} : memref<1600xf32, #tpu.memory_space<vmem>>, vector<16xf32>,
    } {sc.loop_unroll_factor = 4 : i64, sc.parallel_access}
    "tpu.region"() ({
      %run_scoped3A = tpu.sem_alloc : memref<!tpu.dma_semaphore, #tpu.memory_space<semaphore_mem>>
      %dma_start3A_681 = arith.constant 0 : i32
      %dma_start3A_682 = tpu.memref_slice %arg11[%dma_start3A_681] : memref<51200xf32, #tpu.memory_space<vmem_shared>> -> memref<51200xf32, #tpu.memory_space<vmem_shared>>
      tpu.enqueue_indirect_dma source(%arg22 : memref<1600xf32, #tpu.memory_space<vmem>>) target(%dma_start3A_682 : memref<51200xf32, #tpu.memory_space<vmem_shared>>) offsets(%arg20 : memref<1600xi32, #tpu.memory_space<vmem>>) semaphore(%run_scoped3A : memref<!tpu.dma_semaphore, #tpu.memory_space<semaphore_mem>>) {add = true}
      %dma_wait3A_683 = arith.constant 0 : i32
      %dma_wait3A_684 = tpu.memref_slice %arg11[%dma_wait3A_683] : memref<51200xf32, #tpu.memory_space<vmem_shared>> -> memref<51200xf32, #tpu.memory_space<vmem_shared>>
      tpu.wait_indirect_dma semaphore(%run_scoped3A : memref<!tpu.dma_semaphore, #tpu.memory_space<semaphore_mem>>) src(%arg22 : memref<1600xf32, #tpu.memory_space<vmem>>) dst(%dma_wait3A_684 : memref<51200xf32, #tpu.memory_space<vmem_shared>>)
      tpu.yield
    }) : () -> ()
    %barrier3A_11 = arith.constant 0 : index
    tpu.barrier barrier_id(%barrier3A_11)
    "tpu.region"() ({
      %run_scoped3A = tpu.sem_alloc : memref<!tpu.dma_semaphore, #tpu.memory_space<semaphore_mem>>
      %dma_start3A_681 = tpu.memref_slice %arg11[%mul3A_2] : memref<51200xf32, #tpu.memory_space<vmem_shared>> -> memref<3200xf32, #tpu.memory_space<vmem_shared>>
      %dma_start3A_682 = tpu.memref_slice %arg11[%mul3A_2] : memref<51200xf32, #tpu.memory_space<vmem_shared>> -> memref<3200xf32, #tpu.memory_space<vmem_shared>>
      tpu.enqueue_dma source(%dma_start3A_682 : memref<3200xf32, #tpu.memory_space<vmem_shared>>) target(%arg14 : memref<3200xf32, #tpu.memory_space<vmem>>) target_semaphore(%run_scoped3A : memref<!tpu.dma_semaphore, #tpu.memory_space<semaphore_mem>>)
      %dma_wait3A_683 = tpu.memref_slice %arg11[%mul3A_2] : memref<51200xf32, #tpu.memory_space<vmem_shared>> -> memref<3200xf32, #tpu.memory_space<vmem_shared>>
      %dma_wait3A_684 = tpu.memref_slice %arg11[%mul3A_2] : memref<51200xf32, #tpu.memory_space<vmem_shared>> -> memref<3200xf32, #tpu.memory_space<vmem_shared>>
      tpu.wait_dma2 semaphore(%run_scoped3A : memref<!tpu.dma_semaphore, #tpu.memory_space<semaphore_mem>>) src(%dma_wait3A_684 : memref<3200xf32, #tpu.memory_space<vmem_shared>>) dst(%arg14 : memref<3200xf32, #tpu.memory_space<vmem>>)
      tpu.yield
    }) : () -> ()
    %eq3A = arith.constant 0 : i32
    %eq3A_12 = arith.cmpi eq, %arg0, %eq3A : i32
    %jit3A = arith.constant 1.000000e+00 : f32
    %jit3A_13 = arith.constant 0.000000e+00 : f32
    %select_n3A = arith.select %eq3A_12, %jit3A, %jit3A_13 : f32
    %parallel_loop3A_14 = arith.constant 0 : i32
    %parallel_loop3A_15 = arith.constant 3200 : i32
    %parallel_loop3A_16 = arith.constant 16 : i32
    scf.for %parallel_loop3A_681 = %parallel_loop3A_14 to %parallel_loop3A_15 step %parallel_loop3A_16  : i32 {
      %parallel_loop3A_682 = arith.index_cast %parallel_loop3A_681 : i32 to index
      %parallel_loop3A_683 = tpu.vector_load %arg14[%parallel_loop3A_682] {strides = array<i32>} : memref<3200xf32, #tpu.memory_space<vmem>>, vector<16xf32>,
      %parallel_loop3A_684 = arith.addf %parallel_loop3A_683, %parallel_loop3A_683 : vector<16xf32>
      %parallel_loop3A_685 = math.exp %parallel_loop3A_684 : vector<16xf32>
      %parallel_loop3A_686 = arith.constant 1.000000e+00 : f32
      %parallel_loop3A_687 = vector.broadcast %parallel_loop3A_686 : f32 to vector<16xf32>
      %parallel_loop3A_688 = arith.addf %parallel_loop3A_685, %parallel_loop3A_687 : vector<16xf32>
      %parallel_loop3A_689 = arith.constant 2.000000e+00 : f32
      %parallel_loop3A_690 = vector.broadcast %parallel_loop3A_689 : f32 to vector<16xf32>
      %parallel_loop3A_691 = arith.divf %parallel_loop3A_690, %parallel_loop3A_688 : vector<16xf32>
      %parallel_loop3A_692 = arith.constant 1.000000e+00 : f32
      %parallel_loop3A_693 = vector.broadcast %parallel_loop3A_692 : f32 to vector<16xf32>
      %parallel_loop3A_694 = arith.subf %parallel_loop3A_693, %parallel_loop3A_691 : vector<16xf32>
      %parallel_loop3A_695 = arith.index_cast %parallel_loop3A_681 : i32 to index
      %parallel_loop3A_696 = tpu.vector_load %arg17[%parallel_loop3A_695] {strides = array<i32>} : memref<3200xf32, #tpu.memory_space<vmem>>, vector<16xf32>,
      tpu.vector_store %arg17[%parallel_loop3A_695], %parallel_loop3A_694 {strides = array<i32>} : memref<3200xf32, #tpu.memory_space<vmem>>, vector<16xf32>,
      %parallel_loop3A_697 = vector.broadcast %select_n3A : f32 to vector<16xf32>
      %parallel_loop3A_698 = arith.mulf %parallel_loop3A_683, %parallel_loop3A_697 : vector<16xf32>
      %parallel_loop3A_699 = arith.index_cast %parallel_loop3A_681 : i32 to index
      %parallel_loop3A_700 = tpu.vector_load %arg16[%parallel_loop3A_699] {strides = array<i32>} : memref<3200xf32, #tpu.memory_space<vmem>>, vector<16xf32>,
      tpu.vector_store %arg16[%parallel_loop3A_699], %parallel_loop3A_698 {strides = array<i32>} : memref<3200xf32, #tpu.memory_space<vmem>>, vector<16xf32>,
    } {sc.loop_unroll_factor = 4 : i64, sc.parallel_access}
    "tpu.region"() ({
      %run_scoped3A = tpu.sem_alloc : memref<!tpu.dma_semaphore, #tpu.memory_space<semaphore_mem>>
      %dma_start3A_681 = tpu.memref_slice %arg11[%mul3A_2] : memref<51200xf32, #tpu.memory_space<vmem_shared>> -> memref<3200xf32, #tpu.memory_space<vmem_shared>>
      %dma_start3A_682 = tpu.memref_slice %arg11[%mul3A_2] : memref<51200xf32, #tpu.memory_space<vmem_shared>> -> memref<3200xf32, #tpu.memory_space<vmem_shared>>
      tpu.enqueue_dma source(%arg16 : memref<3200xf32, #tpu.memory_space<vmem>>) target(%dma_start3A_682 : memref<3200xf32, #tpu.memory_space<vmem_shared>>) target_semaphore(%run_scoped3A : memref<!tpu.dma_semaphore, #tpu.memory_space<semaphore_mem>>)
      %dma_wait3A_683 = tpu.memref_slice %arg11[%mul3A_2] : memref<51200xf32, #tpu.memory_space<vmem_shared>> -> memref<3200xf32, #tpu.memory_space<vmem_shared>>
      %dma_wait3A_684 = tpu.memref_slice %arg11[%mul3A_2] : memref<51200xf32, #tpu.memory_space<vmem_shared>> -> memref<3200xf32, #tpu.memory_space<vmem_shared>>
      tpu.wait_dma2 semaphore(%run_scoped3A : memref<!tpu.dma_semaphore, #tpu.memory_space<semaphore_mem>>) src(%arg16 : memref<3200xf32, #tpu.memory_space<vmem>>) dst(%dma_wait3A_684 : memref<3200xf32, #tpu.memory_space<vmem_shared>>)
      tpu.yield
    }) : () -> ()
    "tpu.region"() ({
      %run_scoped3A = tpu.sem_alloc : memref<!tpu.dma_semaphore, #tpu.memory_space<semaphore_mem>>
      %dma_start3A_681 = tpu.memref_slice %arg12[%mul3A_2] : memref<51200xf32, #tpu.memory_space<vmem_shared>> -> memref<3200xf32, #tpu.memory_space<vmem_shared>>
      %dma_start3A_682 = tpu.memref_slice %arg12[%mul3A_2] : memref<51200xf32, #tpu.memory_space<vmem_shared>> -> memref<3200xf32, #tpu.memory_space<vmem_shared>>
      tpu.enqueue_dma source(%arg17 : memref<3200xf32, #tpu.memory_space<vmem>>) target(%dma_start3A_682 : memref<3200xf32, #tpu.memory_space<vmem_shared>>) target_semaphore(%run_scoped3A : memref<!tpu.dma_semaphore, #tpu.memory_space<semaphore_mem>>)
      %dma_wait3A_683 = tpu.memref_slice %arg12[%mul3A_2] : memref<51200xf32, #tpu.memory_space<vmem_shared>> -> memref<3200xf32, #tpu.memory_space<vmem_shared>>
      %dma_wait3A_684 = tpu.memref_slice %arg12[%mul3A_2] : memref<51200xf32, #tpu.memory_space<vmem_shared>> -> memref<3200xf32, #tpu.memory_space<vmem_shared>>
      tpu.wait_dma2 semaphore(%run_scoped3A : memref<!tpu.dma_semaphore, #tpu.memory_space<semaphore_mem>>) src(%arg17 : memref<3200xf32, #tpu.memory_space<vmem>>) dst(%dma_wait3A_684 : memref<3200xf32, #tpu.memory_space<vmem_shared>>)
      tpu.yield
    }) : () -> ()
    %barrier3A_17 = arith.constant 0 : index
    tpu.barrier barrier_id(%barrier3A_17)
    %mul3A_18 = arith.constant 315700 : i32
    %mul3A_19 = arith.muli %mul3A_18, %add3A : i32
    %jit3A_20 = arith.constant 32 : i32
    %div3A = arith.divsi %mul3A_19, %jit3A_20 : i32
    %sign3A = arith.constant 0 : i32
    %sign3A_21 = arith.cmpi sgt, %mul3A_19, %sign3A : i32
    %sign3A_22 = arith.extui %sign3A_21 : i1 to i32
    %sign3A_23 = arith.constant 0 : i32
    %sign3A_24 = arith.cmpi slt, %mul3A_19, %sign3A_23 : i32
    %sign3A_25 = arith.extui %sign3A_24 : i1 to i32
    %sign3A_26 = arith.subi %sign3A_22, %sign3A_25 : i32
    %sign3A_27 = arith.constant 0 : i32
    %sign3A_28 = arith.cmpi sgt, %jit3A_20, %sign3A_27 : i32
    %sign3A_29 = arith.extui %sign3A_28 : i1 to i32
    %sign3A_30 = arith.constant 0 : i32
    %sign3A_31 = arith.cmpi slt, %jit3A_20, %sign3A_30 : i32
    %sign3A_32 = arith.extui %sign3A_31 : i1 to i32
    %sign3A_33 = arith.subi %sign3A_29, %sign3A_32 : i32
    %ne3A = arith.cmpi ne, %sign3A_26, %sign3A_33 : i32
    %rem3A = arith.remsi %mul3A_19, %jit3A_20 : i32
    %ne3A_34 = arith.constant 0 : i32
    %ne3A_35 = arith.cmpi ne, %rem3A, %ne3A_34 : i32
    %and3A = arith.andi %ne3A, %ne3A_35 : i1
    %sub3A = arith.constant 1 : i32
    %sub3A_36 = arith.subi %div3A, %sub3A : i32
    %select_n3A_37 = arith.select %and3A, %sub3A_36, %div3A : i32
    %mul3A_38 = arith.constant 8 : i32
    %mul3A_39 = arith.muli %mul3A_38, %select_n3A_37 : i32
    %add3A_40 = arith.constant 1 : i32
    %add3A_41 = arith.addi %add3A, %add3A_40 : i32
    %mul3A_42 = arith.constant 315700 : i32
    %mul3A_43 = arith.muli %mul3A_42, %add3A_41 : i32
    %jit3A_44 = arith.constant 32 : i32
    %div3A_45 = arith.divsi %mul3A_43, %jit3A_44 : i32
    %sign3A_46 = arith.constant 0 : i32
    %sign3A_47 = arith.cmpi sgt, %mul3A_43, %sign3A_46 : i32
    %sign3A_48 = arith.extui %sign3A_47 : i1 to i32
    %sign3A_49 = arith.constant 0 : i32
    %sign3A_50 = arith.cmpi slt, %mul3A_43, %sign3A_49 : i32
    %sign3A_51 = arith.extui %sign3A_50 : i1 to i32
    %sign3A_52 = arith.subi %sign3A_48, %sign3A_51 : i32
    %sign3A_53 = arith.constant 0 : i32
    %sign3A_54 = arith.cmpi sgt, %jit3A_44, %sign3A_53 : i32
    %sign3A_55 = arith.extui %sign3A_54 : i1 to i32
    %sign3A_56 = arith.constant 0 : i32
    %sign3A_57 = arith.cmpi slt, %jit3A_44, %sign3A_56 : i32
    %sign3A_58 = arith.extui %sign3A_57 : i1 to i32
    %sign3A_59 = arith.subi %sign3A_55, %sign3A_58 : i32
    %ne3A_60 = arith.cmpi ne, %sign3A_52, %sign3A_59 : i32
    %rem3A_61 = arith.remsi %mul3A_43, %jit3A_44 : i32
    %ne3A_62 = arith.constant 0 : i32
    %ne3A_63 = arith.cmpi ne, %rem3A_61, %ne3A_62 : i32
    %and3A_64 = arith.andi %ne3A_60, %ne3A_63 : i1
    %sub3A_65 = arith.constant 1 : i32
    %sub3A_66 = arith.subi %div3A_45, %sub3A_65 : i32
    %select_n3A_67 = arith.select %and3A_64, %sub3A_66, %div3A_45 : i32
    %mul3A_68 = arith.constant 8 : i32
    %mul3A_69 = arith.muli %mul3A_68, %select_n3A_67 : i32
    %iota3A = tpu.iota {dimensions = array<i32: 0>} : vector<16xi32>
    %dma_start3A = arith.constant 2 : i32
    %dma_start3A_70 = tpu.memref_slice %arg38[%dma_start3A] : memref<3x!tpu.dma_semaphore, #tpu.memory_space<semaphore_mem>> -> memref<1x!tpu.dma_semaphore, #tpu.memory_space<semaphore_mem>>
    %dma_start3A_71 = tpu.memref_squeeze %dma_start3A_70 : memref<1x!tpu.dma_semaphore, #tpu.memory_space<semaphore_mem>> -> memref<!tpu.dma_semaphore, #tpu.memory_space<semaphore_mem>>
    tpu.enqueue_dma source(%arg12 : memref<51200xf32, #tpu.memory_space<vmem_shared>>) target(%arg13 : memref<51200xf32, #tpu.memory_space<vmem>>) target_semaphore(%dma_start3A_71 : memref<!tpu.dma_semaphore, #tpu.memory_space<semaphore_mem>>)
    %add3A_72 = arith.constant 0 : i32
    %add3A_73 = arith.addi %mul3A_39, %add3A_72 : i32
    %sub3A_74 = arith.constant 4096 : i32
    %sub3A_75 = arith.subi %mul3A_69, %sub3A_74 : i32
    %min3A = arith.minsi %add3A_73, %sub3A_75 : i32
    %sub3A_76 = arith.subi %add3A_73, %min3A : i32
    %add3A_77 = arith.constant 0 : i32
    %add3A_78 = arith.addi %min3A, %add3A_77 : i32
    %add3A_79 = arith.constant 2048 : i32
    %add3A_80 = arith.addi %min3A, %add3A_79 : i32
    %dma_start3A_81 = arith.constant 0 : i32
    %dma_start3A_82 = tpu.memref_slice %arg6[%min3A] : memref<2525600xi32, #tpu.memory_space<hbm>> -> memref<4096xi32, #tpu.memory_space<hbm>>
    %dma_start3A_83 = tpu.memref_slice %arg38[%dma_start3A_81] : memref<3x!tpu.dma_semaphore, #tpu.memory_space<semaphore_mem>> -> memref<1x!tpu.dma_semaphore, #tpu.memory_space<semaphore_mem>>
    %dma_start3A_84 = tpu.memref_squeeze %dma_start3A_83 : memref<1x!tpu.dma_semaphore, #tpu.memory_space<semaphore_mem>> -> memref<!tpu.dma_semaphore, #tpu.memory_space<semaphore_mem>>
    %dma_start3A_85 = tpu.memref_slice %arg6[%min3A] : memref<2525600xi32, #tpu.memory_space<hbm>> -> memref<4096xi32, #tpu.memory_space<hbm>>
    tpu.enqueue_dma source(%dma_start3A_85 : memref<4096xi32, #tpu.memory_space<hbm>>) target(%arg23 : memref<4096xi32, #tpu.memory_space<vmem>>) target_semaphore(%dma_start3A_84 : memref<!tpu.dma_semaphore, #tpu.memory_space<semaphore_mem>>)
    %dma_start3A_86 = arith.constant 0 : i32
    %dma_start3A_87 = tpu.memref_slice %arg8[%min3A] : memref<2525600xf32, #tpu.memory_space<hbm>> -> memref<4096xf32, #tpu.memory_space<hbm>>
    %dma_start3A_88 = tpu.memref_slice %arg38[%dma_start3A_86] : memref<3x!tpu.dma_semaphore, #tpu.memory_space<semaphore_mem>> -> memref<1x!tpu.dma_semaphore, #tpu.memory_space<semaphore_mem>>
    %dma_start3A_89 = tpu.memref_squeeze %dma_start3A_88 : memref<1x!tpu.dma_semaphore, #tpu.memory_space<semaphore_mem>> -> memref<!tpu.dma_semaphore, #tpu.memory_space<semaphore_mem>>
    %dma_start3A_90 = tpu.memref_slice %arg8[%min3A] : memref<2525600xf32, #tpu.memory_space<hbm>> -> memref<4096xf32, #tpu.memory_space<hbm>>
    tpu.enqueue_dma source(%dma_start3A_90 : memref<4096xf32, #tpu.memory_space<hbm>>) target(%arg26 : memref<4096xf32, #tpu.memory_space<vmem>>) target_semaphore(%dma_start3A_89 : memref<!tpu.dma_semaphore, #tpu.memory_space<semaphore_mem>>)
    %dma_start3A_91 = arith.constant 0 : i32
    %dma_start3A_92 = tpu.memref_slice %arg7[%add3A_78] : memref<2525600xi32, #tpu.memory_space<hbm>> -> memref<2048xi32, #tpu.memory_space<hbm>>
    %dma_start3A_93 = tpu.memref_slice %arg38[%dma_start3A_91] : memref<3x!tpu.dma_semaphore, #tpu.memory_space<semaphore_mem>> -> memref<1x!tpu.dma_semaphore, #tpu.memory_space<semaphore_mem>>
    %dma_start3A_94 = tpu.memref_squeeze %dma_start3A_93 : memref<1x!tpu.dma_semaphore, #tpu.memory_space<semaphore_mem>> -> memref<!tpu.dma_semaphore, #tpu.memory_space<semaphore_mem>>
    %dma_start3A_95 = tpu.memref_slice %arg7[%add3A_78] : memref<2525600xi32, #tpu.memory_space<hbm>> -> memref<2048xi32, #tpu.memory_space<hbm>>
    tpu.enqueue_dma source(%dma_start3A_95 : memref<2048xi32, #tpu.memory_space<hbm>>) target(%arg29 : memref<2048xi32, #tpu.memory_space<vmem>>) target_semaphore(%dma_start3A_94 : memref<!tpu.dma_semaphore, #tpu.memory_space<semaphore_mem>>)
    %dma_start3A_96 = arith.constant 0 : i32
    %dma_start3A_97 = tpu.memref_slice %arg7[%add3A_80] : memref<2525600xi32, #tpu.memory_space<hbm>> -> memref<2048xi32, #tpu.memory_space<hbm>>
    %dma_start3A_98 = tpu.memref_slice %arg38[%dma_start3A_96] : memref<3x!tpu.dma_semaphore, #tpu.memory_space<semaphore_mem>> -> memref<1x!tpu.dma_semaphore, #tpu.memory_space<semaphore_mem>>
    %dma_start3A_99 = tpu.memref_squeeze %dma_start3A_98 : memref<1x!tpu.dma_semaphore, #tpu.memory_space<semaphore_mem>> -> memref<!tpu.dma_semaphore, #tpu.memory_space<semaphore_mem>>
    %dma_start3A_100 = tpu.memref_slice %arg7[%add3A_80] : memref<2525600xi32, #tpu.memory_space<hbm>> -> memref<2048xi32, #tpu.memory_space<hbm>>
    tpu.enqueue_dma source(%dma_start3A_100 : memref<2048xi32, #tpu.memory_space<hbm>>) target(%arg30 : memref<2048xi32, #tpu.memory_space<vmem>>) target_semaphore(%dma_start3A_99 : memref<!tpu.dma_semaphore, #tpu.memory_space<semaphore_mem>>)
    %dma_wait3A = arith.constant 2 : i32
    %dma_wait3A_101 = tpu.memref_slice %arg38[%dma_wait3A] : memref<3x!tpu.dma_semaphore, #tpu.memory_space<semaphore_mem>> -> memref<1x!tpu.dma_semaphore, #tpu.memory_space<semaphore_mem>>
    %dma_wait3A_102 = tpu.memref_squeeze %dma_wait3A_101 : memref<1x!tpu.dma_semaphore, #tpu.memory_space<semaphore_mem>> -> memref<!tpu.dma_semaphore, #tpu.memory_space<semaphore_mem>>
    tpu.wait_dma2 semaphore(%dma_wait3A_102 : memref<!tpu.dma_semaphore, #tpu.memory_space<semaphore_mem>>) src(%arg12 : memref<51200xf32, #tpu.memory_space<vmem_shared>>) dst(%arg13 : memref<51200xf32, #tpu.memory_space<vmem>>)
    %add3A_103 = arith.constant 4096 : i32
    %add3A_104 = arith.addi %mul3A_39, %add3A_103 : i32
    %sub3A_105 = arith.constant 4096 : i32
    %sub3A_106 = arith.subi %mul3A_69, %sub3A_105 : i32
    %min3A_107 = arith.minsi %add3A_104, %sub3A_106 : i32
    %sub3A_108 = arith.subi %add3A_104, %min3A_107 : i32
    %add3A_109 = arith.constant 0 : i32
    %add3A_110 = arith.addi %min3A_107, %add3A_109 : i32
    %add3A_111 = arith.constant 2048 : i32
    %add3A_112 = arith.addi %min3A_107, %add3A_111 : i32
    %dma_start3A_113 = arith.constant 1 : i32
    %dma_start3A_114 = tpu.memref_slice %arg6[%min3A_107] : memref<2525600xi32, #tpu.memory_space<hbm>> -> memref<4096xi32, #tpu.memory_space<hbm>>
    %dma_start3A_115 = tpu.memref_slice %arg38[%dma_start3A_113] : memref<3x!tpu.dma_semaphore, #tpu.memory_space<semaphore_mem>> -> memref<1x!tpu.dma_semaphore, #tpu.memory_space<semaphore_mem>>
    %dma_start3A_116 = tpu.memref_squeeze %dma_start3A_115 : memref<1x!tpu.dma_semaphore, #tpu.memory_space<semaphore_mem>> -> memref<!tpu.dma_semaphore, #tpu.memory_space<semaphore_mem>>
    %dma_start3A_117 = tpu.memref_slice %arg6[%min3A_107] : memref<2525600xi32, #tpu.memory_space<hbm>> -> memref<4096xi32, #tpu.memory_space<hbm>>
    tpu.enqueue_dma source(%dma_start3A_117 : memref<4096xi32, #tpu.memory_space<hbm>>) target(%arg24 : memref<4096xi32, #tpu.memory_space<vmem>>) target_semaphore(%dma_start3A_116 : memref<!tpu.dma_semaphore, #tpu.memory_space<semaphore_mem>>)
    %dma_start3A_118 = arith.constant 1 : i32
    %dma_start3A_119 = tpu.memref_slice %arg8[%min3A_107] : memref<2525600xf32, #tpu.memory_space<hbm>> -> memref<4096xf32, #tpu.memory_space<hbm>>
    %dma_start3A_120 = tpu.memref_slice %arg38[%dma_start3A_118] : memref<3x!tpu.dma_semaphore, #tpu.memory_space<semaphore_mem>> -> memref<1x!tpu.dma_semaphore, #tpu.memory_space<semaphore_mem>>
    %dma_start3A_121 = tpu.memref_squeeze %dma_start3A_120 : memref<1x!tpu.dma_semaphore, #tpu.memory_space<semaphore_mem>> -> memref<!tpu.dma_semaphore, #tpu.memory_space<semaphore_mem>>
    %dma_start3A_122 = tpu.memref_slice %arg8[%min3A_107] : memref<2525600xf32, #tpu.memory_space<hbm>> -> memref<4096xf32, #tpu.memory_space<hbm>>
    tpu.enqueue_dma source(%dma_start3A_122 : memref<4096xf32, #tpu.memory_space<hbm>>) target(%arg27 : memref<4096xf32, #tpu.memory_space<vmem>>) target_semaphore(%dma_start3A_121 : memref<!tpu.dma_semaphore, #tpu.memory_space<semaphore_mem>>)
    %dma_start3A_123 = arith.constant 1 : i32
    %dma_start3A_124 = tpu.memref_slice %arg7[%add3A_110] : memref<2525600xi32, #tpu.memory_space<hbm>> -> memref<2048xi32, #tpu.memory_space<hbm>>
    %dma_start3A_125 = tpu.memref_slice %arg38[%dma_start3A_123] : memref<3x!tpu.dma_semaphore, #tpu.memory_space<semaphore_mem>> -> memref<1x!tpu.dma_semaphore, #tpu.memory_space<semaphore_mem>>
    %dma_start3A_126 = tpu.memref_squeeze %dma_start3A_125 : memref<1x!tpu.dma_semaphore, #tpu.memory_space<semaphore_mem>> -> memref<!tpu.dma_semaphore, #tpu.memory_space<semaphore_mem>>
    %dma_start3A_127 = tpu.memref_slice %arg7[%add3A_110] : memref<2525600xi32, #tpu.memory_space<hbm>> -> memref<2048xi32, #tpu.memory_space<hbm>>
    tpu.enqueue_dma source(%dma_start3A_127 : memref<2048xi32, #tpu.memory_space<hbm>>) target(%arg31 : memref<2048xi32, #tpu.memory_space<vmem>>) target_semaphore(%dma_start3A_126 : memref<!tpu.dma_semaphore, #tpu.memory_space<semaphore_mem>>)
    %dma_start3A_128 = arith.constant 1 : i32
    %dma_start3A_129 = tpu.memref_slice %arg7[%add3A_112] : memref<2525600xi32, #tpu.memory_space<hbm>> -> memref<2048xi32, #tpu.memory_space<hbm>>
    %dma_start3A_130 = tpu.memref_slice %arg38[%dma_start3A_128] : memref<3x!tpu.dma_semaphore, #tpu.memory_space<semaphore_mem>> -> memref<1x!tpu.dma_semaphore, #tpu.memory_space<semaphore_mem>>
    %dma_start3A_131 = tpu.memref_squeeze %dma_start3A_130 : memref<1x!tpu.dma_semaphore, #tpu.memory_space<semaphore_mem>> -> memref<!tpu.dma_semaphore, #tpu.memory_space<semaphore_mem>>
    %dma_start3A_132 = tpu.memref_slice %arg7[%add3A_112] : memref<2525600xi32, #tpu.memory_space<hbm>> -> memref<2048xi32, #tpu.memory_space<hbm>>
    tpu.enqueue_dma source(%dma_start3A_132 : memref<2048xi32, #tpu.memory_space<hbm>>) target(%arg32 : memref<2048xi32, #tpu.memory_space<vmem>>) target_semaphore(%dma_start3A_131 : memref<!tpu.dma_semaphore, #tpu.memory_space<semaphore_mem>>)
    %add3A_133 = arith.constant 0 : i32
    %add3A_134 = arith.addi %mul3A_39, %add3A_133 : i32
    %sub3A_135 = arith.constant 4096 : i32
    %sub3A_136 = arith.subi %mul3A_69, %sub3A_135 : i32
    %min3A_137 = arith.minsi %add3A_134, %sub3A_136 : i32
    %sub3A_138 = arith.subi %add3A_134, %min3A_137 : i32
    %add3A_139 = arith.constant 0 : i32
    %add3A_140 = arith.addi %min3A_137, %add3A_139 : i32
    %add3A_141 = arith.constant 2048 : i32
    %add3A_142 = arith.addi %min3A_137, %add3A_141 : i32
    %dma_wait3A_143 = arith.constant 0 : i32
    %dma_wait3A_144 = tpu.memref_slice %arg6[%min3A_137] : memref<2525600xi32, #tpu.memory_space<hbm>> -> memref<4096xi32, #tpu.memory_space<hbm>>
    %dma_wait3A_145 = tpu.memref_slice %arg38[%dma_wait3A_143] : memref<3x!tpu.dma_semaphore, #tpu.memory_space<semaphore_mem>> -> memref<1x!tpu.dma_semaphore, #tpu.memory_space<semaphore_mem>>
    %dma_wait3A_146 = tpu.memref_squeeze %dma_wait3A_145 : memref<1x!tpu.dma_semaphore, #tpu.memory_space<semaphore_mem>> -> memref<!tpu.dma_semaphore, #tpu.memory_space<semaphore_mem>>
    %dma_wait3A_147 = tpu.memref_slice %arg6[%min3A_137] : memref<2525600xi32, #tpu.memory_space<hbm>> -> memref<4096xi32, #tpu.memory_space<hbm>>
    tpu.wait_dma2 semaphore(%dma_wait3A_146 : memref<!tpu.dma_semaphore, #tpu.memory_space<semaphore_mem>>) src(%dma_wait3A_147 : memref<4096xi32, #tpu.memory_space<hbm>>) dst(%arg23 : memref<4096xi32, #tpu.memory_space<vmem>>)
    %dma_wait3A_148 = arith.constant 0 : i32
    %dma_wait3A_149 = tpu.memref_slice %arg8[%min3A_137] : memref<2525600xf32, #tpu.memory_space<hbm>> -> memref<4096xf32, #tpu.memory_space<hbm>>
    %dma_wait3A_150 = tpu.memref_slice %arg38[%dma_wait3A_148] : memref<3x!tpu.dma_semaphore, #tpu.memory_space<semaphore_mem>> -> memref<1x!tpu.dma_semaphore, #tpu.memory_space<semaphore_mem>>
    %dma_wait3A_151 = tpu.memref_squeeze %dma_wait3A_150 : memref<1x!tpu.dma_semaphore, #tpu.memory_space<semaphore_mem>> -> memref<!tpu.dma_semaphore, #tpu.memory_space<semaphore_mem>>
    %dma_wait3A_152 = tpu.memref_slice %arg8[%min3A_137] : memref<2525600xf32, #tpu.memory_space<hbm>> -> memref<4096xf32, #tpu.memory_space<hbm>>
    tpu.wait_dma2 semaphore(%dma_wait3A_151 : memref<!tpu.dma_semaphore, #tpu.memory_space<semaphore_mem>>) src(%dma_wait3A_152 : memref<4096xf32, #tpu.memory_space<hbm>>) dst(%arg26 : memref<4096xf32, #tpu.memory_space<vmem>>)
    %dma_wait3A_153 = arith.constant 0 : i32
    %dma_wait3A_154 = tpu.memref_slice %arg7[%add3A_140] : memref<2525600xi32, #tpu.memory_space<hbm>> -> memref<2048xi32, #tpu.memory_space<hbm>>
    %dma_wait3A_155 = tpu.memref_slice %arg38[%dma_wait3A_153] : memref<3x!tpu.dma_semaphore, #tpu.memory_space<semaphore_mem>> -> memref<1x!tpu.dma_semaphore, #tpu.memory_space<semaphore_mem>>
    %dma_wait3A_156 = tpu.memref_squeeze %dma_wait3A_155 : memref<1x!tpu.dma_semaphore, #tpu.memory_space<semaphore_mem>> -> memref<!tpu.dma_semaphore, #tpu.memory_space<semaphore_mem>>
    %dma_wait3A_157 = tpu.memref_slice %arg7[%add3A_140] : memref<2525600xi32, #tpu.memory_space<hbm>> -> memref<2048xi32, #tpu.memory_space<hbm>>
    tpu.wait_dma2 semaphore(%dma_wait3A_156 : memref<!tpu.dma_semaphore, #tpu.memory_space<semaphore_mem>>) src(%dma_wait3A_157 : memref<2048xi32, #tpu.memory_space<hbm>>) dst(%arg29 : memref<2048xi32, #tpu.memory_space<vmem>>)
    %dma_wait3A_158 = arith.constant 0 : i32
    %dma_wait3A_159 = tpu.memref_slice %arg7[%add3A_142] : memref<2525600xi32, #tpu.memory_space<hbm>> -> memref<2048xi32, #tpu.memory_space<hbm>>
    %dma_wait3A_160 = tpu.memref_slice %arg38[%dma_wait3A_158] : memref<3x!tpu.dma_semaphore, #tpu.memory_space<semaphore_mem>> -> memref<1x!tpu.dma_semaphore, #tpu.memory_space<semaphore_mem>>
    %dma_wait3A_161 = tpu.memref_squeeze %dma_wait3A_160 : memref<1x!tpu.dma_semaphore, #tpu.memory_space<semaphore_mem>> -> memref<!tpu.dma_semaphore, #tpu.memory_space<semaphore_mem>>
    %dma_wait3A_162 = tpu.memref_slice %arg7[%add3A_142] : memref<2525600xi32, #tpu.memory_space<hbm>> -> memref<2048xi32, #tpu.memory_space<hbm>>
    tpu.wait_dma2 semaphore(%dma_wait3A_161 : memref<!tpu.dma_semaphore, #tpu.memory_space<semaphore_mem>>) src(%dma_wait3A_162 : memref<2048xi32, #tpu.memory_space<hbm>>) dst(%arg30 : memref<2048xi32, #tpu.memory_space<vmem>>)
    %add3A_163 = arith.constant 0 : i32
    %add3A_164 = arith.addi %mul3A_39, %add3A_163 : i32
    %sub3A_165 = arith.constant 4096 : i32
    %sub3A_166 = arith.subi %mul3A_69, %sub3A_165 : i32
    %min3A_167 = arith.minsi %add3A_164, %sub3A_166 : i32
    %sub3A_168 = arith.subi %add3A_164, %min3A_167 : i32
    %parallel_loop3A_169 = arith.constant 0 : i32
    %parallel_loop3A_170 = arith.constant 4096 : i32
    %parallel_loop3A_171 = arith.constant 16 : i32
    scf.for %parallel_loop3A_681 = %parallel_loop3A_169 to %parallel_loop3A_170 step %parallel_loop3A_171  : i32 {
      %parallel_loop3A_682 = arith.index_cast %parallel_loop3A_681 : i32 to index
      %parallel_loop3A_683 = tpu.vector_load %arg23[%parallel_loop3A_682] {strides = array<i32>} : memref<4096xi32, #tpu.memory_space<vmem>>, vector<16xi32>,
      %parallel_loop3A_684 = tpu.vector_load_idx %arg13[%parallel_loop3A_683] : memref<51200xf32, #tpu.memory_space<vmem>>[vector<16xi32>], vector<16xf32>,
      %parallel_loop3A_685 = vector.broadcast %parallel_loop3A_681 : i32 to vector<16xi32>
      %parallel_loop3A_686 = arith.addi %parallel_loop3A_685, %iota3A : vector<16xi32>
      %parallel_loop3A_687 = vector.broadcast %sub3A_168 : i32 to vector<16xi32>
      %parallel_loop3A_688 = arith.cmpi sge, %parallel_loop3A_686, %parallel_loop3A_687 : vector<16xi32>
      %parallel_loop3A_689 = arith.index_cast %parallel_loop3A_681 : i32 to index
      %parallel_loop3A_690 = tpu.vector_load %arg26[%parallel_loop3A_689] {strides = array<i32>} : memref<4096xf32, #tpu.memory_space<vmem>>, vector<16xf32>,
      %parallel_loop3A_691 = arith.constant 0.000000e+00 : f32
      %parallel_loop3A_692 = vector.broadcast %parallel_loop3A_691 : f32 to vector<16xf32>
      %parallel_loop3A_693 = arith.select %parallel_loop3A_688, %parallel_loop3A_690, %parallel_loop3A_692 : vector<16xi1>, vector<16xf32>
      %parallel_loop3A_694 = arith.mulf %parallel_loop3A_684, %parallel_loop3A_693 : vector<16xf32>
      %parallel_loop3A_695 = arith.index_cast %parallel_loop3A_681 : i32 to index
      %parallel_loop3A_696 = tpu.vector_load %arg35[%parallel_loop3A_695] {strides = array<i32>} : memref<4096xf32, #tpu.memory_space<vmem>>, vector<16xf32>,
      tpu.vector_store %arg35[%parallel_loop3A_695], %parallel_loop3A_694 {strides = array<i32>} : memref<4096xf32, #tpu.memory_space<vmem>>, vector<16xf32>,
    } {sc.loop_unroll_factor = 4 : i64, sc.parallel_access}
    %dma_start3A_172 = arith.constant 0 : i32
    %dma_start3A_173 = arith.constant 0 : i32
    %dma_start3A_174 = tpu.memref_slice %arg35[%dma_start3A_173] : memref<4096xf32, #tpu.memory_space<vmem>> -> memref<2048xf32, #tpu.memory_space<vmem>>
    %dma_start3A_175 = arith.constant 0 : i32
    %dma_start3A_176 = tpu.memref_slice %arg11[%dma_start3A_175] : memref<51200xf32, #tpu.memory_space<vmem_shared>> -> memref<51200xf32, #tpu.memory_space<vmem_shared>>
    %dma_start3A_177 = tpu.memref_slice %arg39[%dma_start3A_172] : memref<3x!tpu.dma_semaphore, #tpu.memory_space<semaphore_mem>> -> memref<1x!tpu.dma_semaphore, #tpu.memory_space<semaphore_mem>>
    %dma_start3A_178 = tpu.memref_squeeze %dma_start3A_177 : memref<1x!tpu.dma_semaphore, #tpu.memory_space<semaphore_mem>> -> memref<!tpu.dma_semaphore, #tpu.memory_space<semaphore_mem>>
    tpu.enqueue_indirect_dma source(%dma_start3A_174 : memref<2048xf32, #tpu.memory_space<vmem>>) target(%dma_start3A_176 : memref<51200xf32, #tpu.memory_space<vmem_shared>>) offsets(%arg29 : memref<2048xi32, #tpu.memory_space<vmem>>) semaphore(%dma_start3A_178 : memref<!tpu.dma_semaphore, #tpu.memory_space<semaphore_mem>>) {add = true}
    %dma_start3A_179 = arith.constant 0 : i32
    %dma_start3A_180 = arith.constant 2048 : i32
    %dma_start3A_181 = tpu.memref_slice %arg35[%dma_start3A_180] : memref<4096xf32, #tpu.memory_space<vmem>> -> memref<2048xf32, #tpu.memory_space<vmem>>
    %dma_start3A_182 = arith.constant 0 : i32
    %dma_start3A_183 = tpu.memref_slice %arg11[%dma_start3A_182] : memref<51200xf32, #tpu.memory_space<vmem_shared>> -> memref<51200xf32, #tpu.memory_space<vmem_shared>>
    %dma_start3A_184 = tpu.memref_slice %arg39[%dma_start3A_179] : memref<3x!tpu.dma_semaphore, #tpu.memory_space<semaphore_mem>> -> memref<1x!tpu.dma_semaphore, #tpu.memory_space<semaphore_mem>>
    %dma_start3A_185 = tpu.memref_squeeze %dma_start3A_184 : memref<1x!tpu.dma_semaphore, #tpu.memory_space<semaphore_mem>> -> memref<!tpu.dma_semaphore, #tpu.memory_space<semaphore_mem>>
    tpu.enqueue_indirect_dma source(%dma_start3A_181 : memref<2048xf32, #tpu.memory_space<vmem>>) target(%dma_start3A_183 : memref<51200xf32, #tpu.memory_space<vmem_shared>>) offsets(%arg30 : memref<2048xi32, #tpu.memory_space<vmem>>) semaphore(%dma_start3A_185 : memref<!tpu.dma_semaphore, #tpu.memory_space<semaphore_mem>>) {add = true}
    %add3A_186 = arith.constant 8192 : i32
    %add3A_187 = arith.addi %mul3A_39, %add3A_186 : i32
    %sub3A_188 = arith.constant 4096 : i32
    %sub3A_189 = arith.subi %mul3A_69, %sub3A_188 : i32
    %min3A_190 = arith.minsi %add3A_187, %sub3A_189 : i32
    %sub3A_191 = arith.subi %add3A_187, %min3A_190 : i32
    %add3A_192 = arith.constant 0 : i32
    %add3A_193 = arith.addi %min3A_190, %add3A_192 : i32
    %add3A_194 = arith.constant 2048 : i32
    %add3A_195 = arith.addi %min3A_190, %add3A_194 : i32
    %dma_start3A_196 = arith.constant 2 : i32
    %dma_start3A_197 = tpu.memref_slice %arg6[%min3A_190] : memref<2525600xi32, #tpu.memory_space<hbm>> -> memref<4096xi32, #tpu.memory_space<hbm>>
    %dma_start3A_198 = tpu.memref_slice %arg38[%dma_start3A_196] : memref<3x!tpu.dma_semaphore, #tpu.memory_space<semaphore_mem>> -> memref<1x!tpu.dma_semaphore, #tpu.memory_space<semaphore_mem>>
    %dma_start3A_199 = tpu.memref_squeeze %dma_start3A_198 : memref<1x!tpu.dma_semaphore, #tpu.memory_space<semaphore_mem>> -> memref<!tpu.dma_semaphore, #tpu.memory_space<semaphore_mem>>
    %dma_start3A_200 = tpu.memref_slice %arg6[%min3A_190] : memref<2525600xi32, #tpu.memory_space<hbm>> -> memref<4096xi32, #tpu.memory_space<hbm>>
    tpu.enqueue_dma source(%dma_start3A_200 : memref<4096xi32, #tpu.memory_space<hbm>>) target(%arg25 : memref<4096xi32, #tpu.memory_space<vmem>>) target_semaphore(%dma_start3A_199 : memref<!tpu.dma_semaphore, #tpu.memory_space<semaphore_mem>>)
    %dma_start3A_201 = arith.constant 2 : i32
    %dma_start3A_202 = tpu.memref_slice %arg8[%min3A_190] : memref<2525600xf32, #tpu.memory_space<hbm>> -> memref<4096xf32, #tpu.memory_space<hbm>>
    %dma_start3A_203 = tpu.memref_slice %arg38[%dma_start3A_201] : memref<3x!tpu.dma_semaphore, #tpu.memory_space<semaphore_mem>> -> memref<1x!tpu.dma_semaphore, #tpu.memory_space<semaphore_mem>>
    %dma_start3A_204 = tpu.memref_squeeze %dma_start3A_203 : memref<1x!tpu.dma_semaphore, #tpu.memory_space<semaphore_mem>> -> memref<!tpu.dma_semaphore, #tpu.memory_space<semaphore_mem>>
    %dma_start3A_205 = tpu.memref_slice %arg8[%min3A_190] : memref<2525600xf32, #tpu.memory_space<hbm>> -> memref<4096xf32, #tpu.memory_space<hbm>>
    tpu.enqueue_dma source(%dma_start3A_205 : memref<4096xf32, #tpu.memory_space<hbm>>) target(%arg28 : memref<4096xf32, #tpu.memory_space<vmem>>) target_semaphore(%dma_start3A_204 : memref<!tpu.dma_semaphore, #tpu.memory_space<semaphore_mem>>)
    %dma_start3A_206 = arith.constant 2 : i32
    %dma_start3A_207 = tpu.memref_slice %arg7[%add3A_193] : memref<2525600xi32, #tpu.memory_space<hbm>> -> memref<2048xi32, #tpu.memory_space<hbm>>
    %dma_start3A_208 = tpu.memref_slice %arg38[%dma_start3A_206] : memref<3x!tpu.dma_semaphore, #tpu.memory_space<semaphore_mem>> -> memref<1x!tpu.dma_semaphore, #tpu.memory_space<semaphore_mem>>
    %dma_start3A_209 = tpu.memref_squeeze %dma_start3A_208 : memref<1x!tpu.dma_semaphore, #tpu.memory_space<semaphore_mem>> -> memref<!tpu.dma_semaphore, #tpu.memory_space<semaphore_mem>>
    %dma_start3A_210 = tpu.memref_slice %arg7[%add3A_193] : memref<2525600xi32, #tpu.memory_space<hbm>> -> memref<2048xi32, #tpu.memory_space<hbm>>
    tpu.enqueue_dma source(%dma_start3A_210 : memref<2048xi32, #tpu.memory_space<hbm>>) target(%arg33 : memref<2048xi32, #tpu.memory_space<vmem>>) target_semaphore(%dma_start3A_209 : memref<!tpu.dma_semaphore, #tpu.memory_space<semaphore_mem>>)
    %dma_start3A_211 = arith.constant 2 : i32
    %dma_start3A_212 = tpu.memref_slice %arg7[%add3A_195] : memref<2525600xi32, #tpu.memory_space<hbm>> -> memref<2048xi32, #tpu.memory_space<hbm>>
    %dma_start3A_213 = tpu.memref_slice %arg38[%dma_start3A_211] : memref<3x!tpu.dma_semaphore, #tpu.memory_space<semaphore_mem>> -> memref<1x!tpu.dma_semaphore, #tpu.memory_space<semaphore_mem>>
    %dma_start3A_214 = tpu.memref_squeeze %dma_start3A_213 : memref<1x!tpu.dma_semaphore, #tpu.memory_space<semaphore_mem>> -> memref<!tpu.dma_semaphore, #tpu.memory_space<semaphore_mem>>
    %dma_start3A_215 = tpu.memref_slice %arg7[%add3A_195] : memref<2525600xi32, #tpu.memory_space<hbm>> -> memref<2048xi32, #tpu.memory_space<hbm>>
    tpu.enqueue_dma source(%dma_start3A_215 : memref<2048xi32, #tpu.memory_space<hbm>>) target(%arg34 : memref<2048xi32, #tpu.memory_space<vmem>>) target_semaphore(%dma_start3A_214 : memref<!tpu.dma_semaphore, #tpu.memory_space<semaphore_mem>>)
    %add3A_216 = arith.constant 4096 : i32
    %add3A_217 = arith.addi %mul3A_39, %add3A_216 : i32
    %sub3A_218 = arith.constant 4096 : i32
    %sub3A_219 = arith.subi %mul3A_69, %sub3A_218 : i32
    %min3A_220 = arith.minsi %add3A_217, %sub3A_219 : i32
    %sub3A_221 = arith.subi %add3A_217, %min3A_220 : i32
    %add3A_222 = arith.constant 0 : i32
    %add3A_223 = arith.addi %min3A_220, %add3A_222 : i32
    %add3A_224 = arith.constant 2048 : i32
    %add3A_225 = arith.addi %min3A_220, %add3A_224 : i32
    %dma_wait3A_226 = arith.constant 1 : i32
    %dma_wait3A_227 = tpu.memref_slice %arg6[%min3A_220] : memref<2525600xi32, #tpu.memory_space<hbm>> -> memref<4096xi32, #tpu.memory_space<hbm>>
    %dma_wait3A_228 = tpu.memref_slice %arg38[%dma_wait3A_226] : memref<3x!tpu.dma_semaphore, #tpu.memory_space<semaphore_mem>> -> memref<1x!tpu.dma_semaphore, #tpu.memory_space<semaphore_mem>>
    %dma_wait3A_229 = tpu.memref_squeeze %dma_wait3A_228 : memref<1x!tpu.dma_semaphore, #tpu.memory_space<semaphore_mem>> -> memref<!tpu.dma_semaphore, #tpu.memory_space<semaphore_mem>>
    %dma_wait3A_230 = tpu.memref_slice %arg6[%min3A_220] : memref<2525600xi32, #tpu.memory_space<hbm>> -> memref<4096xi32, #tpu.memory_space<hbm>>
    tpu.wait_dma2 semaphore(%dma_wait3A_229 : memref<!tpu.dma_semaphore, #tpu.memory_space<semaphore_mem>>) src(%dma_wait3A_230 : memref<4096xi32, #tpu.memory_space<hbm>>) dst(%arg24 : memref<4096xi32, #tpu.memory_space<vmem>>)
    %dma_wait3A_231 = arith.constant 1 : i32
    %dma_wait3A_232 = tpu.memref_slice %arg8[%min3A_220] : memref<2525600xf32, #tpu.memory_space<hbm>> -> memref<4096xf32, #tpu.memory_space<hbm>>
    %dma_wait3A_233 = tpu.memref_slice %arg38[%dma_wait3A_231] : memref<3x!tpu.dma_semaphore, #tpu.memory_space<semaphore_mem>> -> memref<1x!tpu.dma_semaphore, #tpu.memory_space<semaphore_mem>>
    %dma_wait3A_234 = tpu.memref_squeeze %dma_wait3A_233 : memref<1x!tpu.dma_semaphore, #tpu.memory_space<semaphore_mem>> -> memref<!tpu.dma_semaphore, #tpu.memory_space<semaphore_mem>>
    %dma_wait3A_235 = tpu.memref_slice %arg8[%min3A_220] : memref<2525600xf32, #tpu.memory_space<hbm>> -> memref<4096xf32, #tpu.memory_space<hbm>>
    tpu.wait_dma2 semaphore(%dma_wait3A_234 : memref<!tpu.dma_semaphore, #tpu.memory_space<semaphore_mem>>) src(%dma_wait3A_235 : memref<4096xf32, #tpu.memory_space<hbm>>) dst(%arg27 : memref<4096xf32, #tpu.memory_space<vmem>>)
    %dma_wait3A_236 = arith.constant 1 : i32
    %dma_wait3A_237 = tpu.memref_slice %arg7[%add3A_223] : memref<2525600xi32, #tpu.memory_space<hbm>> -> memref<2048xi32, #tpu.memory_space<hbm>>
    %dma_wait3A_238 = tpu.memref_slice %arg38[%dma_wait3A_236] : memref<3x!tpu.dma_semaphore, #tpu.memory_space<semaphore_mem>> -> memref<1x!tpu.dma_semaphore, #tpu.memory_space<semaphore_mem>>
    %dma_wait3A_239 = tpu.memref_squeeze %dma_wait3A_238 : memref<1x!tpu.dma_semaphore, #tpu.memory_space<semaphore_mem>> -> memref<!tpu.dma_semaphore, #tpu.memory_space<semaphore_mem>>
    %dma_wait3A_240 = tpu.memref_slice %arg7[%add3A_223] : memref<2525600xi32, #tpu.memory_space<hbm>> -> memref<2048xi32, #tpu.memory_space<hbm>>
    tpu.wait_dma2 semaphore(%dma_wait3A_239 : memref<!tpu.dma_semaphore, #tpu.memory_space<semaphore_mem>>) src(%dma_wait3A_240 : memref<2048xi32, #tpu.memory_space<hbm>>) dst(%arg31 : memref<2048xi32, #tpu.memory_space<vmem>>)
    %dma_wait3A_241 = arith.constant 1 : i32
    %dma_wait3A_242 = tpu.memref_slice %arg7[%add3A_225] : memref<2525600xi32, #tpu.memory_space<hbm>> -> memref<2048xi32, #tpu.memory_space<hbm>>
    %dma_wait3A_243 = tpu.memref_slice %arg38[%dma_wait3A_241] : memref<3x!tpu.dma_semaphore, #tpu.memory_space<semaphore_mem>> -> memref<1x!tpu.dma_semaphore, #tpu.memory_space<semaphore_mem>>
    %dma_wait3A_244 = tpu.memref_squeeze %dma_wait3A_243 : memref<1x!tpu.dma_semaphore, #tpu.memory_space<semaphore_mem>> -> memref<!tpu.dma_semaphore, #tpu.memory_space<semaphore_mem>>
    %dma_wait3A_245 = tpu.memref_slice %arg7[%add3A_225] : memref<2525600xi32, #tpu.memory_space<hbm>> -> memref<2048xi32, #tpu.memory_space<hbm>>
    tpu.wait_dma2 semaphore(%dma_wait3A_244 : memref<!tpu.dma_semaphore, #tpu.memory_space<semaphore_mem>>) src(%dma_wait3A_245 : memref<2048xi32, #tpu.memory_space<hbm>>) dst(%arg32 : memref<2048xi32, #tpu.memory_space<vmem>>)
    %add3A_246 = arith.constant 4096 : i32
    %add3A_247 = arith.addi %mul3A_39, %add3A_246 : i32
    %sub3A_248 = arith.constant 4096 : i32
    %sub3A_249 = arith.subi %mul3A_69, %sub3A_248 : i32
    %min3A_250 = arith.minsi %add3A_247, %sub3A_249 : i32
    %sub3A_251 = arith.subi %add3A_247, %min3A_250 : i32
    %parallel_loop3A_252 = arith.constant 0 : i32
    %parallel_loop3A_253 = arith.constant 4096 : i32
    %parallel_loop3A_254 = arith.constant 16 : i32
    scf.for %parallel_loop3A_681 = %parallel_loop3A_252 to %parallel_loop3A_253 step %parallel_loop3A_254  : i32 {
      %parallel_loop3A_682 = arith.index_cast %parallel_loop3A_681 : i32 to index
      %parallel_loop3A_683 = tpu.vector_load %arg24[%parallel_loop3A_682] {strides = array<i32>} : memref<4096xi32, #tpu.memory_space<vmem>>, vector<16xi32>,
      %parallel_loop3A_684 = tpu.vector_load_idx %arg13[%parallel_loop3A_683] : memref<51200xf32, #tpu.memory_space<vmem>>[vector<16xi32>], vector<16xf32>,
      %parallel_loop3A_685 = vector.broadcast %parallel_loop3A_681 : i32 to vector<16xi32>
      %parallel_loop3A_686 = arith.addi %parallel_loop3A_685, %iota3A : vector<16xi32>
      %parallel_loop3A_687 = vector.broadcast %sub3A_251 : i32 to vector<16xi32>
      %parallel_loop3A_688 = arith.cmpi sge, %parallel_loop3A_686, %parallel_loop3A_687 : vector<16xi32>
      %parallel_loop3A_689 = arith.index_cast %parallel_loop3A_681 : i32 to index
      %parallel_loop3A_690 = tpu.vector_load %arg27[%parallel_loop3A_689] {strides = array<i32>} : memref<4096xf32, #tpu.memory_space<vmem>>, vector<16xf32>,
      %parallel_loop3A_691 = arith.constant 0.000000e+00 : f32
      %parallel_loop3A_692 = vector.broadcast %parallel_loop3A_691 : f32 to vector<16xf32>
      %parallel_loop3A_693 = arith.select %parallel_loop3A_688, %parallel_loop3A_690, %parallel_loop3A_692 : vector<16xi1>, vector<16xf32>
      %parallel_loop3A_694 = arith.mulf %parallel_loop3A_684, %parallel_loop3A_693 : vector<16xf32>
      %parallel_loop3A_695 = arith.index_cast %parallel_loop3A_681 : i32 to index
      %parallel_loop3A_696 = tpu.vector_load %arg36[%parallel_loop3A_695] {strides = array<i32>} : memref<4096xf32, #tpu.memory_space<vmem>>, vector<16xf32>,
      tpu.vector_store %arg36[%parallel_loop3A_695], %parallel_loop3A_694 {strides = array<i32>} : memref<4096xf32, #tpu.memory_space<vmem>>, vector<16xf32>,
    } {sc.loop_unroll_factor = 4 : i64, sc.parallel_access}
    %dma_start3A_255 = arith.constant 1 : i32
    %dma_start3A_256 = arith.constant 0 : i32
    %dma_start3A_257 = tpu.memref_slice %arg36[%dma_start3A_256] : memref<4096xf32, #tpu.memory_space<vmem>> -> memref<2048xf32, #tpu.memory_space<vmem>>
    %dma_start3A_258 = arith.constant 0 : i32
    %dma_start3A_259 = tpu.memref_slice %arg11[%dma_start3A_258] : memref<51200xf32, #tpu.memory_space<vmem_shared>> -> memref<51200xf32, #tpu.memory_space<vmem_shared>>
    %dma_start3A_260 = tpu.memref_slice %arg39[%dma_start3A_255] : memref<3x!tpu.dma_semaphore, #tpu.memory_space<semaphore_mem>> -> memref<1x!tpu.dma_semaphore, #tpu.memory_space<semaphore_mem>>
    %dma_start3A_261 = tpu.memref_squeeze %dma_start3A_260 : memref<1x!tpu.dma_semaphore, #tpu.memory_space<semaphore_mem>> -> memref<!tpu.dma_semaphore, #tpu.memory_space<semaphore_mem>>
    tpu.enqueue_indirect_dma source(%dma_start3A_257 : memref<2048xf32, #tpu.memory_space<vmem>>) target(%dma_start3A_259 : memref<51200xf32, #tpu.memory_space<vmem_shared>>) offsets(%arg31 : memref<2048xi32, #tpu.memory_space<vmem>>) semaphore(%dma_start3A_261 : memref<!tpu.dma_semaphore, #tpu.memory_space<semaphore_mem>>) {add = true}
    %dma_start3A_262 = arith.constant 1 : i32
    %dma_start3A_263 = arith.constant 2048 : i32
    %dma_start3A_264 = tpu.memref_slice %arg36[%dma_start3A_263] : memref<4096xf32, #tpu.memory_space<vmem>> -> memref<2048xf32, #tpu.memory_space<vmem>>
    %dma_start3A_265 = arith.constant 0 : i32
    %dma_start3A_266 = tpu.memref_slice %arg11[%dma_start3A_265] : memref<51200xf32, #tpu.memory_space<vmem_shared>> -> memref<51200xf32, #tpu.memory_space<vmem_shared>>
    %dma_start3A_267 = tpu.memref_slice %arg39[%dma_start3A_262] : memref<3x!tpu.dma_semaphore, #tpu.memory_space<semaphore_mem>> -> memref<1x!tpu.dma_semaphore, #tpu.memory_space<semaphore_mem>>
    %dma_start3A_268 = tpu.memref_squeeze %dma_start3A_267 : memref<1x!tpu.dma_semaphore, #tpu.memory_space<semaphore_mem>> -> memref<!tpu.dma_semaphore, #tpu.memory_space<semaphore_mem>>
    tpu.enqueue_indirect_dma source(%dma_start3A_264 : memref<2048xf32, #tpu.memory_space<vmem>>) target(%dma_start3A_266 : memref<51200xf32, #tpu.memory_space<vmem_shared>>) offsets(%arg32 : memref<2048xi32, #tpu.memory_space<vmem>>) semaphore(%dma_start3A_268 : memref<!tpu.dma_semaphore, #tpu.memory_space<semaphore_mem>>) {add = true}
    %scan3A = arith.constant 0 : i32
    %scan3A_269 = arith.constant 0 : i32
    %scan3A_270 = arith.constant 6 : i32
    %scan3A_271 = arith.addi %scan3A_269, %scan3A_270 : i32
    %scan3A_272 = arith.constant 1 : i32
    scf.for %scan3A_681 = %scan3A_269 to %scan3A_271 step %scan3A_272  : i32 {
      %mul3A_682 = arith.constant 3 : i32
      %mul3A_683 = arith.muli %mul3A_682, %scan3A_681 : i32
      %add3A_684 = arith.constant 2 : i32
      %add3A_685 = arith.addi %add3A_684, %mul3A_683 : i32
      %add3A_686 = arith.constant 0 : i32
      %add3A_687 = arith.addi %add3A_685, %add3A_686 : i32
      %dma_wait3A_688 = arith.constant 0 : i32
      %dma_wait3A_689 = arith.constant 0 : i32
      %dma_wait3A_690 = tpu.memref_slice %arg35[%dma_wait3A_689] : memref<4096xf32, #tpu.memory_space<vmem>> -> memref<2048xf32, #tpu.memory_space<vmem>>
      %dma_wait3A_691 = arith.constant 0 : i32
      %dma_wait3A_692 = tpu.memref_slice %arg11[%dma_wait3A_691] : memref<51200xf32, #tpu.memory_space<vmem_shared>> -> memref<51200xf32, #tpu.memory_space<vmem_shared>>
      %dma_wait3A_693 = tpu.memref_slice %arg39[%dma_wait3A_688] : memref<3x!tpu.dma_semaphore, #tpu.memory_space<semaphore_mem>> -> memref<1x!tpu.dma_semaphore, #tpu.memory_space<semaphore_mem>>
      %dma_wait3A_694 = tpu.memref_squeeze %dma_wait3A_693 : memref<1x!tpu.dma_semaphore, #tpu.memory_space<semaphore_mem>> -> memref<!tpu.dma_semaphore, #tpu.memory_space<semaphore_mem>>
      tpu.wait_indirect_dma semaphore(%dma_wait3A_694 : memref<!tpu.dma_semaphore, #tpu.memory_space<semaphore_mem>>) src(%dma_wait3A_690 : memref<2048xf32, #tpu.memory_space<vmem>>) dst(%dma_wait3A_692 : memref<51200xf32, #tpu.memory_space<vmem_shared>>)
      %dma_wait3A_695 = arith.constant 0 : i32
      %dma_wait3A_696 = arith.constant 2048 : i32
      %dma_wait3A_697 = tpu.memref_slice %arg35[%dma_wait3A_696] : memref<4096xf32, #tpu.memory_space<vmem>> -> memref<2048xf32, #tpu.memory_space<vmem>>
      %dma_wait3A_698 = arith.constant 0 : i32
      %dma_wait3A_699 = tpu.memref_slice %arg11[%dma_wait3A_698] : memref<51200xf32, #tpu.memory_space<vmem_shared>> -> memref<51200xf32, #tpu.memory_space<vmem_shared>>
      %dma_wait3A_700 = tpu.memref_slice %arg39[%dma_wait3A_695] : memref<3x!tpu.dma_semaphore, #tpu.memory_space<semaphore_mem>> -> memref<1x!tpu.dma_semaphore, #tpu.memory_space<semaphore_mem>>
      %dma_wait3A_701 = tpu.memref_squeeze %dma_wait3A_700 : memref<1x!tpu.dma_semaphore, #tpu.memory_space<semaphore_mem>> -> memref<!tpu.dma_semaphore, #tpu.memory_space<semaphore_mem>>
      tpu.wait_indirect_dma semaphore(%dma_wait3A_701 : memref<!tpu.dma_semaphore, #tpu.memory_space<semaphore_mem>>) src(%dma_wait3A_697 : memref<2048xf32, #tpu.memory_space<vmem>>) dst(%dma_wait3A_699 : memref<51200xf32, #tpu.memory_space<vmem_shared>>)
      %add3A_702 = arith.constant 1 : i32
      %add3A_703 = arith.addi %add3A_687, %add3A_702 : i32
      %mul3A_704 = arith.constant 4096 : i32
      %mul3A_705 = arith.muli %add3A_703, %mul3A_704 : i32
      %add3A_706 = arith.addi %mul3A_39, %mul3A_705 : i32
      %sub3A_707 = arith.constant 4096 : i32
      %sub3A_708 = arith.subi %mul3A_69, %sub3A_707 : i32
      %min3A_709 = arith.minsi %add3A_706, %sub3A_708 : i32
      %sub3A_710 = arith.subi %add3A_706, %min3A_709 : i32
      %add3A_711 = arith.constant 0 : i32
      %add3A_712 = arith.addi %min3A_709, %add3A_711 : i32
      %add3A_713 = arith.constant 2048 : i32
      %add3A_714 = arith.addi %min3A_709, %add3A_713 : i32
      %dma_start3A_715 = arith.constant 0 : i32
      %dma_start3A_716 = tpu.memref_slice %arg6[%min3A_709] : memref<2525600xi32, #tpu.memory_space<hbm>> -> memref<4096xi32, #tpu.memory_space<hbm>>
      %dma_start3A_717 = tpu.memref_slice %arg38[%dma_start3A_715] : memref<3x!tpu.dma_semaphore, #tpu.memory_space<semaphore_mem>> -> memref<1x!tpu.dma_semaphore, #tpu.memory_space<semaphore_mem>>
      %dma_start3A_718 = tpu.memref_squeeze %dma_start3A_717 : memref<1x!tpu.dma_semaphore, #tpu.memory_space<semaphore_mem>> -> memref<!tpu.dma_semaphore, #tpu.memory_space<semaphore_mem>>
      %dma_start3A_719 = tpu.memref_slice %arg6[%min3A_709] : memref<2525600xi32, #tpu.memory_space<hbm>> -> memref<4096xi32, #tpu.memory_space<hbm>>
      tpu.enqueue_dma source(%dma_start3A_719 : memref<4096xi32, #tpu.memory_space<hbm>>) target(%arg23 : memref<4096xi32, #tpu.memory_space<vmem>>) target_semaphore(%dma_start3A_718 : memref<!tpu.dma_semaphore, #tpu.memory_space<semaphore_mem>>)
      %dma_start3A_720 = arith.constant 0 : i32
      %dma_start3A_721 = tpu.memref_slice %arg8[%min3A_709] : memref<2525600xf32, #tpu.memory_space<hbm>> -> memref<4096xf32, #tpu.memory_space<hbm>>
      %dma_start3A_722 = tpu.memref_slice %arg38[%dma_start3A_720] : memref<3x!tpu.dma_semaphore, #tpu.memory_space<semaphore_mem>> -> memref<1x!tpu.dma_semaphore, #tpu.memory_space<semaphore_mem>>
      %dma_start3A_723 = tpu.memref_squeeze %dma_start3A_722 : memref<1x!tpu.dma_semaphore, #tpu.memory_space<semaphore_mem>> -> memref<!tpu.dma_semaphore, #tpu.memory_space<semaphore_mem>>
      %dma_start3A_724 = tpu.memref_slice %arg8[%min3A_709] : memref<2525600xf32, #tpu.memory_space<hbm>> -> memref<4096xf32, #tpu.memory_space<hbm>>
      tpu.enqueue_dma source(%dma_start3A_724 : memref<4096xf32, #tpu.memory_space<hbm>>) target(%arg26 : memref<4096xf32, #tpu.memory_space<vmem>>) target_semaphore(%dma_start3A_723 : memref<!tpu.dma_semaphore, #tpu.memory_space<semaphore_mem>>)
      %dma_start3A_725 = arith.constant 0 : i32
      %dma_start3A_726 = tpu.memref_slice %arg7[%add3A_712] : memref<2525600xi32, #tpu.memory_space<hbm>> -> memref<2048xi32, #tpu.memory_space<hbm>>
      %dma_start3A_727 = tpu.memref_slice %arg38[%dma_start3A_725] : memref<3x!tpu.dma_semaphore, #tpu.memory_space<semaphore_mem>> -> memref<1x!tpu.dma_semaphore, #tpu.memory_space<semaphore_mem>>
      %dma_start3A_728 = tpu.memref_squeeze %dma_start3A_727 : memref<1x!tpu.dma_semaphore, #tpu.memory_space<semaphore_mem>> -> memref<!tpu.dma_semaphore, #tpu.memory_space<semaphore_mem>>
      %dma_start3A_729 = tpu.memref_slice %arg7[%add3A_712] : memref<2525600xi32, #tpu.memory_space<hbm>> -> memref<2048xi32, #tpu.memory_space<hbm>>
      tpu.enqueue_dma source(%dma_start3A_729 : memref<2048xi32, #tpu.memory_space<hbm>>) target(%arg29 : memref<2048xi32, #tpu.memory_space<vmem>>) target_semaphore(%dma_start3A_728 : memref<!tpu.dma_semaphore, #tpu.memory_space<semaphore_mem>>)
      %dma_start3A_730 = arith.constant 0 : i32
      %dma_start3A_731 = tpu.memref_slice %arg7[%add3A_714] : memref<2525600xi32, #tpu.memory_space<hbm>> -> memref<2048xi32, #tpu.memory_space<hbm>>
      %dma_start3A_732 = tpu.memref_slice %arg38[%dma_start3A_730] : memref<3x!tpu.dma_semaphore, #tpu.memory_space<semaphore_mem>> -> memref<1x!tpu.dma_semaphore, #tpu.memory_space<semaphore_mem>>
      %dma_start3A_733 = tpu.memref_squeeze %dma_start3A_732 : memref<1x!tpu.dma_semaphore, #tpu.memory_space<semaphore_mem>> -> memref<!tpu.dma_semaphore, #tpu.memory_space<semaphore_mem>>
      %dma_start3A_734 = tpu.memref_slice %arg7[%add3A_714] : memref<2525600xi32, #tpu.memory_space<hbm>> -> memref<2048xi32, #tpu.memory_space<hbm>>
      tpu.enqueue_dma source(%dma_start3A_734 : memref<2048xi32, #tpu.memory_space<hbm>>) target(%arg30 : memref<2048xi32, #tpu.memory_space<vmem>>) target_semaphore(%dma_start3A_733 : memref<!tpu.dma_semaphore, #tpu.memory_space<semaphore_mem>>)
      %mul3A_735 = arith.constant 4096 : i32
      %mul3A_736 = arith.muli %add3A_687, %mul3A_735 : i32
      %add3A_737 = arith.addi %mul3A_39, %mul3A_736 : i32
      %sub3A_738 = arith.constant 4096 : i32
      %sub3A_739 = arith.subi %mul3A_69, %sub3A_738 : i32
      %min3A_740 = arith.minsi %add3A_737, %sub3A_739 : i32
      %sub3A_741 = arith.subi %add3A_737, %min3A_740 : i32
      %add3A_742 = arith.constant 0 : i32
      %add3A_743 = arith.addi %min3A_740, %add3A_742 : i32
      %add3A_744 = arith.constant 2048 : i32
      %add3A_745 = arith.addi %min3A_740, %add3A_744 : i32
      %dma_wait3A_746 = arith.constant 2 : i32
      %dma_wait3A_747 = tpu.memref_slice %arg6[%min3A_740] : memref<2525600xi32, #tpu.memory_space<hbm>> -> memref<4096xi32, #tpu.memory_space<hbm>>
      %dma_wait3A_748 = tpu.memref_slice %arg38[%dma_wait3A_746] : memref<3x!tpu.dma_semaphore, #tpu.memory_space<semaphore_mem>> -> memref<1x!tpu.dma_semaphore, #tpu.memory_space<semaphore_mem>>
      %dma_wait3A_749 = tpu.memref_squeeze %dma_wait3A_748 : memref<1x!tpu.dma_semaphore, #tpu.memory_space<semaphore_mem>> -> memref<!tpu.dma_semaphore, #tpu.memory_space<semaphore_mem>>
      %dma_wait3A_750 = tpu.memref_slice %arg6[%min3A_740] : memref<2525600xi32, #tpu.memory_space<hbm>> -> memref<4096xi32, #tpu.memory_space<hbm>>
      tpu.wait_dma2 semaphore(%dma_wait3A_749 : memref<!tpu.dma_semaphore, #tpu.memory_space<semaphore_mem>>) src(%dma_wait3A_750 : memref<4096xi32, #tpu.memory_space<hbm>>) dst(%arg25 : memref<4096xi32, #tpu.memory_space<vmem>>)
      %dma_wait3A_751 = arith.constant 2 : i32
      %dma_wait3A_752 = tpu.memref_slice %arg8[%min3A_740] : memref<2525600xf32, #tpu.memory_space<hbm>> -> memref<4096xf32, #tpu.memory_space<hbm>>
      %dma_wait3A_753 = tpu.memref_slice %arg38[%dma_wait3A_751] : memref<3x!tpu.dma_semaphore, #tpu.memory_space<semaphore_mem>> -> memref<1x!tpu.dma_semaphore, #tpu.memory_space<semaphore_mem>>
      %dma_wait3A_754 = tpu.memref_squeeze %dma_wait3A_753 : memref<1x!tpu.dma_semaphore, #tpu.memory_space<semaphore_mem>> -> memref<!tpu.dma_semaphore, #tpu.memory_space<semaphore_mem>>
      %dma_wait3A_755 = tpu.memref_slice %arg8[%min3A_740] : memref<2525600xf32, #tpu.memory_space<hbm>> -> memref<4096xf32, #tpu.memory_space<hbm>>
      tpu.wait_dma2 semaphore(%dma_wait3A_754 : memref<!tpu.dma_semaphore, #tpu.memory_space<semaphore_mem>>) src(%dma_wait3A_755 : memref<4096xf32, #tpu.memory_space<hbm>>) dst(%arg28 : memref<4096xf32, #tpu.memory_space<vmem>>)
      %dma_wait3A_756 = arith.constant 2 : i32
      %dma_wait3A_757 = tpu.memref_slice %arg7[%add3A_743] : memref<2525600xi32, #tpu.memory_space<hbm>> -> memref<2048xi32, #tpu.memory_space<hbm>>
      %dma_wait3A_758 = tpu.memref_slice %arg38[%dma_wait3A_756] : memref<3x!tpu.dma_semaphore, #tpu.memory_space<semaphore_mem>> -> memref<1x!tpu.dma_semaphore, #tpu.memory_space<semaphore_mem>>
      %dma_wait3A_759 = tpu.memref_squeeze %dma_wait3A_758 : memref<1x!tpu.dma_semaphore, #tpu.memory_space<semaphore_mem>> -> memref<!tpu.dma_semaphore, #tpu.memory_space<semaphore_mem>>
      %dma_wait3A_760 = tpu.memref_slice %arg7[%add3A_743] : memref<2525600xi32, #tpu.memory_space<hbm>> -> memref<2048xi32, #tpu.memory_space<hbm>>
      tpu.wait_dma2 semaphore(%dma_wait3A_759 : memref<!tpu.dma_semaphore, #tpu.memory_space<semaphore_mem>>) src(%dma_wait3A_760 : memref<2048xi32, #tpu.memory_space<hbm>>) dst(%arg33 : memref<2048xi32, #tpu.memory_space<vmem>>)
      %dma_wait3A_761 = arith.constant 2 : i32
      %dma_wait3A_762 = tpu.memref_slice %arg7[%add3A_745] : memref<2525600xi32, #tpu.memory_space<hbm>> -> memref<2048xi32, #tpu.memory_space<hbm>>
      %dma_wait3A_763 = tpu.memref_slice %arg38[%dma_wait3A_761] : memref<3x!tpu.dma_semaphore, #tpu.memory_space<semaphore_mem>> -> memref<1x!tpu.dma_semaphore, #tpu.memory_space<semaphore_mem>>
      %dma_wait3A_764 = tpu.memref_squeeze %dma_wait3A_763 : memref<1x!tpu.dma_semaphore, #tpu.memory_space<semaphore_mem>> -> memref<!tpu.dma_semaphore, #tpu.memory_space<semaphore_mem>>
      %dma_wait3A_765 = tpu.memref_slice %arg7[%add3A_745] : memref<2525600xi32, #tpu.memory_space<hbm>> -> memref<2048xi32, #tpu.memory_space<hbm>>
      tpu.wait_dma2 semaphore(%dma_wait3A_764 : memref<!tpu.dma_semaphore, #tpu.memory_space<semaphore_mem>>) src(%dma_wait3A_765 : memref<2048xi32, #tpu.memory_space<hbm>>) dst(%arg34 : memref<2048xi32, #tpu.memory_space<vmem>>)
      %mul3A_766 = arith.constant 4096 : i32
      %mul3A_767 = arith.muli %add3A_687, %mul3A_766 : i32
      %add3A_768 = arith.addi %mul3A_39, %mul3A_767 : i32
      %sub3A_769 = arith.constant 4096 : i32
      %sub3A_770 = arith.subi %mul3A_69, %sub3A_769 : i32
      %min3A_771 = arith.minsi %add3A_768, %sub3A_770 : i32
      %sub3A_772 = arith.subi %add3A_768, %min3A_771 : i32
      %parallel_loop3A_773 = arith.constant 0 : i32
      %parallel_loop3A_774 = arith.constant 4096 : i32
      %parallel_loop3A_775 = arith.constant 16 : i32
      scf.for %parallel_loop3A_998 = %parallel_loop3A_773 to %parallel_loop3A_774 step %parallel_loop3A_775  : i32 {
        %parallel_loop3A_999 = arith.index_cast %parallel_loop3A_998 : i32 to index
        %parallel_loop3A_1000 = tpu.vector_load %arg25[%parallel_loop3A_999] {strides = array<i32>} : memref<4096xi32, #tpu.memory_space<vmem>>, vector<16xi32>,
        %parallel_loop3A_1001 = tpu.vector_load_idx %arg13[%parallel_loop3A_1000] : memref<51200xf32, #tpu.memory_space<vmem>>[vector<16xi32>], vector<16xf32>,
        %parallel_loop3A_1002 = vector.broadcast %parallel_loop3A_998 : i32 to vector<16xi32>
        %parallel_loop3A_1003 = arith.addi %parallel_loop3A_1002, %iota3A : vector<16xi32>
        %parallel_loop3A_1004 = vector.broadcast %sub3A_772 : i32 to vector<16xi32>
        %parallel_loop3A_1005 = arith.cmpi sge, %parallel_loop3A_1003, %parallel_loop3A_1004 : vector<16xi32>
        %parallel_loop3A_1006 = arith.index_cast %parallel_loop3A_998 : i32 to index
        %parallel_loop3A_1007 = tpu.vector_load %arg28[%parallel_loop3A_1006] {strides = array<i32>} : memref<4096xf32, #tpu.memory_space<vmem>>, vector<16xf32>,
        %parallel_loop3A_1008 = arith.constant 0.000000e+00 : f32
        %parallel_loop3A_1009 = vector.broadcast %parallel_loop3A_1008 : f32 to vector<16xf32>
        %parallel_loop3A_1010 = arith.select %parallel_loop3A_1005, %parallel_loop3A_1007, %parallel_loop3A_1009 : vector<16xi1>, vector<16xf32>
        %parallel_loop3A_1011 = arith.mulf %parallel_loop3A_1001, %parallel_loop3A_1010 : vector<16xf32>
        %parallel_loop3A_1012 = arith.index_cast %parallel_loop3A_998 : i32 to index
        %parallel_loop3A_1013 = tpu.vector_load %arg37[%parallel_loop3A_1012] {strides = array<i32>} : memref<4096xf32, #tpu.memory_space<vmem>>, vector<16xf32>,
        tpu.vector_store %arg37[%parallel_loop3A_1012], %parallel_loop3A_1011 {strides = array<i32>} : memref<4096xf32, #tpu.memory_space<vmem>>, vector<16xf32>,
      } {sc.loop_unroll_factor = 4 : i64, sc.parallel_access}
      %dma_start3A_776 = arith.constant 2 : i32
      %dma_start3A_777 = arith.constant 0 : i32
      %dma_start3A_778 = tpu.memref_slice %arg37[%dma_start3A_777] : memref<4096xf32, #tpu.memory_space<vmem>> -> memref<2048xf32, #tpu.memory_space<vmem>>
      %dma_start3A_779 = arith.constant 0 : i32
      %dma_start3A_780 = tpu.memref_slice %arg11[%dma_start3A_779] : memref<51200xf32, #tpu.memory_space<vmem_shared>> -> memref<51200xf32, #tpu.memory_space<vmem_shared>>
      %dma_start3A_781 = tpu.memref_slice %arg39[%dma_start3A_776] : memref<3x!tpu.dma_semaphore, #tpu.memory_space<semaphore_mem>> -> memref<1x!tpu.dma_semaphore, #tpu.memory_space<semaphore_mem>>
      %dma_start3A_782 = tpu.memref_squeeze %dma_start3A_781 : memref<1x!tpu.dma_semaphore, #tpu.memory_space<semaphore_mem>> -> memref<!tpu.dma_semaphore, #tpu.memory_space<semaphore_mem>>
      tpu.enqueue_indirect_dma source(%dma_start3A_778 : memref<2048xf32, #tpu.memory_space<vmem>>) target(%dma_start3A_780 : memref<51200xf32, #tpu.memory_space<vmem_shared>>) offsets(%arg33 : memref<2048xi32, #tpu.memory_space<vmem>>) semaphore(%dma_start3A_782 : memref<!tpu.dma_semaphore, #tpu.memory_space<semaphore_mem>>) {add = true}
      %dma_start3A_783 = arith.constant 2 : i32
      %dma_start3A_784 = arith.constant 2048 : i32
      %dma_start3A_785 = tpu.memref_slice %arg37[%dma_start3A_784] : memref<4096xf32, #tpu.memory_space<vmem>> -> memref<2048xf32, #tpu.memory_space<vmem>>
      %dma_start3A_786 = arith.constant 0 : i32
      %dma_start3A_787 = tpu.memref_slice %arg11[%dma_start3A_786] : memref<51200xf32, #tpu.memory_space<vmem_shared>> -> memref<51200xf32, #tpu.memory_space<vmem_shared>>
      %dma_start3A_788 = tpu.memref_slice %arg39[%dma_start3A_783] : memref<3x!tpu.dma_semaphore, #tpu.memory_space<semaphore_mem>> -> memref<1x!tpu.dma_semaphore, #tpu.memory_space<semaphore_mem>>
      %dma_start3A_789 = tpu.memref_squeeze %dma_start3A_788 : memref<1x!tpu.dma_semaphore, #tpu.memory_space<semaphore_mem>> -> memref<!tpu.dma_semaphore, #tpu.memory_space<semaphore_mem>>
      tpu.enqueue_indirect_dma source(%dma_start3A_785 : memref<2048xf32, #tpu.memory_space<vmem>>) target(%dma_start3A_787 : memref<51200xf32, #tpu.memory_space<vmem_shared>>) offsets(%arg34 : memref<2048xi32, #tpu.memory_space<vmem>>) semaphore(%dma_start3A_789 : memref<!tpu.dma_semaphore, #tpu.memory_space<semaphore_mem>>) {add = true}
      %add3A_790 = arith.constant 1 : i32
      %add3A_791 = arith.addi %add3A_685, %add3A_790 : i32
      %dma_wait3A_792 = arith.constant 1 : i32
      %dma_wait3A_793 = arith.constant 0 : i32
      %dma_wait3A_794 = tpu.memref_slice %arg36[%dma_wait3A_793] : memref<4096xf32, #tpu.memory_space<vmem>> -> memref<2048xf32, #tpu.memory_space<vmem>>
      %dma_wait3A_795 = arith.constant 0 : i32
      %dma_wait3A_796 = tpu.memref_slice %arg11[%dma_wait3A_795] : memref<51200xf32, #tpu.memory_space<vmem_shared>> -> memref<51200xf32, #tpu.memory_space<vmem_shared>>
      %dma_wait3A_797 = tpu.memref_slice %arg39[%dma_wait3A_792] : memref<3x!tpu.dma_semaphore, #tpu.memory_space<semaphore_mem>> -> memref<1x!tpu.dma_semaphore, #tpu.memory_space<semaphore_mem>>
      %dma_wait3A_798 = tpu.memref_squeeze %dma_wait3A_797 : memref<1x!tpu.dma_semaphore, #tpu.memory_space<semaphore_mem>> -> memref<!tpu.dma_semaphore, #tpu.memory_space<semaphore_mem>>
      tpu.wait_indirect_dma semaphore(%dma_wait3A_798 : memref<!tpu.dma_semaphore, #tpu.memory_space<semaphore_mem>>) src(%dma_wait3A_794 : memref<2048xf32, #tpu.memory_space<vmem>>) dst(%dma_wait3A_796 : memref<51200xf32, #tpu.memory_space<vmem_shared>>)
      %dma_wait3A_799 = arith.constant 1 : i32
      %dma_wait3A_800 = arith.constant 2048 : i32
      %dma_wait3A_801 = tpu.memref_slice %arg36[%dma_wait3A_800] : memref<4096xf32, #tpu.memory_space<vmem>> -> memref<2048xf32, #tpu.memory_space<vmem>>
      %dma_wait3A_802 = arith.constant 0 : i32
      %dma_wait3A_803 = tpu.memref_slice %arg11[%dma_wait3A_802] : memref<51200xf32, #tpu.memory_space<vmem_shared>> -> memref<51200xf32, #tpu.memory_space<vmem_shared>>
      %dma_wait3A_804 = tpu.memref_slice %arg39[%dma_wait3A_799] : memref<3x!tpu.dma_semaphore, #tpu.memory_space<semaphore_mem>> -> memref<1x!tpu.dma_semaphore, #tpu.memory_space<semaphore_mem>>
      %dma_wait3A_805 = tpu.memref_squeeze %dma_wait3A_804 : memref<1x!tpu.dma_semaphore, #tpu.memory_space<semaphore_mem>> -> memref<!tpu.dma_semaphore, #tpu.memory_space<semaphore_mem>>
      tpu.wait_indirect_dma semaphore(%dma_wait3A_805 : memref<!tpu.dma_semaphore, #tpu.memory_space<semaphore_mem>>) src(%dma_wait3A_801 : memref<2048xf32, #tpu.memory_space<vmem>>) dst(%dma_wait3A_803 : memref<51200xf32, #tpu.memory_space<vmem_shared>>)
      %add3A_806 = arith.constant 1 : i32
      %add3A_807 = arith.addi %add3A_791, %add3A_806 : i32
      %mul3A_808 = arith.constant 4096 : i32
      %mul3A_809 = arith.muli %add3A_807, %mul3A_808 : i32
      %add3A_810 = arith.addi %mul3A_39, %mul3A_809 : i32
      %sub3A_811 = arith.constant 4096 : i32
      %sub3A_812 = arith.subi %mul3A_69, %sub3A_811 : i32
      %min3A_813 = arith.minsi %add3A_810, %sub3A_812 : i32
      %sub3A_814 = arith.subi %add3A_810, %min3A_813 : i32
      %add3A_815 = arith.constant 0 : i32
      %add3A_816 = arith.addi %min3A_813, %add3A_815 : i32
      %add3A_817 = arith.constant 2048 : i32
      %add3A_818 = arith.addi %min3A_813, %add3A_817 : i32
      %dma_start3A_819 = arith.constant 1 : i32
      %dma_start3A_820 = tpu.memref_slice %arg6[%min3A_813] : memref<2525600xi32, #tpu.memory_space<hbm>> -> memref<4096xi32, #tpu.memory_space<hbm>>
      %dma_start3A_821 = tpu.memref_slice %arg38[%dma_start3A_819] : memref<3x!tpu.dma_semaphore, #tpu.memory_space<semaphore_mem>> -> memref<1x!tpu.dma_semaphore, #tpu.memory_space<semaphore_mem>>
      %dma_start3A_822 = tpu.memref_squeeze %dma_start3A_821 : memref<1x!tpu.dma_semaphore, #tpu.memory_space<semaphore_mem>> -> memref<!tpu.dma_semaphore, #tpu.memory_space<semaphore_mem>>
      %dma_start3A_823 = tpu.memref_slice %arg6[%min3A_813] : memref<2525600xi32, #tpu.memory_space<hbm>> -> memref<4096xi32, #tpu.memory_space<hbm>>
      tpu.enqueue_dma source(%dma_start3A_823 : memref<4096xi32, #tpu.memory_space<hbm>>) target(%arg24 : memref<4096xi32, #tpu.memory_space<vmem>>) target_semaphore(%dma_start3A_822 : memref<!tpu.dma_semaphore, #tpu.memory_space<semaphore_mem>>)
      %dma_start3A_824 = arith.constant 1 : i32
      %dma_start3A_825 = tpu.memref_slice %arg8[%min3A_813] : memref<2525600xf32, #tpu.memory_space<hbm>> -> memref<4096xf32, #tpu.memory_space<hbm>>
      %dma_start3A_826 = tpu.memref_slice %arg38[%dma_start3A_824] : memref<3x!tpu.dma_semaphore, #tpu.memory_space<semaphore_mem>> -> memref<1x!tpu.dma_semaphore, #tpu.memory_space<semaphore_mem>>
      %dma_start3A_827 = tpu.memref_squeeze %dma_start3A_826 : memref<1x!tpu.dma_semaphore, #tpu.memory_space<semaphore_mem>> -> memref<!tpu.dma_semaphore, #tpu.memory_space<semaphore_mem>>
      %dma_start3A_828 = tpu.memref_slice %arg8[%min3A_813] : memref<2525600xf32, #tpu.memory_space<hbm>> -> memref<4096xf32, #tpu.memory_space<hbm>>
      tpu.enqueue_dma source(%dma_start3A_828 : memref<4096xf32, #tpu.memory_space<hbm>>) target(%arg27 : memref<4096xf32, #tpu.memory_space<vmem>>) target_semaphore(%dma_start3A_827 : memref<!tpu.dma_semaphore, #tpu.memory_space<semaphore_mem>>)
      %dma_start3A_829 = arith.constant 1 : i32
      %dma_start3A_830 = tpu.memref_slice %arg7[%add3A_816] : memref<2525600xi32, #tpu.memory_space<hbm>> -> memref<2048xi32, #tpu.memory_space<hbm>>
      %dma_start3A_831 = tpu.memref_slice %arg38[%dma_start3A_829] : memref<3x!tpu.dma_semaphore, #tpu.memory_space<semaphore_mem>> -> memref<1x!tpu.dma_semaphore, #tpu.memory_space<semaphore_mem>>
      %dma_start3A_832 = tpu.memref_squeeze %dma_start3A_831 : memref<1x!tpu.dma_semaphore, #tpu.memory_space<semaphore_mem>> -> memref<!tpu.dma_semaphore, #tpu.memory_space<semaphore_mem>>
      %dma_start3A_833 = tpu.memref_slice %arg7[%add3A_816] : memref<2525600xi32, #tpu.memory_space<hbm>> -> memref<2048xi32, #tpu.memory_space<hbm>>
      tpu.enqueue_dma source(%dma_start3A_833 : memref<2048xi32, #tpu.memory_space<hbm>>) target(%arg31 : memref<2048xi32, #tpu.memory_space<vmem>>) target_semaphore(%dma_start3A_832 : memref<!tpu.dma_semaphore, #tpu.memory_space<semaphore_mem>>)
      %dma_start3A_834 = arith.constant 1 : i32
      %dma_start3A_835 = tpu.memref_slice %arg7[%add3A_818] : memref<2525600xi32, #tpu.memory_space<hbm>> -> memref<2048xi32, #tpu.memory_space<hbm>>
      %dma_start3A_836 = tpu.memref_slice %arg38[%dma_start3A_834] : memref<3x!tpu.dma_semaphore, #tpu.memory_space<semaphore_mem>> -> memref<1x!tpu.dma_semaphore, #tpu.memory_space<semaphore_mem>>
      %dma_start3A_837 = tpu.memref_squeeze %dma_start3A_836 : memref<1x!tpu.dma_semaphore, #tpu.memory_space<semaphore_mem>> -> memref<!tpu.dma_semaphore, #tpu.memory_space<semaphore_mem>>
      %dma_start3A_838 = tpu.memref_slice %arg7[%add3A_818] : memref<2525600xi32, #tpu.memory_space<hbm>> -> memref<2048xi32, #tpu.memory_space<hbm>>
      tpu.enqueue_dma source(%dma_start3A_838 : memref<2048xi32, #tpu.memory_space<hbm>>) target(%arg32 : memref<2048xi32, #tpu.memory_space<vmem>>) target_semaphore(%dma_start3A_837 : memref<!tpu.dma_semaphore, #tpu.memory_space<semaphore_mem>>)
      %mul3A_839 = arith.constant 4096 : i32
      %mul3A_840 = arith.muli %add3A_791, %mul3A_839 : i32
      %add3A_841 = arith.addi %mul3A_39, %mul3A_840 : i32
      %sub3A_842 = arith.constant 4096 : i32
      %sub3A_843 = arith.subi %mul3A_69, %sub3A_842 : i32
      %min3A_844 = arith.minsi %add3A_841, %sub3A_843 : i32
      %sub3A_845 = arith.subi %add3A_841, %min3A_844 : i32
      %add3A_846 = arith.constant 0 : i32
      %add3A_847 = arith.addi %min3A_844, %add3A_846 : i32
      %add3A_848 = arith.constant 2048 : i32
      %add3A_849 = arith.addi %min3A_844, %add3A_848 : i32
      %dma_wait3A_850 = arith.constant 0 : i32
      %dma_wait3A_851 = tpu.memref_slice %arg6[%min3A_844] : memref<2525600xi32, #tpu.memory_space<hbm>> -> memref<4096xi32, #tpu.memory_space<hbm>>
      %dma_wait3A_852 = tpu.memref_slice %arg38[%dma_wait3A_850] : memref<3x!tpu.dma_semaphore, #tpu.memory_space<semaphore_mem>> -> memref<1x!tpu.dma_semaphore, #tpu.memory_space<semaphore_mem>>
      %dma_wait3A_853 = tpu.memref_squeeze %dma_wait3A_852 : memref<1x!tpu.dma_semaphore, #tpu.memory_space<semaphore_mem>> -> memref<!tpu.dma_semaphore, #tpu.memory_space<semaphore_mem>>
      %dma_wait3A_854 = tpu.memref_slice %arg6[%min3A_844] : memref<2525600xi32, #tpu.memory_space<hbm>> -> memref<4096xi32, #tpu.memory_space<hbm>>
      tpu.wait_dma2 semaphore(%dma_wait3A_853 : memref<!tpu.dma_semaphore, #tpu.memory_space<semaphore_mem>>) src(%dma_wait3A_854 : memref<4096xi32, #tpu.memory_space<hbm>>) dst(%arg23 : memref<4096xi32, #tpu.memory_space<vmem>>)
      %dma_wait3A_855 = arith.constant 0 : i32
      %dma_wait3A_856 = tpu.memref_slice %arg8[%min3A_844] : memref<2525600xf32, #tpu.memory_space<hbm>> -> memref<4096xf32, #tpu.memory_space<hbm>>
      %dma_wait3A_857 = tpu.memref_slice %arg38[%dma_wait3A_855] : memref<3x!tpu.dma_semaphore, #tpu.memory_space<semaphore_mem>> -> memref<1x!tpu.dma_semaphore, #tpu.memory_space<semaphore_mem>>
      %dma_wait3A_858 = tpu.memref_squeeze %dma_wait3A_857 : memref<1x!tpu.dma_semaphore, #tpu.memory_space<semaphore_mem>> -> memref<!tpu.dma_semaphore, #tpu.memory_space<semaphore_mem>>
      %dma_wait3A_859 = tpu.memref_slice %arg8[%min3A_844] : memref<2525600xf32, #tpu.memory_space<hbm>> -> memref<4096xf32, #tpu.memory_space<hbm>>
      tpu.wait_dma2 semaphore(%dma_wait3A_858 : memref<!tpu.dma_semaphore, #tpu.memory_space<semaphore_mem>>) src(%dma_wait3A_859 : memref<4096xf32, #tpu.memory_space<hbm>>) dst(%arg26 : memref<4096xf32, #tpu.memory_space<vmem>>)
      %dma_wait3A_860 = arith.constant 0 : i32
      %dma_wait3A_861 = tpu.memref_slice %arg7[%add3A_847] : memref<2525600xi32, #tpu.memory_space<hbm>> -> memref<2048xi32, #tpu.memory_space<hbm>>
      %dma_wait3A_862 = tpu.memref_slice %arg38[%dma_wait3A_860] : memref<3x!tpu.dma_semaphore, #tpu.memory_space<semaphore_mem>> -> memref<1x!tpu.dma_semaphore, #tpu.memory_space<semaphore_mem>>
      %dma_wait3A_863 = tpu.memref_squeeze %dma_wait3A_862 : memref<1x!tpu.dma_semaphore, #tpu.memory_space<semaphore_mem>> -> memref<!tpu.dma_semaphore, #tpu.memory_space<semaphore_mem>>
      %dma_wait3A_864 = tpu.memref_slice %arg7[%add3A_847] : memref<2525600xi32, #tpu.memory_space<hbm>> -> memref<2048xi32, #tpu.memory_space<hbm>>
      tpu.wait_dma2 semaphore(%dma_wait3A_863 : memref<!tpu.dma_semaphore, #tpu.memory_space<semaphore_mem>>) src(%dma_wait3A_864 : memref<2048xi32, #tpu.memory_space<hbm>>) dst(%arg29 : memref<2048xi32, #tpu.memory_space<vmem>>)
      %dma_wait3A_865 = arith.constant 0 : i32
      %dma_wait3A_866 = tpu.memref_slice %arg7[%add3A_849] : memref<2525600xi32, #tpu.memory_space<hbm>> -> memref<2048xi32, #tpu.memory_space<hbm>>
      %dma_wait3A_867 = tpu.memref_slice %arg38[%dma_wait3A_865] : memref<3x!tpu.dma_semaphore, #tpu.memory_space<semaphore_mem>> -> memref<1x!tpu.dma_semaphore, #tpu.memory_space<semaphore_mem>>
      %dma_wait3A_868 = tpu.memref_squeeze %dma_wait3A_867 : memref<1x!tpu.dma_semaphore, #tpu.memory_space<semaphore_mem>> -> memref<!tpu.dma_semaphore, #tpu.memory_space<semaphore_mem>>
      %dma_wait3A_869 = tpu.memref_slice %arg7[%add3A_849] : memref<2525600xi32, #tpu.memory_space<hbm>> -> memref<2048xi32, #tpu.memory_space<hbm>>
      tpu.wait_dma2 semaphore(%dma_wait3A_868 : memref<!tpu.dma_semaphore, #tpu.memory_space<semaphore_mem>>) src(%dma_wait3A_869 : memref<2048xi32, #tpu.memory_space<hbm>>) dst(%arg30 : memref<2048xi32, #tpu.memory_space<vmem>>)
      %mul3A_870 = arith.constant 4096 : i32
      %mul3A_871 = arith.muli %add3A_791, %mul3A_870 : i32
      %add3A_872 = arith.addi %mul3A_39, %mul3A_871 : i32
      %sub3A_873 = arith.constant 4096 : i32
      %sub3A_874 = arith.subi %mul3A_69, %sub3A_873 : i32
      %min3A_875 = arith.minsi %add3A_872, %sub3A_874 : i32
      %sub3A_876 = arith.subi %add3A_872, %min3A_875 : i32
      %parallel_loop3A_877 = arith.constant 0 : i32
      %parallel_loop3A_878 = arith.constant 4096 : i32
      %parallel_loop3A_879 = arith.constant 16 : i32
      scf.for %parallel_loop3A_998 = %parallel_loop3A_877 to %parallel_loop3A_878 step %parallel_loop3A_879  : i32 {
        %parallel_loop3A_999 = arith.index_cast %parallel_loop3A_998 : i32 to index
        %parallel_loop3A_1000 = tpu.vector_load %arg23[%parallel_loop3A_999] {strides = array<i32>} : memref<4096xi32, #tpu.memory_space<vmem>>, vector<16xi32>,
        %parallel_loop3A_1001 = tpu.vector_load_idx %arg13[%parallel_loop3A_1000] : memref<51200xf32, #tpu.memory_space<vmem>>[vector<16xi32>], vector<16xf32>,
        %parallel_loop3A_1002 = vector.broadcast %parallel_loop3A_998 : i32 to vector<16xi32>
        %parallel_loop3A_1003 = arith.addi %parallel_loop3A_1002, %iota3A : vector<16xi32>
        %parallel_loop3A_1004 = vector.broadcast %sub3A_876 : i32 to vector<16xi32>
        %parallel_loop3A_1005 = arith.cmpi sge, %parallel_loop3A_1003, %parallel_loop3A_1004 : vector<16xi32>
        %parallel_loop3A_1006 = arith.index_cast %parallel_loop3A_998 : i32 to index
        %parallel_loop3A_1007 = tpu.vector_load %arg26[%parallel_loop3A_1006] {strides = array<i32>} : memref<4096xf32, #tpu.memory_space<vmem>>, vector<16xf32>,
        %parallel_loop3A_1008 = arith.constant 0.000000e+00 : f32
        %parallel_loop3A_1009 = vector.broadcast %parallel_loop3A_1008 : f32 to vector<16xf32>
        %parallel_loop3A_1010 = arith.select %parallel_loop3A_1005, %parallel_loop3A_1007, %parallel_loop3A_1009 : vector<16xi1>, vector<16xf32>
        %parallel_loop3A_1011 = arith.mulf %parallel_loop3A_1001, %parallel_loop3A_1010 : vector<16xf32>
        %parallel_loop3A_1012 = arith.index_cast %parallel_loop3A_998 : i32 to index
        %parallel_loop3A_1013 = tpu.vector_load %arg35[%parallel_loop3A_1012] {strides = array<i32>} : memref<4096xf32, #tpu.memory_space<vmem>>, vector<16xf32>,
        tpu.vector_store %arg35[%parallel_loop3A_1012], %parallel_loop3A_1011 {strides = array<i32>} : memref<4096xf32, #tpu.memory_space<vmem>>, vector<16xf32>,
      } {sc.loop_unroll_factor = 4 : i64, sc.parallel_access}
      %dma_start3A_880 = arith.constant 0 : i32
      %dma_start3A_881 = arith.constant 0 : i32
      %dma_start3A_882 = tpu.memref_slice %arg35[%dma_start3A_881] : memref<4096xf32, #tpu.memory_space<vmem>> -> memref<2048xf32, #tpu.memory_space<vmem>>
      %dma_start3A_883 = arith.constant 0 : i32
      %dma_start3A_884 = tpu.memref_slice %arg11[%dma_start3A_883] : memref<51200xf32, #tpu.memory_space<vmem_shared>> -> memref<51200xf32, #tpu.memory_space<vmem_shared>>
      %dma_start3A_885 = tpu.memref_slice %arg39[%dma_start3A_880] : memref<3x!tpu.dma_semaphore, #tpu.memory_space<semaphore_mem>> -> memref<1x!tpu.dma_semaphore, #tpu.memory_space<semaphore_mem>>
      %dma_start3A_886 = tpu.memref_squeeze %dma_start3A_885 : memref<1x!tpu.dma_semaphore, #tpu.memory_space<semaphore_mem>> -> memref<!tpu.dma_semaphore, #tpu.memory_space<semaphore_mem>>
      tpu.enqueue_indirect_dma source(%dma_start3A_882 : memref<2048xf32, #tpu.memory_space<vmem>>) target(%dma_start3A_884 : memref<51200xf32, #tpu.memory_space<vmem_shared>>) offsets(%arg29 : memref<2048xi32, #tpu.memory_space<vmem>>) semaphore(%dma_start3A_886 : memref<!tpu.dma_semaphore, #tpu.memory_space<semaphore_mem>>) {add = true}
      %dma_start3A_887 = arith.constant 0 : i32
      %dma_start3A_888 = arith.constant 2048 : i32
      %dma_start3A_889 = tpu.memref_slice %arg35[%dma_start3A_888] : memref<4096xf32, #tpu.memory_space<vmem>> -> memref<2048xf32, #tpu.memory_space<vmem>>
      %dma_start3A_890 = arith.constant 0 : i32
      %dma_start3A_891 = tpu.memref_slice %arg11[%dma_start3A_890] : memref<51200xf32, #tpu.memory_space<vmem_shared>> -> memref<51200xf32, #tpu.memory_space<vmem_shared>>
      %dma_start3A_892 = tpu.memref_slice %arg39[%dma_start3A_887] : memref<3x!tpu.dma_semaphore, #tpu.memory_space<semaphore_mem>> -> memref<1x!tpu.dma_semaphore, #tpu.memory_space<semaphore_mem>>
      %dma_start3A_893 = tpu.memref_squeeze %dma_start3A_892 : memref<1x!tpu.dma_semaphore, #tpu.memory_space<semaphore_mem>> -> memref<!tpu.dma_semaphore, #tpu.memory_space<semaphore_mem>>
      tpu.enqueue_indirect_dma source(%dma_start3A_889 : memref<2048xf32, #tpu.memory_space<vmem>>) target(%dma_start3A_891 : memref<51200xf32, #tpu.memory_space<vmem_shared>>) offsets(%arg30 : memref<2048xi32, #tpu.memory_space<vmem>>) semaphore(%dma_start3A_893 : memref<!tpu.dma_semaphore, #tpu.memory_space<semaphore_mem>>) {add = true}
      %add3A_894 = arith.constant 2 : i32
      %add3A_895 = arith.addi %add3A_685, %add3A_894 : i32
      %dma_wait3A_896 = arith.constant 2 : i32
      %dma_wait3A_897 = arith.constant 0 : i32
      %dma_wait3A_898 = tpu.memref_slice %arg37[%dma_wait3A_897] : memref<4096xf32, #tpu.memory_space<vmem>> -> memref<2048xf32, #tpu.memory_space<vmem>>
      %dma_wait3A_899 = arith.constant 0 : i32
      %dma_wait3A_900 = tpu.memref_slice %arg11[%dma_wait3A_899] : memref<51200xf32, #tpu.memory_space<vmem_shared>> -> memref<51200xf32, #tpu.memory_space<vmem_shared>>
      %dma_wait3A_901 = tpu.memref_slice %arg39[%dma_wait3A_896] : memref<3x!tpu.dma_semaphore, #tpu.memory_space<semaphore_mem>> -> memref<1x!tpu.dma_semaphore, #tpu.memory_space<semaphore_mem>>
      %dma_wait3A_902 = tpu.memref_squeeze %dma_wait3A_901 : memref<1x!tpu.dma_semaphore, #tpu.memory_space<semaphore_mem>> -> memref<!tpu.dma_semaphore, #tpu.memory_space<semaphore_mem>>
      tpu.wait_indirect_dma semaphore(%dma_wait3A_902 : memref<!tpu.dma_semaphore, #tpu.memory_space<semaphore_mem>>) src(%dma_wait3A_898 : memref<2048xf32, #tpu.memory_space<vmem>>) dst(%dma_wait3A_900 : memref<51200xf32, #tpu.memory_space<vmem_shared>>)
      %dma_wait3A_903 = arith.constant 2 : i32
      %dma_wait3A_904 = arith.constant 2048 : i32
      %dma_wait3A_905 = tpu.memref_slice %arg37[%dma_wait3A_904] : memref<4096xf32, #tpu.memory_space<vmem>> -> memref<2048xf32, #tpu.memory_space<vmem>>
      %dma_wait3A_906 = arith.constant 0 : i32
      %dma_wait3A_907 = tpu.memref_slice %arg11[%dma_wait3A_906] : memref<51200xf32, #tpu.memory_space<vmem_shared>> -> memref<51200xf32, #tpu.memory_space<vmem_shared>>
      %dma_wait3A_908 = tpu.memref_slice %arg39[%dma_wait3A_903] : memref<3x!tpu.dma_semaphore, #tpu.memory_space<semaphore_mem>> -> memref<1x!tpu.dma_semaphore, #tpu.memory_space<semaphore_mem>>
      %dma_wait3A_909 = tpu.memref_squeeze %dma_wait3A_908 : memref<1x!tpu.dma_semaphore, #tpu.memory_space<semaphore_mem>> -> memref<!tpu.dma_semaphore, #tpu.memory_space<semaphore_mem>>
      tpu.wait_indirect_dma semaphore(%dma_wait3A_909 : memref<!tpu.dma_semaphore, #tpu.memory_space<semaphore_mem>>) src(%dma_wait3A_905 : memref<2048xf32, #tpu.memory_space<vmem>>) dst(%dma_wait3A_907 : memref<51200xf32, #tpu.memory_space<vmem_shared>>)
      %add3A_910 = arith.constant 1 : i32
      %add3A_911 = arith.addi %add3A_895, %add3A_910 : i32
      %mul3A_912 = arith.constant 4096 : i32
      %mul3A_913 = arith.muli %add3A_911, %mul3A_912 : i32
      %add3A_914 = arith.addi %mul3A_39, %mul3A_913 : i32
      %sub3A_915 = arith.constant 4096 : i32
      %sub3A_916 = arith.subi %mul3A_69, %sub3A_915 : i32
      %min3A_917 = arith.minsi %add3A_914, %sub3A_916 : i32
      %sub3A_918 = arith.subi %add3A_914, %min3A_917 : i32
      %add3A_919 = arith.constant 0 : i32
      %add3A_920 = arith.addi %min3A_917, %add3A_919 : i32
      %add3A_921 = arith.constant 2048 : i32
      %add3A_922 = arith.addi %min3A_917, %add3A_921 : i32
      %dma_start3A_923 = arith.constant 2 : i32
      %dma_start3A_924 = tpu.memref_slice %arg6[%min3A_917] : memref<2525600xi32, #tpu.memory_space<hbm>> -> memref<4096xi32, #tpu.memory_space<hbm>>
      %dma_start3A_925 = tpu.memref_slice %arg38[%dma_start3A_923] : memref<3x!tpu.dma_semaphore, #tpu.memory_space<semaphore_mem>> -> memref<1x!tpu.dma_semaphore, #tpu.memory_space<semaphore_mem>>
      %dma_start3A_926 = tpu.memref_squeeze %dma_start3A_925 : memref<1x!tpu.dma_semaphore, #tpu.memory_space<semaphore_mem>> -> memref<!tpu.dma_semaphore, #tpu.memory_space<semaphore_mem>>
      %dma_start3A_927 = tpu.memref_slice %arg6[%min3A_917] : memref<2525600xi32, #tpu.memory_space<hbm>> -> memref<4096xi32, #tpu.memory_space<hbm>>
      tpu.enqueue_dma source(%dma_start3A_927 : memref<4096xi32, #tpu.memory_space<hbm>>) target(%arg25 : memref<4096xi32, #tpu.memory_space<vmem>>) target_semaphore(%dma_start3A_926 : memref<!tpu.dma_semaphore, #tpu.memory_space<semaphore_mem>>)
      %dma_start3A_928 = arith.constant 2 : i32
      %dma_start3A_929 = tpu.memref_slice %arg8[%min3A_917] : memref<2525600xf32, #tpu.memory_space<hbm>> -> memref<4096xf32, #tpu.memory_space<hbm>>
      %dma_start3A_930 = tpu.memref_slice %arg38[%dma_start3A_928] : memref<3x!tpu.dma_semaphore, #tpu.memory_space<semaphore_mem>> -> memref<1x!tpu.dma_semaphore, #tpu.memory_space<semaphore_mem>>
      %dma_start3A_931 = tpu.memref_squeeze %dma_start3A_930 : memref<1x!tpu.dma_semaphore, #tpu.memory_space<semaphore_mem>> -> memref<!tpu.dma_semaphore, #tpu.memory_space<semaphore_mem>>
      %dma_start3A_932 = tpu.memref_slice %arg8[%min3A_917] : memref<2525600xf32, #tpu.memory_space<hbm>> -> memref<4096xf32, #tpu.memory_space<hbm>>
      tpu.enqueue_dma source(%dma_start3A_932 : memref<4096xf32, #tpu.memory_space<hbm>>) target(%arg28 : memref<4096xf32, #tpu.memory_space<vmem>>) target_semaphore(%dma_start3A_931 : memref<!tpu.dma_semaphore, #tpu.memory_space<semaphore_mem>>)
      %dma_start3A_933 = arith.constant 2 : i32
      %dma_start3A_934 = tpu.memref_slice %arg7[%add3A_920] : memref<2525600xi32, #tpu.memory_space<hbm>> -> memref<2048xi32, #tpu.memory_space<hbm>>
      %dma_start3A_935 = tpu.memref_slice %arg38[%dma_start3A_933] : memref<3x!tpu.dma_semaphore, #tpu.memory_space<semaphore_mem>> -> memref<1x!tpu.dma_semaphore, #tpu.memory_space<semaphore_mem>>
      %dma_start3A_936 = tpu.memref_squeeze %dma_start3A_935 : memref<1x!tpu.dma_semaphore, #tpu.memory_space<semaphore_mem>> -> memref<!tpu.dma_semaphore, #tpu.memory_space<semaphore_mem>>
      %dma_start3A_937 = tpu.memref_slice %arg7[%add3A_920] : memref<2525600xi32, #tpu.memory_space<hbm>> -> memref<2048xi32, #tpu.memory_space<hbm>>
      tpu.enqueue_dma source(%dma_start3A_937 : memref<2048xi32, #tpu.memory_space<hbm>>) target(%arg33 : memref<2048xi32, #tpu.memory_space<vmem>>) target_semaphore(%dma_start3A_936 : memref<!tpu.dma_semaphore, #tpu.memory_space<semaphore_mem>>)
      %dma_start3A_938 = arith.constant 2 : i32
      %dma_start3A_939 = tpu.memref_slice %arg7[%add3A_922] : memref<2525600xi32, #tpu.memory_space<hbm>> -> memref<2048xi32, #tpu.memory_space<hbm>>
      %dma_start3A_940 = tpu.memref_slice %arg38[%dma_start3A_938] : memref<3x!tpu.dma_semaphore, #tpu.memory_space<semaphore_mem>> -> memref<1x!tpu.dma_semaphore, #tpu.memory_space<semaphore_mem>>
      %dma_start3A_941 = tpu.memref_squeeze %dma_start3A_940 : memref<1x!tpu.dma_semaphore, #tpu.memory_space<semaphore_mem>> -> memref<!tpu.dma_semaphore, #tpu.memory_space<semaphore_mem>>
      %dma_start3A_942 = tpu.memref_slice %arg7[%add3A_922] : memref<2525600xi32, #tpu.memory_space<hbm>> -> memref<2048xi32, #tpu.memory_space<hbm>>
      tpu.enqueue_dma source(%dma_start3A_942 : memref<2048xi32, #tpu.memory_space<hbm>>) target(%arg34 : memref<2048xi32, #tpu.memory_space<vmem>>) target_semaphore(%dma_start3A_941 : memref<!tpu.dma_semaphore, #tpu.memory_space<semaphore_mem>>)
      %mul3A_943 = arith.constant 4096 : i32
      %mul3A_944 = arith.muli %add3A_895, %mul3A_943 : i32
      %add3A_945 = arith.addi %mul3A_39, %mul3A_944 : i32
      %sub3A_946 = arith.constant 4096 : i32
      %sub3A_947 = arith.subi %mul3A_69, %sub3A_946 : i32
      %min3A_948 = arith.minsi %add3A_945, %sub3A_947 : i32
      %sub3A_949 = arith.subi %add3A_945, %min3A_948 : i32
      %add3A_950 = arith.constant 0 : i32
      %add3A_951 = arith.addi %min3A_948, %add3A_950 : i32
      %add3A_952 = arith.constant 2048 : i32
      %add3A_953 = arith.addi %min3A_948, %add3A_952 : i32
      %dma_wait3A_954 = arith.constant 1 : i32
      %dma_wait3A_955 = tpu.memref_slice %arg6[%min3A_948] : memref<2525600xi32, #tpu.memory_space<hbm>> -> memref<4096xi32, #tpu.memory_space<hbm>>
      %dma_wait3A_956 = tpu.memref_slice %arg38[%dma_wait3A_954] : memref<3x!tpu.dma_semaphore, #tpu.memory_space<semaphore_mem>> -> memref<1x!tpu.dma_semaphore, #tpu.memory_space<semaphore_mem>>
      %dma_wait3A_957 = tpu.memref_squeeze %dma_wait3A_956 : memref<1x!tpu.dma_semaphore, #tpu.memory_space<semaphore_mem>> -> memref<!tpu.dma_semaphore, #tpu.memory_space<semaphore_mem>>
      %dma_wait3A_958 = tpu.memref_slice %arg6[%min3A_948] : memref<2525600xi32, #tpu.memory_space<hbm>> -> memref<4096xi32, #tpu.memory_space<hbm>>
      tpu.wait_dma2 semaphore(%dma_wait3A_957 : memref<!tpu.dma_semaphore, #tpu.memory_space<semaphore_mem>>) src(%dma_wait3A_958 : memref<4096xi32, #tpu.memory_space<hbm>>) dst(%arg24 : memref<4096xi32, #tpu.memory_space<vmem>>)
      %dma_wait3A_959 = arith.constant 1 : i32
      %dma_wait3A_960 = tpu.memref_slice %arg8[%min3A_948] : memref<2525600xf32, #tpu.memory_space<hbm>> -> memref<4096xf32, #tpu.memory_space<hbm>>
      %dma_wait3A_961 = tpu.memref_slice %arg38[%dma_wait3A_959] : memref<3x!tpu.dma_semaphore, #tpu.memory_space<semaphore_mem>> -> memref<1x!tpu.dma_semaphore, #tpu.memory_space<semaphore_mem>>
      %dma_wait3A_962 = tpu.memref_squeeze %dma_wait3A_961 : memref<1x!tpu.dma_semaphore, #tpu.memory_space<semaphore_mem>> -> memref<!tpu.dma_semaphore, #tpu.memory_space<semaphore_mem>>
      %dma_wait3A_963 = tpu.memref_slice %arg8[%min3A_948] : memref<2525600xf32, #tpu.memory_space<hbm>> -> memref<4096xf32, #tpu.memory_space<hbm>>
      tpu.wait_dma2 semaphore(%dma_wait3A_962 : memref<!tpu.dma_semaphore, #tpu.memory_space<semaphore_mem>>) src(%dma_wait3A_963 : memref<4096xf32, #tpu.memory_space<hbm>>) dst(%arg27 : memref<4096xf32, #tpu.memory_space<vmem>>)
      %dma_wait3A_964 = arith.constant 1 : i32
      %dma_wait3A_965 = tpu.memref_slice %arg7[%add3A_951] : memref<2525600xi32, #tpu.memory_space<hbm>> -> memref<2048xi32, #tpu.memory_space<hbm>>
      %dma_wait3A_966 = tpu.memref_slice %arg38[%dma_wait3A_964] : memref<3x!tpu.dma_semaphore, #tpu.memory_space<semaphore_mem>> -> memref<1x!tpu.dma_semaphore, #tpu.memory_space<semaphore_mem>>
      %dma_wait3A_967 = tpu.memref_squeeze %dma_wait3A_966 : memref<1x!tpu.dma_semaphore, #tpu.memory_space<semaphore_mem>> -> memref<!tpu.dma_semaphore, #tpu.memory_space<semaphore_mem>>
      %dma_wait3A_968 = tpu.memref_slice %arg7[%add3A_951] : memref<2525600xi32, #tpu.memory_space<hbm>> -> memref<2048xi32, #tpu.memory_space<hbm>>
      tpu.wait_dma2 semaphore(%dma_wait3A_967 : memref<!tpu.dma_semaphore, #tpu.memory_space<semaphore_mem>>) src(%dma_wait3A_968 : memref<2048xi32, #tpu.memory_space<hbm>>) dst(%arg31 : memref<2048xi32, #tpu.memory_space<vmem>>)
      %dma_wait3A_969 = arith.constant 1 : i32
      %dma_wait3A_970 = tpu.memref_slice %arg7[%add3A_953] : memref<2525600xi32, #tpu.memory_space<hbm>> -> memref<2048xi32, #tpu.memory_space<hbm>>
      %dma_wait3A_971 = tpu.memref_slice %arg38[%dma_wait3A_969] : memref<3x!tpu.dma_semaphore, #tpu.memory_space<semaphore_mem>> -> memref<1x!tpu.dma_semaphore, #tpu.memory_space<semaphore_mem>>
      %dma_wait3A_972 = tpu.memref_squeeze %dma_wait3A_971 : memref<1x!tpu.dma_semaphore, #tpu.memory_space<semaphore_mem>> -> memref<!tpu.dma_semaphore, #tpu.memory_space<semaphore_mem>>
      %dma_wait3A_973 = tpu.memref_slice %arg7[%add3A_953] : memref<2525600xi32, #tpu.memory_space<hbm>> -> memref<2048xi32, #tpu.memory_space<hbm>>
      tpu.wait_dma2 semaphore(%dma_wait3A_972 : memref<!tpu.dma_semaphore, #tpu.memory_space<semaphore_mem>>) src(%dma_wait3A_973 : memref<2048xi32, #tpu.memory_space<hbm>>) dst(%arg32 : memref<2048xi32, #tpu.memory_space<vmem>>)
      %mul3A_974 = arith.constant 4096 : i32
      %mul3A_975 = arith.muli %add3A_895, %mul3A_974 : i32
      %add3A_976 = arith.addi %mul3A_39, %mul3A_975 : i32
      %sub3A_977 = arith.constant 4096 : i32
      %sub3A_978 = arith.subi %mul3A_69, %sub3A_977 : i32
      %min3A_979 = arith.minsi %add3A_976, %sub3A_978 : i32
      %sub3A_980 = arith.subi %add3A_976, %min3A_979 : i32
      %parallel_loop3A_981 = arith.constant 0 : i32
      %parallel_loop3A_982 = arith.constant 4096 : i32
      %parallel_loop3A_983 = arith.constant 16 : i32
      scf.for %parallel_loop3A_998 = %parallel_loop3A_981 to %parallel_loop3A_982 step %parallel_loop3A_983  : i32 {
        %parallel_loop3A_999 = arith.index_cast %parallel_loop3A_998 : i32 to index
        %parallel_loop3A_1000 = tpu.vector_load %arg24[%parallel_loop3A_999] {strides = array<i32>} : memref<4096xi32, #tpu.memory_space<vmem>>, vector<16xi32>,
        %parallel_loop3A_1001 = tpu.vector_load_idx %arg13[%parallel_loop3A_1000] : memref<51200xf32, #tpu.memory_space<vmem>>[vector<16xi32>], vector<16xf32>,
        %parallel_loop3A_1002 = vector.broadcast %parallel_loop3A_998 : i32 to vector<16xi32>
        %parallel_loop3A_1003 = arith.addi %parallel_loop3A_1002, %iota3A : vector<16xi32>
        %parallel_loop3A_1004 = vector.broadcast %sub3A_980 : i32 to vector<16xi32>
        %parallel_loop3A_1005 = arith.cmpi sge, %parallel_loop3A_1003, %parallel_loop3A_1004 : vector<16xi32>
        %parallel_loop3A_1006 = arith.index_cast %parallel_loop3A_998 : i32 to index
        %parallel_loop3A_1007 = tpu.vector_load %arg27[%parallel_loop3A_1006] {strides = array<i32>} : memref<4096xf32, #tpu.memory_space<vmem>>, vector<16xf32>,
        %parallel_loop3A_1008 = arith.constant 0.000000e+00 : f32
        %parallel_loop3A_1009 = vector.broadcast %parallel_loop3A_1008 : f32 to vector<16xf32>
        %parallel_loop3A_1010 = arith.select %parallel_loop3A_1005, %parallel_loop3A_1007, %parallel_loop3A_1009 : vector<16xi1>, vector<16xf32>
        %parallel_loop3A_1011 = arith.mulf %parallel_loop3A_1001, %parallel_loop3A_1010 : vector<16xf32>
        %parallel_loop3A_1012 = arith.index_cast %parallel_loop3A_998 : i32 to index
        %parallel_loop3A_1013 = tpu.vector_load %arg36[%parallel_loop3A_1012] {strides = array<i32>} : memref<4096xf32, #tpu.memory_space<vmem>>, vector<16xf32>,
        tpu.vector_store %arg36[%parallel_loop3A_1012], %parallel_loop3A_1011 {strides = array<i32>} : memref<4096xf32, #tpu.memory_space<vmem>>, vector<16xf32>,
      } {sc.loop_unroll_factor = 4 : i64, sc.parallel_access}
      %dma_start3A_984 = arith.constant 1 : i32
      %dma_start3A_985 = arith.constant 0 : i32
      %dma_start3A_986 = tpu.memref_slice %arg36[%dma_start3A_985] : memref<4096xf32, #tpu.memory_space<vmem>> -> memref<2048xf32, #tpu.memory_space<vmem>>
      %dma_start3A_987 = arith.constant 0 : i32
      %dma_start3A_988 = tpu.memref_slice %arg11[%dma_start3A_987] : memref<51200xf32, #tpu.memory_space<vmem_shared>> -> memref<51200xf32, #tpu.memory_space<vmem_shared>>
      %dma_start3A_989 = tpu.memref_slice %arg39[%dma_start3A_984] : memref<3x!tpu.dma_semaphore, #tpu.memory_space<semaphore_mem>> -> memref<1x!tpu.dma_semaphore, #tpu.memory_space<semaphore_mem>>
      %dma_start3A_990 = tpu.memref_squeeze %dma_start3A_989 : memref<1x!tpu.dma_semaphore, #tpu.memory_space<semaphore_mem>> -> memref<!tpu.dma_semaphore, #tpu.memory_space<semaphore_mem>>
      tpu.enqueue_indirect_dma source(%dma_start3A_986 : memref<2048xf32, #tpu.memory_space<vmem>>) target(%dma_start3A_988 : memref<51200xf32, #tpu.memory_space<vmem_shared>>) offsets(%arg31 : memref<2048xi32, #tpu.memory_space<vmem>>) semaphore(%dma_start3A_990 : memref<!tpu.dma_semaphore, #tpu.memory_space<semaphore_mem>>) {add = true}
      %dma_start3A_991 = arith.constant 1 : i32
      %dma_start3A_992 = arith.constant 2048 : i32
      %dma_start3A_993 = tpu.memref_slice %arg36[%dma_start3A_992] : memref<4096xf32, #tpu.memory_space<vmem>> -> memref<2048xf32, #tpu.memory_space<vmem>>
      %dma_start3A_994 = arith.constant 0 : i32
      %dma_start3A_995 = tpu.memref_slice %arg11[%dma_start3A_994] : memref<51200xf32, #tpu.memory_space<vmem_shared>> -> memref<51200xf32, #tpu.memory_space<vmem_shared>>
      %dma_start3A_996 = tpu.memref_slice %arg39[%dma_start3A_991] : memref<3x!tpu.dma_semaphore, #tpu.memory_space<semaphore_mem>> -> memref<1x!tpu.dma_semaphore, #tpu.memory_space<semaphore_mem>>
      %dma_start3A_997 = tpu.memref_squeeze %dma_start3A_996 : memref<1x!tpu.dma_semaphore, #tpu.memory_space<semaphore_mem>> -> memref<!tpu.dma_semaphore, #tpu.memory_space<semaphore_mem>>
      tpu.enqueue_indirect_dma source(%dma_start3A_993 : memref<2048xf32, #tpu.memory_space<vmem>>) target(%dma_start3A_995 : memref<51200xf32, #tpu.memory_space<vmem_shared>>) offsets(%arg32 : memref<2048xi32, #tpu.memory_space<vmem>>) semaphore(%dma_start3A_997 : memref<!tpu.dma_semaphore, #tpu.memory_space<semaphore_mem>>) {add = true}
    }
    %scan3A_273 = arith.constant 6 : i32
    %dma_wait3A_274 = arith.constant 0 : i32
    %dma_wait3A_275 = arith.constant 0 : i32
    %dma_wait3A_276 = tpu.memref_slice %arg35[%dma_wait3A_275] : memref<4096xf32, #tpu.memory_space<vmem>> -> memref<2048xf32, #tpu.memory_space<vmem>>
    %dma_wait3A_277 = arith.constant 0 : i32
    %dma_wait3A_278 = tpu.memref_slice %arg11[%dma_wait3A_277] : memref<51200xf32, #tpu.memory_space<vmem_shared>> -> memref<51200xf32, #tpu.memory_space<vmem_shared>>
    %dma_wait3A_279 = tpu.memref_slice %arg39[%dma_wait3A_274] : memref<3x!tpu.dma_semaphore, #tpu.memory_space<semaphore_mem>> -> memref<1x!tpu.dma_semaphore, #tpu.memory_space<semaphore_mem>>
    %dma_wait3A_280 = tpu.memref_squeeze %dma_wait3A_279 : memref<1x!tpu.dma_semaphore, #tpu.memory_space<semaphore_mem>> -> memref<!tpu.dma_semaphore, #tpu.memory_space<semaphore_mem>>
    tpu.wait_indirect_dma semaphore(%dma_wait3A_280 : memref<!tpu.dma_semaphore, #tpu.memory_space<semaphore_mem>>) src(%dma_wait3A_276 : memref<2048xf32, #tpu.memory_space<vmem>>) dst(%dma_wait3A_278 : memref<51200xf32, #tpu.memory_space<vmem_shared>>)
    %dma_wait3A_281 = arith.constant 0 : i32
    %dma_wait3A_282 = arith.constant 2048 : i32
    %dma_wait3A_283 = tpu.memref_slice %arg35[%dma_wait3A_282] : memref<4096xf32, #tpu.memory_space<vmem>> -> memref<2048xf32, #tpu.memory_space<vmem>>
    %dma_wait3A_284 = arith.constant 0 : i32
    %dma_wait3A_285 = tpu.memref_slice %arg11[%dma_wait3A_284] : memref<51200xf32, #tpu.memory_space<vmem_shared>> -> memref<51200xf32, #tpu.memory_space<vmem_shared>>
    %dma_wait3A_286 = tpu.memref_slice %arg39[%dma_wait3A_281] : memref<3x!tpu.dma_semaphore, #tpu.memory_space<semaphore_mem>> -> memref<1x!tpu.dma_semaphore, #tpu.memory_space<semaphore_mem>>
    %dma_wait3A_287 = tpu.memref_squeeze %dma_wait3A_286 : memref<1x!tpu.dma_semaphore, #tpu.memory_space<semaphore_mem>> -> memref<!tpu.dma_semaphore, #tpu.memory_space<semaphore_mem>>
    tpu.wait_indirect_dma semaphore(%dma_wait3A_287 : memref<!tpu.dma_semaphore, #tpu.memory_space<semaphore_mem>>) src(%dma_wait3A_283 : memref<2048xf32, #tpu.memory_space<vmem>>) dst(%dma_wait3A_285 : memref<51200xf32, #tpu.memory_space<vmem_shared>>)
    %dma_wait3A_288 = arith.constant 1 : i32
    %dma_wait3A_289 = arith.constant 0 : i32
    %dma_wait3A_290 = tpu.memref_slice %arg36[%dma_wait3A_289] : memref<4096xf32, #tpu.memory_space<vmem>> -> memref<2048xf32, #tpu.memory_space<vmem>>
    %dma_wait3A_291 = arith.constant 0 : i32
    %dma_wait3A_292 = tpu.memref_slice %arg11[%dma_wait3A_291] : memref<51200xf32, #tpu.memory_space<vmem_shared>> -> memref<51200xf32, #tpu.memory_space<vmem_shared>>
    %dma_wait3A_293 = tpu.memref_slice %arg39[%dma_wait3A_288] : memref<3x!tpu.dma_semaphore, #tpu.memory_space<semaphore_mem>> -> memref<1x!tpu.dma_semaphore, #tpu.memory_space<semaphore_mem>>
    %dma_wait3A_294 = tpu.memref_squeeze %dma_wait3A_293 : memref<1x!tpu.dma_semaphore, #tpu.memory_space<semaphore_mem>> -> memref<!tpu.dma_semaphore, #tpu.memory_space<semaphore_mem>>
    tpu.wait_indirect_dma semaphore(%dma_wait3A_294 : memref<!tpu.dma_semaphore, #tpu.memory_space<semaphore_mem>>) src(%dma_wait3A_290 : memref<2048xf32, #tpu.memory_space<vmem>>) dst(%dma_wait3A_292 : memref<51200xf32, #tpu.memory_space<vmem_shared>>)
    %dma_wait3A_295 = arith.constant 1 : i32
    %dma_wait3A_296 = arith.constant 2048 : i32
    %dma_wait3A_297 = tpu.memref_slice %arg36[%dma_wait3A_296] : memref<4096xf32, #tpu.memory_space<vmem>> -> memref<2048xf32, #tpu.memory_space<vmem>>
    %dma_wait3A_298 = arith.constant 0 : i32
    %dma_wait3A_299 = tpu.memref_slice %arg11[%dma_wait3A_298] : memref<51200xf32, #tpu.memory_space<vmem_shared>> -> memref<51200xf32, #tpu.memory_space<vmem_shared>>
    %dma_wait3A_300 = tpu.memref_slice %arg39[%dma_wait3A_295] : memref<3x!tpu.dma_semaphore, #tpu.memory_space<semaphore_mem>> -> memref<1x!tpu.dma_semaphore, #tpu.memory_space<semaphore_mem>>
    %dma_wait3A_301 = tpu.memref_squeeze %dma_wait3A_300 : memref<1x!tpu.dma_semaphore, #tpu.memory_space<semaphore_mem>> -> memref<!tpu.dma_semaphore, #tpu.memory_space<semaphore_mem>>
    tpu.wait_indirect_dma semaphore(%dma_wait3A_301 : memref<!tpu.dma_semaphore, #tpu.memory_space<semaphore_mem>>) src(%dma_wait3A_297 : memref<2048xf32, #tpu.memory_space<vmem>>) dst(%dma_wait3A_299 : memref<51200xf32, #tpu.memory_space<vmem_shared>>)
    %add3A_302 = arith.constant 81920 : i32
    %add3A_303 = arith.addi %mul3A_39, %add3A_302 : i32
    %sub3A_304 = arith.constant 4096 : i32
    %sub3A_305 = arith.subi %mul3A_69, %sub3A_304 : i32
    %min3A_306 = arith.minsi %add3A_303, %sub3A_305 : i32
    %sub3A_307 = arith.subi %add3A_303, %min3A_306 : i32
    %add3A_308 = arith.constant 0 : i32
    %add3A_309 = arith.addi %min3A_306, %add3A_308 : i32
    %add3A_310 = arith.constant 2048 : i32
    %add3A_311 = arith.addi %min3A_306, %add3A_310 : i32
    %dma_wait3A_312 = arith.constant 2 : i32
    %dma_wait3A_313 = tpu.memref_slice %arg6[%min3A_306] : memref<2525600xi32, #tpu.memory_space<hbm>> -> memref<4096xi32, #tpu.memory_space<hbm>>
    %dma_wait3A_314 = tpu.memref_slice %arg38[%dma_wait3A_312] : memref<3x!tpu.dma_semaphore, #tpu.memory_space<semaphore_mem>> -> memref<1x!tpu.dma_semaphore, #tpu.memory_space<semaphore_mem>>
    %dma_wait3A_315 = tpu.memref_squeeze %dma_wait3A_314 : memref<1x!tpu.dma_semaphore, #tpu.memory_space<semaphore_mem>> -> memref<!tpu.dma_semaphore, #tpu.memory_space<semaphore_mem>>
    %dma_wait3A_316 = tpu.memref_slice %arg6[%min3A_306] : memref<2525600xi32, #tpu.memory_space<hbm>> -> memref<4096xi32, #tpu.memory_space<hbm>>
    tpu.wait_dma2 semaphore(%dma_wait3A_315 : memref<!tpu.dma_semaphore, #tpu.memory_space<semaphore_mem>>) src(%dma_wait3A_316 : memref<4096xi32, #tpu.memory_space<hbm>>) dst(%arg25 : memref<4096xi32, #tpu.memory_space<vmem>>)
    %dma_wait3A_317 = arith.constant 2 : i32
    %dma_wait3A_318 = tpu.memref_slice %arg8[%min3A_306] : memref<2525600xf32, #tpu.memory_space<hbm>> -> memref<4096xf32, #tpu.memory_space<hbm>>
    %dma_wait3A_319 = tpu.memref_slice %arg38[%dma_wait3A_317] : memref<3x!tpu.dma_semaphore, #tpu.memory_space<semaphore_mem>> -> memref<1x!tpu.dma_semaphore, #tpu.memory_space<semaphore_mem>>
    %dma_wait3A_320 = tpu.memref_squeeze %dma_wait3A_319 : memref<1x!tpu.dma_semaphore, #tpu.memory_space<semaphore_mem>> -> memref<!tpu.dma_semaphore, #tpu.memory_space<semaphore_mem>>
    %dma_wait3A_321 = tpu.memref_slice %arg8[%min3A_306] : memref<2525600xf32, #tpu.memory_space<hbm>> -> memref<4096xf32, #tpu.memory_space<hbm>>
    tpu.wait_dma2 semaphore(%dma_wait3A_320 : memref<!tpu.dma_semaphore, #tpu.memory_space<semaphore_mem>>) src(%dma_wait3A_321 : memref<4096xf32, #tpu.memory_space<hbm>>) dst(%arg28 : memref<4096xf32, #tpu.memory_space<vmem>>)
    %dma_wait3A_322 = arith.constant 2 : i32
    %dma_wait3A_323 = tpu.memref_slice %arg7[%add3A_309] : memref<2525600xi32, #tpu.memory_space<hbm>> -> memref<2048xi32, #tpu.memory_space<hbm>>
    %dma_wait3A_324 = tpu.memref_slice %arg38[%dma_wait3A_322] : memref<3x!tpu.dma_semaphore, #tpu.memory_space<semaphore_mem>> -> memref<1x!tpu.dma_semaphore, #tpu.memory_space<semaphore_mem>>
    %dma_wait3A_325 = tpu.memref_squeeze %dma_wait3A_324 : memref<1x!tpu.dma_semaphore, #tpu.memory_space<semaphore_mem>> -> memref<!tpu.dma_semaphore, #tpu.memory_space<semaphore_mem>>
    %dma_wait3A_326 = tpu.memref_slice %arg7[%add3A_309] : memref<2525600xi32, #tpu.memory_space<hbm>> -> memref<2048xi32, #tpu.memory_space<hbm>>
    tpu.wait_dma2 semaphore(%dma_wait3A_325 : memref<!tpu.dma_semaphore, #tpu.memory_space<semaphore_mem>>) src(%dma_wait3A_326 : memref<2048xi32, #tpu.memory_space<hbm>>) dst(%arg33 : memref<2048xi32, #tpu.memory_space<vmem>>)
    %dma_wait3A_327 = arith.constant 2 : i32
    %dma_wait3A_328 = tpu.memref_slice %arg7[%add3A_311] : memref<2525600xi32, #tpu.memory_space<hbm>> -> memref<2048xi32, #tpu.memory_space<hbm>>
    %dma_wait3A_329 = tpu.memref_slice %arg38[%dma_wait3A_327] : memref<3x!tpu.dma_semaphore, #tpu.memory_space<semaphore_mem>> -> memref<1x!tpu.dma_semaphore, #tpu.memory_space<semaphore_mem>>
    %dma_wait3A_330 = tpu.memref_squeeze %dma_wait3A_329 : memref<1x!tpu.dma_semaphore, #tpu.memory_space<semaphore_mem>> -> memref<!tpu.dma_semaphore, #tpu.memory_space<semaphore_mem>>
    %dma_wait3A_331 = tpu.memref_slice %arg7[%add3A_311] : memref<2525600xi32, #tpu.memory_space<hbm>> -> memref<2048xi32, #tpu.memory_space<hbm>>
    tpu.wait_dma2 semaphore(%dma_wait3A_330 : memref<!tpu.dma_semaphore, #tpu.memory_space<semaphore_mem>>) src(%dma_wait3A_331 : memref<2048xi32, #tpu.memory_space<hbm>>) dst(%arg34 : memref<2048xi32, #tpu.memory_space<vmem>>)
    %barrier3A_332 = arith.constant 0 : index
    tpu.barrier barrier_id(%barrier3A_332)
    %mul3A_333 = arith.constant 51200 : i32
    %mul3A_334 = arith.muli %arg0, %mul3A_333 : i32
    %add3A_335 = arith.addi %mul3A_334, %mul3A_2 : i32
    "tpu.region"() ({
      %run_scoped3A = tpu.sem_alloc : memref<!tpu.dma_semaphore, #tpu.memory_space<semaphore_mem>>
      %dma_start3A_681 = tpu.memref_slice %arg10[%add3A_335] : memref<102400xf32, #tpu.memory_space<hbm>> -> memref<3200xf32, #tpu.memory_space<hbm>>
      %dma_start3A_682 = tpu.memref_slice %arg11[%mul3A_2] : memref<51200xf32, #tpu.memory_space<vmem_shared>> -> memref<3200xf32, #tpu.memory_space<vmem_shared>>
      tpu.enqueue_dma source(%dma_start3A_682 : memref<3200xf32, #tpu.memory_space<vmem_shared>>) target(%dma_start3A_681 : memref<3200xf32, #tpu.memory_space<hbm>>) target_semaphore(%run_scoped3A : memref<!tpu.dma_semaphore, #tpu.memory_space<semaphore_mem>>)
      %dma_wait3A_683 = tpu.memref_slice %arg10[%add3A_335] : memref<102400xf32, #tpu.memory_space<hbm>> -> memref<3200xf32, #tpu.memory_space<hbm>>
      %dma_wait3A_684 = tpu.memref_slice %arg11[%mul3A_2] : memref<51200xf32, #tpu.memory_space<vmem_shared>> -> memref<3200xf32, #tpu.memory_space<vmem_shared>>
      tpu.wait_dma2 semaphore(%run_scoped3A : memref<!tpu.dma_semaphore, #tpu.memory_space<semaphore_mem>>) src(%dma_wait3A_684 : memref<3200xf32, #tpu.memory_space<vmem_shared>>) dst(%dma_wait3A_683 : memref<3200xf32, #tpu.memory_space<hbm>>)
      tpu.yield
    }) : () -> ()
    %barrier3A_336 = arith.constant 0 : index
    tpu.barrier barrier_id(%barrier3A_336)
    %eq3A_337 = arith.constant 0 : i32
    %eq3A_338 = arith.cmpi eq, %arg1, %eq3A_337 : i32
    %convert_element_type3A = arith.extui %eq3A_338 : i1 to i32
    %cond3A = arith.constant 0 : i32
    %cond3A_339 = arith.cmpi ne, %convert_element_type3A, %cond3A : i32
    scf.if %cond3A_339 {
      %sub3A_681 = arith.constant 1 : i32
      %sub3A_682 = arith.subi %sub3A_681, %arg0 : i32
      %semaphore_signal3A = arith.constant 1 : i32
      tpu.sem_signal %arg40, %semaphore_signal3A core_id %sub3A_682 : memref<!tpu.semaphore, #tpu.memory_space<semaphore_mem>>
      %semaphore_wait3A = arith.constant 1 : i32
      %semaphore_wait3A_683 = arith.constant true
      tpu.sem_wait %arg40, %semaphore_wait3A : memref<!tpu.semaphore, #tpu.memory_space<semaphore_mem>>
    } else {
    }
    %barrier3A_340 = arith.constant 0 : index
    tpu.barrier barrier_id(%barrier3A_340)
    %sub3A_341 = arith.constant 1 : i32
    %sub3A_342 = arith.subi %sub3A_341, %arg0 : i32
    %mul3A_343 = arith.constant 51200 : i32
    %mul3A_344 = arith.muli %sub3A_342, %mul3A_343 : i32
    %add3A_345 = arith.addi %mul3A_344, %mul3A_2 : i32
    "tpu.region"() ({
      %run_scoped3A = tpu.sem_alloc : memref<!tpu.dma_semaphore, #tpu.memory_space<semaphore_mem>>
      %dma_start3A_681 = tpu.memref_slice %arg10[%add3A_345] : memref<102400xf32, #tpu.memory_space<hbm>> -> memref<3200xf32, #tpu.memory_space<hbm>>
      %dma_start3A_682 = tpu.memref_slice %arg10[%add3A_345] : memref<102400xf32, #tpu.memory_space<hbm>> -> memref<3200xf32, #tpu.memory_space<hbm>>
      tpu.enqueue_dma source(%dma_start3A_682 : memref<3200xf32, #tpu.memory_space<hbm>>) target(%arg15 : memref<3200xf32, #tpu.memory_space<vmem>>) target_semaphore(%run_scoped3A : memref<!tpu.dma_semaphore, #tpu.memory_space<semaphore_mem>>)
      %dma_wait3A_683 = tpu.memref_slice %arg10[%add3A_345] : memref<102400xf32, #tpu.memory_space<hbm>> -> memref<3200xf32, #tpu.memory_space<hbm>>
      %dma_wait3A_684 = tpu.memref_slice %arg10[%add3A_345] : memref<102400xf32, #tpu.memory_space<hbm>> -> memref<3200xf32, #tpu.memory_space<hbm>>
      tpu.wait_dma2 semaphore(%run_scoped3A : memref<!tpu.dma_semaphore, #tpu.memory_space<semaphore_mem>>) src(%dma_wait3A_684 : memref<3200xf32, #tpu.memory_space<hbm>>) dst(%arg15 : memref<3200xf32, #tpu.memory_space<vmem>>)
      tpu.yield
    }) : () -> ()
    "tpu.region"() ({
      %run_scoped3A = tpu.sem_alloc : memref<!tpu.dma_semaphore, #tpu.memory_space<semaphore_mem>>
      %dma_start3A_681 = tpu.memref_slice %arg11[%mul3A_2] : memref<51200xf32, #tpu.memory_space<vmem_shared>> -> memref<3200xf32, #tpu.memory_space<vmem_shared>>
      %dma_start3A_682 = tpu.memref_slice %arg11[%mul3A_2] : memref<51200xf32, #tpu.memory_space<vmem_shared>> -> memref<3200xf32, #tpu.memory_space<vmem_shared>>
      tpu.enqueue_dma source(%dma_start3A_682 : memref<3200xf32, #tpu.memory_space<vmem_shared>>) target(%arg14 : memref<3200xf32, #tpu.memory_space<vmem>>) target_semaphore(%run_scoped3A : memref<!tpu.dma_semaphore, #tpu.memory_space<semaphore_mem>>)
      %dma_wait3A_683 = tpu.memref_slice %arg11[%mul3A_2] : memref<51200xf32, #tpu.memory_space<vmem_shared>> -> memref<3200xf32, #tpu.memory_space<vmem_shared>>
      %dma_wait3A_684 = tpu.memref_slice %arg11[%mul3A_2] : memref<51200xf32, #tpu.memory_space<vmem_shared>> -> memref<3200xf32, #tpu.memory_space<vmem_shared>>
      tpu.wait_dma2 semaphore(%run_scoped3A : memref<!tpu.dma_semaphore, #tpu.memory_space<semaphore_mem>>) src(%dma_wait3A_684 : memref<3200xf32, #tpu.memory_space<vmem_shared>>) dst(%arg14 : memref<3200xf32, #tpu.memory_space<vmem>>)
      tpu.yield
    }) : () -> ()
    %parallel_loop3A_346 = arith.constant 0 : i32
    %parallel_loop3A_347 = arith.constant 3200 : i32
    %parallel_loop3A_348 = arith.constant 16 : i32
    scf.for %parallel_loop3A_681 = %parallel_loop3A_346 to %parallel_loop3A_347 step %parallel_loop3A_348  : i32 {
      %parallel_loop3A_682 = arith.index_cast %parallel_loop3A_681 : i32 to index
      %parallel_loop3A_683 = tpu.vector_load %arg14[%parallel_loop3A_682] {strides = array<i32>} : memref<3200xf32, #tpu.memory_space<vmem>>, vector<16xf32>,
      %parallel_loop3A_684 = arith.index_cast %parallel_loop3A_681 : i32 to index
      %parallel_loop3A_685 = tpu.vector_load %arg15[%parallel_loop3A_684] {strides = array<i32>} : memref<3200xf32, #tpu.memory_space<vmem>>, vector<16xf32>,
      %parallel_loop3A_686 = arith.addf %parallel_loop3A_683, %parallel_loop3A_685 : vector<16xf32>
      %parallel_loop3A_687 = arith.addf %parallel_loop3A_686, %parallel_loop3A_686 : vector<16xf32>
      %parallel_loop3A_688 = math.exp %parallel_loop3A_687 : vector<16xf32>
      %parallel_loop3A_689 = arith.constant 1.000000e+00 : f32
      %parallel_loop3A_690 = vector.broadcast %parallel_loop3A_689 : f32 to vector<16xf32>
      %parallel_loop3A_691 = arith.addf %parallel_loop3A_688, %parallel_loop3A_690 : vector<16xf32>
      %parallel_loop3A_692 = arith.constant 2.000000e+00 : f32
      %parallel_loop3A_693 = vector.broadcast %parallel_loop3A_692 : f32 to vector<16xf32>
      %parallel_loop3A_694 = arith.divf %parallel_loop3A_693, %parallel_loop3A_691 : vector<16xf32>
      %parallel_loop3A_695 = arith.constant 1.000000e+00 : f32
      %parallel_loop3A_696 = vector.broadcast %parallel_loop3A_695 : f32 to vector<16xf32>
      %parallel_loop3A_697 = arith.subf %parallel_loop3A_696, %parallel_loop3A_694 : vector<16xf32>
      %parallel_loop3A_698 = arith.index_cast %parallel_loop3A_681 : i32 to index
      %parallel_loop3A_699 = tpu.vector_load %arg17[%parallel_loop3A_698] {strides = array<i32>} : memref<3200xf32, #tpu.memory_space<vmem>>, vector<16xf32>,
      tpu.vector_store %arg17[%parallel_loop3A_698], %parallel_loop3A_697 {strides = array<i32>} : memref<3200xf32, #tpu.memory_space<vmem>>, vector<16xf32>,
      %parallel_loop3A_700 = vector.broadcast %select_n3A : f32 to vector<16xf32>
      %parallel_loop3A_701 = arith.mulf %parallel_loop3A_686, %parallel_loop3A_700 : vector<16xf32>
      %parallel_loop3A_702 = arith.index_cast %parallel_loop3A_681 : i32 to index
      %parallel_loop3A_703 = tpu.vector_load %arg16[%parallel_loop3A_702] {strides = array<i32>} : memref<3200xf32, #tpu.memory_space<vmem>>, vector<16xf32>,
      tpu.vector_store %arg16[%parallel_loop3A_702], %parallel_loop3A_701 {strides = array<i32>} : memref<3200xf32, #tpu.memory_space<vmem>>, vector<16xf32>,
    } {sc.loop_unroll_factor = 4 : i64, sc.parallel_access}
    "tpu.region"() ({
      %run_scoped3A = tpu.sem_alloc : memref<!tpu.dma_semaphore, #tpu.memory_space<semaphore_mem>>
      %dma_start3A_681 = tpu.memref_slice %arg11[%mul3A_2] : memref<51200xf32, #tpu.memory_space<vmem_shared>> -> memref<3200xf32, #tpu.memory_space<vmem_shared>>
      %dma_start3A_682 = tpu.memref_slice %arg11[%mul3A_2] : memref<51200xf32, #tpu.memory_space<vmem_shared>> -> memref<3200xf32, #tpu.memory_space<vmem_shared>>
      tpu.enqueue_dma source(%arg16 : memref<3200xf32, #tpu.memory_space<vmem>>) target(%dma_start3A_682 : memref<3200xf32, #tpu.memory_space<vmem_shared>>) target_semaphore(%run_scoped3A : memref<!tpu.dma_semaphore, #tpu.memory_space<semaphore_mem>>)
      %dma_wait3A_683 = tpu.memref_slice %arg11[%mul3A_2] : memref<51200xf32, #tpu.memory_space<vmem_shared>> -> memref<3200xf32, #tpu.memory_space<vmem_shared>>
      %dma_wait3A_684 = tpu.memref_slice %arg11[%mul3A_2] : memref<51200xf32, #tpu.memory_space<vmem_shared>> -> memref<3200xf32, #tpu.memory_space<vmem_shared>>
      tpu.wait_dma2 semaphore(%run_scoped3A : memref<!tpu.dma_semaphore, #tpu.memory_space<semaphore_mem>>) src(%arg16 : memref<3200xf32, #tpu.memory_space<vmem>>) dst(%dma_wait3A_684 : memref<3200xf32, #tpu.memory_space<vmem_shared>>)
      tpu.yield
    }) : () -> ()
    "tpu.region"() ({
      %run_scoped3A = tpu.sem_alloc : memref<!tpu.dma_semaphore, #tpu.memory_space<semaphore_mem>>
      %dma_start3A_681 = tpu.memref_slice %arg12[%mul3A_2] : memref<51200xf32, #tpu.memory_space<vmem_shared>> -> memref<3200xf32, #tpu.memory_space<vmem_shared>>
      %dma_start3A_682 = tpu.memref_slice %arg12[%mul3A_2] : memref<51200xf32, #tpu.memory_space<vmem_shared>> -> memref<3200xf32, #tpu.memory_space<vmem_shared>>
      tpu.enqueue_dma source(%arg17 : memref<3200xf32, #tpu.memory_space<vmem>>) target(%dma_start3A_682 : memref<3200xf32, #tpu.memory_space<vmem_shared>>) target_semaphore(%run_scoped3A : memref<!tpu.dma_semaphore, #tpu.memory_space<semaphore_mem>>)
      %dma_wait3A_683 = tpu.memref_slice %arg12[%mul3A_2] : memref<51200xf32, #tpu.memory_space<vmem_shared>> -> memref<3200xf32, #tpu.memory_space<vmem_shared>>
      %dma_wait3A_684 = tpu.memref_slice %arg12[%mul3A_2] : memref<51200xf32, #tpu.memory_space<vmem_shared>> -> memref<3200xf32, #tpu.memory_space<vmem_shared>>
      tpu.wait_dma2 semaphore(%run_scoped3A : memref<!tpu.dma_semaphore, #tpu.memory_space<semaphore_mem>>) src(%arg17 : memref<3200xf32, #tpu.memory_space<vmem>>) dst(%dma_wait3A_684 : memref<3200xf32, #tpu.memory_space<vmem_shared>>)
      tpu.yield
    }) : () -> ()
    %barrier3A_349 = arith.constant 0 : index
    tpu.barrier barrier_id(%barrier3A_349)
    %mul3A_350 = arith.constant 315700 : i32
    %mul3A_351 = arith.muli %mul3A_350, %add3A : i32
    %jit3A_352 = arith.constant 32 : i32
    %div3A_353 = arith.divsi %mul3A_351, %jit3A_352 : i32
    %sign3A_354 = arith.constant 0 : i32
    %sign3A_355 = arith.cmpi sgt, %mul3A_351, %sign3A_354 : i32
    %sign3A_356 = arith.extui %sign3A_355 : i1 to i32
    %sign3A_357 = arith.constant 0 : i32
    %sign3A_358 = arith.cmpi slt, %mul3A_351, %sign3A_357 : i32
    %sign3A_359 = arith.extui %sign3A_358 : i1 to i32
    %sign3A_360 = arith.subi %sign3A_356, %sign3A_359 : i32
    %sign3A_361 = arith.constant 0 : i32
    %sign3A_362 = arith.cmpi sgt, %jit3A_352, %sign3A_361 : i32
    %sign3A_363 = arith.extui %sign3A_362 : i1 to i32
    %sign3A_364 = arith.constant 0 : i32
    %sign3A_365 = arith.cmpi slt, %jit3A_352, %sign3A_364 : i32
    %sign3A_366 = arith.extui %sign3A_365 : i1 to i32
    %sign3A_367 = arith.subi %sign3A_363, %sign3A_366 : i32
    %ne3A_368 = arith.cmpi ne, %sign3A_360, %sign3A_367 : i32
    %rem3A_369 = arith.remsi %mul3A_351, %jit3A_352 : i32
    %ne3A_370 = arith.constant 0 : i32
    %ne3A_371 = arith.cmpi ne, %rem3A_369, %ne3A_370 : i32
    %and3A_372 = arith.andi %ne3A_368, %ne3A_371 : i1
    %sub3A_373 = arith.constant 1 : i32
    %sub3A_374 = arith.subi %div3A_353, %sub3A_373 : i32
    %select_n3A_375 = arith.select %and3A_372, %sub3A_374, %div3A_353 : i32
    %mul3A_376 = arith.constant 8 : i32
    %mul3A_377 = arith.muli %mul3A_376, %select_n3A_375 : i32
    %add3A_378 = arith.constant 1 : i32
    %add3A_379 = arith.addi %add3A, %add3A_378 : i32
    %mul3A_380 = arith.constant 315700 : i32
    %mul3A_381 = arith.muli %mul3A_380, %add3A_379 : i32
    %jit3A_382 = arith.constant 32 : i32
    %div3A_383 = arith.divsi %mul3A_381, %jit3A_382 : i32
    %sign3A_384 = arith.constant 0 : i32
    %sign3A_385 = arith.cmpi sgt, %mul3A_381, %sign3A_384 : i32
    %sign3A_386 = arith.extui %sign3A_385 : i1 to i32
    %sign3A_387 = arith.constant 0 : i32
    %sign3A_388 = arith.cmpi slt, %mul3A_381, %sign3A_387 : i32
    %sign3A_389 = arith.extui %sign3A_388 : i1 to i32
    %sign3A_390 = arith.subi %sign3A_386, %sign3A_389 : i32
    %sign3A_391 = arith.constant 0 : i32
    %sign3A_392 = arith.cmpi sgt, %jit3A_382, %sign3A_391 : i32
    %sign3A_393 = arith.extui %sign3A_392 : i1 to i32
    %sign3A_394 = arith.constant 0 : i32
    %sign3A_395 = arith.cmpi slt, %jit3A_382, %sign3A_394 : i32
    %sign3A_396 = arith.extui %sign3A_395 : i1 to i32
    %sign3A_397 = arith.subi %sign3A_393, %sign3A_396 : i32
    %ne3A_398 = arith.cmpi ne, %sign3A_390, %sign3A_397 : i32
    %rem3A_399 = arith.remsi %mul3A_381, %jit3A_382 : i32
    %ne3A_400 = arith.constant 0 : i32
    %ne3A_401 = arith.cmpi ne, %rem3A_399, %ne3A_400 : i32
    %and3A_402 = arith.andi %ne3A_398, %ne3A_401 : i1
    %sub3A_403 = arith.constant 1 : i32
    %sub3A_404 = arith.subi %div3A_383, %sub3A_403 : i32
    %select_n3A_405 = arith.select %and3A_402, %sub3A_404, %div3A_383 : i32
    %mul3A_406 = arith.constant 8 : i32
    %mul3A_407 = arith.muli %mul3A_406, %select_n3A_405 : i32
    %iota3A_408 = tpu.iota {dimensions = array<i32: 0>} : vector<16xi32>
    %dma_start3A_409 = arith.constant 2 : i32
    %dma_start3A_410 = tpu.memref_slice %arg38[%dma_start3A_409] : memref<3x!tpu.dma_semaphore, #tpu.memory_space<semaphore_mem>> -> memref<1x!tpu.dma_semaphore, #tpu.memory_space<semaphore_mem>>
    %dma_start3A_411 = tpu.memref_squeeze %dma_start3A_410 : memref<1x!tpu.dma_semaphore, #tpu.memory_space<semaphore_mem>> -> memref<!tpu.dma_semaphore, #tpu.memory_space<semaphore_mem>>
    tpu.enqueue_dma source(%arg12 : memref<51200xf32, #tpu.memory_space<vmem_shared>>) target(%arg13 : memref<51200xf32, #tpu.memory_space<vmem>>) target_semaphore(%dma_start3A_411 : memref<!tpu.dma_semaphore, #tpu.memory_space<semaphore_mem>>)
    %add3A_412 = arith.constant 0 : i32
    %add3A_413 = arith.addi %mul3A_377, %add3A_412 : i32
    %sub3A_414 = arith.constant 4096 : i32
    %sub3A_415 = arith.subi %mul3A_407, %sub3A_414 : i32
    %min3A_416 = arith.minsi %add3A_413, %sub3A_415 : i32
    %sub3A_417 = arith.subi %add3A_413, %min3A_416 : i32
    %add3A_418 = arith.constant 0 : i32
    %add3A_419 = arith.addi %min3A_416, %add3A_418 : i32
    %add3A_420 = arith.constant 2048 : i32
    %add3A_421 = arith.addi %min3A_416, %add3A_420 : i32
    %dma_start3A_422 = arith.constant 0 : i32
    %dma_start3A_423 = tpu.memref_slice %arg6[%min3A_416] : memref<2525600xi32, #tpu.memory_space<hbm>> -> memref<4096xi32, #tpu.memory_space<hbm>>
    %dma_start3A_424 = tpu.memref_slice %arg38[%dma_start3A_422] : memref<3x!tpu.dma_semaphore, #tpu.memory_space<semaphore_mem>> -> memref<1x!tpu.dma_semaphore, #tpu.memory_space<semaphore_mem>>
    %dma_start3A_425 = tpu.memref_squeeze %dma_start3A_424 : memref<1x!tpu.dma_semaphore, #tpu.memory_space<semaphore_mem>> -> memref<!tpu.dma_semaphore, #tpu.memory_space<semaphore_mem>>
    %dma_start3A_426 = tpu.memref_slice %arg6[%min3A_416] : memref<2525600xi32, #tpu.memory_space<hbm>> -> memref<4096xi32, #tpu.memory_space<hbm>>
    tpu.enqueue_dma source(%dma_start3A_426 : memref<4096xi32, #tpu.memory_space<hbm>>) target(%arg23 : memref<4096xi32, #tpu.memory_space<vmem>>) target_semaphore(%dma_start3A_425 : memref<!tpu.dma_semaphore, #tpu.memory_space<semaphore_mem>>)
    %dma_start3A_427 = arith.constant 0 : i32
    %dma_start3A_428 = tpu.memref_slice %arg8[%min3A_416] : memref<2525600xf32, #tpu.memory_space<hbm>> -> memref<4096xf32, #tpu.memory_space<hbm>>
    %dma_start3A_429 = tpu.memref_slice %arg38[%dma_start3A_427] : memref<3x!tpu.dma_semaphore, #tpu.memory_space<semaphore_mem>> -> memref<1x!tpu.dma_semaphore, #tpu.memory_space<semaphore_mem>>
    %dma_start3A_430 = tpu.memref_squeeze %dma_start3A_429 : memref<1x!tpu.dma_semaphore, #tpu.memory_space<semaphore_mem>> -> memref<!tpu.dma_semaphore, #tpu.memory_space<semaphore_mem>>
    %dma_start3A_431 = tpu.memref_slice %arg8[%min3A_416] : memref<2525600xf32, #tpu.memory_space<hbm>> -> memref<4096xf32, #tpu.memory_space<hbm>>
    tpu.enqueue_dma source(%dma_start3A_431 : memref<4096xf32, #tpu.memory_space<hbm>>) target(%arg26 : memref<4096xf32, #tpu.memory_space<vmem>>) target_semaphore(%dma_start3A_430 : memref<!tpu.dma_semaphore, #tpu.memory_space<semaphore_mem>>)
    %dma_start3A_432 = arith.constant 0 : i32
    %dma_start3A_433 = tpu.memref_slice %arg7[%add3A_419] : memref<2525600xi32, #tpu.memory_space<hbm>> -> memref<2048xi32, #tpu.memory_space<hbm>>
    %dma_start3A_434 = tpu.memref_slice %arg38[%dma_start3A_432] : memref<3x!tpu.dma_semaphore, #tpu.memory_space<semaphore_mem>> -> memref<1x!tpu.dma_semaphore, #tpu.memory_space<semaphore_mem>>
    %dma_start3A_435 = tpu.memref_squeeze %dma_start3A_434 : memref<1x!tpu.dma_semaphore, #tpu.memory_space<semaphore_mem>> -> memref<!tpu.dma_semaphore, #tpu.memory_space<semaphore_mem>>
    %dma_start3A_436 = tpu.memref_slice %arg7[%add3A_419] : memref<2525600xi32, #tpu.memory_space<hbm>> -> memref<2048xi32, #tpu.memory_space<hbm>>
    tpu.enqueue_dma source(%dma_start3A_436 : memref<2048xi32, #tpu.memory_space<hbm>>) target(%arg29 : memref<2048xi32, #tpu.memory_space<vmem>>) target_semaphore(%dma_start3A_435 : memref<!tpu.dma_semaphore, #tpu.memory_space<semaphore_mem>>)
    %dma_start3A_437 = arith.constant 0 : i32
    %dma_start3A_438 = tpu.memref_slice %arg7[%add3A_421] : memref<2525600xi32, #tpu.memory_space<hbm>> -> memref<2048xi32, #tpu.memory_space<hbm>>
    %dma_start3A_439 = tpu.memref_slice %arg38[%dma_start3A_437] : memref<3x!tpu.dma_semaphore, #tpu.memory_space<semaphore_mem>> -> memref<1x!tpu.dma_semaphore, #tpu.memory_space<semaphore_mem>>
    %dma_start3A_440 = tpu.memref_squeeze %dma_start3A_439 : memref<1x!tpu.dma_semaphore, #tpu.memory_space<semaphore_mem>> -> memref<!tpu.dma_semaphore, #tpu.memory_space<semaphore_mem>>
    %dma_start3A_441 = tpu.memref_slice %arg7[%add3A_421] : memref<2525600xi32, #tpu.memory_space<hbm>> -> memref<2048xi32, #tpu.memory_space<hbm>>
    tpu.enqueue_dma source(%dma_start3A_441 : memref<2048xi32, #tpu.memory_space<hbm>>) target(%arg30 : memref<2048xi32, #tpu.memory_space<vmem>>) target_semaphore(%dma_start3A_440 : memref<!tpu.dma_semaphore, #tpu.memory_space<semaphore_mem>>)
    %dma_wait3A_442 = arith.constant 2 : i32
    %dma_wait3A_443 = tpu.memref_slice %arg38[%dma_wait3A_442] : memref<3x!tpu.dma_semaphore, #tpu.memory_space<semaphore_mem>> -> memref<1x!tpu.dma_semaphore, #tpu.memory_space<semaphore_mem>>
    %dma_wait3A_444 = tpu.memref_squeeze %dma_wait3A_443 : memref<1x!tpu.dma_semaphore, #tpu.memory_space<semaphore_mem>> -> memref<!tpu.dma_semaphore, #tpu.memory_space<semaphore_mem>>
    tpu.wait_dma2 semaphore(%dma_wait3A_444 : memref<!tpu.dma_semaphore, #tpu.memory_space<semaphore_mem>>) src(%arg12 : memref<51200xf32, #tpu.memory_space<vmem_shared>>) dst(%arg13 : memref<51200xf32, #tpu.memory_space<vmem>>)
    %add3A_445 = arith.constant 4096 : i32
    %add3A_446 = arith.addi %mul3A_377, %add3A_445 : i32
    %sub3A_447 = arith.constant 4096 : i32
    %sub3A_448 = arith.subi %mul3A_407, %sub3A_447 : i32
    %min3A_449 = arith.minsi %add3A_446, %sub3A_448 : i32
    %sub3A_450 = arith.subi %add3A_446, %min3A_449 : i32
    %add3A_451 = arith.constant 0 : i32
    %add3A_452 = arith.addi %min3A_449, %add3A_451 : i32
    %add3A_453 = arith.constant 2048 : i32
    %add3A_454 = arith.addi %min3A_449, %add3A_453 : i32
    %dma_start3A_455 = arith.constant 1 : i32
    %dma_start3A_456 = tpu.memref_slice %arg6[%min3A_449] : memref<2525600xi32, #tpu.memory_space<hbm>> -> memref<4096xi32, #tpu.memory_space<hbm>>
    %dma_start3A_457 = tpu.memref_slice %arg38[%dma_start3A_455] : memref<3x!tpu.dma_semaphore, #tpu.memory_space<semaphore_mem>> -> memref<1x!tpu.dma_semaphore, #tpu.memory_space<semaphore_mem>>
    %dma_start3A_458 = tpu.memref_squeeze %dma_start3A_457 : memref<1x!tpu.dma_semaphore, #tpu.memory_space<semaphore_mem>> -> memref<!tpu.dma_semaphore, #tpu.memory_space<semaphore_mem>>
    %dma_start3A_459 = tpu.memref_slice %arg6[%min3A_449] : memref<2525600xi32, #tpu.memory_space<hbm>> -> memref<4096xi32, #tpu.memory_space<hbm>>
    tpu.enqueue_dma source(%dma_start3A_459 : memref<4096xi32, #tpu.memory_space<hbm>>) target(%arg24 : memref<4096xi32, #tpu.memory_space<vmem>>) target_semaphore(%dma_start3A_458 : memref<!tpu.dma_semaphore, #tpu.memory_space<semaphore_mem>>)
    %dma_start3A_460 = arith.constant 1 : i32
    %dma_start3A_461 = tpu.memref_slice %arg8[%min3A_449] : memref<2525600xf32, #tpu.memory_space<hbm>> -> memref<4096xf32, #tpu.memory_space<hbm>>
    %dma_start3A_462 = tpu.memref_slice %arg38[%dma_start3A_460] : memref<3x!tpu.dma_semaphore, #tpu.memory_space<semaphore_mem>> -> memref<1x!tpu.dma_semaphore, #tpu.memory_space<semaphore_mem>>
    %dma_start3A_463 = tpu.memref_squeeze %dma_start3A_462 : memref<1x!tpu.dma_semaphore, #tpu.memory_space<semaphore_mem>> -> memref<!tpu.dma_semaphore, #tpu.memory_space<semaphore_mem>>
    %dma_start3A_464 = tpu.memref_slice %arg8[%min3A_449] : memref<2525600xf32, #tpu.memory_space<hbm>> -> memref<4096xf32, #tpu.memory_space<hbm>>
    tpu.enqueue_dma source(%dma_start3A_464 : memref<4096xf32, #tpu.memory_space<hbm>>) target(%arg27 : memref<4096xf32, #tpu.memory_space<vmem>>) target_semaphore(%dma_start3A_463 : memref<!tpu.dma_semaphore, #tpu.memory_space<semaphore_mem>>)
    %dma_start3A_465 = arith.constant 1 : i32
    %dma_start3A_466 = tpu.memref_slice %arg7[%add3A_452] : memref<2525600xi32, #tpu.memory_space<hbm>> -> memref<2048xi32, #tpu.memory_space<hbm>>
    %dma_start3A_467 = tpu.memref_slice %arg38[%dma_start3A_465] : memref<3x!tpu.dma_semaphore, #tpu.memory_space<semaphore_mem>> -> memref<1x!tpu.dma_semaphore, #tpu.memory_space<semaphore_mem>>
    %dma_start3A_468 = tpu.memref_squeeze %dma_start3A_467 : memref<1x!tpu.dma_semaphore, #tpu.memory_space<semaphore_mem>> -> memref<!tpu.dma_semaphore, #tpu.memory_space<semaphore_mem>>
    %dma_start3A_469 = tpu.memref_slice %arg7[%add3A_452] : memref<2525600xi32, #tpu.memory_space<hbm>> -> memref<2048xi32, #tpu.memory_space<hbm>>
    tpu.enqueue_dma source(%dma_start3A_469 : memref<2048xi32, #tpu.memory_space<hbm>>) target(%arg31 : memref<2048xi32, #tpu.memory_space<vmem>>) target_semaphore(%dma_start3A_468 : memref<!tpu.dma_semaphore, #tpu.memory_space<semaphore_mem>>)
    %dma_start3A_470 = arith.constant 1 : i32
    %dma_start3A_471 = tpu.memref_slice %arg7[%add3A_454] : memref<2525600xi32, #tpu.memory_space<hbm>> -> memref<2048xi32, #tpu.memory_space<hbm>>
    %dma_start3A_472 = tpu.memref_slice %arg38[%dma_start3A_470] : memref<3x!tpu.dma_semaphore, #tpu.memory_space<semaphore_mem>> -> memref<1x!tpu.dma_semaphore, #tpu.memory_space<semaphore_mem>>
    %dma_start3A_473 = tpu.memref_squeeze %dma_start3A_472 : memref<1x!tpu.dma_semaphore, #tpu.memory_space<semaphore_mem>> -> memref<!tpu.dma_semaphore, #tpu.memory_space<semaphore_mem>>
    %dma_start3A_474 = tpu.memref_slice %arg7[%add3A_454] : memref<2525600xi32, #tpu.memory_space<hbm>> -> memref<2048xi32, #tpu.memory_space<hbm>>
    tpu.enqueue_dma source(%dma_start3A_474 : memref<2048xi32, #tpu.memory_space<hbm>>) target(%arg32 : memref<2048xi32, #tpu.memory_space<vmem>>) target_semaphore(%dma_start3A_473 : memref<!tpu.dma_semaphore, #tpu.memory_space<semaphore_mem>>)
    %add3A_475 = arith.constant 0 : i32
    %add3A_476 = arith.addi %mul3A_377, %add3A_475 : i32
    %sub3A_477 = arith.constant 4096 : i32
    %sub3A_478 = arith.subi %mul3A_407, %sub3A_477 : i32
    %min3A_479 = arith.minsi %add3A_476, %sub3A_478 : i32
    %sub3A_480 = arith.subi %add3A_476, %min3A_479 : i32
    %add3A_481 = arith.constant 0 : i32
    %add3A_482 = arith.addi %min3A_479, %add3A_481 : i32
    %add3A_483 = arith.constant 2048 : i32
    %add3A_484 = arith.addi %min3A_479, %add3A_483 : i32
    %dma_wait3A_485 = arith.constant 0 : i32
    %dma_wait3A_486 = tpu.memref_slice %arg6[%min3A_479] : memref<2525600xi32, #tpu.memory_space<hbm>> -> memref<4096xi32, #tpu.memory_space<hbm>>
    %dma_wait3A_487 = tpu.memref_slice %arg38[%dma_wait3A_485] : memref<3x!tpu.dma_semaphore, #tpu.memory_space<semaphore_mem>> -> memref<1x!tpu.dma_semaphore, #tpu.memory_space<semaphore_mem>>
    %dma_wait3A_488 = tpu.memref_squeeze %dma_wait3A_487 : memref<1x!tpu.dma_semaphore, #tpu.memory_space<semaphore_mem>> -> memref<!tpu.dma_semaphore, #tpu.memory_space<semaphore_mem>>
    %dma_wait3A_489 = tpu.memref_slice %arg6[%min3A_479] : memref<2525600xi32, #tpu.memory_space<hbm>> -> memref<4096xi32, #tpu.memory_space<hbm>>
    tpu.wait_dma2 semaphore(%dma_wait3A_488 : memref<!tpu.dma_semaphore, #tpu.memory_space<semaphore_mem>>) src(%dma_wait3A_489 : memref<4096xi32, #tpu.memory_space<hbm>>) dst(%arg23 : memref<4096xi32, #tpu.memory_space<vmem>>)
    %dma_wait3A_490 = arith.constant 0 : i32
    %dma_wait3A_491 = tpu.memref_slice %arg8[%min3A_479] : memref<2525600xf32, #tpu.memory_space<hbm>> -> memref<4096xf32, #tpu.memory_space<hbm>>
    %dma_wait3A_492 = tpu.memref_slice %arg38[%dma_wait3A_490] : memref<3x!tpu.dma_semaphore, #tpu.memory_space<semaphore_mem>> -> memref<1x!tpu.dma_semaphore, #tpu.memory_space<semaphore_mem>>
    %dma_wait3A_493 = tpu.memref_squeeze %dma_wait3A_492 : memref<1x!tpu.dma_semaphore, #tpu.memory_space<semaphore_mem>> -> memref<!tpu.dma_semaphore, #tpu.memory_space<semaphore_mem>>
    %dma_wait3A_494 = tpu.memref_slice %arg8[%min3A_479] : memref<2525600xf32, #tpu.memory_space<hbm>> -> memref<4096xf32, #tpu.memory_space<hbm>>
    tpu.wait_dma2 semaphore(%dma_wait3A_493 : memref<!tpu.dma_semaphore, #tpu.memory_space<semaphore_mem>>) src(%dma_wait3A_494 : memref<4096xf32, #tpu.memory_space<hbm>>) dst(%arg26 : memref<4096xf32, #tpu.memory_space<vmem>>)
    %dma_wait3A_495 = arith.constant 0 : i32
    %dma_wait3A_496 = tpu.memref_slice %arg7[%add3A_482] : memref<2525600xi32, #tpu.memory_space<hbm>> -> memref<2048xi32, #tpu.memory_space<hbm>>
    %dma_wait3A_497 = tpu.memref_slice %arg38[%dma_wait3A_495] : memref<3x!tpu.dma_semaphore, #tpu.memory_space<semaphore_mem>> -> memref<1x!tpu.dma_semaphore, #tpu.memory_space<semaphore_mem>>
    %dma_wait3A_498 = tpu.memref_squeeze %dma_wait3A_497 : memref<1x!tpu.dma_semaphore, #tpu.memory_space<semaphore_mem>> -> memref<!tpu.dma_semaphore, #tpu.memory_space<semaphore_mem>>
    %dma_wait3A_499 = tpu.memref_slice %arg7[%add3A_482] : memref<2525600xi32, #tpu.memory_space<hbm>> -> memref<2048xi32, #tpu.memory_space<hbm>>
    tpu.wait_dma2 semaphore(%dma_wait3A_498 : memref<!tpu.dma_semaphore, #tpu.memory_space<semaphore_mem>>) src(%dma_wait3A_499 : memref<2048xi32, #tpu.memory_space<hbm>>) dst(%arg29 : memref<2048xi32, #tpu.memory_space<vmem>>)
    %dma_wait3A_500 = arith.constant 0 : i32
    %dma_wait3A_501 = tpu.memref_slice %arg7[%add3A_484] : memref<2525600xi32, #tpu.memory_space<hbm>> -> memref<2048xi32, #tpu.memory_space<hbm>>
    %dma_wait3A_502 = tpu.memref_slice %arg38[%dma_wait3A_500] : memref<3x!tpu.dma_semaphore, #tpu.memory_space<semaphore_mem>> -> memref<1x!tpu.dma_semaphore, #tpu.memory_space<semaphore_mem>>
    %dma_wait3A_503 = tpu.memref_squeeze %dma_wait3A_502 : memref<1x!tpu.dma_semaphore, #tpu.memory_space<semaphore_mem>> -> memref<!tpu.dma_semaphore, #tpu.memory_space<semaphore_mem>>
    %dma_wait3A_504 = tpu.memref_slice %arg7[%add3A_484] : memref<2525600xi32, #tpu.memory_space<hbm>> -> memref<2048xi32, #tpu.memory_space<hbm>>
    tpu.wait_dma2 semaphore(%dma_wait3A_503 : memref<!tpu.dma_semaphore, #tpu.memory_space<semaphore_mem>>) src(%dma_wait3A_504 : memref<2048xi32, #tpu.memory_space<hbm>>) dst(%arg30 : memref<2048xi32, #tpu.memory_space<vmem>>)
    %add3A_505 = arith.constant 0 : i32
    %add3A_506 = arith.addi %mul3A_377, %add3A_505 : i32
    %sub3A_507 = arith.constant 4096 : i32
    %sub3A_508 = arith.subi %mul3A_407, %sub3A_507 : i32
    %min3A_509 = arith.minsi %add3A_506, %sub3A_508 : i32
    %sub3A_510 = arith.subi %add3A_506, %min3A_509 : i32
    %parallel_loop3A_511 = arith.constant 0 : i32
    %parallel_loop3A_512 = arith.constant 4096 : i32
    %parallel_loop3A_513 = arith.constant 16 : i32
    scf.for %parallel_loop3A_681 = %parallel_loop3A_511 to %parallel_loop3A_512 step %parallel_loop3A_513  : i32 {
      %parallel_loop3A_682 = arith.index_cast %parallel_loop3A_681 : i32 to index
      %parallel_loop3A_683 = tpu.vector_load %arg23[%parallel_loop3A_682] {strides = array<i32>} : memref<4096xi32, #tpu.memory_space<vmem>>, vector<16xi32>,
      %parallel_loop3A_684 = tpu.vector_load_idx %arg13[%parallel_loop3A_683] : memref<51200xf32, #tpu.memory_space<vmem>>[vector<16xi32>], vector<16xf32>,
      %parallel_loop3A_685 = vector.broadcast %parallel_loop3A_681 : i32 to vector<16xi32>
      %parallel_loop3A_686 = arith.addi %parallel_loop3A_685, %iota3A_408 : vector<16xi32>
      %parallel_loop3A_687 = vector.broadcast %sub3A_510 : i32 to vector<16xi32>
      %parallel_loop3A_688 = arith.cmpi sge, %parallel_loop3A_686, %parallel_loop3A_687 : vector<16xi32>
      %parallel_loop3A_689 = arith.index_cast %parallel_loop3A_681 : i32 to index
      %parallel_loop3A_690 = tpu.vector_load %arg26[%parallel_loop3A_689] {strides = array<i32>} : memref<4096xf32, #tpu.memory_space<vmem>>, vector<16xf32>,
      %parallel_loop3A_691 = arith.constant 0.000000e+00 : f32
      %parallel_loop3A_692 = vector.broadcast %parallel_loop3A_691 : f32 to vector<16xf32>
      %parallel_loop3A_693 = arith.select %parallel_loop3A_688, %parallel_loop3A_690, %parallel_loop3A_692 : vector<16xi1>, vector<16xf32>
      %parallel_loop3A_694 = arith.mulf %parallel_loop3A_684, %parallel_loop3A_693 : vector<16xf32>
      %parallel_loop3A_695 = arith.index_cast %parallel_loop3A_681 : i32 to index
      %parallel_loop3A_696 = tpu.vector_load %arg35[%parallel_loop3A_695] {strides = array<i32>} : memref<4096xf32, #tpu.memory_space<vmem>>, vector<16xf32>,
      tpu.vector_store %arg35[%parallel_loop3A_695], %parallel_loop3A_694 {strides = array<i32>} : memref<4096xf32, #tpu.memory_space<vmem>>, vector<16xf32>,
    } {sc.loop_unroll_factor = 4 : i64, sc.parallel_access}
    %dma_start3A_514 = arith.constant 0 : i32
    %dma_start3A_515 = arith.constant 0 : i32
    %dma_start3A_516 = tpu.memref_slice %arg35[%dma_start3A_515] : memref<4096xf32, #tpu.memory_space<vmem>> -> memref<2048xf32, #tpu.memory_space<vmem>>
    %dma_start3A_517 = arith.constant 0 : i32
    %dma_start3A_518 = tpu.memref_slice %arg11[%dma_start3A_517] : memref<51200xf32, #tpu.memory_space<vmem_shared>> -> memref<51200xf32, #tpu.memory_space<vmem_shared>>
    %dma_start3A_519 = tpu.memref_slice %arg39[%dma_start3A_514] : memref<3x!tpu.dma_semaphore, #tpu.memory_space<semaphore_mem>> -> memref<1x!tpu.dma_semaphore, #tpu.memory_space<semaphore_mem>>
    %dma_start3A_520 = tpu.memref_squeeze %dma_start3A_519 : memref<1x!tpu.dma_semaphore, #tpu.memory_space<semaphore_mem>> -> memref<!tpu.dma_semaphore, #tpu.memory_space<semaphore_mem>>
    tpu.enqueue_indirect_dma source(%dma_start3A_516 : memref<2048xf32, #tpu.memory_space<vmem>>) target(%dma_start3A_518 : memref<51200xf32, #tpu.memory_space<vmem_shared>>) offsets(%arg29 : memref<2048xi32, #tpu.memory_space<vmem>>) semaphore(%dma_start3A_520 : memref<!tpu.dma_semaphore, #tpu.memory_space<semaphore_mem>>) {add = true}
    %dma_start3A_521 = arith.constant 0 : i32
    %dma_start3A_522 = arith.constant 2048 : i32
    %dma_start3A_523 = tpu.memref_slice %arg35[%dma_start3A_522] : memref<4096xf32, #tpu.memory_space<vmem>> -> memref<2048xf32, #tpu.memory_space<vmem>>
    %dma_start3A_524 = arith.constant 0 : i32
    %dma_start3A_525 = tpu.memref_slice %arg11[%dma_start3A_524] : memref<51200xf32, #tpu.memory_space<vmem_shared>> -> memref<51200xf32, #tpu.memory_space<vmem_shared>>
    %dma_start3A_526 = tpu.memref_slice %arg39[%dma_start3A_521] : memref<3x!tpu.dma_semaphore, #tpu.memory_space<semaphore_mem>> -> memref<1x!tpu.dma_semaphore, #tpu.memory_space<semaphore_mem>>
    %dma_start3A_527 = tpu.memref_squeeze %dma_start3A_526 : memref<1x!tpu.dma_semaphore, #tpu.memory_space<semaphore_mem>> -> memref<!tpu.dma_semaphore, #tpu.memory_space<semaphore_mem>>
    tpu.enqueue_indirect_dma source(%dma_start3A_523 : memref<2048xf32, #tpu.memory_space<vmem>>) target(%dma_start3A_525 : memref<51200xf32, #tpu.memory_space<vmem_shared>>) offsets(%arg30 : memref<2048xi32, #tpu.memory_space<vmem>>) semaphore(%dma_start3A_527 : memref<!tpu.dma_semaphore, #tpu.memory_space<semaphore_mem>>) {add = true}
    %add3A_528 = arith.constant 8192 : i32
    %add3A_529 = arith.addi %mul3A_377, %add3A_528 : i32
    %sub3A_530 = arith.constant 4096 : i32
    %sub3A_531 = arith.subi %mul3A_407, %sub3A_530 : i32
    %min3A_532 = arith.minsi %add3A_529, %sub3A_531 : i32
    %sub3A_533 = arith.subi %add3A_529, %min3A_532 : i32
    %add3A_534 = arith.constant 0 : i32
    %add3A_535 = arith.addi %min3A_532, %add3A_534 : i32
    %add3A_536 = arith.constant 2048 : i32
    %add3A_537 = arith.addi %min3A_532, %add3A_536 : i32
    %dma_start3A_538 = arith.constant 2 : i32
    %dma_start3A_539 = tpu.memref_slice %arg6[%min3A_532] : memref<2525600xi32, #tpu.memory_space<hbm>> -> memref<4096xi32, #tpu.memory_space<hbm>>
    %dma_start3A_540 = tpu.memref_slice %arg38[%dma_start3A_538] : memref<3x!tpu.dma_semaphore, #tpu.memory_space<semaphore_mem>> -> memref<1x!tpu.dma_semaphore, #tpu.memory_space<semaphore_mem>>
    %dma_start3A_541 = tpu.memref_squeeze %dma_start3A_540 : memref<1x!tpu.dma_semaphore, #tpu.memory_space<semaphore_mem>> -> memref<!tpu.dma_semaphore, #tpu.memory_space<semaphore_mem>>
    %dma_start3A_542 = tpu.memref_slice %arg6[%min3A_532] : memref<2525600xi32, #tpu.memory_space<hbm>> -> memref<4096xi32, #tpu.memory_space<hbm>>
    tpu.enqueue_dma source(%dma_start3A_542 : memref<4096xi32, #tpu.memory_space<hbm>>) target(%arg25 : memref<4096xi32, #tpu.memory_space<vmem>>) target_semaphore(%dma_start3A_541 : memref<!tpu.dma_semaphore, #tpu.memory_space<semaphore_mem>>)
    %dma_start3A_543 = arith.constant 2 : i32
    %dma_start3A_544 = tpu.memref_slice %arg8[%min3A_532] : memref<2525600xf32, #tpu.memory_space<hbm>> -> memref<4096xf32, #tpu.memory_space<hbm>>
    %dma_start3A_545 = tpu.memref_slice %arg38[%dma_start3A_543] : memref<3x!tpu.dma_semaphore, #tpu.memory_space<semaphore_mem>> -> memref<1x!tpu.dma_semaphore, #tpu.memory_space<semaphore_mem>>
    %dma_start3A_546 = tpu.memref_squeeze %dma_start3A_545 : memref<1x!tpu.dma_semaphore, #tpu.memory_space<semaphore_mem>> -> memref<!tpu.dma_semaphore, #tpu.memory_space<semaphore_mem>>
    %dma_start3A_547 = tpu.memref_slice %arg8[%min3A_532] : memref<2525600xf32, #tpu.memory_space<hbm>> -> memref<4096xf32, #tpu.memory_space<hbm>>
    tpu.enqueue_dma source(%dma_start3A_547 : memref<4096xf32, #tpu.memory_space<hbm>>) target(%arg28 : memref<4096xf32, #tpu.memory_space<vmem>>) target_semaphore(%dma_start3A_546 : memref<!tpu.dma_semaphore, #tpu.memory_space<semaphore_mem>>)
    %dma_start3A_548 = arith.constant 2 : i32
    %dma_start3A_549 = tpu.memref_slice %arg7[%add3A_535] : memref<2525600xi32, #tpu.memory_space<hbm>> -> memref<2048xi32, #tpu.memory_space<hbm>>
    %dma_start3A_550 = tpu.memref_slice %arg38[%dma_start3A_548] : memref<3x!tpu.dma_semaphore, #tpu.memory_space<semaphore_mem>> -> memref<1x!tpu.dma_semaphore, #tpu.memory_space<semaphore_mem>>
    %dma_start3A_551 = tpu.memref_squeeze %dma_start3A_550 : memref<1x!tpu.dma_semaphore, #tpu.memory_space<semaphore_mem>> -> memref<!tpu.dma_semaphore, #tpu.memory_space<semaphore_mem>>
    %dma_start3A_552 = tpu.memref_slice %arg7[%add3A_535] : memref<2525600xi32, #tpu.memory_space<hbm>> -> memref<2048xi32, #tpu.memory_space<hbm>>
    tpu.enqueue_dma source(%dma_start3A_552 : memref<2048xi32, #tpu.memory_space<hbm>>) target(%arg33 : memref<2048xi32, #tpu.memory_space<vmem>>) target_semaphore(%dma_start3A_551 : memref<!tpu.dma_semaphore, #tpu.memory_space<semaphore_mem>>)
    %dma_start3A_553 = arith.constant 2 : i32
    %dma_start3A_554 = tpu.memref_slice %arg7[%add3A_537] : memref<2525600xi32, #tpu.memory_space<hbm>> -> memref<2048xi32, #tpu.memory_space<hbm>>
    %dma_start3A_555 = tpu.memref_slice %arg38[%dma_start3A_553] : memref<3x!tpu.dma_semaphore, #tpu.memory_space<semaphore_mem>> -> memref<1x!tpu.dma_semaphore, #tpu.memory_space<semaphore_mem>>
    %dma_start3A_556 = tpu.memref_squeeze %dma_start3A_555 : memref<1x!tpu.dma_semaphore, #tpu.memory_space<semaphore_mem>> -> memref<!tpu.dma_semaphore, #tpu.memory_space<semaphore_mem>>
    %dma_start3A_557 = tpu.memref_slice %arg7[%add3A_537] : memref<2525600xi32, #tpu.memory_space<hbm>> -> memref<2048xi32, #tpu.memory_space<hbm>>
    tpu.enqueue_dma source(%dma_start3A_557 : memref<2048xi32, #tpu.memory_space<hbm>>) target(%arg34 : memref<2048xi32, #tpu.memory_space<vmem>>) target_semaphore(%dma_start3A_556 : memref<!tpu.dma_semaphore, #tpu.memory_space<semaphore_mem>>)
    %add3A_558 = arith.constant 4096 : i32
    %add3A_559 = arith.addi %mul3A_377, %add3A_558 : i32
    %sub3A_560 = arith.constant 4096 : i32
    %sub3A_561 = arith.subi %mul3A_407, %sub3A_560 : i32
    %min3A_562 = arith.minsi %add3A_559, %sub3A_561 : i32
    %sub3A_563 = arith.subi %add3A_559, %min3A_562 : i32
    %add3A_564 = arith.constant 0 : i32
    %add3A_565 = arith.addi %min3A_562, %add3A_564 : i32
    %add3A_566 = arith.constant 2048 : i32
    %add3A_567 = arith.addi %min3A_562, %add3A_566 : i32
    %dma_wait3A_568 = arith.constant 1 : i32
    %dma_wait3A_569 = tpu.memref_slice %arg6[%min3A_562] : memref<2525600xi32, #tpu.memory_space<hbm>> -> memref<4096xi32, #tpu.memory_space<hbm>>
    %dma_wait3A_570 = tpu.memref_slice %arg38[%dma_wait3A_568] : memref<3x!tpu.dma_semaphore, #tpu.memory_space<semaphore_mem>> -> memref<1x!tpu.dma_semaphore, #tpu.memory_space<semaphore_mem>>
    %dma_wait3A_571 = tpu.memref_squeeze %dma_wait3A_570 : memref<1x!tpu.dma_semaphore, #tpu.memory_space<semaphore_mem>> -> memref<!tpu.dma_semaphore, #tpu.memory_space<semaphore_mem>>
    %dma_wait3A_572 = tpu.memref_slice %arg6[%min3A_562] : memref<2525600xi32, #tpu.memory_space<hbm>> -> memref<4096xi32, #tpu.memory_space<hbm>>
    tpu.wait_dma2 semaphore(%dma_wait3A_571 : memref<!tpu.dma_semaphore, #tpu.memory_space<semaphore_mem>>) src(%dma_wait3A_572 : memref<4096xi32, #tpu.memory_space<hbm>>) dst(%arg24 : memref<4096xi32, #tpu.memory_space<vmem>>)
    %dma_wait3A_573 = arith.constant 1 : i32
    %dma_wait3A_574 = tpu.memref_slice %arg8[%min3A_562] : memref<2525600xf32, #tpu.memory_space<hbm>> -> memref<4096xf32, #tpu.memory_space<hbm>>
    %dma_wait3A_575 = tpu.memref_slice %arg38[%dma_wait3A_573] : memref<3x!tpu.dma_semaphore, #tpu.memory_space<semaphore_mem>> -> memref<1x!tpu.dma_semaphore, #tpu.memory_space<semaphore_mem>>
    %dma_wait3A_576 = tpu.memref_squeeze %dma_wait3A_575 : memref<1x!tpu.dma_semaphore, #tpu.memory_space<semaphore_mem>> -> memref<!tpu.dma_semaphore, #tpu.memory_space<semaphore_mem>>
    %dma_wait3A_577 = tpu.memref_slice %arg8[%min3A_562] : memref<2525600xf32, #tpu.memory_space<hbm>> -> memref<4096xf32, #tpu.memory_space<hbm>>
    tpu.wait_dma2 semaphore(%dma_wait3A_576 : memref<!tpu.dma_semaphore, #tpu.memory_space<semaphore_mem>>) src(%dma_wait3A_577 : memref<4096xf32, #tpu.memory_space<hbm>>) dst(%arg27 : memref<4096xf32, #tpu.memory_space<vmem>>)
    %dma_wait3A_578 = arith.constant 1 : i32
    %dma_wait3A_579 = tpu.memref_slice %arg7[%add3A_565] : memref<2525600xi32, #tpu.memory_space<hbm>> -> memref<2048xi32, #tpu.memory_space<hbm>>
    %dma_wait3A_580 = tpu.memref_slice %arg38[%dma_wait3A_578] : memref<3x!tpu.dma_semaphore, #tpu.memory_space<semaphore_mem>> -> memref<1x!tpu.dma_semaphore, #tpu.memory_space<semaphore_mem>>
    %dma_wait3A_581 = tpu.memref_squeeze %dma_wait3A_580 : memref<1x!tpu.dma_semaphore, #tpu.memory_space<semaphore_mem>> -> memref<!tpu.dma_semaphore, #tpu.memory_space<semaphore_mem>>
    %dma_wait3A_582 = tpu.memref_slice %arg7[%add3A_565] : memref<2525600xi32, #tpu.memory_space<hbm>> -> memref<2048xi32, #tpu.memory_space<hbm>>
    tpu.wait_dma2 semaphore(%dma_wait3A_581 : memref<!tpu.dma_semaphore, #tpu.memory_space<semaphore_mem>>) src(%dma_wait3A_582 : memref<2048xi32, #tpu.memory_space<hbm>>) dst(%arg31 : memref<2048xi32, #tpu.memory_space<vmem>>)
    %dma_wait3A_583 = arith.constant 1 : i32
    %dma_wait3A_584 = tpu.memref_slice %arg7[%add3A_567] : memref<2525600xi32, #tpu.memory_space<hbm>> -> memref<2048xi32, #tpu.memory_space<hbm>>
    %dma_wait3A_585 = tpu.memref_slice %arg38[%dma_wait3A_583] : memref<3x!tpu.dma_semaphore, #tpu.memory_space<semaphore_mem>> -> memref<1x!tpu.dma_semaphore, #tpu.memory_space<semaphore_mem>>
    %dma_wait3A_586 = tpu.memref_squeeze %dma_wait3A_585 : memref<1x!tpu.dma_semaphore, #tpu.memory_space<semaphore_mem>> -> memref<!tpu.dma_semaphore, #tpu.memory_space<semaphore_mem>>
    %dma_wait3A_587 = tpu.memref_slice %arg7[%add3A_567] : memref<2525600xi32, #tpu.memory_space<hbm>> -> memref<2048xi32, #tpu.memory_space<hbm>>
    tpu.wait_dma2 semaphore(%dma_wait3A_586 : memref<!tpu.dma_semaphore, #tpu.memory_space<semaphore_mem>>) src(%dma_wait3A_587 : memref<2048xi32, #tpu.memory_space<hbm>>) dst(%arg32 : memref<2048xi32, #tpu.memory_space<vmem>>)
    %add3A_588 = arith.constant 4096 : i32
    %add3A_589 = arith.addi %mul3A_377, %add3A_588 : i32
    %sub3A_590 = arith.constant 4096 : i32
    %sub3A_591 = arith.subi %mul3A_407, %sub3A_590 : i32
    %min3A_592 = arith.minsi %add3A_589, %sub3A_591 : i32
    %sub3A_593 = arith.subi %add3A_589, %min3A_592 : i32
    %parallel_loop3A_594 = arith.constant 0 : i32
    %parallel_loop3A_595 = arith.constant 4096 : i32
    %parallel_loop3A_596 = arith.constant 16 : i32
    scf.for %parallel_loop3A_681 = %parallel_loop3A_594 to %parallel_loop3A_595 step %parallel_loop3A_596  : i32 {
      %parallel_loop3A_682 = arith.index_cast %parallel_loop3A_681 : i32 to index
      %parallel_loop3A_683 = tpu.vector_load %arg24[%parallel_loop3A_682] {strides = array<i32>} : memref<4096xi32, #tpu.memory_space<vmem>>, vector<16xi32>,
      %parallel_loop3A_684 = tpu.vector_load_idx %arg13[%parallel_loop3A_683] : memref<51200xf32, #tpu.memory_space<vmem>>[vector<16xi32>], vector<16xf32>,
      %parallel_loop3A_685 = vector.broadcast %parallel_loop3A_681 : i32 to vector<16xi32>
      %parallel_loop3A_686 = arith.addi %parallel_loop3A_685, %iota3A_408 : vector<16xi32>
      %parallel_loop3A_687 = vector.broadcast %sub3A_593 : i32 to vector<16xi32>
      %parallel_loop3A_688 = arith.cmpi sge, %parallel_loop3A_686, %parallel_loop3A_687 : vector<16xi32>
      %parallel_loop3A_689 = arith.index_cast %parallel_loop3A_681 : i32 to index
      %parallel_loop3A_690 = tpu.vector_load %arg27[%parallel_loop3A_689] {strides = array<i32>} : memref<4096xf32, #tpu.memory_space<vmem>>, vector<16xf32>,
      %parallel_loop3A_691 = arith.constant 0.000000e+00 : f32
      %parallel_loop3A_692 = vector.broadcast %parallel_loop3A_691 : f32 to vector<16xf32>
      %parallel_loop3A_693 = arith.select %parallel_loop3A_688, %parallel_loop3A_690, %parallel_loop3A_692 : vector<16xi1>, vector<16xf32>
      %parallel_loop3A_694 = arith.mulf %parallel_loop3A_684, %parallel_loop3A_693 : vector<16xf32>
      %parallel_loop3A_695 = arith.index_cast %parallel_loop3A_681 : i32 to index
      %parallel_loop3A_696 = tpu.vector_load %arg36[%parallel_loop3A_695] {strides = array<i32>} : memref<4096xf32, #tpu.memory_space<vmem>>, vector<16xf32>,
      tpu.vector_store %arg36[%parallel_loop3A_695], %parallel_loop3A_694 {strides = array<i32>} : memref<4096xf32, #tpu.memory_space<vmem>>, vector<16xf32>,
    } {sc.loop_unroll_factor = 4 : i64, sc.parallel_access}
    %dma_start3A_597 = arith.constant 1 : i32
    %dma_start3A_598 = arith.constant 0 : i32
    %dma_start3A_599 = tpu.memref_slice %arg36[%dma_start3A_598] : memref<4096xf32, #tpu.memory_space<vmem>> -> memref<2048xf32, #tpu.memory_space<vmem>>
    %dma_start3A_600 = arith.constant 0 : i32
    %dma_start3A_601 = tpu.memref_slice %arg11[%dma_start3A_600] : memref<51200xf32, #tpu.memory_space<vmem_shared>> -> memref<51200xf32, #tpu.memory_space<vmem_shared>>
    %dma_start3A_602 = tpu.memref_slice %arg39[%dma_start3A_597] : memref<3x!tpu.dma_semaphore, #tpu.memory_space<semaphore_mem>> -> memref<1x!tpu.dma_semaphore, #tpu.memory_space<semaphore_mem>>
    %dma_start3A_603 = tpu.memref_squeeze %dma_start3A_602 : memref<1x!tpu.dma_semaphore, #tpu.memory_space<semaphore_mem>> -> memref<!tpu.dma_semaphore, #tpu.memory_space<semaphore_mem>>
    tpu.enqueue_indirect_dma source(%dma_start3A_599 : memref<2048xf32, #tpu.memory_space<vmem>>) target(%dma_start3A_601 : memref<51200xf32, #tpu.memory_space<vmem_shared>>) offsets(%arg31 : memref<2048xi32, #tpu.memory_space<vmem>>) semaphore(%dma_start3A_603 : memref<!tpu.dma_semaphore, #tpu.memory_space<semaphore_mem>>) {add = true}
    %dma_start3A_604 = arith.constant 1 : i32
    %dma_start3A_605 = arith.constant 2048 : i32
    %dma_start3A_606 = tpu.memref_slice %arg36[%dma_start3A_605] : memref<4096xf32, #tpu.memory_space<vmem>> -> memref<2048xf32, #tpu.memory_space<vmem>>
    %dma_start3A_607 = arith.constant 0 : i32
    %dma_start3A_608 = tpu.memref_slice %arg11[%dma_start3A_607] : memref<51200xf32, #tpu.memory_space<vmem_shared>> -> memref<51200xf32, #tpu.memory_space<vmem_shared>>
    %dma_start3A_609 = tpu.memref_slice %arg39[%dma_start3A_604] : memref<3x!tpu.dma_semaphore, #tpu.memory_space<semaphore_mem>> -> memref<1x!tpu.dma_semaphore, #tpu.memory_space<semaphore_mem>>
    %dma_start3A_610 = tpu.memref_squeeze %dma_start3A_609 : memref<1x!tpu.dma_semaphore, #tpu.memory_space<semaphore_mem>> -> memref<!tpu.dma_semaphore, #tpu.memory_space<semaphore_mem>>
    tpu.enqueue_indirect_dma source(%dma_start3A_606 : memref<2048xf32, #tpu.memory_space<vmem>>) target(%dma_start3A_608 : memref<51200xf32, #tpu.memory_space<vmem_shared>>) offsets(%arg32 : memref<2048xi32, #tpu.memory_space<vmem>>) semaphore(%dma_start3A_610 : memref<!tpu.dma_semaphore, #tpu.memory_space<semaphore_mem>>) {add = true}
    %scan3A_611 = arith.constant 0 : i32
    %scan3A_612 = arith.constant 0 : i32
    %scan3A_613 = arith.constant 6 : i32
    %scan3A_614 = arith.addi %scan3A_612, %scan3A_613 : i32
    %scan3A_615 = arith.constant 1 : i32
    scf.for %scan3A_681 = %scan3A_612 to %scan3A_614 step %scan3A_615  : i32 {
      %mul3A_682 = arith.constant 3 : i32
      %mul3A_683 = arith.muli %mul3A_682, %scan3A_681 : i32
      %add3A_684 = arith.constant 2 : i32
      %add3A_685 = arith.addi %add3A_684, %mul3A_683 : i32
      %add3A_686 = arith.constant 0 : i32
      %add3A_687 = arith.addi %add3A_685, %add3A_686 : i32
      %dma_wait3A_688 = arith.constant 0 : i32
      %dma_wait3A_689 = arith.constant 0 : i32
      %dma_wait3A_690 = tpu.memref_slice %arg35[%dma_wait3A_689] : memref<4096xf32, #tpu.memory_space<vmem>> -> memref<2048xf32, #tpu.memory_space<vmem>>
      %dma_wait3A_691 = arith.constant 0 : i32
      %dma_wait3A_692 = tpu.memref_slice %arg11[%dma_wait3A_691] : memref<51200xf32, #tpu.memory_space<vmem_shared>> -> memref<51200xf32, #tpu.memory_space<vmem_shared>>
      %dma_wait3A_693 = tpu.memref_slice %arg39[%dma_wait3A_688] : memref<3x!tpu.dma_semaphore, #tpu.memory_space<semaphore_mem>> -> memref<1x!tpu.dma_semaphore, #tpu.memory_space<semaphore_mem>>
      %dma_wait3A_694 = tpu.memref_squeeze %dma_wait3A_693 : memref<1x!tpu.dma_semaphore, #tpu.memory_space<semaphore_mem>> -> memref<!tpu.dma_semaphore, #tpu.memory_space<semaphore_mem>>
      tpu.wait_indirect_dma semaphore(%dma_wait3A_694 : memref<!tpu.dma_semaphore, #tpu.memory_space<semaphore_mem>>) src(%dma_wait3A_690 : memref<2048xf32, #tpu.memory_space<vmem>>) dst(%dma_wait3A_692 : memref<51200xf32, #tpu.memory_space<vmem_shared>>)
      %dma_wait3A_695 = arith.constant 0 : i32
      %dma_wait3A_696 = arith.constant 2048 : i32
      %dma_wait3A_697 = tpu.memref_slice %arg35[%dma_wait3A_696] : memref<4096xf32, #tpu.memory_space<vmem>> -> memref<2048xf32, #tpu.memory_space<vmem>>
      %dma_wait3A_698 = arith.constant 0 : i32
      %dma_wait3A_699 = tpu.memref_slice %arg11[%dma_wait3A_698] : memref<51200xf32, #tpu.memory_space<vmem_shared>> -> memref<51200xf32, #tpu.memory_space<vmem_shared>>
      %dma_wait3A_700 = tpu.memref_slice %arg39[%dma_wait3A_695] : memref<3x!tpu.dma_semaphore, #tpu.memory_space<semaphore_mem>> -> memref<1x!tpu.dma_semaphore, #tpu.memory_space<semaphore_mem>>
      %dma_wait3A_701 = tpu.memref_squeeze %dma_wait3A_700 : memref<1x!tpu.dma_semaphore, #tpu.memory_space<semaphore_mem>> -> memref<!tpu.dma_semaphore, #tpu.memory_space<semaphore_mem>>
      tpu.wait_indirect_dma semaphore(%dma_wait3A_701 : memref<!tpu.dma_semaphore, #tpu.memory_space<semaphore_mem>>) src(%dma_wait3A_697 : memref<2048xf32, #tpu.memory_space<vmem>>) dst(%dma_wait3A_699 : memref<51200xf32, #tpu.memory_space<vmem_shared>>)
      %add3A_702 = arith.constant 1 : i32
      %add3A_703 = arith.addi %add3A_687, %add3A_702 : i32
      %mul3A_704 = arith.constant 4096 : i32
      %mul3A_705 = arith.muli %add3A_703, %mul3A_704 : i32
      %add3A_706 = arith.addi %mul3A_377, %mul3A_705 : i32
      %sub3A_707 = arith.constant 4096 : i32
      %sub3A_708 = arith.subi %mul3A_407, %sub3A_707 : i32
      %min3A_709 = arith.minsi %add3A_706, %sub3A_708 : i32
      %sub3A_710 = arith.subi %add3A_706, %min3A_709 : i32
      %add3A_711 = arith.constant 0 : i32
      %add3A_712 = arith.addi %min3A_709, %add3A_711 : i32
      %add3A_713 = arith.constant 2048 : i32
      %add3A_714 = arith.addi %min3A_709, %add3A_713 : i32
      %dma_start3A_715 = arith.constant 0 : i32
      %dma_start3A_716 = tpu.memref_slice %arg6[%min3A_709] : memref<2525600xi32, #tpu.memory_space<hbm>> -> memref<4096xi32, #tpu.memory_space<hbm>>
      %dma_start3A_717 = tpu.memref_slice %arg38[%dma_start3A_715] : memref<3x!tpu.dma_semaphore, #tpu.memory_space<semaphore_mem>> -> memref<1x!tpu.dma_semaphore, #tpu.memory_space<semaphore_mem>>
      %dma_start3A_718 = tpu.memref_squeeze %dma_start3A_717 : memref<1x!tpu.dma_semaphore, #tpu.memory_space<semaphore_mem>> -> memref<!tpu.dma_semaphore, #tpu.memory_space<semaphore_mem>>
      %dma_start3A_719 = tpu.memref_slice %arg6[%min3A_709] : memref<2525600xi32, #tpu.memory_space<hbm>> -> memref<4096xi32, #tpu.memory_space<hbm>>
      tpu.enqueue_dma source(%dma_start3A_719 : memref<4096xi32, #tpu.memory_space<hbm>>) target(%arg23 : memref<4096xi32, #tpu.memory_space<vmem>>) target_semaphore(%dma_start3A_718 : memref<!tpu.dma_semaphore, #tpu.memory_space<semaphore_mem>>)
      %dma_start3A_720 = arith.constant 0 : i32
      %dma_start3A_721 = tpu.memref_slice %arg8[%min3A_709] : memref<2525600xf32, #tpu.memory_space<hbm>> -> memref<4096xf32, #tpu.memory_space<hbm>>
      %dma_start3A_722 = tpu.memref_slice %arg38[%dma_start3A_720] : memref<3x!tpu.dma_semaphore, #tpu.memory_space<semaphore_mem>> -> memref<1x!tpu.dma_semaphore, #tpu.memory_space<semaphore_mem>>
      %dma_start3A_723 = tpu.memref_squeeze %dma_start3A_722 : memref<1x!tpu.dma_semaphore, #tpu.memory_space<semaphore_mem>> -> memref<!tpu.dma_semaphore, #tpu.memory_space<semaphore_mem>>
      %dma_start3A_724 = tpu.memref_slice %arg8[%min3A_709] : memref<2525600xf32, #tpu.memory_space<hbm>> -> memref<4096xf32, #tpu.memory_space<hbm>>
      tpu.enqueue_dma source(%dma_start3A_724 : memref<4096xf32, #tpu.memory_space<hbm>>) target(%arg26 : memref<4096xf32, #tpu.memory_space<vmem>>) target_semaphore(%dma_start3A_723 : memref<!tpu.dma_semaphore, #tpu.memory_space<semaphore_mem>>)
      %dma_start3A_725 = arith.constant 0 : i32
      %dma_start3A_726 = tpu.memref_slice %arg7[%add3A_712] : memref<2525600xi32, #tpu.memory_space<hbm>> -> memref<2048xi32, #tpu.memory_space<hbm>>
      %dma_start3A_727 = tpu.memref_slice %arg38[%dma_start3A_725] : memref<3x!tpu.dma_semaphore, #tpu.memory_space<semaphore_mem>> -> memref<1x!tpu.dma_semaphore, #tpu.memory_space<semaphore_mem>>
      %dma_start3A_728 = tpu.memref_squeeze %dma_start3A_727 : memref<1x!tpu.dma_semaphore, #tpu.memory_space<semaphore_mem>> -> memref<!tpu.dma_semaphore, #tpu.memory_space<semaphore_mem>>
      %dma_start3A_729 = tpu.memref_slice %arg7[%add3A_712] : memref<2525600xi32, #tpu.memory_space<hbm>> -> memref<2048xi32, #tpu.memory_space<hbm>>
      tpu.enqueue_dma source(%dma_start3A_729 : memref<2048xi32, #tpu.memory_space<hbm>>) target(%arg29 : memref<2048xi32, #tpu.memory_space<vmem>>) target_semaphore(%dma_start3A_728 : memref<!tpu.dma_semaphore, #tpu.memory_space<semaphore_mem>>)
      %dma_start3A_730 = arith.constant 0 : i32
      %dma_start3A_731 = tpu.memref_slice %arg7[%add3A_714] : memref<2525600xi32, #tpu.memory_space<hbm>> -> memref<2048xi32, #tpu.memory_space<hbm>>
      %dma_start3A_732 = tpu.memref_slice %arg38[%dma_start3A_730] : memref<3x!tpu.dma_semaphore, #tpu.memory_space<semaphore_mem>> -> memref<1x!tpu.dma_semaphore, #tpu.memory_space<semaphore_mem>>
      %dma_start3A_733 = tpu.memref_squeeze %dma_start3A_732 : memref<1x!tpu.dma_semaphore, #tpu.memory_space<semaphore_mem>> -> memref<!tpu.dma_semaphore, #tpu.memory_space<semaphore_mem>>
      %dma_start3A_734 = tpu.memref_slice %arg7[%add3A_714] : memref<2525600xi32, #tpu.memory_space<hbm>> -> memref<2048xi32, #tpu.memory_space<hbm>>
      tpu.enqueue_dma source(%dma_start3A_734 : memref<2048xi32, #tpu.memory_space<hbm>>) target(%arg30 : memref<2048xi32, #tpu.memory_space<vmem>>) target_semaphore(%dma_start3A_733 : memref<!tpu.dma_semaphore, #tpu.memory_space<semaphore_mem>>)
      %mul3A_735 = arith.constant 4096 : i32
      %mul3A_736 = arith.muli %add3A_687, %mul3A_735 : i32
      %add3A_737 = arith.addi %mul3A_377, %mul3A_736 : i32
      %sub3A_738 = arith.constant 4096 : i32
      %sub3A_739 = arith.subi %mul3A_407, %sub3A_738 : i32
      %min3A_740 = arith.minsi %add3A_737, %sub3A_739 : i32
      %sub3A_741 = arith.subi %add3A_737, %min3A_740 : i32
      %add3A_742 = arith.constant 0 : i32
      %add3A_743 = arith.addi %min3A_740, %add3A_742 : i32
      %add3A_744 = arith.constant 2048 : i32
      %add3A_745 = arith.addi %min3A_740, %add3A_744 : i32
      %dma_wait3A_746 = arith.constant 2 : i32
      %dma_wait3A_747 = tpu.memref_slice %arg6[%min3A_740] : memref<2525600xi32, #tpu.memory_space<hbm>> -> memref<4096xi32, #tpu.memory_space<hbm>>
      %dma_wait3A_748 = tpu.memref_slice %arg38[%dma_wait3A_746] : memref<3x!tpu.dma_semaphore, #tpu.memory_space<semaphore_mem>> -> memref<1x!tpu.dma_semaphore, #tpu.memory_space<semaphore_mem>>
      %dma_wait3A_749 = tpu.memref_squeeze %dma_wait3A_748 : memref<1x!tpu.dma_semaphore, #tpu.memory_space<semaphore_mem>> -> memref<!tpu.dma_semaphore, #tpu.memory_space<semaphore_mem>>
      %dma_wait3A_750 = tpu.memref_slice %arg6[%min3A_740] : memref<2525600xi32, #tpu.memory_space<hbm>> -> memref<4096xi32, #tpu.memory_space<hbm>>
      tpu.wait_dma2 semaphore(%dma_wait3A_749 : memref<!tpu.dma_semaphore, #tpu.memory_space<semaphore_mem>>) src(%dma_wait3A_750 : memref<4096xi32, #tpu.memory_space<hbm>>) dst(%arg25 : memref<4096xi32, #tpu.memory_space<vmem>>)
      %dma_wait3A_751 = arith.constant 2 : i32
      %dma_wait3A_752 = tpu.memref_slice %arg8[%min3A_740] : memref<2525600xf32, #tpu.memory_space<hbm>> -> memref<4096xf32, #tpu.memory_space<hbm>>
      %dma_wait3A_753 = tpu.memref_slice %arg38[%dma_wait3A_751] : memref<3x!tpu.dma_semaphore, #tpu.memory_space<semaphore_mem>> -> memref<1x!tpu.dma_semaphore, #tpu.memory_space<semaphore_mem>>
      %dma_wait3A_754 = tpu.memref_squeeze %dma_wait3A_753 : memref<1x!tpu.dma_semaphore, #tpu.memory_space<semaphore_mem>> -> memref<!tpu.dma_semaphore, #tpu.memory_space<semaphore_mem>>
      %dma_wait3A_755 = tpu.memref_slice %arg8[%min3A_740] : memref<2525600xf32, #tpu.memory_space<hbm>> -> memref<4096xf32, #tpu.memory_space<hbm>>
      tpu.wait_dma2 semaphore(%dma_wait3A_754 : memref<!tpu.dma_semaphore, #tpu.memory_space<semaphore_mem>>) src(%dma_wait3A_755 : memref<4096xf32, #tpu.memory_space<hbm>>) dst(%arg28 : memref<4096xf32, #tpu.memory_space<vmem>>)
      %dma_wait3A_756 = arith.constant 2 : i32
      %dma_wait3A_757 = tpu.memref_slice %arg7[%add3A_743] : memref<2525600xi32, #tpu.memory_space<hbm>> -> memref<2048xi32, #tpu.memory_space<hbm>>
      %dma_wait3A_758 = tpu.memref_slice %arg38[%dma_wait3A_756] : memref<3x!tpu.dma_semaphore, #tpu.memory_space<semaphore_mem>> -> memref<1x!tpu.dma_semaphore, #tpu.memory_space<semaphore_mem>>
      %dma_wait3A_759 = tpu.memref_squeeze %dma_wait3A_758 : memref<1x!tpu.dma_semaphore, #tpu.memory_space<semaphore_mem>> -> memref<!tpu.dma_semaphore, #tpu.memory_space<semaphore_mem>>
      %dma_wait3A_760 = tpu.memref_slice %arg7[%add3A_743] : memref<2525600xi32, #tpu.memory_space<hbm>> -> memref<2048xi32, #tpu.memory_space<hbm>>
      tpu.wait_dma2 semaphore(%dma_wait3A_759 : memref<!tpu.dma_semaphore, #tpu.memory_space<semaphore_mem>>) src(%dma_wait3A_760 : memref<2048xi32, #tpu.memory_space<hbm>>) dst(%arg33 : memref<2048xi32, #tpu.memory_space<vmem>>)
      %dma_wait3A_761 = arith.constant 2 : i32
      %dma_wait3A_762 = tpu.memref_slice %arg7[%add3A_745] : memref<2525600xi32, #tpu.memory_space<hbm>> -> memref<2048xi32, #tpu.memory_space<hbm>>
      %dma_wait3A_763 = tpu.memref_slice %arg38[%dma_wait3A_761] : memref<3x!tpu.dma_semaphore, #tpu.memory_space<semaphore_mem>> -> memref<1x!tpu.dma_semaphore, #tpu.memory_space<semaphore_mem>>
      %dma_wait3A_764 = tpu.memref_squeeze %dma_wait3A_763 : memref<1x!tpu.dma_semaphore, #tpu.memory_space<semaphore_mem>> -> memref<!tpu.dma_semaphore, #tpu.memory_space<semaphore_mem>>
      %dma_wait3A_765 = tpu.memref_slice %arg7[%add3A_745] : memref<2525600xi32, #tpu.memory_space<hbm>> -> memref<2048xi32, #tpu.memory_space<hbm>>
      tpu.wait_dma2 semaphore(%dma_wait3A_764 : memref<!tpu.dma_semaphore, #tpu.memory_space<semaphore_mem>>) src(%dma_wait3A_765 : memref<2048xi32, #tpu.memory_space<hbm>>) dst(%arg34 : memref<2048xi32, #tpu.memory_space<vmem>>)
      %mul3A_766 = arith.constant 4096 : i32
      %mul3A_767 = arith.muli %add3A_687, %mul3A_766 : i32
      %add3A_768 = arith.addi %mul3A_377, %mul3A_767 : i32
      %sub3A_769 = arith.constant 4096 : i32
      %sub3A_770 = arith.subi %mul3A_407, %sub3A_769 : i32
      %min3A_771 = arith.minsi %add3A_768, %sub3A_770 : i32
      %sub3A_772 = arith.subi %add3A_768, %min3A_771 : i32
      %parallel_loop3A_773 = arith.constant 0 : i32
      %parallel_loop3A_774 = arith.constant 4096 : i32
      %parallel_loop3A_775 = arith.constant 16 : i32
      scf.for %parallel_loop3A_998 = %parallel_loop3A_773 to %parallel_loop3A_774 step %parallel_loop3A_775  : i32 {
        %parallel_loop3A_999 = arith.index_cast %parallel_loop3A_998 : i32 to index
        %parallel_loop3A_1000 = tpu.vector_load %arg25[%parallel_loop3A_999] {strides = array<i32>} : memref<4096xi32, #tpu.memory_space<vmem>>, vector<16xi32>,
        %parallel_loop3A_1001 = tpu.vector_load_idx %arg13[%parallel_loop3A_1000] : memref<51200xf32, #tpu.memory_space<vmem>>[vector<16xi32>], vector<16xf32>,
        %parallel_loop3A_1002 = vector.broadcast %parallel_loop3A_998 : i32 to vector<16xi32>
        %parallel_loop3A_1003 = arith.addi %parallel_loop3A_1002, %iota3A_408 : vector<16xi32>
        %parallel_loop3A_1004 = vector.broadcast %sub3A_772 : i32 to vector<16xi32>
        %parallel_loop3A_1005 = arith.cmpi sge, %parallel_loop3A_1003, %parallel_loop3A_1004 : vector<16xi32>
        %parallel_loop3A_1006 = arith.index_cast %parallel_loop3A_998 : i32 to index
        %parallel_loop3A_1007 = tpu.vector_load %arg28[%parallel_loop3A_1006] {strides = array<i32>} : memref<4096xf32, #tpu.memory_space<vmem>>, vector<16xf32>,
        %parallel_loop3A_1008 = arith.constant 0.000000e+00 : f32
        %parallel_loop3A_1009 = vector.broadcast %parallel_loop3A_1008 : f32 to vector<16xf32>
        %parallel_loop3A_1010 = arith.select %parallel_loop3A_1005, %parallel_loop3A_1007, %parallel_loop3A_1009 : vector<16xi1>, vector<16xf32>
        %parallel_loop3A_1011 = arith.mulf %parallel_loop3A_1001, %parallel_loop3A_1010 : vector<16xf32>
        %parallel_loop3A_1012 = arith.index_cast %parallel_loop3A_998 : i32 to index
        %parallel_loop3A_1013 = tpu.vector_load %arg37[%parallel_loop3A_1012] {strides = array<i32>} : memref<4096xf32, #tpu.memory_space<vmem>>, vector<16xf32>,
        tpu.vector_store %arg37[%parallel_loop3A_1012], %parallel_loop3A_1011 {strides = array<i32>} : memref<4096xf32, #tpu.memory_space<vmem>>, vector<16xf32>,
      } {sc.loop_unroll_factor = 4 : i64, sc.parallel_access}
      %dma_start3A_776 = arith.constant 2 : i32
      %dma_start3A_777 = arith.constant 0 : i32
      %dma_start3A_778 = tpu.memref_slice %arg37[%dma_start3A_777] : memref<4096xf32, #tpu.memory_space<vmem>> -> memref<2048xf32, #tpu.memory_space<vmem>>
      %dma_start3A_779 = arith.constant 0 : i32
      %dma_start3A_780 = tpu.memref_slice %arg11[%dma_start3A_779] : memref<51200xf32, #tpu.memory_space<vmem_shared>> -> memref<51200xf32, #tpu.memory_space<vmem_shared>>
      %dma_start3A_781 = tpu.memref_slice %arg39[%dma_start3A_776] : memref<3x!tpu.dma_semaphore, #tpu.memory_space<semaphore_mem>> -> memref<1x!tpu.dma_semaphore, #tpu.memory_space<semaphore_mem>>
      %dma_start3A_782 = tpu.memref_squeeze %dma_start3A_781 : memref<1x!tpu.dma_semaphore, #tpu.memory_space<semaphore_mem>> -> memref<!tpu.dma_semaphore, #tpu.memory_space<semaphore_mem>>
      tpu.enqueue_indirect_dma source(%dma_start3A_778 : memref<2048xf32, #tpu.memory_space<vmem>>) target(%dma_start3A_780 : memref<51200xf32, #tpu.memory_space<vmem_shared>>) offsets(%arg33 : memref<2048xi32, #tpu.memory_space<vmem>>) semaphore(%dma_start3A_782 : memref<!tpu.dma_semaphore, #tpu.memory_space<semaphore_mem>>) {add = true}
      %dma_start3A_783 = arith.constant 2 : i32
      %dma_start3A_784 = arith.constant 2048 : i32
      %dma_start3A_785 = tpu.memref_slice %arg37[%dma_start3A_784] : memref<4096xf32, #tpu.memory_space<vmem>> -> memref<2048xf32, #tpu.memory_space<vmem>>
      %dma_start3A_786 = arith.constant 0 : i32
      %dma_start3A_787 = tpu.memref_slice %arg11[%dma_start3A_786] : memref<51200xf32, #tpu.memory_space<vmem_shared>> -> memref<51200xf32, #tpu.memory_space<vmem_shared>>
      %dma_start3A_788 = tpu.memref_slice %arg39[%dma_start3A_783] : memref<3x!tpu.dma_semaphore, #tpu.memory_space<semaphore_mem>> -> memref<1x!tpu.dma_semaphore, #tpu.memory_space<semaphore_mem>>
      %dma_start3A_789 = tpu.memref_squeeze %dma_start3A_788 : memref<1x!tpu.dma_semaphore, #tpu.memory_space<semaphore_mem>> -> memref<!tpu.dma_semaphore, #tpu.memory_space<semaphore_mem>>
      tpu.enqueue_indirect_dma source(%dma_start3A_785 : memref<2048xf32, #tpu.memory_space<vmem>>) target(%dma_start3A_787 : memref<51200xf32, #tpu.memory_space<vmem_shared>>) offsets(%arg34 : memref<2048xi32, #tpu.memory_space<vmem>>) semaphore(%dma_start3A_789 : memref<!tpu.dma_semaphore, #tpu.memory_space<semaphore_mem>>) {add = true}
      %add3A_790 = arith.constant 1 : i32
      %add3A_791 = arith.addi %add3A_685, %add3A_790 : i32
      %dma_wait3A_792 = arith.constant 1 : i32
      %dma_wait3A_793 = arith.constant 0 : i32
      %dma_wait3A_794 = tpu.memref_slice %arg36[%dma_wait3A_793] : memref<4096xf32, #tpu.memory_space<vmem>> -> memref<2048xf32, #tpu.memory_space<vmem>>
      %dma_wait3A_795 = arith.constant 0 : i32
      %dma_wait3A_796 = tpu.memref_slice %arg11[%dma_wait3A_795] : memref<51200xf32, #tpu.memory_space<vmem_shared>> -> memref<51200xf32, #tpu.memory_space<vmem_shared>>
      %dma_wait3A_797 = tpu.memref_slice %arg39[%dma_wait3A_792] : memref<3x!tpu.dma_semaphore, #tpu.memory_space<semaphore_mem>> -> memref<1x!tpu.dma_semaphore, #tpu.memory_space<semaphore_mem>>
      %dma_wait3A_798 = tpu.memref_squeeze %dma_wait3A_797 : memref<1x!tpu.dma_semaphore, #tpu.memory_space<semaphore_mem>> -> memref<!tpu.dma_semaphore, #tpu.memory_space<semaphore_mem>>
      tpu.wait_indirect_dma semaphore(%dma_wait3A_798 : memref<!tpu.dma_semaphore, #tpu.memory_space<semaphore_mem>>) src(%dma_wait3A_794 : memref<2048xf32, #tpu.memory_space<vmem>>) dst(%dma_wait3A_796 : memref<51200xf32, #tpu.memory_space<vmem_shared>>)
      %dma_wait3A_799 = arith.constant 1 : i32
      %dma_wait3A_800 = arith.constant 2048 : i32
      %dma_wait3A_801 = tpu.memref_slice %arg36[%dma_wait3A_800] : memref<4096xf32, #tpu.memory_space<vmem>> -> memref<2048xf32, #tpu.memory_space<vmem>>
      %dma_wait3A_802 = arith.constant 0 : i32
      %dma_wait3A_803 = tpu.memref_slice %arg11[%dma_wait3A_802] : memref<51200xf32, #tpu.memory_space<vmem_shared>> -> memref<51200xf32, #tpu.memory_space<vmem_shared>>
      %dma_wait3A_804 = tpu.memref_slice %arg39[%dma_wait3A_799] : memref<3x!tpu.dma_semaphore, #tpu.memory_space<semaphore_mem>> -> memref<1x!tpu.dma_semaphore, #tpu.memory_space<semaphore_mem>>
      %dma_wait3A_805 = tpu.memref_squeeze %dma_wait3A_804 : memref<1x!tpu.dma_semaphore, #tpu.memory_space<semaphore_mem>> -> memref<!tpu.dma_semaphore, #tpu.memory_space<semaphore_mem>>
      tpu.wait_indirect_dma semaphore(%dma_wait3A_805 : memref<!tpu.dma_semaphore, #tpu.memory_space<semaphore_mem>>) src(%dma_wait3A_801 : memref<2048xf32, #tpu.memory_space<vmem>>) dst(%dma_wait3A_803 : memref<51200xf32, #tpu.memory_space<vmem_shared>>)
      %add3A_806 = arith.constant 1 : i32
      %add3A_807 = arith.addi %add3A_791, %add3A_806 : i32
      %mul3A_808 = arith.constant 4096 : i32
      %mul3A_809 = arith.muli %add3A_807, %mul3A_808 : i32
      %add3A_810 = arith.addi %mul3A_377, %mul3A_809 : i32
      %sub3A_811 = arith.constant 4096 : i32
      %sub3A_812 = arith.subi %mul3A_407, %sub3A_811 : i32
      %min3A_813 = arith.minsi %add3A_810, %sub3A_812 : i32
      %sub3A_814 = arith.subi %add3A_810, %min3A_813 : i32
      %add3A_815 = arith.constant 0 : i32
      %add3A_816 = arith.addi %min3A_813, %add3A_815 : i32
      %add3A_817 = arith.constant 2048 : i32
      %add3A_818 = arith.addi %min3A_813, %add3A_817 : i32
      %dma_start3A_819 = arith.constant 1 : i32
      %dma_start3A_820 = tpu.memref_slice %arg6[%min3A_813] : memref<2525600xi32, #tpu.memory_space<hbm>> -> memref<4096xi32, #tpu.memory_space<hbm>>
      %dma_start3A_821 = tpu.memref_slice %arg38[%dma_start3A_819] : memref<3x!tpu.dma_semaphore, #tpu.memory_space<semaphore_mem>> -> memref<1x!tpu.dma_semaphore, #tpu.memory_space<semaphore_mem>>
      %dma_start3A_822 = tpu.memref_squeeze %dma_start3A_821 : memref<1x!tpu.dma_semaphore, #tpu.memory_space<semaphore_mem>> -> memref<!tpu.dma_semaphore, #tpu.memory_space<semaphore_mem>>
      %dma_start3A_823 = tpu.memref_slice %arg6[%min3A_813] : memref<2525600xi32, #tpu.memory_space<hbm>> -> memref<4096xi32, #tpu.memory_space<hbm>>
      tpu.enqueue_dma source(%dma_start3A_823 : memref<4096xi32, #tpu.memory_space<hbm>>) target(%arg24 : memref<4096xi32, #tpu.memory_space<vmem>>) target_semaphore(%dma_start3A_822 : memref<!tpu.dma_semaphore, #tpu.memory_space<semaphore_mem>>)
      %dma_start3A_824 = arith.constant 1 : i32
      %dma_start3A_825 = tpu.memref_slice %arg8[%min3A_813] : memref<2525600xf32, #tpu.memory_space<hbm>> -> memref<4096xf32, #tpu.memory_space<hbm>>
      %dma_start3A_826 = tpu.memref_slice %arg38[%dma_start3A_824] : memref<3x!tpu.dma_semaphore, #tpu.memory_space<semaphore_mem>> -> memref<1x!tpu.dma_semaphore, #tpu.memory_space<semaphore_mem>>
      %dma_start3A_827 = tpu.memref_squeeze %dma_start3A_826 : memref<1x!tpu.dma_semaphore, #tpu.memory_space<semaphore_mem>> -> memref<!tpu.dma_semaphore, #tpu.memory_space<semaphore_mem>>
      %dma_start3A_828 = tpu.memref_slice %arg8[%min3A_813] : memref<2525600xf32, #tpu.memory_space<hbm>> -> memref<4096xf32, #tpu.memory_space<hbm>>
      tpu.enqueue_dma source(%dma_start3A_828 : memref<4096xf32, #tpu.memory_space<hbm>>) target(%arg27 : memref<4096xf32, #tpu.memory_space<vmem>>) target_semaphore(%dma_start3A_827 : memref<!tpu.dma_semaphore, #tpu.memory_space<semaphore_mem>>)
      %dma_start3A_829 = arith.constant 1 : i32
      %dma_start3A_830 = tpu.memref_slice %arg7[%add3A_816] : memref<2525600xi32, #tpu.memory_space<hbm>> -> memref<2048xi32, #tpu.memory_space<hbm>>
      %dma_start3A_831 = tpu.memref_slice %arg38[%dma_start3A_829] : memref<3x!tpu.dma_semaphore, #tpu.memory_space<semaphore_mem>> -> memref<1x!tpu.dma_semaphore, #tpu.memory_space<semaphore_mem>>
      %dma_start3A_832 = tpu.memref_squeeze %dma_start3A_831 : memref<1x!tpu.dma_semaphore, #tpu.memory_space<semaphore_mem>> -> memref<!tpu.dma_semaphore, #tpu.memory_space<semaphore_mem>>
      %dma_start3A_833 = tpu.memref_slice %arg7[%add3A_816] : memref<2525600xi32, #tpu.memory_space<hbm>> -> memref<2048xi32, #tpu.memory_space<hbm>>
      tpu.enqueue_dma source(%dma_start3A_833 : memref<2048xi32, #tpu.memory_space<hbm>>) target(%arg31 : memref<2048xi32, #tpu.memory_space<vmem>>) target_semaphore(%dma_start3A_832 : memref<!tpu.dma_semaphore, #tpu.memory_space<semaphore_mem>>)
      %dma_start3A_834 = arith.constant 1 : i32
      %dma_start3A_835 = tpu.memref_slice %arg7[%add3A_818] : memref<2525600xi32, #tpu.memory_space<hbm>> -> memref<2048xi32, #tpu.memory_space<hbm>>
      %dma_start3A_836 = tpu.memref_slice %arg38[%dma_start3A_834] : memref<3x!tpu.dma_semaphore, #tpu.memory_space<semaphore_mem>> -> memref<1x!tpu.dma_semaphore, #tpu.memory_space<semaphore_mem>>
      %dma_start3A_837 = tpu.memref_squeeze %dma_start3A_836 : memref<1x!tpu.dma_semaphore, #tpu.memory_space<semaphore_mem>> -> memref<!tpu.dma_semaphore, #tpu.memory_space<semaphore_mem>>
      %dma_start3A_838 = tpu.memref_slice %arg7[%add3A_818] : memref<2525600xi32, #tpu.memory_space<hbm>> -> memref<2048xi32, #tpu.memory_space<hbm>>
      tpu.enqueue_dma source(%dma_start3A_838 : memref<2048xi32, #tpu.memory_space<hbm>>) target(%arg32 : memref<2048xi32, #tpu.memory_space<vmem>>) target_semaphore(%dma_start3A_837 : memref<!tpu.dma_semaphore, #tpu.memory_space<semaphore_mem>>)
      %mul3A_839 = arith.constant 4096 : i32
      %mul3A_840 = arith.muli %add3A_791, %mul3A_839 : i32
      %add3A_841 = arith.addi %mul3A_377, %mul3A_840 : i32
      %sub3A_842 = arith.constant 4096 : i32
      %sub3A_843 = arith.subi %mul3A_407, %sub3A_842 : i32
      %min3A_844 = arith.minsi %add3A_841, %sub3A_843 : i32
      %sub3A_845 = arith.subi %add3A_841, %min3A_844 : i32
      %add3A_846 = arith.constant 0 : i32
      %add3A_847 = arith.addi %min3A_844, %add3A_846 : i32
      %add3A_848 = arith.constant 2048 : i32
      %add3A_849 = arith.addi %min3A_844, %add3A_848 : i32
      %dma_wait3A_850 = arith.constant 0 : i32
      %dma_wait3A_851 = tpu.memref_slice %arg6[%min3A_844] : memref<2525600xi32, #tpu.memory_space<hbm>> -> memref<4096xi32, #tpu.memory_space<hbm>>
      %dma_wait3A_852 = tpu.memref_slice %arg38[%dma_wait3A_850] : memref<3x!tpu.dma_semaphore, #tpu.memory_space<semaphore_mem>> -> memref<1x!tpu.dma_semaphore, #tpu.memory_space<semaphore_mem>>
      %dma_wait3A_853 = tpu.memref_squeeze %dma_wait3A_852 : memref<1x!tpu.dma_semaphore, #tpu.memory_space<semaphore_mem>> -> memref<!tpu.dma_semaphore, #tpu.memory_space<semaphore_mem>>
      %dma_wait3A_854 = tpu.memref_slice %arg6[%min3A_844] : memref<2525600xi32, #tpu.memory_space<hbm>> -> memref<4096xi32, #tpu.memory_space<hbm>>
      tpu.wait_dma2 semaphore(%dma_wait3A_853 : memref<!tpu.dma_semaphore, #tpu.memory_space<semaphore_mem>>) src(%dma_wait3A_854 : memref<4096xi32, #tpu.memory_space<hbm>>) dst(%arg23 : memref<4096xi32, #tpu.memory_space<vmem>>)
      %dma_wait3A_855 = arith.constant 0 : i32
      %dma_wait3A_856 = tpu.memref_slice %arg8[%min3A_844] : memref<2525600xf32, #tpu.memory_space<hbm>> -> memref<4096xf32, #tpu.memory_space<hbm>>
      %dma_wait3A_857 = tpu.memref_slice %arg38[%dma_wait3A_855] : memref<3x!tpu.dma_semaphore, #tpu.memory_space<semaphore_mem>> -> memref<1x!tpu.dma_semaphore, #tpu.memory_space<semaphore_mem>>
      %dma_wait3A_858 = tpu.memref_squeeze %dma_wait3A_857 : memref<1x!tpu.dma_semaphore, #tpu.memory_space<semaphore_mem>> -> memref<!tpu.dma_semaphore, #tpu.memory_space<semaphore_mem>>
      %dma_wait3A_859 = tpu.memref_slice %arg8[%min3A_844] : memref<2525600xf32, #tpu.memory_space<hbm>> -> memref<4096xf32, #tpu.memory_space<hbm>>
      tpu.wait_dma2 semaphore(%dma_wait3A_858 : memref<!tpu.dma_semaphore, #tpu.memory_space<semaphore_mem>>) src(%dma_wait3A_859 : memref<4096xf32, #tpu.memory_space<hbm>>) dst(%arg26 : memref<4096xf32, #tpu.memory_space<vmem>>)
      %dma_wait3A_860 = arith.constant 0 : i32
      %dma_wait3A_861 = tpu.memref_slice %arg7[%add3A_847] : memref<2525600xi32, #tpu.memory_space<hbm>> -> memref<2048xi32, #tpu.memory_space<hbm>>
      %dma_wait3A_862 = tpu.memref_slice %arg38[%dma_wait3A_860] : memref<3x!tpu.dma_semaphore, #tpu.memory_space<semaphore_mem>> -> memref<1x!tpu.dma_semaphore, #tpu.memory_space<semaphore_mem>>
      %dma_wait3A_863 = tpu.memref_squeeze %dma_wait3A_862 : memref<1x!tpu.dma_semaphore, #tpu.memory_space<semaphore_mem>> -> memref<!tpu.dma_semaphore, #tpu.memory_space<semaphore_mem>>
      %dma_wait3A_864 = tpu.memref_slice %arg7[%add3A_847] : memref<2525600xi32, #tpu.memory_space<hbm>> -> memref<2048xi32, #tpu.memory_space<hbm>>
      tpu.wait_dma2 semaphore(%dma_wait3A_863 : memref<!tpu.dma_semaphore, #tpu.memory_space<semaphore_mem>>) src(%dma_wait3A_864 : memref<2048xi32, #tpu.memory_space<hbm>>) dst(%arg29 : memref<2048xi32, #tpu.memory_space<vmem>>)
      %dma_wait3A_865 = arith.constant 0 : i32
      %dma_wait3A_866 = tpu.memref_slice %arg7[%add3A_849] : memref<2525600xi32, #tpu.memory_space<hbm>> -> memref<2048xi32, #tpu.memory_space<hbm>>
      %dma_wait3A_867 = tpu.memref_slice %arg38[%dma_wait3A_865] : memref<3x!tpu.dma_semaphore, #tpu.memory_space<semaphore_mem>> -> memref<1x!tpu.dma_semaphore, #tpu.memory_space<semaphore_mem>>
      %dma_wait3A_868 = tpu.memref_squeeze %dma_wait3A_867 : memref<1x!tpu.dma_semaphore, #tpu.memory_space<semaphore_mem>> -> memref<!tpu.dma_semaphore, #tpu.memory_space<semaphore_mem>>
      %dma_wait3A_869 = tpu.memref_slice %arg7[%add3A_849] : memref<2525600xi32, #tpu.memory_space<hbm>> -> memref<2048xi32, #tpu.memory_space<hbm>>
      tpu.wait_dma2 semaphore(%dma_wait3A_868 : memref<!tpu.dma_semaphore, #tpu.memory_space<semaphore_mem>>) src(%dma_wait3A_869 : memref<2048xi32, #tpu.memory_space<hbm>>) dst(%arg30 : memref<2048xi32, #tpu.memory_space<vmem>>)
      %mul3A_870 = arith.constant 4096 : i32
      %mul3A_871 = arith.muli %add3A_791, %mul3A_870 : i32
      %add3A_872 = arith.addi %mul3A_377, %mul3A_871 : i32
      %sub3A_873 = arith.constant 4096 : i32
      %sub3A_874 = arith.subi %mul3A_407, %sub3A_873 : i32
      %min3A_875 = arith.minsi %add3A_872, %sub3A_874 : i32
      %sub3A_876 = arith.subi %add3A_872, %min3A_875 : i32
      %parallel_loop3A_877 = arith.constant 0 : i32
      %parallel_loop3A_878 = arith.constant 4096 : i32
      %parallel_loop3A_879 = arith.constant 16 : i32
      scf.for %parallel_loop3A_998 = %parallel_loop3A_877 to %parallel_loop3A_878 step %parallel_loop3A_879  : i32 {
        %parallel_loop3A_999 = arith.index_cast %parallel_loop3A_998 : i32 to index
        %parallel_loop3A_1000 = tpu.vector_load %arg23[%parallel_loop3A_999] {strides = array<i32>} : memref<4096xi32, #tpu.memory_space<vmem>>, vector<16xi32>,
        %parallel_loop3A_1001 = tpu.vector_load_idx %arg13[%parallel_loop3A_1000] : memref<51200xf32, #tpu.memory_space<vmem>>[vector<16xi32>], vector<16xf32>,
        %parallel_loop3A_1002 = vector.broadcast %parallel_loop3A_998 : i32 to vector<16xi32>
        %parallel_loop3A_1003 = arith.addi %parallel_loop3A_1002, %iota3A_408 : vector<16xi32>
        %parallel_loop3A_1004 = vector.broadcast %sub3A_876 : i32 to vector<16xi32>
        %parallel_loop3A_1005 = arith.cmpi sge, %parallel_loop3A_1003, %parallel_loop3A_1004 : vector<16xi32>
        %parallel_loop3A_1006 = arith.index_cast %parallel_loop3A_998 : i32 to index
        %parallel_loop3A_1007 = tpu.vector_load %arg26[%parallel_loop3A_1006] {strides = array<i32>} : memref<4096xf32, #tpu.memory_space<vmem>>, vector<16xf32>,
        %parallel_loop3A_1008 = arith.constant 0.000000e+00 : f32
        %parallel_loop3A_1009 = vector.broadcast %parallel_loop3A_1008 : f32 to vector<16xf32>
        %parallel_loop3A_1010 = arith.select %parallel_loop3A_1005, %parallel_loop3A_1007, %parallel_loop3A_1009 : vector<16xi1>, vector<16xf32>
        %parallel_loop3A_1011 = arith.mulf %parallel_loop3A_1001, %parallel_loop3A_1010 : vector<16xf32>
        %parallel_loop3A_1012 = arith.index_cast %parallel_loop3A_998 : i32 to index
        %parallel_loop3A_1013 = tpu.vector_load %arg35[%parallel_loop3A_1012] {strides = array<i32>} : memref<4096xf32, #tpu.memory_space<vmem>>, vector<16xf32>,
        tpu.vector_store %arg35[%parallel_loop3A_1012], %parallel_loop3A_1011 {strides = array<i32>} : memref<4096xf32, #tpu.memory_space<vmem>>, vector<16xf32>,
      } {sc.loop_unroll_factor = 4 : i64, sc.parallel_access}
      %dma_start3A_880 = arith.constant 0 : i32
      %dma_start3A_881 = arith.constant 0 : i32
      %dma_start3A_882 = tpu.memref_slice %arg35[%dma_start3A_881] : memref<4096xf32, #tpu.memory_space<vmem>> -> memref<2048xf32, #tpu.memory_space<vmem>>
      %dma_start3A_883 = arith.constant 0 : i32
      %dma_start3A_884 = tpu.memref_slice %arg11[%dma_start3A_883] : memref<51200xf32, #tpu.memory_space<vmem_shared>> -> memref<51200xf32, #tpu.memory_space<vmem_shared>>
      %dma_start3A_885 = tpu.memref_slice %arg39[%dma_start3A_880] : memref<3x!tpu.dma_semaphore, #tpu.memory_space<semaphore_mem>> -> memref<1x!tpu.dma_semaphore, #tpu.memory_space<semaphore_mem>>
      %dma_start3A_886 = tpu.memref_squeeze %dma_start3A_885 : memref<1x!tpu.dma_semaphore, #tpu.memory_space<semaphore_mem>> -> memref<!tpu.dma_semaphore, #tpu.memory_space<semaphore_mem>>
      tpu.enqueue_indirect_dma source(%dma_start3A_882 : memref<2048xf32, #tpu.memory_space<vmem>>) target(%dma_start3A_884 : memref<51200xf32, #tpu.memory_space<vmem_shared>>) offsets(%arg29 : memref<2048xi32, #tpu.memory_space<vmem>>) semaphore(%dma_start3A_886 : memref<!tpu.dma_semaphore, #tpu.memory_space<semaphore_mem>>) {add = true}
      %dma_start3A_887 = arith.constant 0 : i32
      %dma_start3A_888 = arith.constant 2048 : i32
      %dma_start3A_889 = tpu.memref_slice %arg35[%dma_start3A_888] : memref<4096xf32, #tpu.memory_space<vmem>> -> memref<2048xf32, #tpu.memory_space<vmem>>
      %dma_start3A_890 = arith.constant 0 : i32
      %dma_start3A_891 = tpu.memref_slice %arg11[%dma_start3A_890] : memref<51200xf32, #tpu.memory_space<vmem_shared>> -> memref<51200xf32, #tpu.memory_space<vmem_shared>>
      %dma_start3A_892 = tpu.memref_slice %arg39[%dma_start3A_887] : memref<3x!tpu.dma_semaphore, #tpu.memory_space<semaphore_mem>> -> memref<1x!tpu.dma_semaphore, #tpu.memory_space<semaphore_mem>>
      %dma_start3A_893 = tpu.memref_squeeze %dma_start3A_892 : memref<1x!tpu.dma_semaphore, #tpu.memory_space<semaphore_mem>> -> memref<!tpu.dma_semaphore, #tpu.memory_space<semaphore_mem>>
      tpu.enqueue_indirect_dma source(%dma_start3A_889 : memref<2048xf32, #tpu.memory_space<vmem>>) target(%dma_start3A_891 : memref<51200xf32, #tpu.memory_space<vmem_shared>>) offsets(%arg30 : memref<2048xi32, #tpu.memory_space<vmem>>) semaphore(%dma_start3A_893 : memref<!tpu.dma_semaphore, #tpu.memory_space<semaphore_mem>>) {add = true}
      %add3A_894 = arith.constant 2 : i32
      %add3A_895 = arith.addi %add3A_685, %add3A_894 : i32
      %dma_wait3A_896 = arith.constant 2 : i32
      %dma_wait3A_897 = arith.constant 0 : i32
      %dma_wait3A_898 = tpu.memref_slice %arg37[%dma_wait3A_897] : memref<4096xf32, #tpu.memory_space<vmem>> -> memref<2048xf32, #tpu.memory_space<vmem>>
      %dma_wait3A_899 = arith.constant 0 : i32
      %dma_wait3A_900 = tpu.memref_slice %arg11[%dma_wait3A_899] : memref<51200xf32, #tpu.memory_space<vmem_shared>> -> memref<51200xf32, #tpu.memory_space<vmem_shared>>
      %dma_wait3A_901 = tpu.memref_slice %arg39[%dma_wait3A_896] : memref<3x!tpu.dma_semaphore, #tpu.memory_space<semaphore_mem>> -> memref<1x!tpu.dma_semaphore, #tpu.memory_space<semaphore_mem>>
      %dma_wait3A_902 = tpu.memref_squeeze %dma_wait3A_901 : memref<1x!tpu.dma_semaphore, #tpu.memory_space<semaphore_mem>> -> memref<!tpu.dma_semaphore, #tpu.memory_space<semaphore_mem>>
      tpu.wait_indirect_dma semaphore(%dma_wait3A_902 : memref<!tpu.dma_semaphore, #tpu.memory_space<semaphore_mem>>) src(%dma_wait3A_898 : memref<2048xf32, #tpu.memory_space<vmem>>) dst(%dma_wait3A_900 : memref<51200xf32, #tpu.memory_space<vmem_shared>>)
      %dma_wait3A_903 = arith.constant 2 : i32
      %dma_wait3A_904 = arith.constant 2048 : i32
      %dma_wait3A_905 = tpu.memref_slice %arg37[%dma_wait3A_904] : memref<4096xf32, #tpu.memory_space<vmem>> -> memref<2048xf32, #tpu.memory_space<vmem>>
      %dma_wait3A_906 = arith.constant 0 : i32
      %dma_wait3A_907 = tpu.memref_slice %arg11[%dma_wait3A_906] : memref<51200xf32, #tpu.memory_space<vmem_shared>> -> memref<51200xf32, #tpu.memory_space<vmem_shared>>
      %dma_wait3A_908 = tpu.memref_slice %arg39[%dma_wait3A_903] : memref<3x!tpu.dma_semaphore, #tpu.memory_space<semaphore_mem>> -> memref<1x!tpu.dma_semaphore, #tpu.memory_space<semaphore_mem>>
      %dma_wait3A_909 = tpu.memref_squeeze %dma_wait3A_908 : memref<1x!tpu.dma_semaphore, #tpu.memory_space<semaphore_mem>> -> memref<!tpu.dma_semaphore, #tpu.memory_space<semaphore_mem>>
      tpu.wait_indirect_dma semaphore(%dma_wait3A_909 : memref<!tpu.dma_semaphore, #tpu.memory_space<semaphore_mem>>) src(%dma_wait3A_905 : memref<2048xf32, #tpu.memory_space<vmem>>) dst(%dma_wait3A_907 : memref<51200xf32, #tpu.memory_space<vmem_shared>>)
      %add3A_910 = arith.constant 1 : i32
      %add3A_911 = arith.addi %add3A_895, %add3A_910 : i32
      %mul3A_912 = arith.constant 4096 : i32
      %mul3A_913 = arith.muli %add3A_911, %mul3A_912 : i32
      %add3A_914 = arith.addi %mul3A_377, %mul3A_913 : i32
      %sub3A_915 = arith.constant 4096 : i32
      %sub3A_916 = arith.subi %mul3A_407, %sub3A_915 : i32
      %min3A_917 = arith.minsi %add3A_914, %sub3A_916 : i32
      %sub3A_918 = arith.subi %add3A_914, %min3A_917 : i32
      %add3A_919 = arith.constant 0 : i32
      %add3A_920 = arith.addi %min3A_917, %add3A_919 : i32
      %add3A_921 = arith.constant 2048 : i32
      %add3A_922 = arith.addi %min3A_917, %add3A_921 : i32
      %dma_start3A_923 = arith.constant 2 : i32
      %dma_start3A_924 = tpu.memref_slice %arg6[%min3A_917] : memref<2525600xi32, #tpu.memory_space<hbm>> -> memref<4096xi32, #tpu.memory_space<hbm>>
      %dma_start3A_925 = tpu.memref_slice %arg38[%dma_start3A_923] : memref<3x!tpu.dma_semaphore, #tpu.memory_space<semaphore_mem>> -> memref<1x!tpu.dma_semaphore, #tpu.memory_space<semaphore_mem>>
      %dma_start3A_926 = tpu.memref_squeeze %dma_start3A_925 : memref<1x!tpu.dma_semaphore, #tpu.memory_space<semaphore_mem>> -> memref<!tpu.dma_semaphore, #tpu.memory_space<semaphore_mem>>
      %dma_start3A_927 = tpu.memref_slice %arg6[%min3A_917] : memref<2525600xi32, #tpu.memory_space<hbm>> -> memref<4096xi32, #tpu.memory_space<hbm>>
      tpu.enqueue_dma source(%dma_start3A_927 : memref<4096xi32, #tpu.memory_space<hbm>>) target(%arg25 : memref<4096xi32, #tpu.memory_space<vmem>>) target_semaphore(%dma_start3A_926 : memref<!tpu.dma_semaphore, #tpu.memory_space<semaphore_mem>>)
      %dma_start3A_928 = arith.constant 2 : i32
      %dma_start3A_929 = tpu.memref_slice %arg8[%min3A_917] : memref<2525600xf32, #tpu.memory_space<hbm>> -> memref<4096xf32, #tpu.memory_space<hbm>>
      %dma_start3A_930 = tpu.memref_slice %arg38[%dma_start3A_928] : memref<3x!tpu.dma_semaphore, #tpu.memory_space<semaphore_mem>> -> memref<1x!tpu.dma_semaphore, #tpu.memory_space<semaphore_mem>>
      %dma_start3A_931 = tpu.memref_squeeze %dma_start3A_930 : memref<1x!tpu.dma_semaphore, #tpu.memory_space<semaphore_mem>> -> memref<!tpu.dma_semaphore, #tpu.memory_space<semaphore_mem>>
      %dma_start3A_932 = tpu.memref_slice %arg8[%min3A_917] : memref<2525600xf32, #tpu.memory_space<hbm>> -> memref<4096xf32, #tpu.memory_space<hbm>>
      tpu.enqueue_dma source(%dma_start3A_932 : memref<4096xf32, #tpu.memory_space<hbm>>) target(%arg28 : memref<4096xf32, #tpu.memory_space<vmem>>) target_semaphore(%dma_start3A_931 : memref<!tpu.dma_semaphore, #tpu.memory_space<semaphore_mem>>)
      %dma_start3A_933 = arith.constant 2 : i32
      %dma_start3A_934 = tpu.memref_slice %arg7[%add3A_920] : memref<2525600xi32, #tpu.memory_space<hbm>> -> memref<2048xi32, #tpu.memory_space<hbm>>
      %dma_start3A_935 = tpu.memref_slice %arg38[%dma_start3A_933] : memref<3x!tpu.dma_semaphore, #tpu.memory_space<semaphore_mem>> -> memref<1x!tpu.dma_semaphore, #tpu.memory_space<semaphore_mem>>
      %dma_start3A_936 = tpu.memref_squeeze %dma_start3A_935 : memref<1x!tpu.dma_semaphore, #tpu.memory_space<semaphore_mem>> -> memref<!tpu.dma_semaphore, #tpu.memory_space<semaphore_mem>>
      %dma_start3A_937 = tpu.memref_slice %arg7[%add3A_920] : memref<2525600xi32, #tpu.memory_space<hbm>> -> memref<2048xi32, #tpu.memory_space<hbm>>
      tpu.enqueue_dma source(%dma_start3A_937 : memref<2048xi32, #tpu.memory_space<hbm>>) target(%arg33 : memref<2048xi32, #tpu.memory_space<vmem>>) target_semaphore(%dma_start3A_936 : memref<!tpu.dma_semaphore, #tpu.memory_space<semaphore_mem>>)
      %dma_start3A_938 = arith.constant 2 : i32
      %dma_start3A_939 = tpu.memref_slice %arg7[%add3A_922] : memref<2525600xi32, #tpu.memory_space<hbm>> -> memref<2048xi32, #tpu.memory_space<hbm>>
      %dma_start3A_940 = tpu.memref_slice %arg38[%dma_start3A_938] : memref<3x!tpu.dma_semaphore, #tpu.memory_space<semaphore_mem>> -> memref<1x!tpu.dma_semaphore, #tpu.memory_space<semaphore_mem>>
      %dma_start3A_941 = tpu.memref_squeeze %dma_start3A_940 : memref<1x!tpu.dma_semaphore, #tpu.memory_space<semaphore_mem>> -> memref<!tpu.dma_semaphore, #tpu.memory_space<semaphore_mem>>
      %dma_start3A_942 = tpu.memref_slice %arg7[%add3A_922] : memref<2525600xi32, #tpu.memory_space<hbm>> -> memref<2048xi32, #tpu.memory_space<hbm>>
      tpu.enqueue_dma source(%dma_start3A_942 : memref<2048xi32, #tpu.memory_space<hbm>>) target(%arg34 : memref<2048xi32, #tpu.memory_space<vmem>>) target_semaphore(%dma_start3A_941 : memref<!tpu.dma_semaphore, #tpu.memory_space<semaphore_mem>>)
      %mul3A_943 = arith.constant 4096 : i32
      %mul3A_944 = arith.muli %add3A_895, %mul3A_943 : i32
      %add3A_945 = arith.addi %mul3A_377, %mul3A_944 : i32
      %sub3A_946 = arith.constant 4096 : i32
      %sub3A_947 = arith.subi %mul3A_407, %sub3A_946 : i32
      %min3A_948 = arith.minsi %add3A_945, %sub3A_947 : i32
      %sub3A_949 = arith.subi %add3A_945, %min3A_948 : i32
      %add3A_950 = arith.constant 0 : i32
      %add3A_951 = arith.addi %min3A_948, %add3A_950 : i32
      %add3A_952 = arith.constant 2048 : i32
      %add3A_953 = arith.addi %min3A_948, %add3A_952 : i32
      %dma_wait3A_954 = arith.constant 1 : i32
      %dma_wait3A_955 = tpu.memref_slice %arg6[%min3A_948] : memref<2525600xi32, #tpu.memory_space<hbm>> -> memref<4096xi32, #tpu.memory_space<hbm>>
      %dma_wait3A_956 = tpu.memref_slice %arg38[%dma_wait3A_954] : memref<3x!tpu.dma_semaphore, #tpu.memory_space<semaphore_mem>> -> memref<1x!tpu.dma_semaphore, #tpu.memory_space<semaphore_mem>>
      %dma_wait3A_957 = tpu.memref_squeeze %dma_wait3A_956 : memref<1x!tpu.dma_semaphore, #tpu.memory_space<semaphore_mem>> -> memref<!tpu.dma_semaphore, #tpu.memory_space<semaphore_mem>>
      %dma_wait3A_958 = tpu.memref_slice %arg6[%min3A_948] : memref<2525600xi32, #tpu.memory_space<hbm>> -> memref<4096xi32, #tpu.memory_space<hbm>>
      tpu.wait_dma2 semaphore(%dma_wait3A_957 : memref<!tpu.dma_semaphore, #tpu.memory_space<semaphore_mem>>) src(%dma_wait3A_958 : memref<4096xi32, #tpu.memory_space<hbm>>) dst(%arg24 : memref<4096xi32, #tpu.memory_space<vmem>>)
      %dma_wait3A_959 = arith.constant 1 : i32
      %dma_wait3A_960 = tpu.memref_slice %arg8[%min3A_948] : memref<2525600xf32, #tpu.memory_space<hbm>> -> memref<4096xf32, #tpu.memory_space<hbm>>
      %dma_wait3A_961 = tpu.memref_slice %arg38[%dma_wait3A_959] : memref<3x!tpu.dma_semaphore, #tpu.memory_space<semaphore_mem>> -> memref<1x!tpu.dma_semaphore, #tpu.memory_space<semaphore_mem>>
      %dma_wait3A_962 = tpu.memref_squeeze %dma_wait3A_961 : memref<1x!tpu.dma_semaphore, #tpu.memory_space<semaphore_mem>> -> memref<!tpu.dma_semaphore, #tpu.memory_space<semaphore_mem>>
      %dma_wait3A_963 = tpu.memref_slice %arg8[%min3A_948] : memref<2525600xf32, #tpu.memory_space<hbm>> -> memref<4096xf32, #tpu.memory_space<hbm>>
      tpu.wait_dma2 semaphore(%dma_wait3A_962 : memref<!tpu.dma_semaphore, #tpu.memory_space<semaphore_mem>>) src(%dma_wait3A_963 : memref<4096xf32, #tpu.memory_space<hbm>>) dst(%arg27 : memref<4096xf32, #tpu.memory_space<vmem>>)
      %dma_wait3A_964 = arith.constant 1 : i32
      %dma_wait3A_965 = tpu.memref_slice %arg7[%add3A_951] : memref<2525600xi32, #tpu.memory_space<hbm>> -> memref<2048xi32, #tpu.memory_space<hbm>>
      %dma_wait3A_966 = tpu.memref_slice %arg38[%dma_wait3A_964] : memref<3x!tpu.dma_semaphore, #tpu.memory_space<semaphore_mem>> -> memref<1x!tpu.dma_semaphore, #tpu.memory_space<semaphore_mem>>
      %dma_wait3A_967 = tpu.memref_squeeze %dma_wait3A_966 : memref<1x!tpu.dma_semaphore, #tpu.memory_space<semaphore_mem>> -> memref<!tpu.dma_semaphore, #tpu.memory_space<semaphore_mem>>
      %dma_wait3A_968 = tpu.memref_slice %arg7[%add3A_951] : memref<2525600xi32, #tpu.memory_space<hbm>> -> memref<2048xi32, #tpu.memory_space<hbm>>
      tpu.wait_dma2 semaphore(%dma_wait3A_967 : memref<!tpu.dma_semaphore, #tpu.memory_space<semaphore_mem>>) src(%dma_wait3A_968 : memref<2048xi32, #tpu.memory_space<hbm>>) dst(%arg31 : memref<2048xi32, #tpu.memory_space<vmem>>)
      %dma_wait3A_969 = arith.constant 1 : i32
      %dma_wait3A_970 = tpu.memref_slice %arg7[%add3A_953] : memref<2525600xi32, #tpu.memory_space<hbm>> -> memref<2048xi32, #tpu.memory_space<hbm>>
      %dma_wait3A_971 = tpu.memref_slice %arg38[%dma_wait3A_969] : memref<3x!tpu.dma_semaphore, #tpu.memory_space<semaphore_mem>> -> memref<1x!tpu.dma_semaphore, #tpu.memory_space<semaphore_mem>>
      %dma_wait3A_972 = tpu.memref_squeeze %dma_wait3A_971 : memref<1x!tpu.dma_semaphore, #tpu.memory_space<semaphore_mem>> -> memref<!tpu.dma_semaphore, #tpu.memory_space<semaphore_mem>>
      %dma_wait3A_973 = tpu.memref_slice %arg7[%add3A_953] : memref<2525600xi32, #tpu.memory_space<hbm>> -> memref<2048xi32, #tpu.memory_space<hbm>>
      tpu.wait_dma2 semaphore(%dma_wait3A_972 : memref<!tpu.dma_semaphore, #tpu.memory_space<semaphore_mem>>) src(%dma_wait3A_973 : memref<2048xi32, #tpu.memory_space<hbm>>) dst(%arg32 : memref<2048xi32, #tpu.memory_space<vmem>>)
      %mul3A_974 = arith.constant 4096 : i32
      %mul3A_975 = arith.muli %add3A_895, %mul3A_974 : i32
      %add3A_976 = arith.addi %mul3A_377, %mul3A_975 : i32
      %sub3A_977 = arith.constant 4096 : i32
      %sub3A_978 = arith.subi %mul3A_407, %sub3A_977 : i32
      %min3A_979 = arith.minsi %add3A_976, %sub3A_978 : i32
      %sub3A_980 = arith.subi %add3A_976, %min3A_979 : i32
      %parallel_loop3A_981 = arith.constant 0 : i32
      %parallel_loop3A_982 = arith.constant 4096 : i32
      %parallel_loop3A_983 = arith.constant 16 : i32
      scf.for %parallel_loop3A_998 = %parallel_loop3A_981 to %parallel_loop3A_982 step %parallel_loop3A_983  : i32 {
        %parallel_loop3A_999 = arith.index_cast %parallel_loop3A_998 : i32 to index
        %parallel_loop3A_1000 = tpu.vector_load %arg24[%parallel_loop3A_999] {strides = array<i32>} : memref<4096xi32, #tpu.memory_space<vmem>>, vector<16xi32>,
        %parallel_loop3A_1001 = tpu.vector_load_idx %arg13[%parallel_loop3A_1000] : memref<51200xf32, #tpu.memory_space<vmem>>[vector<16xi32>], vector<16xf32>,
        %parallel_loop3A_1002 = vector.broadcast %parallel_loop3A_998 : i32 to vector<16xi32>
        %parallel_loop3A_1003 = arith.addi %parallel_loop3A_1002, %iota3A_408 : vector<16xi32>
        %parallel_loop3A_1004 = vector.broadcast %sub3A_980 : i32 to vector<16xi32>
        %parallel_loop3A_1005 = arith.cmpi sge, %parallel_loop3A_1003, %parallel_loop3A_1004 : vector<16xi32>
        %parallel_loop3A_1006 = arith.index_cast %parallel_loop3A_998 : i32 to index
        %parallel_loop3A_1007 = tpu.vector_load %arg27[%parallel_loop3A_1006] {strides = array<i32>} : memref<4096xf32, #tpu.memory_space<vmem>>, vector<16xf32>,
        %parallel_loop3A_1008 = arith.constant 0.000000e+00 : f32
        %parallel_loop3A_1009 = vector.broadcast %parallel_loop3A_1008 : f32 to vector<16xf32>
        %parallel_loop3A_1010 = arith.select %parallel_loop3A_1005, %parallel_loop3A_1007, %parallel_loop3A_1009 : vector<16xi1>, vector<16xf32>
        %parallel_loop3A_1011 = arith.mulf %parallel_loop3A_1001, %parallel_loop3A_1010 : vector<16xf32>
        %parallel_loop3A_1012 = arith.index_cast %parallel_loop3A_998 : i32 to index
        %parallel_loop3A_1013 = tpu.vector_load %arg36[%parallel_loop3A_1012] {strides = array<i32>} : memref<4096xf32, #tpu.memory_space<vmem>>, vector<16xf32>,
        tpu.vector_store %arg36[%parallel_loop3A_1012], %parallel_loop3A_1011 {strides = array<i32>} : memref<4096xf32, #tpu.memory_space<vmem>>, vector<16xf32>,
      } {sc.loop_unroll_factor = 4 : i64, sc.parallel_access}
      %dma_start3A_984 = arith.constant 1 : i32
      %dma_start3A_985 = arith.constant 0 : i32
      %dma_start3A_986 = tpu.memref_slice %arg36[%dma_start3A_985] : memref<4096xf32, #tpu.memory_space<vmem>> -> memref<2048xf32, #tpu.memory_space<vmem>>
      %dma_start3A_987 = arith.constant 0 : i32
      %dma_start3A_988 = tpu.memref_slice %arg11[%dma_start3A_987] : memref<51200xf32, #tpu.memory_space<vmem_shared>> -> memref<51200xf32, #tpu.memory_space<vmem_shared>>
      %dma_start3A_989 = tpu.memref_slice %arg39[%dma_start3A_984] : memref<3x!tpu.dma_semaphore, #tpu.memory_space<semaphore_mem>> -> memref<1x!tpu.dma_semaphore, #tpu.memory_space<semaphore_mem>>
      %dma_start3A_990 = tpu.memref_squeeze %dma_start3A_989 : memref<1x!tpu.dma_semaphore, #tpu.memory_space<semaphore_mem>> -> memref<!tpu.dma_semaphore, #tpu.memory_space<semaphore_mem>>
      tpu.enqueue_indirect_dma source(%dma_start3A_986 : memref<2048xf32, #tpu.memory_space<vmem>>) target(%dma_start3A_988 : memref<51200xf32, #tpu.memory_space<vmem_shared>>) offsets(%arg31 : memref<2048xi32, #tpu.memory_space<vmem>>) semaphore(%dma_start3A_990 : memref<!tpu.dma_semaphore, #tpu.memory_space<semaphore_mem>>) {add = true}
      %dma_start3A_991 = arith.constant 1 : i32
      %dma_start3A_992 = arith.constant 2048 : i32
      %dma_start3A_993 = tpu.memref_slice %arg36[%dma_start3A_992] : memref<4096xf32, #tpu.memory_space<vmem>> -> memref<2048xf32, #tpu.memory_space<vmem>>
      %dma_start3A_994 = arith.constant 0 : i32
      %dma_start3A_995 = tpu.memref_slice %arg11[%dma_start3A_994] : memref<51200xf32, #tpu.memory_space<vmem_shared>> -> memref<51200xf32, #tpu.memory_space<vmem_shared>>
      %dma_start3A_996 = tpu.memref_slice %arg39[%dma_start3A_991] : memref<3x!tpu.dma_semaphore, #tpu.memory_space<semaphore_mem>> -> memref<1x!tpu.dma_semaphore, #tpu.memory_space<semaphore_mem>>
      %dma_start3A_997 = tpu.memref_squeeze %dma_start3A_996 : memref<1x!tpu.dma_semaphore, #tpu.memory_space<semaphore_mem>> -> memref<!tpu.dma_semaphore, #tpu.memory_space<semaphore_mem>>
      tpu.enqueue_indirect_dma source(%dma_start3A_993 : memref<2048xf32, #tpu.memory_space<vmem>>) target(%dma_start3A_995 : memref<51200xf32, #tpu.memory_space<vmem_shared>>) offsets(%arg32 : memref<2048xi32, #tpu.memory_space<vmem>>) semaphore(%dma_start3A_997 : memref<!tpu.dma_semaphore, #tpu.memory_space<semaphore_mem>>) {add = true}
    }
    %scan3A_616 = arith.constant 6 : i32
    %dma_wait3A_617 = arith.constant 0 : i32
    %dma_wait3A_618 = arith.constant 0 : i32
    %dma_wait3A_619 = tpu.memref_slice %arg35[%dma_wait3A_618] : memref<4096xf32, #tpu.memory_space<vmem>> -> memref<2048xf32, #tpu.memory_space<vmem>>
    %dma_wait3A_620 = arith.constant 0 : i32
    %dma_wait3A_621 = tpu.memref_slice %arg11[%dma_wait3A_620] : memref<51200xf32, #tpu.memory_space<vmem_shared>> -> memref<51200xf32, #tpu.memory_space<vmem_shared>>
    %dma_wait3A_622 = tpu.memref_slice %arg39[%dma_wait3A_617] : memref<3x!tpu.dma_semaphore, #tpu.memory_space<semaphore_mem>> -> memref<1x!tpu.dma_semaphore, #tpu.memory_space<semaphore_mem>>
    %dma_wait3A_623 = tpu.memref_squeeze %dma_wait3A_622 : memref<1x!tpu.dma_semaphore, #tpu.memory_space<semaphore_mem>> -> memref<!tpu.dma_semaphore, #tpu.memory_space<semaphore_mem>>
    tpu.wait_indirect_dma semaphore(%dma_wait3A_623 : memref<!tpu.dma_semaphore, #tpu.memory_space<semaphore_mem>>) src(%dma_wait3A_619 : memref<2048xf32, #tpu.memory_space<vmem>>) dst(%dma_wait3A_621 : memref<51200xf32, #tpu.memory_space<vmem_shared>>)
    %dma_wait3A_624 = arith.constant 0 : i32
    %dma_wait3A_625 = arith.constant 2048 : i32
    %dma_wait3A_626 = tpu.memref_slice %arg35[%dma_wait3A_625] : memref<4096xf32, #tpu.memory_space<vmem>> -> memref<2048xf32, #tpu.memory_space<vmem>>
    %dma_wait3A_627 = arith.constant 0 : i32
    %dma_wait3A_628 = tpu.memref_slice %arg11[%dma_wait3A_627] : memref<51200xf32, #tpu.memory_space<vmem_shared>> -> memref<51200xf32, #tpu.memory_space<vmem_shared>>
    %dma_wait3A_629 = tpu.memref_slice %arg39[%dma_wait3A_624] : memref<3x!tpu.dma_semaphore, #tpu.memory_space<semaphore_mem>> -> memref<1x!tpu.dma_semaphore, #tpu.memory_space<semaphore_mem>>
    %dma_wait3A_630 = tpu.memref_squeeze %dma_wait3A_629 : memref<1x!tpu.dma_semaphore, #tpu.memory_space<semaphore_mem>> -> memref<!tpu.dma_semaphore, #tpu.memory_space<semaphore_mem>>
    tpu.wait_indirect_dma semaphore(%dma_wait3A_630 : memref<!tpu.dma_semaphore, #tpu.memory_space<semaphore_mem>>) src(%dma_wait3A_626 : memref<2048xf32, #tpu.memory_space<vmem>>) dst(%dma_wait3A_628 : memref<51200xf32, #tpu.memory_space<vmem_shared>>)
    %dma_wait3A_631 = arith.constant 1 : i32
    %dma_wait3A_632 = arith.constant 0 : i32
    %dma_wait3A_633 = tpu.memref_slice %arg36[%dma_wait3A_632] : memref<4096xf32, #tpu.memory_space<vmem>> -> memref<2048xf32, #tpu.memory_space<vmem>>
    %dma_wait3A_634 = arith.constant 0 : i32
    %dma_wait3A_635 = tpu.memref_slice %arg11[%dma_wait3A_634] : memref<51200xf32, #tpu.memory_space<vmem_shared>> -> memref<51200xf32, #tpu.memory_space<vmem_shared>>
    %dma_wait3A_636 = tpu.memref_slice %arg39[%dma_wait3A_631] : memref<3x!tpu.dma_semaphore, #tpu.memory_space<semaphore_mem>> -> memref<1x!tpu.dma_semaphore, #tpu.memory_space<semaphore_mem>>
    %dma_wait3A_637 = tpu.memref_squeeze %dma_wait3A_636 : memref<1x!tpu.dma_semaphore, #tpu.memory_space<semaphore_mem>> -> memref<!tpu.dma_semaphore, #tpu.memory_space<semaphore_mem>>
    tpu.wait_indirect_dma semaphore(%dma_wait3A_637 : memref<!tpu.dma_semaphore, #tpu.memory_space<semaphore_mem>>) src(%dma_wait3A_633 : memref<2048xf32, #tpu.memory_space<vmem>>) dst(%dma_wait3A_635 : memref<51200xf32, #tpu.memory_space<vmem_shared>>)
    %dma_wait3A_638 = arith.constant 1 : i32
    %dma_wait3A_639 = arith.constant 2048 : i32
    %dma_wait3A_640 = tpu.memref_slice %arg36[%dma_wait3A_639] : memref<4096xf32, #tpu.memory_space<vmem>> -> memref<2048xf32, #tpu.memory_space<vmem>>
    %dma_wait3A_641 = arith.constant 0 : i32
    %dma_wait3A_642 = tpu.memref_slice %arg11[%dma_wait3A_641] : memref<51200xf32, #tpu.memory_space<vmem_shared>> -> memref<51200xf32, #tpu.memory_space<vmem_shared>>
    %dma_wait3A_643 = tpu.memref_slice %arg39[%dma_wait3A_638] : memref<3x!tpu.dma_semaphore, #tpu.memory_space<semaphore_mem>> -> memref<1x!tpu.dma_semaphore, #tpu.memory_space<semaphore_mem>>
    %dma_wait3A_644 = tpu.memref_squeeze %dma_wait3A_643 : memref<1x!tpu.dma_semaphore, #tpu.memory_space<semaphore_mem>> -> memref<!tpu.dma_semaphore, #tpu.memory_space<semaphore_mem>>
    tpu.wait_indirect_dma semaphore(%dma_wait3A_644 : memref<!tpu.dma_semaphore, #tpu.memory_space<semaphore_mem>>) src(%dma_wait3A_640 : memref<2048xf32, #tpu.memory_space<vmem>>) dst(%dma_wait3A_642 : memref<51200xf32, #tpu.memory_space<vmem_shared>>)
    %add3A_645 = arith.constant 81920 : i32
    %add3A_646 = arith.addi %mul3A_377, %add3A_645 : i32
    %sub3A_647 = arith.constant 4096 : i32
    %sub3A_648 = arith.subi %mul3A_407, %sub3A_647 : i32
    %min3A_649 = arith.minsi %add3A_646, %sub3A_648 : i32
    %sub3A_650 = arith.subi %add3A_646, %min3A_649 : i32
    %add3A_651 = arith.constant 0 : i32
    %add3A_652 = arith.addi %min3A_649, %add3A_651 : i32
    %add3A_653 = arith.constant 2048 : i32
    %add3A_654 = arith.addi %min3A_649, %add3A_653 : i32
    %dma_wait3A_655 = arith.constant 2 : i32
    %dma_wait3A_656 = tpu.memref_slice %arg6[%min3A_649] : memref<2525600xi32, #tpu.memory_space<hbm>> -> memref<4096xi32, #tpu.memory_space<hbm>>
    %dma_wait3A_657 = tpu.memref_slice %arg38[%dma_wait3A_655] : memref<3x!tpu.dma_semaphore, #tpu.memory_space<semaphore_mem>> -> memref<1x!tpu.dma_semaphore, #tpu.memory_space<semaphore_mem>>
    %dma_wait3A_658 = tpu.memref_squeeze %dma_wait3A_657 : memref<1x!tpu.dma_semaphore, #tpu.memory_space<semaphore_mem>> -> memref<!tpu.dma_semaphore, #tpu.memory_space<semaphore_mem>>
    %dma_wait3A_659 = tpu.memref_slice %arg6[%min3A_649] : memref<2525600xi32, #tpu.memory_space<hbm>> -> memref<4096xi32, #tpu.memory_space<hbm>>
    tpu.wait_dma2 semaphore(%dma_wait3A_658 : memref<!tpu.dma_semaphore, #tpu.memory_space<semaphore_mem>>) src(%dma_wait3A_659 : memref<4096xi32, #tpu.memory_space<hbm>>) dst(%arg25 : memref<4096xi32, #tpu.memory_space<vmem>>)
    %dma_wait3A_660 = arith.constant 2 : i32
    %dma_wait3A_661 = tpu.memref_slice %arg8[%min3A_649] : memref<2525600xf32, #tpu.memory_space<hbm>> -> memref<4096xf32, #tpu.memory_space<hbm>>
    %dma_wait3A_662 = tpu.memref_slice %arg38[%dma_wait3A_660] : memref<3x!tpu.dma_semaphore, #tpu.memory_space<semaphore_mem>> -> memref<1x!tpu.dma_semaphore, #tpu.memory_space<semaphore_mem>>
    %dma_wait3A_663 = tpu.memref_squeeze %dma_wait3A_662 : memref<1x!tpu.dma_semaphore, #tpu.memory_space<semaphore_mem>> -> memref<!tpu.dma_semaphore, #tpu.memory_space<semaphore_mem>>
    %dma_wait3A_664 = tpu.memref_slice %arg8[%min3A_649] : memref<2525600xf32, #tpu.memory_space<hbm>> -> memref<4096xf32, #tpu.memory_space<hbm>>
    tpu.wait_dma2 semaphore(%dma_wait3A_663 : memref<!tpu.dma_semaphore, #tpu.memory_space<semaphore_mem>>) src(%dma_wait3A_664 : memref<4096xf32, #tpu.memory_space<hbm>>) dst(%arg28 : memref<4096xf32, #tpu.memory_space<vmem>>)
    %dma_wait3A_665 = arith.constant 2 : i32
    %dma_wait3A_666 = tpu.memref_slice %arg7[%add3A_652] : memref<2525600xi32, #tpu.memory_space<hbm>> -> memref<2048xi32, #tpu.memory_space<hbm>>
    %dma_wait3A_667 = tpu.memref_slice %arg38[%dma_wait3A_665] : memref<3x!tpu.dma_semaphore, #tpu.memory_space<semaphore_mem>> -> memref<1x!tpu.dma_semaphore, #tpu.memory_space<semaphore_mem>>
    %dma_wait3A_668 = tpu.memref_squeeze %dma_wait3A_667 : memref<1x!tpu.dma_semaphore, #tpu.memory_space<semaphore_mem>> -> memref<!tpu.dma_semaphore, #tpu.memory_space<semaphore_mem>>
    %dma_wait3A_669 = tpu.memref_slice %arg7[%add3A_652] : memref<2525600xi32, #tpu.memory_space<hbm>> -> memref<2048xi32, #tpu.memory_space<hbm>>
    tpu.wait_dma2 semaphore(%dma_wait3A_668 : memref<!tpu.dma_semaphore, #tpu.memory_space<semaphore_mem>>) src(%dma_wait3A_669 : memref<2048xi32, #tpu.memory_space<hbm>>) dst(%arg33 : memref<2048xi32, #tpu.memory_space<vmem>>)
    %dma_wait3A_670 = arith.constant 2 : i32
    %dma_wait3A_671 = tpu.memref_slice %arg7[%add3A_654] : memref<2525600xi32, #tpu.memory_space<hbm>> -> memref<2048xi32, #tpu.memory_space<hbm>>
    %dma_wait3A_672 = tpu.memref_slice %arg38[%dma_wait3A_670] : memref<3x!tpu.dma_semaphore, #tpu.memory_space<semaphore_mem>> -> memref<1x!tpu.dma_semaphore, #tpu.memory_space<semaphore_mem>>
    %dma_wait3A_673 = tpu.memref_squeeze %dma_wait3A_672 : memref<1x!tpu.dma_semaphore, #tpu.memory_space<semaphore_mem>> -> memref<!tpu.dma_semaphore, #tpu.memory_space<semaphore_mem>>
    %dma_wait3A_674 = tpu.memref_slice %arg7[%add3A_654] : memref<2525600xi32, #tpu.memory_space<hbm>> -> memref<2048xi32, #tpu.memory_space<hbm>>
    tpu.wait_dma2 semaphore(%dma_wait3A_673 : memref<!tpu.dma_semaphore, #tpu.memory_space<semaphore_mem>>) src(%dma_wait3A_674 : memref<2048xi32, #tpu.memory_space<hbm>>) dst(%arg34 : memref<2048xi32, #tpu.memory_space<vmem>>)
    %barrier3A_675 = arith.constant 0 : index
    tpu.barrier barrier_id(%barrier3A_675)
    %eq3A_676 = arith.constant 15 : i32
    %eq3A_677 = arith.cmpi eq, %arg1, %eq3A_676 : i32
    %convert_element_type3A_678 = arith.extui %eq3A_677 : i1 to i32
    %cond3A_679 = arith.constant 0 : i32
    %cond3A_680 = arith.cmpi ne, %convert_element_type3A_678, %cond3A_679 : i32
    scf.if %cond3A_680 {
      "tpu.region"() ({
        %run_scoped3A = tpu.sem_alloc : memref<!tpu.dma_semaphore, #tpu.memory_space<semaphore_mem>>
        %dma_start3A_683 = arith.constant 48000 : i32
        %dma_start3A_684 = tpu.memref_slice %arg11[%dma_start3A_683] : memref<51200xf32, #tpu.memory_space<vmem_shared>> -> memref<3200xf32, #tpu.memory_space<vmem_shared>>
        %dma_start3A_685 = arith.constant 48000 : i32
        %dma_start3A_686 = tpu.memref_slice %arg11[%dma_start3A_685] : memref<51200xf32, #tpu.memory_space<vmem_shared>> -> memref<3200xf32, #tpu.memory_space<vmem_shared>>
        tpu.enqueue_dma source(%dma_start3A_686 : memref<3200xf32, #tpu.memory_space<vmem_shared>>) target(%arg14 : memref<3200xf32, #tpu.memory_space<vmem>>) target_semaphore(%run_scoped3A : memref<!tpu.dma_semaphore, #tpu.memory_space<semaphore_mem>>)
        %dma_wait3A_687 = arith.constant 48000 : i32
        %dma_wait3A_688 = tpu.memref_slice %arg11[%dma_wait3A_687] : memref<51200xf32, #tpu.memory_space<vmem_shared>> -> memref<3200xf32, #tpu.memory_space<vmem_shared>>
        %dma_wait3A_689 = arith.constant 48000 : i32
        %dma_wait3A_690 = tpu.memref_slice %arg11[%dma_wait3A_689] : memref<51200xf32, #tpu.memory_space<vmem_shared>> -> memref<3200xf32, #tpu.memory_space<vmem_shared>>
        tpu.wait_dma2 semaphore(%run_scoped3A : memref<!tpu.dma_semaphore, #tpu.memory_space<semaphore_mem>>) src(%dma_wait3A_690 : memref<3200xf32, #tpu.memory_space<vmem_shared>>) dst(%arg14 : memref<3200xf32, #tpu.memory_space<vmem>>)
        tpu.yield
      }) : () -> ()
      %mul3A_681 = arith.constant 512 : i32
      %mul3A_682 = arith.muli %arg0, %mul3A_681 : i32
      "tpu.region"() ({
        %run_scoped3A = tpu.sem_alloc : memref<!tpu.dma_semaphore, #tpu.memory_space<semaphore_mem>>
        %dma_start3A_683 = arith.constant 2512 : i32
        %dma_start3A_684 = tpu.memref_slice %arg14[%dma_start3A_683] : memref<3200xf32, #tpu.memory_space<vmem>> -> memref<512xf32, #tpu.memory_space<vmem>>
        %dma_start3A_685 = tpu.memref_slice %arg9[%mul3A_682] : memref<1024xf32, #tpu.memory_space<hbm>> -> memref<512xf32, #tpu.memory_space<hbm>>
        %dma_start3A_686 = tpu.memref_slice %arg9[%mul3A_682] : memref<1024xf32, #tpu.memory_space<hbm>> -> memref<512xf32, #tpu.memory_space<hbm>>
        %dma_start3A_687 = arith.constant 2512 : i32
        %dma_start3A_688 = tpu.memref_slice %arg14[%dma_start3A_687] : memref<3200xf32, #tpu.memory_space<vmem>> -> memref<512xf32, #tpu.memory_space<vmem>>
        tpu.enqueue_dma source(%dma_start3A_688 : memref<512xf32, #tpu.memory_space<vmem>>) target(%dma_start3A_686 : memref<512xf32, #tpu.memory_space<hbm>>) target_semaphore(%run_scoped3A : memref<!tpu.dma_semaphore, #tpu.memory_space<semaphore_mem>>)
        %dma_wait3A_689 = arith.constant 2512 : i32
        %dma_wait3A_690 = tpu.memref_slice %arg14[%dma_wait3A_689] : memref<3200xf32, #tpu.memory_space<vmem>> -> memref<512xf32, #tpu.memory_space<vmem>>
        %dma_wait3A_691 = tpu.memref_slice %arg9[%mul3A_682] : memref<1024xf32, #tpu.memory_space<hbm>> -> memref<512xf32, #tpu.memory_space<hbm>>
        %dma_wait3A_692 = tpu.memref_slice %arg9[%mul3A_682] : memref<1024xf32, #tpu.memory_space<hbm>> -> memref<512xf32, #tpu.memory_space<hbm>>
        %dma_wait3A_693 = arith.constant 2512 : i32
        %dma_wait3A_694 = tpu.memref_slice %arg14[%dma_wait3A_693] : memref<3200xf32, #tpu.memory_space<vmem>> -> memref<512xf32, #tpu.memory_space<vmem>>
        tpu.wait_dma2 semaphore(%run_scoped3A : memref<!tpu.dma_semaphore, #tpu.memory_space<semaphore_mem>>) src(%dma_wait3A_694 : memref<512xf32, #tpu.memory_space<vmem>>) dst(%dma_wait3A_692 : memref<512xf32, #tpu.memory_space<hbm>>)
        tpu.yield
      }) : () -> ()
    } else {
    }
    return
  }
}

module attributes {stable_mosaic.version = 14 : i64} {
  func.func @_out_body(%arg0: memref<2x512xf32, #tpu.memory_space<vmem>>, %arg1: memref<512xf32, #tpu.memory_space<vmem>>) attributes {dimension_semantics = [], scalar_prefetch = 0 : i64, scratch_operands = 0 : i64, tpu.core_type = #tpu.core_type<tc>} {
    %get3A = arith.constant 0 : index
    %get3A_0 = arith.constant 0 : index
    %get3A_1 = vector.load %arg0[%get3A, %get3A_0] : memref<2x512xf32, #tpu.memory_space<vmem>>, vector<1x512xf32>
    %get3A_2 = vector.shape_cast %get3A_1 : vector<1x512xf32> to vector<512xf32>
    %get3A_3 = arith.constant 1 : index
    %get3A_4 = arith.constant 0 : index
    %get3A_5 = vector.load %arg0[%get3A_3, %get3A_4] : memref<2x512xf32, #tpu.memory_space<vmem>>, vector<1x512xf32>
    %get3A_6 = vector.shape_cast %get3A_5 : vector<1x512xf32> to vector<512xf32>
    %add3A = arith.addf %get3A_2, %get3A_6 : vector<512xf32>
    %tanh3A = math.tanh %add3A : vector<512xf32>
    %swap3A = arith.constant 0 : index
    %swap3A_7 = vector.load %arg1[%swap3A] : memref<512xf32, #tpu.memory_space<vmem>>, vector<512xf32>
    tpu.vector_store %arg1[%swap3A], %tanh3A {strides = array<i32>} : memref<512xf32, #tpu.memory_space<vmem>>, vector<512xf32>,
    return
  }
}

</mosaic_0001>

<sc_bundles>
// kernel: kernel.4.cloned.1.call-start
scs
__scs_entry_jumppad:
0x0: {  	(pc) =	sbr.rel $0x88, $3  }
0x1: {  	(tag) =	ssettag $0x0;
	lr =	simm.s32 $0x1  }
0x2: {  	[smem:$0x3F9A] =	sst lr;
	_ =	strace $0xD0000000  }
0x3: {  	_ = 	snop  }
0x4: {  	_ = 	snop  }
0x5: {  	_ = 	snop  }
0x6: {  	_ = 	snop  }
0x7: {  	_ = 	snop  }
__scs_overlays_trampoline_lowered:
0x8: {  	[smem:$0x3FA9] =	sst s0  }
0x9: {  	[smem:$0x3FAA] =	sst s1  }
0xa: {  	[smem:$0x3FAB] =	sst s2  }
0xb: {  	[smem:$0x3FAC] =	sst s3  }
0xc: {  	[smem:$0x3FAD] =	sst s4  }
0xd: {  	[smem:$0x3FAE] =	sst s5  }
0xe: {  	[smem:$0x3FAF] =	sst s6  }
0xf: {  	[smem:$0x3FB0] =	sst s7  }
0x10: {  	[smem:$0x3FB1] =	sst s8  }
0x11: {  	[smem:$0x3FB2] =	sst s9;
	s0 =	simm.s32 @!p0 $0x0  }
0x12: {  	s1 =	sld [smem:$0x3F98];
	s0 =	simm.s32 @p0 $0x1  }
0x13: {  	[smem:$0x3FB3] =	sst s0;
	s0 =	simm.s32 @!p1 $0x0  }
0x14: {  	s2 =	sld [smem:$0x3F97];
	s0 =	simm.s32 @p1 $0x1  }
0x15: {  	[smem:$0x3FB4] =	sst s0;
	s0 =	simm.s32 @!p2 $0x0  }
0x16: {  	s3 =	sld [smem:$0x3FDB];
	s0 =	simm.s32 @p2 $0x1  }
0x17: {  	s4 =	simm.s32 $0x1BF5;
	[smem:$0x3FB6] =	sst s0  }
0x18: {  	s0 =	sld [smem:$0x3F99];
	_ =	swait.ge [sflag:s4], $0x0  }
0x19: {  	s7 =	sld [smem:$0x3F9A]  }
0x1a: {  	s8 =	sadd.s32 $0xFFFFE003, lr  }
0x1b: {  	s9 =	sadd.s32 $0xFFFFFEF7, lr;
	s5 =	simm.s32 $0xFFFFFFFF;
	p2 =	slt.u32 s8, $0xFFFFF086  }
0x1c: {  	p1 =	slt.u32 s9, $0xF7A;
	s5 =	simm.s32 @!p2 $0x0  }
0x1d: {  	s5 =	simm.s32 @p1 $0x1;
	p0 =	seq.s32 s7, s2  }
0x1e: {  	s7 =	smul.u32 @!p0 $0xF7A, s2;
	p2 =	seq.s32 @!p0 s5, $0x0  }
0x1f: {  	s9 =	smul.u32 $0xF7A, s1;
	s8 =	simm.s32 @!p0 $0x1BF5;
	p2 =	por !p2, p0  }
0x20: {  	[sflag:s8] =	ssyncset.s32 @!p0 $0xFFFFF086;
	s6 =	sadd.s32 @!p0 s3, s7;
	s7 =	simm.s32 @!p0 $0x108  }
0x21: {  	s3 =	sadd.s32 s3, s9;
	s6 =	sadd.s32 @!p0 $0x88, s6;
	s7 =	simm.s32 @p2 $0x1082  }
0x22: {  	[simem:s7], [sflag:s8] =	dma.local @!p0 [hbm:s6], $0xF7A  }
0x23: {  	s9 =	sor.u32 $0xD0000000, s2;
	s6 =	simm.s32 $0x108;
	_ =	swait.ge @!p0 [sflag:s8], $0x0  }
0x24: {  	s3 =	sadd.s32 $0x88, s3;
	s6 =	simm.s32 @!p1 $0x1082;
	[sflag:s4] =	ssyncset.s32 $0xFFFFF086  }
0x25: {  	[simem:s6], [sflag:s4] =	dma.local [hbm:s3], $0xF7A  }
0x26: {  	[smem:$0x3F9A] =	sst s1;
	(tag) =	ssettag s2;
	_ =	strace s9  }
0x27: {  	s1 =	sld [smem:$0x3FAA]  }
0x28: {  	s2 =	sld [smem:$0x3FAB]  }
0x29: {  	s4 =	sld [smem:$0x3FAD]  }
0x2a: {  	p0 =	seq.s32 s5, $0x0;
	s5 =	sld [smem:$0x3FAE]  }
0x2b: {  	s6 =	sld [smem:$0x3FAF]  }
0x2c: {  	s7 =	sld [smem:$0x3FB0]  }
0x2d: {  	s3 =	simm.s32 $0x108;
	s8 =	sld [smem:$0x3FB1]  }
0x2e: {  	s3 =	simm.s32 @!p0 $0x1082;
	s9 =	sld [smem:$0x3FB2]  }
0x2f: {  	lr =	sadd.s32 s0, s3;
	s0 =	sld [smem:$0x3FA9]  }
0x30: {  	s3 =	sld [smem:$0x3FAC]  }
0x31: {  	[smem:$0x3FB5] =	sst s10  }
0x32: {  	s10 =	sld [smem:$0x3FB3];
	_ =	sdelay $0x3  }
0x33: {  	p0 =	seq.s32 s10, $0x1;
	s10 =	sld [smem:$0x3FB5];
	_ =	sdelay $0x3  }
0x34: {  	[smem:$0x3FB5] =	sst s10  }
0x35: {  	s10 =	sld [smem:$0x3FB4];
	_ =	sdelay $0x3  }
0x36: {  	p1 =	seq.s32 s10, $0x1;
	s10 =	sld [smem:$0x3FB5];
	_ =	sdelay $0x3  }
0x37: {  	[smem:$0x3FB5] =	sst s10  }
0x38: {  	s10 =	sld [smem:$0x3FB6]  }
0x39: {  	_ = 	snop;
	(pc) =	sbr.ind lr, $3  }
0x3a: {  	_ = 	snop  }
0x3b: {  	_ = 	snop  }
0x3c: {  	p2 =	seq.s32 s10, $0x1;
	s10 =	sld [smem:$0x3FB5]  }
0x3d: {  	_ =	shalt  }
0x3e: {  	_ =	shalt  }
0x3f: {  	_ =	shalt  }
0x40: {  	_ =	shalt  }
0x41: {  	_ =	shalt  }
0x42: {  	_ =	shalt  }
0x43: {  	_ =	shalt  }
0x44: {  	_ =	shalt  }
0x45: {  	_ =	shalt  }
0x46: {  	_ =	shalt  }
0x47: {  	_ =	shalt  }
0x48: {  	_ =	shalt  }
0x49: {  	_ =	shalt  }
0x4a: {  	_ =	shalt  }
0x4b: {  	_ =	shalt  }
0x4c: {  	_ =	shalt  }
0x4d: {  	_ =	shalt  }
0x4e: {  	_ =	shalt  }
0x4f: {  	_ =	shalt  }
0x50: {  	_ =	shalt  }
0x51: {  	_ =	shalt  }
0x52: {  	_ =	shalt  }
0x53: {  	_ =	shalt  }
0x54: {  	_ =	shalt  }
0x55: {  	_ =	shalt  }
0x56: {  	_ =	shalt  }
0x57: {  	_ =	shalt  }
0x58: {  	_ =	shalt  }
0x59: {  	_ =	shalt  }
0x5a: {  	_ =	shalt  }
0x5b: {  	_ =	shalt  }
0x5c: {  	_ =	shalt  }
0x5d: {  	_ =	shalt  }
0x5e: {  	_ =	shalt  }
0x5f: {  	_ =	shalt  }
0x60: {  	_ =	shalt  }
0x61: {  	_ =	shalt  }
0x62: {  	_ =	shalt  }
0x63: {  	_ =	shalt  }
0x64: {  	_ =	shalt  }
0x65: {  	_ =	shalt  }
0x66: {  	_ =	shalt  }
0x67: {  	_ =	shalt  }
0x68: {  	_ =	shalt  }
0x69: {  	_ =	shalt  }
0x6a: {  	_ =	shalt  }
0x6b: {  	_ =	shalt  }
0x6c: {  	_ =	shalt  }
0x6d: {  	_ =	shalt  }
0x6e: {  	_ =	shalt  }
0x6f: {  	_ =	shalt  }
0x70: {  	_ =	shalt  }
0x71: {  	_ =	shalt  }
0x72: {  	_ =	shalt  }
0x73: {  	_ =	shalt  }
0x74: {  	_ =	shalt  }
0x75: {  	_ =	shalt  }
0x76: {  	_ =	shalt  }
0x77: {  	_ =	shalt  }
0x78: {  	_ =	shalt  }
0x79: {  	_ =	shalt  }
0x7a: {  	_ =	shalt  }
0x7b: {  	_ =	shalt  }
0x7c: {  	_ =	shalt  }
0x7d: {  	_ =	shalt  }
0x7e: {  	_ =	shalt  }
0x7f: {  	_ =	shalt  }
0x80: {  	_ =	shalt  }
0x81: {  	_ =	shalt  }
0x82: {  	_ =	shalt  }
0x83: {  	_ =	shalt  }
0x84: {  	_ =	shalt  }
0x85: {  	_ =	shalt  }
0x86: {  	_ =	shalt  }
0x87: {  	_ =	shalt  }
.Lfunc_end0:
.L_simem_size_0:
called_computation_lowered:
.L_overlay_start_0:
0x88: {  	s2 =	sld [smem:$0x3FD9]  }
0x89: {  	s3 =	sld [smem:$0x3FFE];
	_ =	sdelay $0x1  }
0x8a: {  	s1 =	srdreg.scid  }
0x8b: {  	s0 =	sand.u32 $0x1, s1  }
0x8c: {  	s17 =	sshll.u32 s0, $0xA;
	s2 =	sadd.s32 s3, s2  }
0x8d: {  	s2 =	sadd.s32 s2, s17  }
0x8e: {  	[smem:$0x3FC1] =	sst s2  }
0x8f: {  	_ = 	snop  }
0x90: {  	s2 =	sld [smem:$0x3FC9]  }
0x91: {  	s18 =	sld [smem:$0x3FC8]  }
0x92: {  	s4 =	sld [smem:$0x3FC7]  }
0x93: {  	s5 =	sld [smem:$0x3FC6]  }
0x94: {  	s6 =	sld [smem:$0x3FC5]  }
0x95: {  	s7 =	sld [smem:$0x3FC4]  }
0x96: {  	s8 =	sld [smem:$0x3FC3];
	(tm) =	ssettm $0x1  }
0x97: {  	s9 =	sld [smem:$0x3FFB];
	_ =	sdelay $0x3  }
0x98: {  	_ =	strace s9  }
0x99: {  	s9 =	sld [smem:$0x3FFC];
	_ =	sdelay $0x3  }
0x9a: {  	_ =	strace s9  }
0x9b: {  	s9 =	sld [smem:$0x3FFD];
	_ =	sdelay $0x3  }
0x9c: {  	_ =	strace s9  }
0x9d: {  	_ =	strace $0x8FFFFFFF  }
0x9e: {  	s19 =	sld [smem:$0x3FDB];
	_ =	sdelay $0x1  }
0x9f: {  	s10 =	simm.s32 $_scs_section_size  }
0xa0: {  	s11 =	simm.s32 $_size__tile_overlayer_lowered;
	s12 =	simm.s32 $_tile_overlayer_lowered  }
0xa1: {  	s22 =	simm.s32 $0x1BFF;
	s21 =	sshll.u32 s12, $0x1;
	s9 =	sadd.s32 s10, s19  }
0xa2: {  	s13 =	simm.s32 $0x0;
	s20 =	sshll.u32 s11, $0x1;
	s11 =	sadd.s32 s21, s9  }
0xa3: {  	[timem:s13], [sflag:s22] =	dma.local [hbm:s11], s20  }
0xa4: {  	_ =	swait.ge [sflag:s22], s20  }
0xa5: {  	s10 =	ssub.s32 $0x0, s20;
	[sflag:s22] =	ssyncset.done $0x0  }
0xa6: {  	[sflag:s22] =	ssyncadd.s32 s10;
	_ =	sdelay $0x1  }
0xa7: {  	s23 =	simm.s32 $0x1B8B  }
0xa8: {  	_ =	swait.ge [sflag:s23], $0x1  }
0xa9: {  	[sflag:s23] =	ssyncset.done $0x0  }
0xaa: {  	s25 =	simm.s32 $0x1B8E;
	s24 =	sld [smem:$0x3FFE];
	[sflag:s23] =	ssyncadd.s32 $0xFFFFFFFF  }
0xab: {  	s26 =	simm.s32 $execute0_lowered;
	[smem:$0x3FD2] =	sst s25  }
0xac: {  	s11 =	sshll.u32 s26, $0x1;
	_ =	strace $0x80000046;
	[dreg:$0x1] =	wrdreg $0xFFFFFFFF  }
0xad: {  	s28 =	simm.s32 $_size_execute0_lowered;
	s9 =	sadd.s32 s9, s11;
	[dreg:$0x0] =	wrdreg $0x0  }
0xae: {  	s11 =	sshll.u32 s28, $0x1;
	[dreg:$0x2] =	wrdreg s9  }
0xaf: {  	[dreg:$0x3] =	wrdreg s11  }
0xb0: {  	[dreg:$0x4] =	wrdreg $0xC0  }
0xb1: {  	_ =	task [dreg:s13], $0x5FFFF  }
0xb2: {  	[dreg:$0x1] =	wrdreg $0xFFFFFFFF  }
0xb3: {  	[dreg:$0x0] =	wrdreg $0x60  }
0xb4: {  	[dreg:$0x2] =	wrdreg s2  }
0xb5: {  	[dreg:$0x3] =	wrdreg s5  }
0xb6: {  	[dreg:$0x4] =	wrdreg s6  }
0xb7: {  	[dreg:$0x5] =	wrdreg s18  }
0xb8: {  	[dreg:$0x6] =	wrdreg s7  }
0xb9: {  	[dreg:$0x7] =	wrdreg s8  }
0xba: {  	[dreg:$0x8] =	wrdreg s4  }
0xbb: {  	[dreg:$0x9] =	wrdreg s24  }
0xbc: {  	[dreg:$0xa] =	wrdreg $0x0  }
0xbd: {  	[dreg:$0xb] =	wrdreg $0xC800  }
0xbe: {  	[dreg:$0xc] =	wrdreg $0x9  }
0xbf: {  	_ =	task.clear_ibuf [dreg:s13], $0xDFFFF;
	_ =	strace $0x90000046  }
0xc0: {  	s29 =	simm.s32 $0x9;
	_ =	strace $0x80000048  }
0xc1: {  	_ =	swait.ge [sflag:s29], $0x1  }
0xc2: {  	[sflag:s29] =	ssyncadd.s32 $0xFFFFFFFF  }
0xc3: {  	_ =	strace $0x90000048  }
0xc4: {  	_ =	sfence  }
0xc5: {  	s30 =	sld [smem:$0x0];
	_ =	sdelay $0x2  }
0xc6: {  	s31 =	sshll.u32 s1, $0xD;
	s1 =	sshrl.u32 s1, $0x2  }
0xc7: {  	s3 =	sand.u32 $0x4000, s31;
	s1 =	sadd.s32 s1, s30  }
0xc8: {  	s0 =	sor.u32 s3, s0;
	s1 =	sshll.u32 s1, $0x11  }
0xc9: {  	s0 =	sor.u32 s1, s0  }
0xca: {  	s0 =	sadd.s32 $0x8F2B, s0  }
0xcb: {  	[sflag:s0] =	ssyncadd.remote.s32 $0x1  }
0xcc: {  	_ =	sfence.sel $0xFFFF  }
0xcd: {  	[dreg:$0x0] =	wrdreg $0xFFFFFFFF;
	(pc) =	sbr.abs _section_cstart, $3  }
0xce: {  	[dreg:$0x1] =	wrdreg $0xFFFFFFFF  }
0xcf: {  	_ =	task.clear_ibuf [dreg:s13], $0x2FFFF;
	_ =	strace $0x9FFFFFFF  }
0xd0: {  	(tm) =	ssettm $0x7FFFFFFF  }
0xd1: {  	_ =	shalt  }
tec
execute0_lowered:
.L_overlay_start_1:
0x0: {  	(tag) =	ssettag $0x1  }
0x1: {  	s3 =	rddreg [dreg:$0x1]  }
0x2: {  	s6 =	rddreg [dreg:$0x2]  }
0x3: {  	s7 =	rddreg [dreg:$0x3]  }
0x4: {  	s1 =	rddreg [dreg:$0x4]  }
0x5: {  	s2 =	rddreg [dreg:$0x5]  }
0x6: {  	s4 =	rddreg [dreg:$0x6]  }
0x7: {  	s8 =	rddreg [dreg:$0x7]  }
0x8: {  	s5 =	rddreg [dreg:$0x8]  }
0x9: {  	s17 =	rddreg [dreg:$0x9]  }
0xa: {  	s0 =	srdreg.scid;
	s10 =	simm.s32 $0x0;
	s18 =	stileid.u32  }
0xb: {  	s9 =	sand.u32 $0x1, s0;
	[smem:$0x7FF] =	sst s10;
	s13 =	smul.u32 $0xC80, s18  }
0xc: {  	s12 =	sshll.u32 s18, $0x1;
	s15 =	smul.u32 $0xC8, s18;
	s20 =	sand.u32 $0x2, s0  }
0xd: {  	s0 =	sshrl.u32 s0, $0x2;
	s22 =	sshll.u32 s9, $0x6;
	_ =	strace $0x80000047  }
0xe: {  	s11 =	ssub.s32 $0x2, s9;
	s12 =	sor.u32 s9, s12;
	p0 =	seq.s32 s9, $0x0  }
0xf: {  	s29 =	smul.u32 $0xC800, s9;
	s30 =	sxor.u32 $0x1, s9;
	s9 =	ssub.s32 s20, s9  }
0x10: {  	[dreg:$0x1f] =	wrdreg s0;
	s10 =	sadd.s32 s22, s8;
	s14 =	sshrl.u32 s11, $0x1  }
0x11: {  	s8 =	sadd.s32 $0x800, s8;
	s23 =	smul.u32 $0x4D134, s12;
	s19 =	sadd.s32 s13, s5  }
0x12: {  	s3 =	sadd.s32 s3, s15;
	s24 =	sadd.s32 s7, s15;
	s25 =	sadd.s32 s6, s15  }
0x13: {  	s6 =	simm.f32 $1.000000000e+00;
	s28 =	smul.u32 $0x1344D, s12;
	[dreg:$0xc] =	wrdreg s3  }
0x14: {  	s15 =	smul.u32 $0xC800, s30;
	s17 =	sadd.s32 s13, s17;
	[dreg:$0xd] =	wrdreg s24  }
0x15: {  	s0 =	sadd.s32 $0x5, s9;
	s11 =	ssub.s32 s11, s14;
	[dreg:$0xe] =	wrdreg s25  }
0x16: {  	s6 =	simm.s32 @!p0 $0x0;
	[dreg:$0xf] =	wrdreg s17;
	s12 =	sadd.s32 s13, s29  }
0x17: {  	p0 =	sne.s32 s18, $0x0;
	[dreg:$0xb] =	wrdreg s19;
	s26 =	sadd.s32 $0x4D134, s23  }
0x18: {  	s7 =	sand.u32 $0x3FFFF8, s28;
	s12 =	sshrl.u32 s12, $0x3;
	s0 =	sshll.u32 @!p0 s0, $0xE  }
0x19: {  	s3 =	sshrl.u32 s26, $0x2;
	s12 =	sadd.s32 s8, s12;
	s24 =	sadd.s32 $0x1000, s7  }
0x1a: {  	s26 =	sadd.s32 $0x2000, s7;
	[smem:$0x7F9] =	sst s0;
	s3 =	sand.u32 $0x7FFFF8, s3  }
0x1b: {  	[dreg:$0x10] =	wrdreg s12;
	s16 =	sadd.s32 $0xFFFFF000, s3;
	s3 =	sadd.s32 s13, s15  }
0x1c: {  	[dreg:$0x15] =	wrdreg s26;
	s14 =	smin.u32 s7, s16;
	s3 =	sshrl.u32 s3, $0x3  }
0x1d: {  	s25 =	smin.u32 s24, s16;
	s21 =	sshrl.u32 s14, $0x3;
	s3 =	sadd.s32 s8, s3  }
0x1e: {  	s13 =	ssub.s32 s24, s25;
	s24 =	sadd.s32 $0x3A00, s10;
	[dreg:$0x11] =	wrdreg s3  }
0x1f: {  	s28 =	sshrl.u32 s25, $0x3;
	s25 =	smax.u32 s11, $0x1;
	[smem:$0x7F7] =	sst s24  }
0x20: {  	s31 =	simm.s32 $0x11300;
	s22 =	sadd.s32 s1, s21;
	[smem:$0x7F8] =	sst s25  }
0x21: {  	p1 =	sne.s32 s18, $0xF;
	s23 =	sadd.s32 s4, s21;
	[dreg:$0x12] =	wrdreg s22  }
0x22: {  	s29 =	smin.u32 s26, s16;
	s30 =	sadd.s32 s1, s28;
	[dreg:$0x13] =	wrdreg s23  }
0x23: {  	s8 =	sshrl.u32 s29, $0x3;
	s17 =	sadd.s32 s4, s28;
	[dreg:$0x16] =	wrdreg s30  }
0x24: {  	s18 =	simm.s32 $0x8;
	s20 =	sadd.s32 s1, s8;
	[dreg:$0x17] =	wrdreg s17  }
0x25: {  	s12 =	sadd.s32 s2, s21;
	s21 =	sadd.s32 s4, s8;
	[dreg:$0x19] =	wrdreg s20  }
0x26: {  	s0 =	simm.s32 $0x4;
	s15 =	simm.s32 $0x19700;
	[dreg:$0x1a] =	wrdreg s21  }
0x27: {  	s10 =	simm.s32 $0x0;
	s3 =	sadd.s32 s2, s28;
	[dreg:$0x14] =	wrdreg s12  }
0x28: {  	s8 =	sadd.s32 s2, s8;
	s24 =	simm.s32 $0x1;
	[dreg:$0x18] =	wrdreg s3  }
0x29: {  	s25 =	simm.s32 $0x800;
	s22 =	sadd.s32 $0x3000, s7;
	[dreg:$0x1b] =	wrdreg s8  }
0x2a: {  	s17 =	ssub.s32 s7, s14;
	s23 =	sadd.s32 $0x4000, s7;
	[dreg:$0x1c] =	wrdreg s22  }
0x2b: {  	s7 =	sadd.s32 $0x5000, s7;
	s26 =	sadd.s32 $0x100, s12;
	[dreg:$0x1d] =	wrdreg s23  }
0x2c: {  	s28 =	sadd.s32 $0x100, s3;
	s29 =	sadd.s32 $0x100, s8;
	[dreg:$0x1e] =	wrdreg s7  }
0x2d: {  	s30 =	sadd.s32 $0xBB80, s5;
	s20 =	simm.s32 $0x11B80;
	[smem:$0x7FA] =	sst s26  }
0x2e: {  	s3 =	simm.s32 $0x1900;
	s12 =	simm.s32 $0x18F00;
	[smem:$0x7FB] =	sst s28  }
0x2f: {  	s14 =	simm.s32 $0x3;
	s21 =	simm.s32 $0x19F00;
	[smem:$0x7FC] =	sst s29  }
0x30: {  	v3 =	vimm.f32 $0.0e+00;
	v4 =	vlaneseq.u32;
	s8 =	simm.s32 $0x5;
	[smem:$0x7FD] =	sst s30;
	s22 =	simm.s32 $0x1A700  }
0x31: {  	v0 =	vmov s6;
	v2 =	vmov s13;
	s26 =	simm.s32 $0x1B700;
	s7 =	simm.s32 $0x2;
	v1 =	vmov s17;
	s17 =	simm.s32 $0x6  }
.LBB2_1:
0x32: {  	[smem:$0x7F6] =	sst s10;
	s6 =	simm.s32 $0xFA20  }
0x33: {  	[tilespmem:s6+$0xFFFFFFE0] =	vst v3  }
0x34: {  	[tilespmem:s6+$0x10] =	vst v3  }
0x35: {  	s9 =	simm.s32 $0x0;
	[tilespmem:s6+$0x0] =	vst v3  }
.LBB2_2:
0x36: {  	s9 =	sadd.s32 $0x40, s9  }
0x37: {  	[tilespmem:s6+$0xFFFFFFF0] =	vst v3;
	s6 =	sadd.s32 $0x40, s6;
	p2 =	slt.u32 s9, $0xC40  }
.Ltmp0:
0x38: {  	[tilespmem:s6+$0xFFFFFFE0] =	vst v3;
	(pc) =	sbr.rel @p2 .LBB2_2-.Ltmp0, $3  }
0x39: {  	_ =	sdelay $0x1  }
0x3a: {  	[tilespmem:s6+$0x10] =	vst v3  }
0x3b: {  	[tilespmem:s6+$0x0] =	vst v3  }
0x3c: {  	[tilespmem:s6+$0xFFFFFFF0] =	vst v3;
	s28 =	simm.s32 $0xFA00  }
0x3d: {  	[spmem:s19] =	stream.linear.scatter [tilespmem:s28], [sflag:$0x8], $0xC80, $0x38;
	[tilespmem:$0x1EF00] =	vst v63  }
0x3e: {  	_ =	swait.ge [sflag:s18], $0xC80  }
0x3f: {  	[sflag:s18] =	ssyncset.done $0x0  }
0x40: {  	[sflag:s18] =	ssyncadd.s32 $0xFFFFF380  }
0x41: {  	s9 =	simm.s32 $0x0;
	s29 =	rddreg [dreg:$0x0]  }
0x42: {  	[tilespmem:s31], [sflag:$0x8] =	stream.linear.gather [hbm4b:s29+s9], $0x200, $0x38;
	[tilespmem:$0x1EF00] =	vst v63  }
0x43: {  	_ =	swait.ge [sflag:s18], $0x200  }
0x44: {  	[sflag:s18] =	ssyncset.done $0x0  }
0x45: {  	[sflag:s18] =	ssyncadd.s32 $0xFFFFFE00  }
0x46: {  	[bflag:$0x0] =	sbarrier.arrive $0xFFFF  }
0x47: {  	s10 =	simm.s32 $0x11500;
	s30 =	rddreg [dreg:$0xc]  }
0x48: {  	[tilespmem:s10], [sflag:$0x8] =	stream.linear.gather [hbm4b:s30+s9], $0x640, $0x38;
	[tilespmem:$0x1EF00] =	vst v63  }
0x49: {  	_ =	swait.ge [sflag:s18], $0x640  }
0x4a: {  	[sflag:s18] =	ssyncset.done $0x0  }
0x4b: {  	s13 =	simm.s32 $0x12200;
	s11 =	rddreg [dreg:$0xd];
	[sflag:s18] =	ssyncadd.s32 $0xFFFFF9C0  }
0x4c: {  	[tilespmem:s13], [sflag:$0x8] =	stream.linear.gather [hbm4b:s11+s9], $0x640, $0x38;
	[tilespmem:$0x1EF00] =	vst v63  }
0x4d: {  	_ =	swait.ge [sflag:s18], $0x640  }
0x4e: {  	[sflag:s18] =	ssyncset.done $0x0  }
0x4f: {  	s23 =	rddreg [dreg:$0xe];
	[sflag:s18] =	ssyncadd.s32 $0xFFFFF9C0  }
0x50: {  	[tilespmem:s20], [sflag:$0x8] =	stream.linear.gather [hbm4b:s23+s9], $0x640, $0x38;
	[tilespmem:$0x1EF00] =	vst v63  }
0x51: {  	_ =	swait.ge [sflag:s18], $0x640  }
0x52: {  	[sflag:s18] =	ssyncset.done $0x0  }
0x53: {  	s28 =	simm.s32 $0x11520;
	[sflag:s18] =	ssyncadd.s32 $0xFFFFF9C0  }
0x54: {  	v5 =	vld [tilespmem:s28+$0x10]  }
0x55: {  	v6 =	vld [tilespmem:s28+$0xFFFFFFF0]  }
0x56: {  	v7 =	vld [tilespmem:s28+$0xFFFFFFE0]  }
0x57: {  	s29 =	simm.s32 $0x12220;
	v8 =	vld [tilespmem:s28+$0x0]  }
0x58: {  	s30 =	simm.s32 $0x11560;
	v11 =	vld [tilespmem:s29+$0x10]  }
0x59: {  	v9 =	vld [tilespmem:s30+$0x10]  }
0x5a: {  	v14 =	vld [tilespmem:s30+$0xFFFFFFF0]  }
0x5b: {  	v15 =	vld [tilespmem:s30+$0xFFFFFFE0]  }
0x5c: {  	v16 =	vld [tilespmem:s29+$0xFFFFFFE0]  }
0x5d: {  	v17 =	vld [tilespmem:s29+$0xFFFFFFF0]  }
0x5e: {  	v10 =	vld [tilespmem:s29+$0x0]  }
0x5f: {  	v5 =	vld.idx.msk [tilespmem:v5+s31+$0x0], $0xffff  }
0x60: {  	v13 =	vld.idx.msk [tilespmem:v6+s31+$0x0], $0xffff  }
0x61: {  	v12 =	vld.idx.msk [tilespmem:v7+s31+$0x0], $0xffff  }
0x62: {  	v6 =	vld [tilespmem:s30+$0x0]  }
0x63: {  	v7 =	vld.idx.msk [tilespmem:v8+s31+$0x0], $0xffff  }
0x64: {  	s9 =	simm.s32 $0x12260;
	v9 =	vld.idx.msk [tilespmem:v9+s31+$0x0], $0xffff  }
0x65: {  	v5 =	vmul.f32 v11, v5;
	v11 =	vld [tilespmem:s9+$0x10]  }
0x66: {  	s6 =	simm.s32 $0x128A0;
	v8 =	vld.idx.msk [tilespmem:v14+s31+$0x0], $0xffff;
	v12 =	vmul.f32 v16, v12  }
0x67: {  	s10 =	simm.s32 $0x40;
	s11 =	simm.s32 $0x115A0;
	v13 =	vmul.f32 v17, v13;
	[tilespmem:s6+$0x10] =	vst v5;
	v5 =	vld.idx.msk [tilespmem:v15+s31+$0x0], $0xffff  }
.LBB2_4:
0x68: {  	v14 =	vld [tilespmem:s11+$0x10];
	s10 =	sadd.s32 $0x40, s10;
	[tilespmem:s6+$0xFFFFFFE0] =	vst v12;
	v7 =	vmul.f32 v10, v7  }
0x69: {  	v12 =	vld [tilespmem:s11+$0xFFFFFFF0];
	p2 =	slt.u32 s10, $0x600;
	[tilespmem:s6+$0xFFFFFFF0] =	vst v13  }
0x6a: {  	v13 =	vld [tilespmem:s11+$0x0];
	v9 =	vmul.f32 v11, v9;
	[tilespmem:s6+$0x0] =	vst v7  }
0x6b: {  	s6 =	sadd.s32 $0x40, s6;
	v15 =	vld [tilespmem:s11+$0xFFFFFFE0]  }
0x6c: {  	v16 =	vmov v8;
	v7 =	vld.idx.msk [tilespmem:v6+s31+$0x0], $0xffff;
	[tilespmem:s6+$0x10] =	vst v9  }
0x6d: {  	v17 =	vld [tilespmem:s9+$0xFFFFFFE0]  }
0x6e: {  	v18 =	vld [tilespmem:s9+$0xFFFFFFF0]  }
.Ltmp1:
0x6f: {  	v10 =	vld [tilespmem:s9+$0x0];
	v6 =	vmov v13;
	(pc) =	sbr.rel @p2 .LBB2_4-.Ltmp1, $4  }
0x70: {  	s9 =	sadd.s32 $0x40, s9;
	v9 =	vld.idx.msk [tilespmem:v14+s31+$0x0], $0xffff  }
0x71: {  	v11 =	vld [tilespmem:s9+$0x10]  }
0x72: {  	v8 =	vld.idx.msk [tilespmem:v12+s31+$0x0], $0xffff;
	v12 =	vmul.f32 v17, v5  }
0x73: {  	s11 =	sadd.s32 $0x40, s11;
	v5 =	vld.idx.msk [tilespmem:v15+s31+$0x0], $0xffff;
	v13 =	vmul.f32 v18, v16  }
0x74: {  	_ =	sdelay $0x3  }
0x75: {  	v6 =	vld.idx.msk [tilespmem:v6+s31+$0x0], $0xffff  }
0x76: {  	v14 =	vld [tilespmem:s9+$0xFFFFFFE0]  }
0x77: {  	v15 =	vld [tilespmem:s9+$0xFFFFFFF0]  }
0x78: {  	v16 =	vld [tilespmem:s9+$0x0]  }
0x79: {  	[tilespmem:s6+$0xFFFFFFE0] =	vst v12;
	v7 =	vmul.f32 v10, v7  }
0x7a: {  	[tilespmem:s6+$0xFFFFFFF0] =	vst v13;
	v9 =	vmul.f32 v11, v9  }
0x7b: {  	s10 =	sadd.s32 $0x40, s6;
	[tilespmem:s6+$0x0] =	vst v7;
	v5 =	vmul.f32 v14, v5  }
0x7c: {  	[tilespmem:s10+$0x10] =	vst v9;
	v7 =	vmul.f32 v15, v8  }
0x7d: {  	[tilespmem:s10+$0xFFFFFFE0] =	vst v5;
	v5 =	vmul.f32 v16, v6  }
0x7e: {  	[tilespmem:s10+$0xFFFFFFF0] =	vst v7  }
0x7f: {  	s11 =	simm.s32 $0x640;
	s13 =	simm.s32 $0x12880;
	[tilespmem:s10+$0x0] =	vst v5  }
0x80: {  	[spmem:s5] =	stream.indirect.scatter.add.f32 [tilespmem:s13], [sflag:$0x8], $0x1, s20, s11, $0xb8;
	[tilespmem:$0x1EF00] =	vst v63  }
0x81: {  	_ =	swait.ge [sflag:s18], $0x640  }
0x82: {  	[sflag:s18] =	ssyncset.done $0x0  }
0x83: {  	[sflag:s18] =	ssyncadd.s32 $0xFFFFF9C0  }
0x84: {  	s20 =	simm.s32 $0xE100;
	[bflag:$0x0] =	sbarrier.arrive $0xFFFF  }
0x85: {  	[tilespmem:s20], [sflag:$0x8] =	stream.linear.gather [spmem:s19], $0xC80, $0x38;
	[tilespmem:$0x1EF00] =	vst v63  }
0x86: {  	_ =	swait.ge [sflag:s18], $0xC80  }
0x87: {  	[sflag:s18] =	ssyncset.done $0x0  }
0x88: {  	s23 =	simm.s32 $0xE120;
	[sflag:s18] =	ssyncadd.s32 $0xFFFFF380  }
0x89: {  	v12 =	vld [tilespmem:s23+$0x10];
	_ =	sdelay $0x2  }
0x8a: {  	v5 =	vld [tilespmem:s23+$0xFFFFFFF0]  }
0x8b: {  	v7 =	vld [tilespmem:s23+$0xFFFFFFE0]  }
0x8c: {  	v8 =	vld [tilespmem:s23+$0x0];
	v6 =	vadd.f32 v12, v12;
	_ =	sdelay $0x1  }
0x8d: {  	v6 =	vmul.f32 $1.442695020e+00, v6  }
0x8e: {  	v9 =	vadd.f32 v5, v5  }
0x8f: {  	v10 =	vadd.f32 v7, v7;
	(erf) = vpow2.f32 v6  }
0x90: {  	s28 =	simm.s32 $0xE160;
	v6 =	vmul.f32 $1.442695020e+00, v9;
	v9 =	vadd.f32 v8, v8  }
0x91: {  	v11 =	vld [tilespmem:s28+$0x10];
	v10 =	vmul.f32 $1.442695020e+00, v10  }
0x92: {  	(erf) = vpow2.f32 v6;
	v6 =	vmul.f32 $1.442695020e+00, v9;
	v9 =	vld [tilespmem:s28+$0xFFFFFFF0]  }
0x93: {  	(erf) = vpow2.f32 v10;
	v10 =	vld [tilespmem:s28+$0x0]  }
0x94: {  	v13 =	vld [tilespmem:s28+$0xFFFFFFE0];
	_ =	sdelay $0x1  }
0x95: {  	(erf) = vpow2.f32 v6;
	v6 =	vadd.f32 v11, v11;
	_ =	sdelay $0x1  }
0x96: {  	v6 =	vmul.f32 $1.442695020e+00, v6;
	v14 =	vadd.f32 v9, v9;
	v17 =	vadd.f32 v10, v10;
	v15 =	vpop (erf)  }
0x97: {  	v16 =	vadd.f32 v13, v13;
	v15 =	vadd.f32 $1.000000000e+00, v15  }
0x98: {  	s29 =	simm.s32 $0xE1A0;
	v14 =	vmul.f32 $1.442695020e+00, v14;
	(erf) = vpow2.f32 v6  }
0x99: {  	v16 =	vmul.f32 $1.442695020e+00, v16;
	v6 =	vld [tilespmem:s29+$0x10];
	v18 =	vpop (erf);
	(erf) = vrcp.f32 v15  }
0x9a: {  	v15 =	vmul.f32 $1.442695020e+00, v17;
	v17 =	vpop (erf);
	(erf) = vpow2.f32 v14  }
0x9b: {  	v22 =	vmul.f32 v5, v0;
	v5 =	vadd.f32 $1.000000000e+00, v17;
	(erf) = vpow2.f32 v16  }
0x9c: {  	v19 =	vld [tilespmem:s29+$0xFFFFFFF0];
	v17 =	vmul.f32 v8, v0;
	v8 =	vadd.f32 $1.000000000e+00, v18;
	(erf) = vpow2.f32 v15  }
0x9d: {  	v14 =	vpop (erf);
	v18 =	vmul.f32 v7, v0;
	v16 =	vld [tilespmem:s29+$0x0];
	(erf) = vrcp.f32 v5  }
0x9e: {  	v7 =	vadd.f32 $1.000000000e+00, v14;
	v15 =	vld [tilespmem:s29+$0xFFFFFFE0];
	(erf) = vrcp.f32 v8;
	v8 =	vadd.f32 v6, v6;
	_ =	sdelay $0x1  }
0x9f: {  	(erf) = vrcp.f32 v7;
	v8 =	vmul.f32 $1.442695020e+00, v8  }
0xa0: {  	v14 =	vmul.f32 v13, v0;
	v13 =	vadd.f32 v19, v19  }
0xa1: {  	v5 =	vmul.f32 v19, v0;
	v19 =	vadd.f32 v16, v16;
	v7 =	vmul.f32 v16, v0;
	v16 =	vpop (erf)  }
0xa2: {  	v13 =	vmul.f32 $1.442695020e+00, v13;
	v20 =	vadd.f32 v15, v15;
	v16 =	vadd.f32 $1.000000000e+00, v16;
	v21 =	vpop (erf)  }
0xa3: {  	s30 =	simm.s32 $0xE1E0;
	v19 =	vmul.f32 $1.442695020e+00, v19;
	(erf) = vpow2.f32 v8;
	v8 =	vpop (erf)  }
0xa4: {  	v20 =	vmul.f32 $1.442695020e+00, v20;
	v23 =	vpop (erf);
	(erf) = vrcp.f32 v16;
	v16 =	vadd.f32 $1.000000000e+00, v8;
	v8 =	vld [tilespmem:s30+$0x10]  }
0xa5: {  	v21 =	vadd.f32 v21, v21;
	(erf) = vpow2.f32 v13;
	v13 =	vadd.f32 $1.000000000e+00, v23;
	v23 =	vpop (erf)  }
0xa6: {  	v24 =	vld [tilespmem:s30+$0xFFFFFFF0];
	v25 =	vmul.f32 v12, v0;
	(erf) = vpow2.f32 v20;
	v20 =	vadd.f32 $1.000000000e+00, v23;
	v23 =	vpop (erf)  }
0xa7: {  	v26 =	vld [tilespmem:s30+$0x0];
	v21 =	vsub.f32 $1.000000000e+00, v21;
	(erf) = vpow2.f32 v19;
	v19 =	vadd.f32 v23, v23;
	v23 =	vpop (erf)  }
0xa8: {  	s6 =	simm.s32 $0x106A0;
	v9 =	vmul.f32 v9, v0;
	(erf) = vrcp.f32 v13;
	v13 =	vadd.f32 v23, v23;
	v23 =	vpop (erf)  }
0xa9: {  	v12 =	vld [tilespmem:s30+$0xFFFFFFE0];
	v10 =	vmul.f32 v10, v0;
	[tilespmem:s6+$0x10] =	vst v21;
	v21 =	vadd.f32 v23, v23;
	v23 =	vadd.f32 v8, v8  }
0xaa: {  	s9 =	simm.s32 $0xFA20;
	v15 =	vmul.f32 v15, v0;
	(erf) = vrcp.f32 v16;
	v19 =	vsub.f32 $1.000000000e+00, v19  }
0xab: {  	[tilespmem:s9+$0x10] =	vst v25;
	v16 =	vmul.f32 v24, v0;
	(erf) = vrcp.f32 v20  }
0xac: {  	v60 =	vsub.f32 $1.000000000e+00, v13;
	v20 =	vadd.f32 v24, v24;
	v13 =	vmul.f32 v26, v0;
	[tilespmem:s6+$0xFFFFFFE0] =	vst v19  }
0xad: {  	v61 =	vsub.f32 $1.000000000e+00, v21;
	v19 =	vadd.f32 v26, v26;
	v21 =	vmul.f32 $1.442695020e+00, v23;
	[tilespmem:s9+$0xFFFFFFE0] =	vst v18;
	v23 =	vpop (erf)  }
0xae: {  	v18 =	vadd.f32 v12, v12;
	v20 =	vmul.f32 $1.442695020e+00, v20;
	[tilespmem:s6+$0xFFFFFFF0] =	vst v60;
	v62 =	vadd.f32 $1.000000000e+00, v23;
	v23 =	vpop (erf)  }
0xaf: {  	v19 =	vmul.f32 $1.442695020e+00, v19;
	[tilespmem:s9+$0xFFFFFFF0] =	vst v22;
	(erf) = vpow2.f32 v21;
	v63 =	vpop (erf);
	v21 =	vadd.f32 v23, v23  }
0xb0: {  	s10 =	simm.s32 $0xC0;
	s11 =	simm.s32 $0xE220;
	[tilespmem:s6+$0x0] =	vst v61;
	v22 =	vmul.f32 $1.442695020e+00, v18;
	v18 =	vadd.f32 $1.000000000e+00, v63;
	v23 =	vpop (erf);
	(erf) = vrcp.f32 v62  }
.LBB2_6:
0xb1: {  	(erf) = vpow2.f32 v20;
	v27 =	vadd.f32 $1.000000000e+00, v23;
	v23 =	vpop (erf);
	v21 =	vsub.f32 $1.000000000e+00, v21  }
0xb2: {  	v24 =	vld [tilespmem:s11+$0x10];
	[tilespmem:s9+$0x0] =	vst v17;
	v25 =	vmovc v14;
	v14 =	vmovc v15;
	v26 =	vmov v9;
	v9 =	vmov v5;
	v5 =	vmov v16  }
0xb3: {  	s10 =	sadd.s32 $0x40, s10;
	v28 =	vmul.f32 v11, v0;
	s6 =	sadd.s32 $0x40, s6;
	v16 =	vld [tilespmem:s11+$0xFFFFFFF0];
	(erf) = vpow2.f32 v22;
	v22 =	vadd.f32 $1.000000000e+00, v23;
	v17 =	vpop (erf)  }
0xb4: {  	v15 =	vmul.f32 v12, v0;
	s9 =	sadd.s32 $0x40, s9;
	p2 =	slt.u32 s10, $0xC40;
	v23 =	vld [tilespmem:s11+$0x0];
	(erf) = vpow2.f32 v19;
	v29 =	vadd.f32 v17, v17;
	[tilespmem:s6+$0x10] =	vst v21;
	v19 =	vpop (erf)  }
0xb5: {  	v11 =	vmov v6;
	v12 =	vld [tilespmem:s11+$0xFFFFFFE0];
	(erf) = vrcp.f32 v27;
	v19 =	vadd.f32 v19, v19;
	[tilespmem:s9+$0x10] =	vst v28;
	v20 =	vpop (erf)  }
0xb6: {  	v6 =	vmovc v8;
	v17 =	vmovc v10;
	(erf) = vrcp.f32 v18;
	v18 =	vsub.f32 $1.000000000e+00, v29;
	v20 =	vadd.f32 v20, v20  }
0xb7: {  	v10 =	vmovc v7;
	v21 =	vadd.f32 v24, v24;
	(erf) = vrcp.f32 v22;
	v19 =	vsub.f32 $1.000000000e+00, v19;
	v8 =	vmovc v24  }
.Ltmp2:
0xb8: {  	v7 =	vmovc v13;
	v28 =	vadd.f32 v16, v16;
	v16 =	vmul.f32 v16, v0;
	[tilespmem:s6+$0xFFFFFFE0] =	vst v18;
	v24 =	vsub.f32 $1.000000000e+00, v20;
	(pc) =	sbr.rel @p2 .LBB2_6-.Ltmp2, $4  }
0xb9: {  	v29 =	vadd.f32 v23, v23;
	v13 =	vmul.f32 v23, v0;
	v21 =	vmul.f32 $1.442695020e+00, v21;
	v23 =	vpop (erf);
	[tilespmem:s9+$0xFFFFFFE0] =	vst v25  }
0xba: {  	v25 =	vadd.f32 v12, v12;
	v20 =	vmul.f32 $1.442695020e+00, v28;
	v27 =	vadd.f32 $1.000000000e+00, v23;
	v22 =	vpop (erf);
	[tilespmem:s6+$0xFFFFFFF0] =	vst v19  }
0xbb: {  	v19 =	vmul.f32 $1.442695020e+00, v29;
	(erf) = vpow2.f32 v21;
	v18 =	vpop (erf);
	v21 =	vadd.f32 v22, v22;
	[tilespmem:s9+$0xFFFFFFF0] =	vst v26  }
0xbc: {  	s11 =	sadd.s32 $0x40, s11;
	v22 =	vmul.f32 $1.442695020e+00, v25;
	v18 =	vadd.f32 $1.000000000e+00, v18;
	v23 =	vpop (erf);
	(erf) = vrcp.f32 v27;
	[tilespmem:s6+$0x0] =	vst v24  }
0xbd: {  	(erf) = vpow2.f32 v20  }
0xbe: {  	(erf) = vpow2.f32 v22  }
0xbf: {  	v47 =	vadd.f32 $1.000000000e+00, v23;
	v48 =	vpop (erf)  }
0xc0: {  	v49 =	vpop (erf);
	(erf) = vpow2.f32 v19  }
0xc1: {  	v51 =	vsub.f32 $1.000000000e+00, v21;
	v50 =	vpop (erf);
	v23 =	vadd.f32 v49, v49;
	(erf) = vrcp.f32 v47  }
0xc2: {  	[tilespmem:s9+$0x0] =	vst v17;
	v11 =	vmul.f32 v11, v0;
	s6 =	sadd.s32 $0x40, s6;
	v22 =	vadd.f32 $1.000000000e+00, v48;
	(erf) = vrcp.f32 v18  }
0xc3: {  	s30 =	sadd.s32 $0x40, s9;
	[tilespmem:s6+$0x10] =	vst v51;
	v52 =	vpop (erf);
	v17 =	vadd.f32 v50, v50;
	v55 =	vsub.f32 $1.000000000e+00, v23  }
0xc4: {  	[tilespmem:s30+$0x10] =	vst v11;
	(erf) = vrcp.f32 v22;
	v53 =	vpop (erf)  }
0xc5: {  	v11 =	vadd.f32 v52, v52;
	v17 =	vsub.f32 $1.000000000e+00, v17;
	[tilespmem:s6+$0xFFFFFFE0] =	vst v55;
	v54 =	vpop (erf)  }
0xc6: {  	[tilespmem:s30+$0xFFFFFFE0] =	vst v14;
	v18 =	vadd.f32 $1.000000000e+00, v53;
	v56 =	vpop (erf);
	v14 =	vadd.f32 v54, v54  }
0xc7: {  	v57 =	vpop (erf)  }
0xc8: {  	v11 =	vsub.f32 $1.000000000e+00, v11;
	[tilespmem:s6+$0xFFFFFFF0] =	vst v17;
	(erf) = vrcp.f32 v18;
	v58 =	vadd.f32 $1.000000000e+00, v57  }
0xc9: {  	v6 =	vmul.f32 v6, v0;
	[tilespmem:s30+$0xFFFFFFF0] =	vst v9;
	v59 =	vpop (erf)  }
0xca: {  	[tilespmem:s6+$0x0] =	vst v11;
	v17 =	vadd.f32 $1.000000000e+00, v56;
	v9 =	vsub.f32 $1.000000000e+00, v14;
	(erf) = vrcp.f32 v58;
	v14 =	vpop (erf)  }
0xcb: {  	s6 =	sadd.s32 $0x40, s6;
	[tilespmem:s30+$0x0] =	vst v10;
	v14 =	vadd.f32 v14, v14;
	v10 =	vpop (erf)  }
0xcc: {  	s9 =	sadd.s32 $0x40, s30;
	v11 =	vadd.f32 $1.000000000e+00, v59;
	[tilespmem:s6+$0x10] =	vst v9;
	(erf) = vrcp.f32 v17;
	v9 =	vadd.f32 v10, v10  }
0xcd: {  	[tilespmem:s9+$0x10] =	vst v6;
	v6 =	vpop (erf);
	v10 =	vsub.f32 $1.000000000e+00, v14  }
0xce: {  	(erf) = vrcp.f32 v11;
	v6 =	vadd.f32 v6, v6;
	v9 =	vsub.f32 $1.000000000e+00, v9  }
0xcf: {  	[tilespmem:s6+$0xFFFFFFE0] =	vst v10  }
0xd0: {  	v6 =	vsub.f32 $1.000000000e+00, v6;
	[tilespmem:s6+$0xFFFFFFF0] =	vst v9  }
0xd1: {  	v10 =	vpop (erf);
	[tilespmem:s9+$0xFFFFFFF0] =	vst v5  }
0xd2: {  	[tilespmem:s6+$0x0] =	vst v6;
	v9 =	vadd.f32 v10, v10  }
0xd3: {  	[tilespmem:s9+$0x0] =	vst v7;
	v7 =	vmul.f32 v8, v0;
	v5 =	vpop (erf)  }
0xd4: {  	v6 =	vsub.f32 $1.000000000e+00, v9;
	v5 =	vadd.f32 v5, v5  }
0xd5: {  	[tilespmem:s9+$0xFFFFFFE0] =	vst v15;
	s6 =	sadd.s32 $0x40, s6;
	v8 =	vpop (erf)  }
0xd6: {  	s9 =	sadd.s32 $0x40, s9;
	[tilespmem:s6+$0x10] =	vst v6;
	v6 =	vadd.f32 v8, v8;
	v5 =	vsub.f32 $1.000000000e+00, v5  }
0xd7: {  	v8 =	vmul.f32 v12, v0;
	[tilespmem:s9+$0x10] =	vst v7;
	v7 =	vpop (erf)  }
0xd8: {  	v7 =	vadd.f32 v7, v7;
	v6 =	vsub.f32 $1.000000000e+00, v6;
	[tilespmem:s6+$0xFFFFFFE0] =	vst v5  }
0xd9: {  	[tilespmem:s9+$0xFFFFFFE0] =	vst v8  }
0xda: {  	v5 =	vsub.f32 $1.000000000e+00, v7;
	[tilespmem:s6+$0xFFFFFFF0] =	vst v6  }
0xdb: {  	[tilespmem:s9+$0xFFFFFFF0] =	vst v16  }
0xdc: {  	[tilespmem:s6+$0x0] =	vst v5  }
0xdd: {  	[tilespmem:s9+$0x0] =	vst v13;
	s9 =	simm.s32 $0xFA00  }
0xde: {  	[spmem:s19] =	stream.linear.scatter [tilespmem:s9], [sflag:$0x8], $0xC80, $0x38;
	[tilespmem:$0x1EF00] =	vst v63  }
0xdf: {  	_ =	swait.ge [sflag:s18], $0xC80  }
0xe0: {  	[sflag:s18] =	ssyncset.done $0x0  }
0xe1: {  	s11 =	simm.s32 $0x10680;
	s10 =	rddreg [dreg:$0xf];
	[sflag:s18] =	ssyncadd.s32 $0xFFFFF380  }
0xe2: {  	[spmem:s10] =	stream.linear.scatter [tilespmem:s11], [sflag:$0x8], $0xC80, $0x38;
	[tilespmem:$0x1EF00] =	vst v63  }
0xe3: {  	_ =	swait.ge [sflag:s18], $0xC80  }
0xe4: {  	[sflag:s18] =	ssyncset.done $0x0  }
0xe5: {  	[sflag:s18] =	ssyncadd.s32 $0xFFFFF380  }
0xe6: {  	[bflag:$0x0] =	sbarrier.arrive $0xFFFF  }
0xe7: {  	s13 =	rddreg [dreg:$0x9]  }
0xe8: {  	s18 =	rddreg [dreg:$0x12]  }
0xe9: {  	[tilespmem:s3], [sflag:$0x3] =	stream.linear.gather [spmem:s13], $0xC800, $0x38;
	[tilespmem:$0x1EF00] =	vst v63  }
0xea: {  	s6 =	simm.s32 $0x0;
	s10 =	simm.s32 $0x12F00;
	s19 =	rddreg [dreg:$0x13]  }
0xeb: {  	[tilespmem:s10], [sflag:$0x1] =	stream.linear.gather [hbm4b:s18+s6], $0x1000, $0x38;
	[tilespmem:$0x1EF00] =	vst v63  }
0xec: {  	s20 =	simm.s32 $0x15F00;
	s23 =	rddreg [dreg:$0x14]  }
0xed: {  	[tilespmem:s20], [sflag:$0x1] =	stream.linear.gather [hbm4b:s19+s6], $0x1000, $0x38;
	[tilespmem:$0x1EF00] =	vst v63  }
0xee: {  	s28 =	sld [smem:$0x7FA]  }
0xef: {  	[tilespmem:s12], [sflag:$0x1] =	stream.linear.gather [hbm4b:s23+s6], $0x800, $0x38;
	[tilespmem:$0x1EF00] =	vst v63  }
0xf0: {  	_ = 	snop  }
0xf1: {  	[tilespmem:s15], [sflag:$0x1] =	stream.linear.gather [hbm4b:s28+s6], $0x800, $0x38;
	[tilespmem:$0x1EF00] =	vst v63  }
0xf2: {  	_ =	swait.ge [sflag:s14], $0xC800  }
0xf3: {  	[sflag:s14] =	ssyncset.done $0x0;
	s29 =	rddreg [dreg:$0x16]  }
0xf4: {  	s30 =	simm.s32 $0x13F00;
	s10 =	rddreg [dreg:$0x17];
	[sflag:s14] =	ssyncadd.s32 $0xFFFF3800  }
0xf5: {  	[tilespmem:s30], [sflag:$0x2] =	stream.linear.gather [hbm4b:s29+s6], $0x1000, $0x38;
	[tilespmem:$0x1EF00] =	vst v63  }
0xf6: {  	s11 =	simm.s32 $0x16F00;
	s13 =	rddreg [dreg:$0x18]  }
0xf7: {  	[tilespmem:s11], [sflag:$0x2] =	stream.linear.gather [hbm4b:s10+s6], $0x1000, $0x38;
	[tilespmem:$0x1EF00] =	vst v63  }
0xf8: {  	s18 =	sld [smem:$0x7FB]  }
0xf9: {  	[tilespmem:s21], [sflag:$0x2] =	stream.linear.gather [hbm4b:s13+s6], $0x800, $0x38;
	[tilespmem:$0x1EF00] =	vst v63  }
0xfa: {  	_ = 	snop  }
0xfb: {  	[tilespmem:s22], [sflag:$0x2] =	stream.linear.gather [hbm4b:s18+s6], $0x800, $0x38;
	[tilespmem:$0x1EF00] =	vst v63  }
0xfc: {  	_ =	swait.ge [sflag:s24], $0x1000  }
0xfd: {  	[sflag:s24] =	ssyncset.done $0x0  }
0xfe: {  	[sflag:s24] =	ssyncadd.s32 $0xFFFFF000  }
0xff: {  	_ =	swait.ge [sflag:s24], $0x1000  }
0x100: {  	[sflag:s24] =	ssyncset.done $0x0  }
0x101: {  	[sflag:s24] =	ssyncadd.s32 $0xFFFFF000  }
0x102: {  	_ =	swait.ge [sflag:s24], $0x800  }
0x103: {  	[sflag:s24] =	ssyncset.done $0x0  }
0x104: {  	[sflag:s24] =	ssyncadd.s32 $0xFFFFF800  }
0x105: {  	_ =	swait.ge [sflag:s24], $0x800  }
0x106: {  	[sflag:s24] =	ssyncset.done $0x0  }
0x107: {  	s19 =	simm.s32 $0x12F20;
	[sflag:s24] =	ssyncadd.s32 $0xFFFFF800  }
0x108: {  	v5 =	vld [tilespmem:s19+$0x10]  }
0x109: {  	v8 =	vld [tilespmem:s19+$0xFFFFFFF0]  }
0x10a: {  	v9 =	vld [tilespmem:s19+$0x0]  }
0x10b: {  	s20 =	simm.s32 $0x15F20;
	v10 =	vld [tilespmem:s19+$0xFFFFFFE0]  }
0x10c: {  	v11 =	vld [tilespmem:s20+$0x10]  }
0x10d: {  	v13 =	vld [tilespmem:s20+$0xFFFFFFE0]  }
0x10e: {  	v14 =	vld [tilespmem:s20+$0xFFFFFFF0]  }
0x10f: {  	s23 =	simm.s32 $0x12F60;
	v15 =	vld [tilespmem:s20+$0x0]  }
0x110: {  	v16 =	vld [tilespmem:s23+$0x10]  }
0x111: {  	v6 =	vld [tilespmem:s23+$0x0]  }
0x112: {  	v7 =	vld [tilespmem:s23+$0xFFFFFFE0]  }
0x113: {  	v12 =	vld.idx.msk [tilespmem:v5+s3+$0x0], $0xffff  }
0x114: {  	v5 =	vld [tilespmem:s23+$0xFFFFFFF0]  }
0x115: {  	v17 =	vld.idx.msk [tilespmem:v10+s3+$0x0], $0xffff  }
0x116: {  	s28 =	simm.s32 $0x30;
	s30 =	simm.s32 $0x20;
	v60 =	vld.idx.msk [tilespmem:v8+s3+$0x0], $0xffff  }
0x117: {  	v62 =	vor.u32 s30, v4;
	s10 =	simm.s32 $0x15F60;
	s13 =	simm.s32 $0x70;
	v10 =	vor.u32 s28, v4;
	v61 =	vld.idx.msk [tilespmem:v9+s3+$0x0], $0xffff  }
0x118: {  	s29 =	simm.s32 $0x10;
	v63 =	vor.u32 s13, v4;
	v8 =	vor.u32 s6, v4;
	v9 =	vld [tilespmem:s10+$0x10];
	vm1 =	vlt.u32 v10, v1  }
0x119: {  	vm0 =	vlt.u32 v8, v1;
	v10 =	vor.u32 s29, v4;
	v8 =	vld.idx.msk [tilespmem:v16+s3+$0x0], $0xffff;
	v11 =	vsel vm1, $0x0, v11  }
0x11a: {  	v13 =	vsel vm0, $0x0, v13;
	vm0 =	vlt.u32 v10, v1;
	v12 =	vmul.f32 v11, v12;
	v11 =	vld [tilespmem:s10+$0xFFFFFFE0]  }
0x11b: {  	s9 =	simm.s32 $0x1BF20;
	s11 =	simm.s32 $0x40;
	vm1 =	vlt.u32 v62, v1;
	v10 =	vld [tilespmem:s10+$0xFFFFFFF0];
	v14 =	vsel vm0, $0x0, v14;
	v16 =	vmul.f32 v13, v17  }
0x11c: {  	s13 =	simm.s32 $0xC0;
	v15 =	vsel vm1, $0x0, v15;
	v17 =	vor.u32 s11, v4;
	s11 =	simm.s32 $0x12FA0;
	v14 =	vmul.f32 v14, v60;
	[tilespmem:s9+$0x10] =	vst v12;
	v12 =	vld [tilespmem:s10+$0x0]  }
0x11d: {  	s18 =	simm.s32 $0x60;
	s19 =	simm.s32 $0x50;
	s6 =	simm.s32 $0x80;
	vm1 =	vlt.u32 v63, v1;
	v15 =	vmul.f32 v15, v61;
	v13 =	vld [tilespmem:s11+$0x10];
	vm0 =	vlt.u32 v17, v1;
	[tilespmem:s9+$0xFFFFFFE0] =	vst v16  }
.LBB2_8:
0x11e: {  	p2 =	slt.u32 s13, $0xFC0;
	v16 =	vld [tilespmem:s11+$0xFFFFFFF0];
	v17 =	vor.u32 s19, v4;
	v18 =	vor.u32 s18, v4;
	v9 =	vsel vm1, $0x0, v9;
	[tilespmem:s9+$0xFFFFFFF0] =	vst v14;
	s18 =	smov.u32 s6;
	s6 =	smov.u32 s13  }
0x11f: {  	v14 =	vld [tilespmem:s11+$0x0];
	v19 =	vsel vm0, $0x0, v11;
	vm0 =	vlt.u32 v17, v1;
	v8 =	vmul.f32 v9, v8;
	[tilespmem:s9+$0x0] =	vst v15  }
0x120: {  	s9 =	sadd.s32 $0x40, s9;
	v11 =	vld [tilespmem:s11+$0xFFFFFFE0];
	v15 =	vsel vm0, $0x0, v10;
	vm0 =	vlt.u32 v18, v1  }
0x121: {  	v17 =	vld.idx.msk [tilespmem:v7+s3+$0x0], $0xffff;
	v18 =	vsel vm0, $0x0, v12;
	[tilespmem:s9+$0x10] =	vst v8  }
0x122: {  	v20 =	vld.idx.msk [tilespmem:v5+s3+$0x0], $0xffff  }
0x123: {  	s10 =	sadd.s32 $0x40, s10;
	v21 =	vld.idx.msk [tilespmem:v6+s3+$0x0], $0xffff;
	v5 =	vmov v16  }
0x124: {  	v9 =	vld [tilespmem:s10+$0x10];
	v6 =	vmov v14  }
.Ltmp3:
0x125: {  	v8 =	vld.idx.msk [tilespmem:v13+s3+$0x0], $0xffff;
	v7 =	vmov v11;
	(pc) =	sbr.rel @p2 .LBB2_8-.Ltmp3, $4  }
0x126: {  	v11 =	vld [tilespmem:s10+$0xFFFFFFE0]  }
0x127: {  	s19 =	sadd.s32 $0x30, s18;
	v16 =	vmul.f32 v19, v17;
	v10 =	vld [tilespmem:s10+$0xFFFFFFF0]  }
0x128: {  	s11 =	sadd.s32 $0x40, s11;
	v17 =	vor.u32 s18, v4;
	v19 =	vor.u32 s19, v4;
	v14 =	vmul.f32 v15, v20;
	v12 =	vld [tilespmem:s10+$0x0]  }
0x129: {  	s13 =	sadd.s32 $0x40, s13;
	s19 =	sadd.s32 $0x10, s18;
	s18 =	sadd.s32 $0x20, s18;
	vm0 =	vlt.u32 v17, v1;
	vm1 =	vlt.u32 v19, v1;
	v15 =	vmul.f32 v18, v21;
	v13 =	vld [tilespmem:s11+$0x10];
	[tilespmem:s9+$0xFFFFFFE0] =	vst v16  }
0x12a: {  	_ = 	snop  }
0x12b: {  	v16 =	vld [tilespmem:s11+$0xFFFFFFF0]  }
0x12c: {  	v17 =	vld [tilespmem:s11+$0x0]  }
0x12d: {  	v18 =	vld [tilespmem:s11+$0xFFFFFFE0]  }
0x12e: {  	v7 =	vld.idx.msk [tilespmem:v7+s3+$0x0], $0xffff  }
0x12f: {  	v5 =	vld.idx.msk [tilespmem:v5+s3+$0x0], $0xffff  }
0x130: {  	v6 =	vld.idx.msk [tilespmem:v6+s3+$0x0], $0xffff;
	s10 =	sadd.s32 $0x40, s10  }
0x131: {  	v19 =	vld [tilespmem:s10+$0x10]  }
0x132: {  	v21 =	vld [tilespmem:s10+$0xFFFFFFE0]  }
0x133: {  	v20 =	vor.u32 s19, v4;
	v9 =	vsel vm1, $0x0, v9;
	v59 =	vld [tilespmem:s10+$0xFFFFFFF0]  }
0x134: {  	v22 =	vor.u32 s18, v4;
	v8 =	vmul.f32 v9, v8;
	v9 =	vsel vm0, $0x0, v11;
	v11 =	vld [tilespmem:s10+$0x0]  }
0x135: {  	[tilespmem:s9+$0xFFFFFFF0] =	vst v14;
	s30 =	sadd.s32 $0x30, s6;
	vm1 =	vlt.u32 v20, v1;
	vm0 =	vlt.u32 v22, v1;
	v13 =	vld.idx.msk [tilespmem:v13+s3+$0x0], $0xffff  }
0x136: {  	s29 =	sadd.s32 $0x40, s9;
	[tilespmem:s9+$0x0] =	vst v15;
	v14 =	vor.u32 s30, v4;
	v10 =	vsel vm1, $0x0, v10;
	v7 =	vmul.f32 v9, v7;
	v9 =	vld.idx.msk [tilespmem:v18+s3+$0x0], $0xffff  }
0x137: {  	v12 =	vsel vm0, $0x0, v12;
	[tilespmem:s29+$0x10] =	vst v8;
	v8 =	vor.u32 s6, v4;
	v5 =	vmul.f32 v10, v5;
	v10 =	vld.idx.msk [tilespmem:v16+s3+$0x0], $0xffff  }
0x138: {  	s11 =	sadd.s32 $0x10, s6;
	s13 =	sadd.s32 $0x20, s6;
	vm1 =	vlt.u32 v14, v1;
	vm0 =	vlt.u32 v8, v1;
	v6 =	vmul.f32 v12, v6;
	v8 =	vld.idx.msk [tilespmem:v17+s3+$0x0], $0xffff  }
0x139: {  	v12 =	vor.u32 s13, v4;
	v14 =	vsel vm1, $0x0, v19;
	[tilespmem:s29+$0xFFFFFFE0] =	vst v7;
	v7 =	vor.u32 s11, v4  }
0x13a: {  	[tilespmem:s29+$0xFFFFFFF0] =	vst v5;
	v5 =	vsel vm0, $0x0, v21;
	vm0 =	vlt.u32 v7, v1;
	v7 =	vmul.f32 v14, v13  }
0x13b: {  	s18 =	sadd.s32 $0x40, s29;
	[tilespmem:s29+$0x0] =	vst v6;
	v6 =	vsel vm0, $0x0, v59;
	vm0 =	vlt.u32 v12, v1;
	v5 =	vmul.f32 v5, v9  }
0x13c: {  	[tilespmem:s18+$0x10] =	vst v7;
	v9 =	vsel vm0, $0x0, v11;
	v6 =	vmul.f32 v6, v10  }
0x13d: {  	[tilespmem:s18+$0xFFFFFFE0] =	vst v5;
	v5 =	vmul.f32 v9, v8  }
0x13e: {  	[tilespmem:s18+$0xFFFFFFF0] =	vst v6  }
0x13f: {  	s19 =	simm.s32 $0x1BF00;
	[tilespmem:s18+$0x0] =	vst v5  }
0x140: {  	[spmem:s5] =	stream.indirect.scatter.add.f32 [tilespmem:s19], [sflag:$0x4], $0x1, s12, s25, $0xb8;
	[tilespmem:$0x1EF00] =	vst v63  }
0x141: {  	s20 =	simm.s32 $0x1C700;
	s23 =	rddreg [dreg:$0x19]  }
0x142: {  	[spmem:s5] =	stream.indirect.scatter.add.f32 [tilespmem:s20], [sflag:$0x4], $0x1, s15, s25, $0xb8;
	[tilespmem:$0x1EF00] =	vst v63  }
0x143: {  	s28 =	simm.s32 $0x14F00;
	s6 =	simm.s32 $0x0;
	s29 =	rddreg [dreg:$0x1a]  }
0x144: {  	[tilespmem:s28], [sflag:$0x3] =	stream.linear.gather [hbm4b:s23+s6], $0x1000, $0x38;
	[tilespmem:$0x1EF00] =	vst v63  }
0x145: {  	s30 =	simm.s32 $0x17F00;
	s10 =	rddreg [dreg:$0x1b]  }
0x146: {  	[tilespmem:s30], [sflag:$0x3] =	stream.linear.gather [hbm4b:s29+s6], $0x1000, $0x38;
	[tilespmem:$0x1EF00] =	vst v63  }
0x147: {  	s11 =	simm.s32 $0x1AF00;
	s13 =	sld [smem:$0x7FC]  }
0x148: {  	[tilespmem:s11], [sflag:$0x3] =	stream.linear.gather [hbm4b:s10+s6], $0x800, $0x38;
	[tilespmem:$0x1EF00] =	vst v63  }
0x149: {  	_ = 	snop  }
0x14a: {  	[tilespmem:s26], [sflag:$0x3] =	stream.linear.gather [hbm4b:s13+s6], $0x800, $0x38;
	[tilespmem:$0x1EF00] =	vst v63  }
0x14b: {  	_ =	swait.ge [sflag:s7], $0x1000  }
0x14c: {  	[sflag:s7] =	ssyncset.done $0x0  }
0x14d: {  	[sflag:s7] =	ssyncadd.s32 $0xFFFFF000  }
0x14e: {  	_ =	swait.ge [sflag:s7], $0x1000  }
0x14f: {  	[sflag:s7] =	ssyncset.done $0x0  }
0x150: {  	[sflag:s7] =	ssyncadd.s32 $0xFFFFF000  }
0x151: {  	_ =	swait.ge [sflag:s7], $0x800  }
0x152: {  	[sflag:s7] =	ssyncset.done $0x0  }
0x153: {  	[sflag:s7] =	ssyncadd.s32 $0xFFFFF800  }
0x154: {  	_ =	swait.ge [sflag:s7], $0x800  }
0x155: {  	[sflag:s7] =	ssyncset.done $0x0  }
0x156: {  	s18 =	simm.s32 $0x13F20;
	[sflag:s7] =	ssyncadd.s32 $0xFFFFF800  }
0x157: {  	v5 =	vld [tilespmem:s18+$0x10]  }
0x158: {  	v8 =	vld [tilespmem:s18+$0xFFFFFFF0]  }
0x159: {  	v9 =	vld [tilespmem:s18+$0x0]  }
0x15a: {  	s19 =	simm.s32 $0x16F20;
	v10 =	vld [tilespmem:s18+$0xFFFFFFE0]  }
0x15b: {  	v11 =	vld [tilespmem:s19+$0x10]  }
0x15c: {  	v13 =	vld [tilespmem:s19+$0xFFFFFFE0]  }
0x15d: {  	v14 =	vld [tilespmem:s19+$0xFFFFFFF0]  }
0x15e: {  	s20 =	simm.s32 $0x13F60;
	v15 =	vld [tilespmem:s19+$0x0]  }
0x15f: {  	v16 =	vld [tilespmem:s20+$0x10]  }
0x160: {  	v6 =	vld [tilespmem:s20+$0x0]  }
0x161: {  	v7 =	vld [tilespmem:s20+$0xFFFFFFE0]  }
0x162: {  	v12 =	vld.idx.msk [tilespmem:v5+s3+$0x0], $0xffff  }
0x163: {  	v5 =	vld [tilespmem:s20+$0xFFFFFFF0]  }
0x164: {  	v17 =	vld.idx.msk [tilespmem:v10+s3+$0x0], $0xffff  }
0x165: {  	s23 =	simm.s32 $0x30;
	s29 =	simm.s32 $0x20;
	v60 =	vld.idx.msk [tilespmem:v8+s3+$0x0], $0xffff  }
0x166: {  	v62 =	vor.u32 s29, v4;
	s10 =	simm.s32 $0x16F60;
	s13 =	simm.s32 $0x70;
	v10 =	vor.u32 s23, v4;
	v61 =	vld.idx.msk [tilespmem:v9+s3+$0x0], $0xffff  }
0x167: {  	s28 =	simm.s32 $0x10;
	v63 =	vor.u32 s13, v4;
	v8 =	vor.u32 s6, v4;
	v9 =	vld [tilespmem:s10+$0x10];
	vm1 =	vlt.u32 v10, v2  }
0x168: {  	vm0 =	vlt.u32 v8, v2;
	v10 =	vor.u32 s28, v4;
	v8 =	vld.idx.msk [tilespmem:v16+s3+$0x0], $0xffff;
	v11 =	vsel vm1, $0x0, v11  }
0x169: {  	v13 =	vsel vm0, $0x0, v13;
	vm0 =	vlt.u32 v10, v2;
	v12 =	vmul.f32 v11, v12;
	v11 =	vld [tilespmem:s10+$0xFFFFFFE0]  }
0x16a: {  	s9 =	simm.s32 $0x1CF20;
	s30 =	simm.s32 $0x40;
	vm1 =	vlt.u32 v62, v2;
	v10 =	vld [tilespmem:s10+$0xFFFFFFF0];
	v14 =	vsel vm0, $0x0, v14;
	v16 =	vmul.f32 v13, v17  }
0x16b: {  	s11 =	simm.s32 $0x13FA0;
	s13 =	simm.s32 $0xC0;
	v15 =	vsel vm1, $0x0, v15;
	v17 =	vor.u32 s30, v4;
	v14 =	vmul.f32 v14, v60;
	[tilespmem:s9+$0x10] =	vst v12;
	v12 =	vld [tilespmem:s10+$0x0]  }
0x16c: {  	s19 =	simm.s32 $0x50;
	s18 =	simm.s32 $0x60;
	s6 =	simm.s32 $0x80;
	vm1 =	vlt.u32 v63, v2;
	v13 =	vld [tilespmem:s11+$0x10];
	v15 =	vmul.f32 v15, v61;
	vm0 =	vlt.u32 v17, v2;
	[tilespmem:s9+$0xFFFFFFE0] =	vst v16  }
.LBB2_10:
0x16d: {  	p2 =	slt.u32 s13, $0xFC0;
	v16 =	vld [tilespmem:s11+$0xFFFFFFF0];
	v17 =	vor.u32 s19, v4;
	v18 =	vor.u32 s18, v4;
	v9 =	vsel vm1, $0x0, v9;
	[tilespmem:s9+$0xFFFFFFF0] =	vst v14;
	s18 =	smov.u32 s6;
	s6 =	smov.u32 s13  }
0x16e: {  	v14 =	vld [tilespmem:s11+$0x0];
	v19 =	vsel vm0, $0x0, v11;
	vm0 =	vlt.u32 v17, v2;
	v8 =	vmul.f32 v9, v8;
	[tilespmem:s9+$0x0] =	vst v15  }
0x16f: {  	s9 =	sadd.s32 $0x40, s9;
	v11 =	vld [tilespmem:s11+$0xFFFFFFE0];
	v15 =	vsel vm0, $0x0, v10;
	vm0 =	vlt.u32 v18, v2  }
0x170: {  	v17 =	vld.idx.msk [tilespmem:v7+s3+$0x0], $0xffff;
	v18 =	vsel vm0, $0x0, v12;
	[tilespmem:s9+$0x10] =	vst v8  }
0x171: {  	v20 =	vld.idx.msk [tilespmem:v5+s3+$0x0], $0xffff  }
0x172: {  	s10 =	sadd.s32 $0x40, s10;
	v21 =	vld.idx.msk [tilespmem:v6+s3+$0x0], $0xffff;
	v5 =	vmov v16  }
0x173: {  	v9 =	vld [tilespmem:s10+$0x10];
	v6 =	vmov v14  }
.Ltmp4:
0x174: {  	v8 =	vld.idx.msk [tilespmem:v13+s3+$0x0], $0xffff;
	v7 =	vmov v11;
	(pc) =	sbr.rel @p2 .LBB2_10-.Ltmp4, $4  }
0x175: {  	v11 =	vld [tilespmem:s10+$0xFFFFFFE0]  }
0x176: {  	s19 =	sadd.s32 $0x30, s18;
	v16 =	vmul.f32 v19, v17;
	v10 =	vld [tilespmem:s10+$0xFFFFFFF0]  }
0x177: {  	s11 =	sadd.s32 $0x40, s11;
	v17 =	vor.u32 s18, v4;
	v19 =	vor.u32 s19, v4;
	v14 =	vmul.f32 v15, v20;
	v12 =	vld [tilespmem:s10+$0x0]  }
0x178: {  	s13 =	sadd.s32 $0x40, s13;
	s19 =	sadd.s32 $0x10, s18;
	s18 =	sadd.s32 $0x20, s18;
	vm0 =	vlt.u32 v17, v2;
	vm1 =	vlt.u32 v19, v2;
	v15 =	vmul.f32 v18, v21;
	v13 =	vld [tilespmem:s11+$0x10];
	[tilespmem:s9+$0xFFFFFFE0] =	vst v16  }
0x179: {  	_ = 	snop  }
0x17a: {  	v16 =	vld [tilespmem:s11+$0xFFFFFFF0]  }
0x17b: {  	v17 =	vld [tilespmem:s11+$0x0]  }
0x17c: {  	v18 =	vld [tilespmem:s11+$0xFFFFFFE0]  }
0x17d: {  	v7 =	vld.idx.msk [tilespmem:v7+s3+$0x0], $0xffff  }
0x17e: {  	v5 =	vld.idx.msk [tilespmem:v5+s3+$0x0], $0xffff  }
0x17f: {  	v6 =	vld.idx.msk [tilespmem:v6+s3+$0x0], $0xffff;
	s10 =	sadd.s32 $0x40, s10  }
0x180: {  	v19 =	vld [tilespmem:s10+$0x10]  }
0x181: {  	v21 =	vld [tilespmem:s10+$0xFFFFFFE0]  }
0x182: {  	v20 =	vor.u32 s19, v4;
	v54 =	vld [tilespmem:s10+$0xFFFFFFF0]  }
0x183: {  	v22 =	vor.u32 s18, v4;
	v9 =	vsel vm1, $0x0, v9;
	v58 =	vor.u32 s6, v4;
	v56 =	vld [tilespmem:s10+$0x0]  }
0x184: {  	s19 =	sadd.s32 $0x30, s6;
	vm10 =	vlt.u32 v20, v2;
	v8 =	vmul.f32 v9, v8;
	v55 =	vsel vm0, $0x0, v11;
	v13 =	vld.idx.msk [tilespmem:v13+s3+$0x0], $0xffff  }
0x185: {  	[tilespmem:s9+$0xFFFFFFF0] =	vst v14;
	s23 =	sadd.s32 $0x20, s6;
	vm11 =	vlt.u32 v22, v2;
	v59 =	vor.u32 s19, v4;
	vm12 =	vlt.u32 v58, v2;
	v57 =	vld.idx.msk [tilespmem:v18+s3+$0x0], $0xffff  }
0x186: {  	s18 =	sadd.s32 $0x40, s9;
	[tilespmem:s9+$0x0] =	vst v15;
	v62 =	vor.u32 s23, v4;
	v10 =	vsel vm10, $0x0, v10;
	v7 =	vmul.f32 v55, v7;
	v60 =	vld.idx.msk [tilespmem:v16+s3+$0x0], $0xffff  }
0x187: {  	s20 =	sadd.s32 $0x10, s6;
	vm13 =	vlt.u32 v59, v2;
	v12 =	vsel vm11, $0x0, v12;
	[tilespmem:s18+$0x10] =	vst v8;
	v5 =	vmul.f32 v10, v5;
	v61 =	vld.idx.msk [tilespmem:v17+s3+$0x0], $0xffff  }
0x188: {  	v6 =	vmul.f32 v12, v6;
	v14 =	vsel vm13, $0x0, v19;
	[tilespmem:s18+$0xFFFFFFE0] =	vst v7;
	v7 =	vor.u32 s20, v4  }
0x189: {  	[tilespmem:s18+$0xFFFFFFF0] =	vst v5;
	v5 =	vsel vm12, $0x0, v21;
	vm14 =	vlt.u32 v7, v2;
	v7 =	vmul.f32 v14, v13  }
0x18a: {  	s28 =	sadd.s32 $0x40, s18;
	vm15 =	vlt.u32 v62, v2;
	[tilespmem:s18+$0x0] =	vst v6;
	v6 =	vsel vm14, $0x0, v54;
	v5 =	vmul.f32 v5, v57  }
0x18b: {  	v63 =	vsel vm15, $0x0, v56;
	[tilespmem:s28+$0x10] =	vst v7;
	v6 =	vmul.f32 v6, v60  }
0x18c: {  	[tilespmem:s28+$0xFFFFFFE0] =	vst v5;
	v5 =	vmul.f32 v63, v61  }
0x18d: {  	[tilespmem:s28+$0xFFFFFFF0] =	vst v6  }
0x18e: {  	s29 =	simm.s32 $0x1CF00;
	[tilespmem:s28+$0x0] =	vst v5  }
0x18f: {  	[spmem:s5] =	stream.indirect.scatter.add.f32 [tilespmem:s29], [sflag:$0x5], $0x1, s21, s25, $0xb8;
	[tilespmem:$0x1EF00] =	vst v63  }
0x190: {  	s30 =	simm.s32 $0x1D700;
	s6 =	simm.s32 $0x0;
	s18 =	simm.s32 $0x0  }
0x191: {  	[spmem:s5] =	stream.indirect.scatter.add.f32 [tilespmem:s30], [sflag:$0x5], $0x1, s22, s25, $0xb8;
	[tilespmem:$0x1EF00] =	vst v63  }
.LBB2_12:
0x192: {  	s10 =	smul.u32 $0x3000, s6;
	_ =	swait.ge [sflag:s0], $0x800  }
0x193: {  	s9 =	rddreg [dreg:$0x1c]  }
0x194: {  	[sflag:s0] =	ssyncset.done $0x0;
	s11 =	sadd.s32 s10, s9  }
0x195: {  	s13 =	smov.u32 s16;
	[sflag:s0] =	ssyncadd.s32 $0xFFFFF800;
	p2 =	slt.s32 s11, s16  }
0x196: {  	_ =	swait.ge [sflag:s0], $0x800;
	s13 =	smov.u32 @p2 s11  }
0x197: {  	[sflag:s0] =	ssyncset.done $0x0;
	s9 =	sshrl.u32 s13, $0x3  }
0x198: {  	s20 =	simm.s32 $0x12F00;
	[sflag:s0] =	ssyncadd.s32 $0xFFFFF800;
	s19 =	sadd.s32 s1, s9  }
0x199: {  	[tilespmem:s20], [sflag:$0x1] =	stream.linear.gather [hbm4b:s19+s18], $0x1000, $0x38;
	[tilespmem:$0x1EF00] =	vst v63  }
0x19a: {  	s23 =	simm.s32 $0x15F00;
	s20 =	sadd.s32 s4, s9  }
0x19b: {  	[tilespmem:s23], [sflag:$0x1] =	stream.linear.gather [hbm4b:s20+s18], $0x1000, $0x38;
	[tilespmem:$0x1EF00] =	vst v63  }
0x19c: {  	s9 =	sadd.s32 s2, s9  }
0x19d: {  	[tilespmem:s12], [sflag:$0x1] =	stream.linear.gather [hbm4b:s9+s18], $0x800, $0x38;
	[tilespmem:$0x1EF00] =	vst v63  }
0x19e: {  	s9 =	sadd.s32 $0x100, s9  }
0x19f: {  	[tilespmem:s15], [sflag:$0x1] =	stream.linear.gather [hbm4b:s9+s18], $0x800, $0x38;
	[tilespmem:$0x1EF00] =	vst v63  }
0x1a0: {  	_ =	swait.ge [sflag:s14], $0x1000  }
0x1a1: {  	[sflag:s14] =	ssyncset.done $0x0  }
0x1a2: {  	[sflag:s14] =	ssyncadd.s32 $0xFFFFF000  }
0x1a3: {  	_ =	swait.ge [sflag:s14], $0x1000  }
0x1a4: {  	[sflag:s14] =	ssyncset.done $0x0  }
0x1a5: {  	[sflag:s14] =	ssyncadd.s32 $0xFFFFF000  }
0x1a6: {  	_ =	swait.ge [sflag:s14], $0x800  }
0x1a7: {  	[sflag:s14] =	ssyncset.done $0x0  }
0x1a8: {  	[sflag:s14] =	ssyncadd.s32 $0xFFFFF800  }
0x1a9: {  	_ =	swait.ge [sflag:s14], $0x800  }
0x1aa: {  	[sflag:s14] =	ssyncset.done $0x0  }
0x1ab: {  	s19 =	simm.s32 $0x14F20;
	[sflag:s14] =	ssyncadd.s32 $0xFFFFF800  }
0x1ac: {  	v5 =	vld [tilespmem:s19+$0x10]  }
0x1ad: {  	v9 =	vld [tilespmem:s19+$0xFFFFFFF0]  }
0x1ae: {  	v10 =	vld [tilespmem:s19+$0x0]  }
0x1af: {  	s20 =	simm.s32 $0x17F20;
	v11 =	vld [tilespmem:s19+$0xFFFFFFE0]  }
0x1b0: {  	v12 =	vld [tilespmem:s20+$0x10]  }
0x1b1: {  	v14 =	vld [tilespmem:s20+$0xFFFFFFE0]  }
0x1b2: {  	v15 =	vld [tilespmem:s20+$0xFFFFFFF0]  }
0x1b3: {  	s9 =	simm.s32 $0x14F60;
	v16 =	vld [tilespmem:s20+$0x0]  }
0x1b4: {  	v17 =	vld [tilespmem:s9+$0x10]  }
0x1b5: {  	v6 =	vld [tilespmem:s9+$0xFFFFFFF0]  }
0x1b6: {  	s23 =	rddreg [dreg:$0x15];
	v7 =	vld [tilespmem:s9+$0x0]  }
0x1b7: {  	s19 =	sadd.s32 s10, s23;
	v8 =	vld [tilespmem:s9+$0xFFFFFFE0]  }
0x1b8: {  	s20 =	smov.u32 s16;
	p2 =	slt.s32 s19, s16;
	v13 =	vld.idx.msk [tilespmem:v5+s3+$0x0], $0xffff  }
0x1b9: {  	s20 =	smov.u32 @p2 s19;
	v18 =	vld.idx.msk [tilespmem:v11+s3+$0x0], $0xffff  }
0x1ba: {  	s23 =	simm.s32 $0x30;
	s20 =	ssub.s32 s19, s20;
	v19 =	vld.idx.msk [tilespmem:v9+s3+$0x0], $0xffff  }
0x1bb: {  	s28 =	simm.s32 $0x70;
	v5 =	vmov s20;
	v11 =	vor.u32 s23, v4;
	v9 =	vor.u32 s18, v4;
	v20 =	vld.idx.msk [tilespmem:v10+s3+$0x0], $0xffff;
	s20 =	simm.s32 $0x17F60  }
0x1bc: {  	v63 =	vor.u32 s28, v4;
	s19 =	simm.s32 $0x10;
	s23 =	simm.s32 $0x20;
	vm0 =	vlt.u32 v11, v5;
	vm1 =	vlt.u32 v9, v5;
	v10 =	vld [tilespmem:s20+$0x10]  }
0x1bd: {  	v21 =	vor.u32 s23, v4;
	v9 =	vld.idx.msk [tilespmem:v17+s3+$0x0], $0xffff;
	v11 =	vsel vm0, $0x0, v12;
	v12 =	vor.u32 s19, v4  }
0x1be: {  	v14 =	vsel vm1, $0x0, v14;
	vm0 =	vlt.u32 v12, v5;
	v12 =	vld [tilespmem:s20+$0xFFFFFFE0];
	v13 =	vmul.f32 v11, v13  }
0x1bf: {  	s23 =	simm.s32 $0x40;
	vm1 =	vlt.u32 v21, v5;
	s19 =	simm.s32 $0x1DF20;
	v15 =	vsel vm0, $0x0, v15;
	v11 =	vld [tilespmem:s20+$0xFFFFFFF0];
	v17 =	vmul.f32 v14, v18  }
0x1c0: {  	s29 =	simm.s32 $0xC0;
	s28 =	simm.s32 $0x14FA0;
	v16 =	vsel vm1, $0x0, v16;
	v18 =	vor.u32 s23, v4;
	v15 =	vmul.f32 v15, v19;
	[tilespmem:s19+$0x10] =	vst v13;
	v13 =	vld [tilespmem:s20+$0x0]  }
0x1c1: {  	s30 =	simm.s32 $0x60;
	s9 =	simm.s32 $0x80;
	vm1 =	vlt.u32 v63, v5;
	v14 =	vld [tilespmem:s28+$0x10];
	s23 =	simm.s32 $0x50;
	v16 =	vmul.f32 v16, v20;
	vm0 =	vlt.u32 v18, v5;
	[tilespmem:s19+$0xFFFFFFE0] =	vst v17  }
.LBB2_13:
0x1c2: {  	p2 =	slt.u32 s29, $0xFC0;
	v17 =	vld [tilespmem:s28+$0xFFFFFFF0];
	v18 =	vor.u32 s23, v4;
	v19 =	vor.u32 s30, v4;
	v10 =	vsel vm1, $0x0, v10;
	[tilespmem:s19+$0xFFFFFFF0] =	vst v15;
	s30 =	smov.u32 s9;
	s9 =	smov.u32 s29  }
0x1c3: {  	v15 =	vld [tilespmem:s28+$0x0];
	v20 =	vsel vm0, $0x0, v12;
	vm0 =	vlt.u32 v18, v5;
	v9 =	vmul.f32 v10, v9;
	[tilespmem:s19+$0x0] =	vst v16  }
0x1c4: {  	s19 =	sadd.s32 $0x40, s19;
	v12 =	vld [tilespmem:s28+$0xFFFFFFE0];
	v16 =	vsel vm0, $0x0, v11;
	vm0 =	vlt.u32 v19, v5  }
0x1c5: {  	v18 =	vld.idx.msk [tilespmem:v8+s3+$0x0], $0xffff;
	v19 =	vsel vm0, $0x0, v13;
	[tilespmem:s19+$0x10] =	vst v9  }
0x1c6: {  	v21 =	vld.idx.msk [tilespmem:v6+s3+$0x0], $0xffff  }
0x1c7: {  	s20 =	sadd.s32 $0x40, s20;
	v22 =	vld.idx.msk [tilespmem:v7+s3+$0x0], $0xffff;
	v6 =	vmov v17  }
0x1c8: {  	v10 =	vld [tilespmem:s20+$0x10];
	v7 =	vmov v15  }
.Ltmp5:
0x1c9: {  	v9 =	vld.idx.msk [tilespmem:v14+s3+$0x0], $0xffff;
	v8 =	vmov v12;
	(pc) =	sbr.rel @p2 .LBB2_13-.Ltmp5, $4  }
0x1ca: {  	v12 =	vld [tilespmem:s20+$0xFFFFFFE0]  }
0x1cb: {  	s23 =	sadd.s32 $0x30, s30;
	v17 =	vmul.f32 v20, v18;
	v11 =	vld [tilespmem:s20+$0xFFFFFFF0]  }
0x1cc: {  	s28 =	sadd.s32 $0x40, s28;
	v18 =	vor.u32 s30, v4;
	v20 =	vor.u32 s23, v4;
	v15 =	vmul.f32 v16, v21;
	v13 =	vld [tilespmem:s20+$0x0]  }
0x1cd: {  	s29 =	sadd.s32 $0x40, s29;
	s23 =	sadd.s32 $0x10, s30;
	s30 =	sadd.s32 $0x20, s30;
	vm0 =	vlt.u32 v18, v5;
	vm1 =	vlt.u32 v20, v5;
	v16 =	vmul.f32 v19, v22;
	v14 =	vld [tilespmem:s28+$0x10];
	[tilespmem:s19+$0xFFFFFFE0] =	vst v17  }
0x1ce: {  	_ = 	snop  }
0x1cf: {  	v17 =	vld [tilespmem:s28+$0xFFFFFFF0]  }
0x1d0: {  	v18 =	vld [tilespmem:s28+$0x0]  }
0x1d1: {  	v19 =	vld [tilespmem:s28+$0xFFFFFFE0]  }
0x1d2: {  	v8 =	vld.idx.msk [tilespmem:v8+s3+$0x0], $0xffff  }
0x1d3: {  	v6 =	vld.idx.msk [tilespmem:v6+s3+$0x0], $0xffff  }
0x1d4: {  	v7 =	vld.idx.msk [tilespmem:v7+s3+$0x0], $0xffff;
	s20 =	sadd.s32 $0x40, s20  }
0x1d5: {  	v20 =	vld [tilespmem:s20+$0x10]  }
0x1d6: {  	v22 =	vld [tilespmem:s20+$0xFFFFFFE0]  }
0x1d7: {  	v21 =	vor.u32 s23, v4;
	v10 =	vsel vm1, $0x0, v10;
	v60 =	vld [tilespmem:s20+$0xFFFFFFF0]  }
0x1d8: {  	v23 =	vor.u32 s30, v4;
	v9 =	vmul.f32 v10, v9;
	v10 =	vsel vm0, $0x0, v12;
	v12 =	vld [tilespmem:s20+$0x0]  }
0x1d9: {  	[tilespmem:s19+$0xFFFFFFF0] =	vst v15;
	s23 =	sadd.s32 $0x30, s9;
	vm1 =	vlt.u32 v21, v5;
	vm0 =	vlt.u32 v23, v5;
	v14 =	vld.idx.msk [tilespmem:v14+s3+$0x0], $0xffff  }
0x1da: {  	[tilespmem:s19+$0x0] =	vst v16;
	s19 =	sadd.s32 $0x40, s19;
	v15 =	vor.u32 s23, v4;
	v11 =	vsel vm1, $0x0, v11;
	v8 =	vmul.f32 v10, v8;
	v10 =	vld.idx.msk [tilespmem:v19+s3+$0x0], $0xffff  }
0x1db: {  	v13 =	vsel vm0, $0x0, v13;
	[tilespmem:s19+$0x10] =	vst v9;
	v9 =	vor.u32 s9, v4;
	v6 =	vmul.f32 v11, v6;
	v11 =	vld.idx.msk [tilespmem:v17+s3+$0x0], $0xffff  }
0x1dc: {  	s20 =	sadd.s32 $0x10, s9;
	s23 =	sadd.s32 $0x20, s9;
	vm1 =	vlt.u32 v15, v5;
	vm0 =	vlt.u32 v9, v5;
	v7 =	vmul.f32 v13, v7;
	v9 =	vld.idx.msk [tilespmem:v18+s3+$0x0], $0xffff  }
0x1dd: {  	v13 =	vor.u32 s23, v4;
	v15 =	vsel vm1, $0x0, v20;
	[tilespmem:s19+$0xFFFFFFE0] =	vst v8;
	v8 =	vor.u32 s20, v4  }
0x1de: {  	[tilespmem:s19+$0xFFFFFFF0] =	vst v6;
	v6 =	vsel vm0, $0x0, v22;
	vm0 =	vlt.u32 v8, v5;
	v8 =	vmul.f32 v15, v14  }
0x1df: {  	[tilespmem:s19+$0x0] =	vst v7;
	s19 =	sadd.s32 $0x40, s19;
	v7 =	vsel vm0, $0x0, v60;
	vm0 =	vlt.u32 v13, v5;
	v5 =	vmul.f32 v6, v10  }
0x1e0: {  	[tilespmem:s19+$0x10] =	vst v8;
	v6 =	vsel vm0, $0x0, v12;
	v7 =	vmul.f32 v7, v11  }
0x1e1: {  	[tilespmem:s19+$0xFFFFFFE0] =	vst v5;
	v5 =	vmul.f32 v6, v9  }
0x1e2: {  	[tilespmem:s19+$0xFFFFFFF0] =	vst v7  }
0x1e3: {  	s23 =	simm.s32 $0x1DF00;
	s20 =	simm.s32 $0x1AF00;
	[tilespmem:s19+$0x0] =	vst v5  }
0x1e4: {  	[spmem:s5] =	stream.indirect.scatter.add.f32 [tilespmem:s23], [sflag:$0x6], $0x1, s20, s25, $0xb8;
	[tilespmem:$0x1EF00] =	vst v63  }
0x1e5: {  	s19 =	simm.s32 $0x1E700  }
0x1e6: {  	[spmem:s5] =	stream.indirect.scatter.add.f32 [tilespmem:s19], [sflag:$0x6], $0x1, s26, s25, $0xb8;
	[tilespmem:$0x1EF00] =	vst v63  }
0x1e7: {  	_ =	swait.ge [sflag:s8], $0x800  }
0x1e8: {  	s20 =	rddreg [dreg:$0x1d]  }
0x1e9: {  	[sflag:s8] =	ssyncset.done $0x0;
	s9 =	sadd.s32 s10, s20  }
0x1ea: {  	s19 =	smov.u32 s16;
	[sflag:s8] =	ssyncadd.s32 $0xFFFFF800;
	p2 =	slt.s32 s9, s16  }
0x1eb: {  	_ =	swait.ge [sflag:s8], $0x800;
	s19 =	smov.u32 @p2 s9  }
0x1ec: {  	s28 =	simm.s32 $0x0;
	[sflag:s8] =	ssyncset.done $0x0;
	s20 =	sshrl.u32 s19, $0x3  }
0x1ed: {  	s29 =	simm.s32 $0x13F00;
	[sflag:s8] =	ssyncadd.s32 $0xFFFFF800;
	s23 =	sadd.s32 s1, s20  }
0x1ee: {  	[tilespmem:s29], [sflag:$0x2] =	stream.linear.gather [hbm4b:s23+s28], $0x1000, $0x38;
	[tilespmem:$0x1EF00] =	vst v63  }
0x1ef: {  	s23 =	sadd.s32 s4, s20;
	s29 =	simm.s32 $0x16F00  }
0x1f0: {  	[tilespmem:s29], [sflag:$0x2] =	stream.linear.gather [hbm4b:s23+s28], $0x1000, $0x38;
	[tilespmem:$0x1EF00] =	vst v63  }
0x1f1: {  	s20 =	sadd.s32 s2, s20  }
0x1f2: {  	[tilespmem:s21], [sflag:$0x2] =	stream.linear.gather [hbm4b:s20+s28], $0x800, $0x38;
	[tilespmem:$0x1EF00] =	vst v63  }
0x1f3: {  	s20 =	sadd.s32 $0x100, s20  }
0x1f4: {  	[tilespmem:s22], [sflag:$0x2] =	stream.linear.gather [hbm4b:s20+s28], $0x800, $0x38;
	[tilespmem:$0x1EF00] =	vst v63  }
0x1f5: {  	_ =	swait.ge [sflag:s24], $0x1000  }
0x1f6: {  	[sflag:s24] =	ssyncset.done $0x0  }
0x1f7: {  	[sflag:s24] =	ssyncadd.s32 $0xFFFFF000  }
0x1f8: {  	_ =	swait.ge [sflag:s24], $0x1000  }
0x1f9: {  	[sflag:s24] =	ssyncset.done $0x0  }
0x1fa: {  	[sflag:s24] =	ssyncadd.s32 $0xFFFFF000  }
0x1fb: {  	_ =	swait.ge [sflag:s24], $0x800  }
0x1fc: {  	[sflag:s24] =	ssyncset.done $0x0  }
0x1fd: {  	[sflag:s24] =	ssyncadd.s32 $0xFFFFF800  }
0x1fe: {  	_ =	swait.ge [sflag:s24], $0x800  }
0x1ff: {  	[sflag:s24] =	ssyncset.done $0x0  }
0x200: {  	s20 =	simm.s32 $0x12F20;
	[sflag:s24] =	ssyncadd.s32 $0xFFFFF800  }
0x201: {  	v5 =	vld [tilespmem:s20+$0x10]  }
0x202: {  	v9 =	vld [tilespmem:s20+$0xFFFFFFF0]  }
0x203: {  	v10 =	vld [tilespmem:s20+$0x0]  }
0x204: {  	s23 =	simm.s32 $0x15F20;
	v11 =	vld [tilespmem:s20+$0xFFFFFFE0]  }
0x205: {  	v12 =	vld [tilespmem:s23+$0x10]  }
0x206: {  	v14 =	vld [tilespmem:s23+$0xFFFFFFE0]  }
0x207: {  	v15 =	vld [tilespmem:s23+$0xFFFFFFF0]  }
0x208: {  	v16 =	vld [tilespmem:s23+$0x0];
	s23 =	simm.s32 $0x12F60  }
0x209: {  	v17 =	vld [tilespmem:s23+$0x10]  }
0x20a: {  	v6 =	vld [tilespmem:s23+$0xFFFFFFF0]  }
0x20b: {  	v7 =	vld [tilespmem:s23+$0x0]  }
0x20c: {  	v8 =	vld [tilespmem:s23+$0xFFFFFFE0]  }
0x20d: {  	v13 =	vld.idx.msk [tilespmem:v5+s3+$0x0], $0xffff  }
0x20e: {  	v18 =	vld.idx.msk [tilespmem:v11+s3+$0x0], $0xffff  }
0x20f: {  	s11 =	ssub.s32 s11, s13;
	s23 =	simm.s32 $0x30;
	v19 =	vld.idx.msk [tilespmem:v9+s3+$0x0], $0xffff  }
0x210: {  	s13 =	simm.s32 $0x10;
	s20 =	simm.s32 $0x15F60;
	v5 =	vmov s11;
	v9 =	vor.u32 s28, v4;
	v11 =	vor.u32 s23, v4;
	v61 =	vld.idx.msk [tilespmem:v10+s3+$0x0], $0xffff  }
0x211: {  	s23 =	simm.s32 $0x20;
	v10 =	vld [tilespmem:s20+$0x10];
	s28 =	simm.s32 $0x70;
	vm0 =	vlt.u32 v9, v5;
	vm1 =	vlt.u32 v11, v5;
	v11 =	vor.u32 s13, v4  }
0x212: {  	v62 =	vor.u32 s23, v4;
	v9 =	vld.idx.msk [tilespmem:v17+s3+$0x0], $0xffff;
	v63 =	vor.u32 s28, v4;
	v12 =	vsel vm1, $0x0, v12  }
0x213: {  	v14 =	vsel vm0, $0x0, v14;
	vm0 =	vlt.u32 v11, v5;
	v13 =	vmul.f32 v12, v13;
	v12 =	vld [tilespmem:s20+$0xFFFFFFE0]  }
0x214: {  	s13 =	simm.s32 $0x1BF20;
	s23 =	simm.s32 $0x40;
	vm1 =	vlt.u32 v62, v5;
	v11 =	vld [tilespmem:s20+$0xFFFFFFF0];
	v15 =	vsel vm0, $0x0, v15;
	v17 =	vmul.f32 v14, v18  }
0x215: {  	s30 =	simm.s32 $0x60;
	s28 =	simm.s32 $0x12FA0;
	v16 =	vsel vm1, $0x0, v16;
	v18 =	vor.u32 s23, v4;
	v15 =	vmul.f32 v15, v19;
	[tilespmem:s13+$0x10] =	vst v13;
	v13 =	vld [tilespmem:s20+$0x0]  }
0x216: {  	s29 =	simm.s32 $0xC0;
	s11 =	simm.s32 $0x80;
	vm1 =	vlt.u32 v63, v5;
	v14 =	vld [tilespmem:s28+$0x10];
	s23 =	simm.s32 $0x50;
	v16 =	vmul.f32 v16, v61;
	vm0 =	vlt.u32 v18, v5;
	[tilespmem:s13+$0xFFFFFFE0] =	vst v17  }
.LBB2_15:
0x217: {  	p2 =	slt.u32 s29, $0xFC0;
	v17 =	vld [tilespmem:s28+$0xFFFFFFF0];
	v18 =	vor.u32 s23, v4;
	v19 =	vor.u32 s30, v4;
	v10 =	vsel vm1, $0x0, v10;
	[tilespmem:s13+$0xFFFFFFF0] =	vst v15;
	s30 =	smov.u32 s11;
	s11 =	smov.u32 s29  }
0x218: {  	v15 =	vld [tilespmem:s28+$0x0];
	v20 =	vsel vm0, $0x0, v12;
	vm0 =	vlt.u32 v18, v5;
	v9 =	vmul.f32 v10, v9;
	[tilespmem:s13+$0x0] =	vst v16  }
0x219: {  	s13 =	sadd.s32 $0x40, s13;
	v12 =	vld [tilespmem:s28+$0xFFFFFFE0];
	v16 =	vsel vm0, $0x0, v11;
	vm0 =	vlt.u32 v19, v5  }
0x21a: {  	v18 =	vld.idx.msk [tilespmem:v8+s3+$0x0], $0xffff;
	v19 =	vsel vm0, $0x0, v13;
	[tilespmem:s13+$0x10] =	vst v9  }
0x21b: {  	v21 =	vld.idx.msk [tilespmem:v6+s3+$0x0], $0xffff  }
0x21c: {  	s20 =	sadd.s32 $0x40, s20;
	v22 =	vld.idx.msk [tilespmem:v7+s3+$0x0], $0xffff;
	v6 =	vmov v17  }
0x21d: {  	v10 =	vld [tilespmem:s20+$0x10];
	v7 =	vmov v15  }
.Ltmp6:
0x21e: {  	v9 =	vld.idx.msk [tilespmem:v14+s3+$0x0], $0xffff;
	v8 =	vmov v12;
	(pc) =	sbr.rel @p2 .LBB2_15-.Ltmp6, $4  }
0x21f: {  	v12 =	vld [tilespmem:s20+$0xFFFFFFE0]  }
0x220: {  	s23 =	sadd.s32 $0x30, s30;
	v17 =	vmul.f32 v20, v18;
	v11 =	vld [tilespmem:s20+$0xFFFFFFF0]  }
0x221: {  	s28 =	sadd.s32 $0x40, s28;
	v18 =	vor.u32 s30, v4;
	v20 =	vor.u32 s23, v4;
	v15 =	vmul.f32 v16, v21;
	v13 =	vld [tilespmem:s20+$0x0]  }
0x222: {  	s29 =	sadd.s32 $0x40, s29;
	s23 =	sadd.s32 $0x10, s30;
	s30 =	sadd.s32 $0x20, s30;
	vm0 =	vlt.u32 v18, v5;
	vm1 =	vlt.u32 v20, v5;
	v16 =	vmul.f32 v19, v22;
	v14 =	vld [tilespmem:s28+$0x10];
	[tilespmem:s13+$0xFFFFFFE0] =	vst v17  }
0x223: {  	_ = 	snop  }
0x224: {  	v17 =	vld [tilespmem:s28+$0xFFFFFFF0]  }
0x225: {  	v18 =	vld [tilespmem:s28+$0x0]  }
0x226: {  	v19 =	vld [tilespmem:s28+$0xFFFFFFE0]  }
0x227: {  	v8 =	vld.idx.msk [tilespmem:v8+s3+$0x0], $0xffff  }
0x228: {  	v6 =	vld.idx.msk [tilespmem:v6+s3+$0x0], $0xffff  }
0x229: {  	v7 =	vld.idx.msk [tilespmem:v7+s3+$0x0], $0xffff;
	s20 =	sadd.s32 $0x40, s20  }
0x22a: {  	v20 =	vld [tilespmem:s20+$0x10]  }
0x22b: {  	v22 =	vld [tilespmem:s20+$0xFFFFFFE0]  }
0x22c: {  	v21 =	vor.u32 s23, v4;
	v10 =	vsel vm1, $0x0, v10;
	v60 =	vld [tilespmem:s20+$0xFFFFFFF0]  }
0x22d: {  	v23 =	vor.u32 s30, v4;
	v9 =	vmul.f32 v10, v9;
	v10 =	vsel vm0, $0x0, v12;
	v12 =	vld [tilespmem:s20+$0x0]  }
0x22e: {  	[tilespmem:s13+$0xFFFFFFF0] =	vst v15;
	s28 =	sadd.s32 $0x30, s11;
	vm1 =	vlt.u32 v21, v5;
	vm0 =	vlt.u32 v23, v5;
	v14 =	vld.idx.msk [tilespmem:v14+s3+$0x0], $0xffff  }
0x22f: {  	s23 =	sadd.s32 $0x40, s13;
	[tilespmem:s13+$0x0] =	vst v16;
	v15 =	vor.u32 s28, v4;
	v11 =	vsel vm1, $0x0, v11;
	v8 =	vmul.f32 v10, v8;
	v10 =	vld.idx.msk [tilespmem:v19+s3+$0x0], $0xffff  }
0x230: {  	v13 =	vsel vm0, $0x0, v13;
	[tilespmem:s23+$0x10] =	vst v9;
	v9 =	vor.u32 s11, v4;
	v6 =	vmul.f32 v11, v6;
	v11 =	vld.idx.msk [tilespmem:v17+s3+$0x0], $0xffff  }
0x231: {  	s29 =	sadd.s32 $0x10, s11;
	s30 =	sadd.s32 $0x20, s11;
	vm1 =	vlt.u32 v15, v5;
	vm0 =	vlt.u32 v9, v5;
	v7 =	vmul.f32 v13, v7;
	v9 =	vld.idx.msk [tilespmem:v18+s3+$0x0], $0xffff  }
0x232: {  	v13 =	vor.u32 s30, v4;
	v15 =	vsel vm1, $0x0, v20;
	[tilespmem:s23+$0xFFFFFFE0] =	vst v8;
	v8 =	vor.u32 s29, v4  }
0x233: {  	[tilespmem:s23+$0xFFFFFFF0] =	vst v6;
	v6 =	vsel vm0, $0x0, v22;
	vm0 =	vlt.u32 v8, v5;
	v8 =	vmul.f32 v15, v14  }
0x234: {  	s20 =	sadd.s32 $0x40, s23;
	[tilespmem:s23+$0x0] =	vst v7;
	v7 =	vsel vm0, $0x0, v60;
	vm0 =	vlt.u32 v13, v5;
	v5 =	vmul.f32 v6, v10  }
0x235: {  	[tilespmem:s20+$0x10] =	vst v8;
	v6 =	vsel vm0, $0x0, v12;
	v7 =	vmul.f32 v7, v11  }
0x236: {  	[tilespmem:s20+$0xFFFFFFE0] =	vst v5;
	v5 =	vmul.f32 v6, v9  }
0x237: {  	[tilespmem:s20+$0xFFFFFFF0] =	vst v7  }
0x238: {  	s23 =	simm.s32 $0x1BF00;
	[tilespmem:s20+$0x0] =	vst v5  }
0x239: {  	[spmem:s5] =	stream.indirect.scatter.add.f32 [tilespmem:s23], [sflag:$0x4], $0x1, s12, s25, $0xb8;
	[tilespmem:$0x1EF00] =	vst v63  }
0x23a: {  	s28 =	simm.s32 $0x1C700  }
0x23b: {  	[spmem:s5] =	stream.indirect.scatter.add.f32 [tilespmem:s28], [sflag:$0x4], $0x1, s15, s25, $0xb8;
	[tilespmem:$0x1EF00] =	vst v63  }
0x23c: {  	_ =	swait.ge [sflag:s17], $0x800  }
0x23d: {  	s29 =	rddreg [dreg:$0x1e]  }
0x23e: {  	[sflag:s17] =	ssyncset.done $0x0;
	s10 =	sadd.s32 s10, s29  }
0x23f: {  	s11 =	smov.u32 s16;
	[sflag:s17] =	ssyncadd.s32 $0xFFFFF800;
	p2 =	slt.s32 s10, s16  }
0x240: {  	_ =	swait.ge [sflag:s17], $0x800;
	s11 =	smov.u32 @p2 s10  }
0x241: {  	s13 =	simm.s32 $0x0;
	[sflag:s17] =	ssyncset.done $0x0;
	s10 =	sshrl.u32 s11, $0x3  }
0x242: {  	s30 =	simm.s32 $0x14F00;
	[sflag:s17] =	ssyncadd.s32 $0xFFFFF800;
	s11 =	sadd.s32 s1, s10  }
0x243: {  	[tilespmem:s30], [sflag:$0x3] =	stream.linear.gather [hbm4b:s11+s13], $0x1000, $0x38;
	[tilespmem:$0x1EF00] =	vst v63  }
0x244: {  	s23 =	simm.s32 $0x17F00;
	s20 =	sadd.s32 s4, s10  }
0x245: {  	[tilespmem:s23], [sflag:$0x3] =	stream.linear.gather [hbm4b:s20+s13], $0x1000, $0x38;
	[tilespmem:$0x1EF00] =	vst v63  }
0x246: {  	s28 =	simm.s32 $0x1AF00;
	s10 =	sadd.s32 s2, s10  }
0x247: {  	[tilespmem:s28], [sflag:$0x3] =	stream.linear.gather [hbm4b:s10+s13], $0x800, $0x38;
	[tilespmem:$0x1EF00] =	vst v63  }
0x248: {  	s10 =	sadd.s32 $0x100, s10  }
0x249: {  	[tilespmem:s26], [sflag:$0x3] =	stream.linear.gather [hbm4b:s10+s13], $0x800, $0x38;
	[tilespmem:$0x1EF00] =	vst v63  }
0x24a: {  	_ =	swait.ge [sflag:s7], $0x1000  }
0x24b: {  	[sflag:s7] =	ssyncset.done $0x0  }
0x24c: {  	[sflag:s7] =	ssyncadd.s32 $0xFFFFF000  }
0x24d: {  	_ =	swait.ge [sflag:s7], $0x1000  }
0x24e: {  	[sflag:s7] =	ssyncset.done $0x0  }
0x24f: {  	[sflag:s7] =	ssyncadd.s32 $0xFFFFF000  }
0x250: {  	_ =	swait.ge [sflag:s7], $0x800  }
0x251: {  	[sflag:s7] =	ssyncset.done $0x0  }
0x252: {  	[sflag:s7] =	ssyncadd.s32 $0xFFFFF800  }
0x253: {  	_ =	swait.ge [sflag:s7], $0x800  }
0x254: {  	[sflag:s7] =	ssyncset.done $0x0  }
0x255: {  	s29 =	simm.s32 $0x13F20;
	[sflag:s7] =	ssyncadd.s32 $0xFFFFF800  }
0x256: {  	v5 =	vld [tilespmem:s29+$0x10]  }
0x257: {  	v9 =	vld [tilespmem:s29+$0xFFFFFFF0]  }
0x258: {  	v10 =	vld [tilespmem:s29+$0x0]  }
0x259: {  	s30 =	simm.s32 $0x16F20;
	v11 =	vld [tilespmem:s29+$0xFFFFFFE0]  }
0x25a: {  	v12 =	vld [tilespmem:s30+$0x10]  }
0x25b: {  	v14 =	vld [tilespmem:s30+$0xFFFFFFE0]  }
0x25c: {  	v15 =	vld [tilespmem:s30+$0xFFFFFFF0]  }
0x25d: {  	s11 =	simm.s32 $0x13F60;
	v16 =	vld [tilespmem:s30+$0x0]  }
0x25e: {  	v17 =	vld [tilespmem:s11+$0x10]  }
0x25f: {  	v6 =	vld [tilespmem:s11+$0xFFFFFFF0]  }
0x260: {  	v7 =	vld [tilespmem:s11+$0x0]  }
0x261: {  	v8 =	vld [tilespmem:s11+$0xFFFFFFE0]  }
0x262: {  	v13 =	vld.idx.msk [tilespmem:v5+s3+$0x0], $0xffff  }
0x263: {  	v18 =	vld.idx.msk [tilespmem:v11+s3+$0x0], $0xffff  }
0x264: {  	s9 =	ssub.s32 s9, s19;
	s20 =	simm.s32 $0x30;
	s28 =	simm.s32 $0x20;
	v19 =	vld.idx.msk [tilespmem:v9+s3+$0x0], $0xffff  }
0x265: {  	v62 =	vor.u32 s28, v4;
	s11 =	simm.s32 $0x16F60;
	s30 =	simm.s32 $0x70;
	v5 =	vmov s9;
	v11 =	vor.u32 s20, v4;
	v61 =	vld.idx.msk [tilespmem:v10+s3+$0x0], $0xffff  }
0x266: {  	s23 =	simm.s32 $0x10;
	v63 =	vor.u32 s30, v4;
	v9 =	vor.u32 s13, v4;
	v10 =	vld [tilespmem:s11+$0x10];
	vm1 =	vlt.u32 v11, v5  }
0x267: {  	vm0 =	vlt.u32 v9, v5;
	v11 =	vor.u32 s23, v4;
	v9 =	vld.idx.msk [tilespmem:v17+s3+$0x0], $0xffff;
	v12 =	vsel vm1, $0x0, v12  }
0x268: {  	v14 =	vsel vm0, $0x0, v14;
	vm0 =	vlt.u32 v11, v5;
	v13 =	vmul.f32 v12, v13;
	v12 =	vld [tilespmem:s11+$0xFFFFFFE0]  }
0x269: {  	s10 =	simm.s32 $0x1CF20;
	s29 =	simm.s32 $0x40;
	vm1 =	vlt.u32 v62, v5;
	v11 =	vld [tilespmem:s11+$0xFFFFFFF0];
	v15 =	vsel vm0, $0x0, v15;
	v17 =	vmul.f32 v14, v18  }
0x26a: {  	s19 =	simm.s32 $0xC0;
	s13 =	simm.s32 $0x13FA0;
	v16 =	vsel vm1, $0x0, v16;
	v18 =	vor.u32 s29, v4;
	v15 =	vmul.f32 v15, v19;
	[tilespmem:s10+$0x10] =	vst v13;
	v13 =	vld [tilespmem:s11+$0x0]  }
0x26b: {  	s9 =	simm.s32 $0x80;
	s20 =	simm.s32 $0x60;
	s23 =	simm.s32 $0x50;
	vm1 =	vlt.u32 v63, v5;
	v14 =	vld [tilespmem:s13+$0x10];
	v16 =	vmul.f32 v16, v61;
	vm0 =	vlt.u32 v18, v5;
	[tilespmem:s10+$0xFFFFFFE0] =	vst v17  }
.LBB2_17:
0x26c: {  	p2 =	slt.u32 s19, $0xFC0;
	v17 =	vld [tilespmem:s13+$0xFFFFFFF0];
	v18 =	vor.u32 s23, v4;
	v19 =	vor.u32 s20, v4;
	v10 =	vsel vm1, $0x0, v10;
	[tilespmem:s10+$0xFFFFFFF0] =	vst v15;
	s20 =	smov.u32 s9;
	s9 =	smov.u32 s19  }
0x26d: {  	v15 =	vld [tilespmem:s13+$0x0];
	v20 =	vsel vm0, $0x0, v12;
	vm0 =	vlt.u32 v18, v5;
	v9 =	vmul.f32 v10, v9;
	[tilespmem:s10+$0x0] =	vst v16  }
0x26e: {  	s10 =	sadd.s32 $0x40, s10;
	v12 =	vld [tilespmem:s13+$0xFFFFFFE0];
	v16 =	vsel vm0, $0x0, v11;
	vm0 =	vlt.u32 v19, v5  }
0x26f: {  	v18 =	vld.idx.msk [tilespmem:v8+s3+$0x0], $0xffff;
	v19 =	vsel vm0, $0x0, v13;
	[tilespmem:s10+$0x10] =	vst v9  }
0x270: {  	v21 =	vld.idx.msk [tilespmem:v6+s3+$0x0], $0xffff  }
0x271: {  	s11 =	sadd.s32 $0x40, s11;
	v22 =	vld.idx.msk [tilespmem:v7+s3+$0x0], $0xffff;
	v6 =	vmov v17  }
0x272: {  	v10 =	vld [tilespmem:s11+$0x10];
	v7 =	vmov v15  }
.Ltmp7:
0x273: {  	v9 =	vld.idx.msk [tilespmem:v14+s3+$0x0], $0xffff;
	v8 =	vmov v12;
	(pc) =	sbr.rel @p2 .LBB2_17-.Ltmp7, $4  }
0x274: {  	v12 =	vld [tilespmem:s11+$0xFFFFFFE0]  }
0x275: {  	s23 =	sadd.s32 $0x30, s20;
	v17 =	vmul.f32 v20, v18;
	v11 =	vld [tilespmem:s11+$0xFFFFFFF0]  }
0x276: {  	s13 =	sadd.s32 $0x40, s13;
	v18 =	vor.u32 s20, v4;
	v20 =	vor.u32 s23, v4;
	v15 =	vmul.f32 v16, v21;
	v13 =	vld [tilespmem:s11+$0x0]  }
0x277: {  	s19 =	sadd.s32 $0x40, s19;
	s23 =	sadd.s32 $0x10, s20;
	s20 =	sadd.s32 $0x20, s20;
	vm0 =	vlt.u32 v18, v5;
	vm1 =	vlt.u32 v20, v5;
	v16 =	vmul.f32 v19, v22;
	v14 =	vld [tilespmem:s13+$0x10];
	[tilespmem:s10+$0xFFFFFFE0] =	vst v17  }
0x278: {  	_ = 	snop  }
0x279: {  	v17 =	vld [tilespmem:s13+$0xFFFFFFF0]  }
0x27a: {  	v18 =	vld [tilespmem:s13+$0x0]  }
0x27b: {  	v19 =	vld [tilespmem:s13+$0xFFFFFFE0]  }
0x27c: {  	v8 =	vld.idx.msk [tilespmem:v8+s3+$0x0], $0xffff  }
0x27d: {  	v6 =	vld.idx.msk [tilespmem:v6+s3+$0x0], $0xffff  }
0x27e: {  	v7 =	vld.idx.msk [tilespmem:v7+s3+$0x0], $0xffff;
	s11 =	sadd.s32 $0x40, s11  }
0x27f: {  	v20 =	vld [tilespmem:s11+$0x10]  }
0x280: {  	v22 =	vld [tilespmem:s11+$0xFFFFFFE0]  }
0x281: {  	v21 =	vor.u32 s23, v4;
	v53 =	vld [tilespmem:s11+$0xFFFFFFF0]  }
0x282: {  	v23 =	vor.u32 s20, v4;
	v10 =	vsel vm1, $0x0, v10;
	v57 =	vor.u32 s9, v4;
	v55 =	vld [tilespmem:s11+$0x0]  }
0x283: {  	s19 =	sadd.s32 $0x30, s9;
	vm10 =	vlt.u32 v21, v5;
	v9 =	vmul.f32 v10, v9;
	v54 =	vsel vm0, $0x0, v12;
	v14 =	vld.idx.msk [tilespmem:v14+s3+$0x0], $0xffff  }
0x284: {  	[tilespmem:s10+$0xFFFFFFF0] =	vst v15;
	s20 =	sadd.s32 $0x10, s9;
	vm11 =	vlt.u32 v23, v5;
	v58 =	vor.u32 s19, v4;
	vm12 =	vlt.u32 v57, v5;
	v56 =	vld.idx.msk [tilespmem:v19+s3+$0x0], $0xffff  }
0x285: {  	s13 =	sadd.s32 $0x40, s10;
	[tilespmem:s10+$0x0] =	vst v16;
	v61 =	vor.u32 s20, v4;
	v11 =	vsel vm10, $0x0, v11;
	v8 =	vmul.f32 v54, v8;
	v59 =	vld.idx.msk [tilespmem:v17+s3+$0x0], $0xffff  }
0x286: {  	s23 =	sadd.s32 $0x20, s9;
	vm13 =	vlt.u32 v58, v5;
	v13 =	vsel vm11, $0x0, v13;
	[tilespmem:s13+$0x10] =	vst v9;
	v6 =	vmul.f32 v11, v6;
	v60 =	vld.idx.msk [tilespmem:v18+s3+$0x0], $0xffff  }
0x287: {  	v62 =	vor.u32 s23, v4;
	v7 =	vmul.f32 v13, v7;
	v15 =	vsel vm13, $0x0, v20;
	[tilespmem:s13+$0xFFFFFFE0] =	vst v8  }
0x288: {  	vm14 =	vlt.u32 v61, v5;
	[tilespmem:s13+$0xFFFFFFF0] =	vst v6;
	v6 =	vsel vm12, $0x0, v22;
	v63 =	vmul.f32 v15, v14  }
0x289: {  	s28 =	sadd.s32 $0x40, s13;
	vm15 =	vlt.u32 v62, v5;
	[tilespmem:s13+$0x0] =	vst v7;
	v7 =	vsel vm14, $0x0, v53;
	v5 =	vmul.f32 v6, v56  }
0x28a: {  	s6 =	sadd.s32 $0x1, s6;
	[tilespmem:s28+$0x10] =	vst v63;
	v6 =	vsel vm15, $0x0, v55;
	v7 =	vmul.f32 v7, v59  }
0x28b: {  	p2 =	sne.s32 s6, $0x6;
	[tilespmem:s28+$0xFFFFFFE0] =	vst v5;
	v5 =	vmul.f32 v6, v60  }
.Ltmp8:
0x28c: {  	[tilespmem:s28+$0xFFFFFFF0] =	vst v7;
	(pc) =	sbr.rel @p2 .LBB2_12-.Ltmp8, $4  }
0x28d: {  	s29 =	simm.s32 $0x1CF00;
	[tilespmem:s28+$0x0] =	vst v5  }
0x28e: {  	[spmem:s5] =	stream.indirect.scatter.add.f32 [tilespmem:s29], [sflag:$0x5], $0x1, s21, s25, $0xb8;
	[tilespmem:$0x1EF00] =	vst v63  }
0x28f: {  	s30 =	simm.s32 $0x1D700  }
0x290: {  	[spmem:s5] =	stream.indirect.scatter.add.f32 [tilespmem:s30], [sflag:$0x5], $0x1, s22, s25, $0xb8;
	[tilespmem:$0x1EF00] =	vst v63  }
0x291: {  	_ =	swait.ge [sflag:s0], $0x800  }
0x292: {  	[sflag:s0] =	ssyncset.done $0x0  }
0x293: {  	[sflag:s0] =	ssyncadd.s32 $0xFFFFF800  }
0x294: {  	_ =	swait.ge [sflag:s0], $0x800  }
0x295: {  	[sflag:s0] =	ssyncset.done $0x0  }
0x296: {  	[sflag:s0] =	ssyncadd.s32 $0xFFFFF800  }
0x297: {  	_ =	swait.ge [sflag:s8], $0x800  }
0x298: {  	[sflag:s8] =	ssyncset.done $0x0  }
0x299: {  	[sflag:s8] =	ssyncadd.s32 $0xFFFFF800  }
0x29a: {  	_ =	swait.ge [sflag:s8], $0x800  }
0x29b: {  	[sflag:s8] =	ssyncset.done $0x0  }
0x29c: {  	[sflag:s8] =	ssyncadd.s32 $0xFFFFF800  }
0x29d: {  	_ =	swait.ge [sflag:s14], $0x1000  }
0x29e: {  	[sflag:s14] =	ssyncset.done $0x0  }
0x29f: {  	[sflag:s14] =	ssyncadd.s32 $0xFFFFF000  }
0x2a0: {  	_ =	swait.ge [sflag:s14], $0x1000  }
0x2a1: {  	[sflag:s14] =	ssyncset.done $0x0  }
0x2a2: {  	[sflag:s14] =	ssyncadd.s32 $0xFFFFF000  }
0x2a3: {  	_ =	swait.ge [sflag:s14], $0x800  }
0x2a4: {  	[sflag:s14] =	ssyncset.done $0x0  }
0x2a5: {  	[sflag:s14] =	ssyncadd.s32 $0xFFFFF800  }
0x2a6: {  	_ =	swait.ge [sflag:s14], $0x800  }
0x2a7: {  	[sflag:s14] =	ssyncset.done $0x0  }
0x2a8: {  	[sflag:s14] =	ssyncadd.s32 $0xFFFFF800  }
0x2a9: {  	s6 =	stileid.u32;
	[bflag:$0x0] =	sbarrier.arrive $0xFFFF  }
0x2aa: {  	s20 =	simm.s32 $0x8;
	s6 =	sshll.u32 s6, $0x6;
	s19 =	rddreg [dreg:$0xb]  }
0x2ab: {  	s6 =	sor.u32 $0x1C08, s6;
	s10 =	rddreg [dreg:$0x10];
	s9 =	sshrl.u32 s19, $0x3  }
0x2ac: {  	[hbm:s10], [sflag:s6] =	dma.local [spmem:s9], $0x190  }
0x2ad: {  	_ =	swait.ge [sflag:s20], $0x190  }
0x2ae: {  	[sflag:s20] =	ssyncset.done $0x0  }
0x2af: {  	[sflag:s20] =	ssyncadd.s32 $0xFFFFFE70  }
0x2b0: {  	s6 =	simm.s32 @!p0 $0x100000;
	[bflag:$0x0] =	sbarrier.arrive $0xFFFF  }
0x2b1: {  	[smem:s6], [sflag:$0x0] =	smem.add.s32 @!p0 $0x0;
	s6 =	simm.s32 @!p0 $0x0  }
0x2b2: {  	_ =	swait.done @!p0 [sflag:s6]  }
0x2b3: {  	s9 =	ssyncread @!p0 [sflag:$0x0];
	_ =	sdelay $0x1  }
0x2b4: {  	s10 =	rddreg [dreg:$0x1f]  }
0x2b5: {  	s9 =	sadd.s32 @!p0 s10, s9;
	s10 =	sld [smem:$0x7F9];
	_ =	sdelay $0x1  }
0x2b6: {  	s9 =	sshll.u32 @!p0 s9, $0x11  }
0x2b7: {  	[sflag:s6] =	ssyncset.s32 @!p0 $0x0;
	s9 =	sor.u32 @!p0 s9, s10  }
0x2b8: {  	[sflag:s6] =	ssyncset.done @!p0 $0x0;
	s6 =	sor.u32 @!p0 $0x1C07, s9  }
0x2b9: {  	[sflag:s6] =	ssyncadd.remote.s32 @!p0 $0x1;
	s6 =	simm.s32 @!p0 $0x7  }
0x2ba: {  	_ =	swait.ge @!p0 [sflag:s6], $0x1  }
0x2bb: {  	[sflag:s6] =	ssyncset.done @!p0 $0x0  }
0x2bc: {  	[sflag:s6] =	ssyncadd.s32 @!p0 $0xFFFFFFFF  }
0x2bd: {  	[bflag:$0x0] =	sbarrier.arrive $0xFFFF  }
0x2be: {  	s28 =	simm.s32 $0x0;
	s30 =	simm.s32 $0xED80;
	s29 =	rddreg [dreg:$0x11]  }
0x2bf: {  	[tilespmem:s30], [sflag:$0x8] =	stream.linear.gather [hbm4b:s29+s28], $0xC80, $0x38;
	[tilespmem:$0x1EF00] =	vst v63  }
0x2c0: {  	_ =	swait.ge [sflag:s20], $0xC80  }
0x2c1: {  	[sflag:s20] =	ssyncset.done $0x0  }
0x2c2: {  	s10 =	simm.s32 $0xE100;
	[sflag:s20] =	ssyncadd.s32 $0xFFFFF380  }
0x2c3: {  	[tilespmem:s10], [sflag:$0x8] =	stream.linear.gather [spmem:s19], $0xC80, $0x38;
	[tilespmem:$0x1EF00] =	vst v63  }
0x2c4: {  	_ =	swait.ge [sflag:s20], $0xC80  }
0x2c5: {  	[sflag:s20] =	ssyncset.done $0x0  }
0x2c6: {  	s11 =	simm.s32 $0xE120;
	[sflag:s20] =	ssyncadd.s32 $0xFFFFF380  }
0x2c7: {  	s13 =	simm.s32 $0xEDA0;
	v5 =	vld [tilespmem:s11+$0x10]  }
0x2c8: {  	v6 =	vld [tilespmem:s13+$0x10];
	_ =	sdelay $0x1  }
0x2c9: {  	v7 =	vld [tilespmem:s11+$0xFFFFFFF0]  }
0x2ca: {  	v8 =	vld [tilespmem:s13+$0xFFFFFFF0]  }
0x2cb: {  	v9 =	vld [tilespmem:s13+$0xFFFFFFE0]  }
0x2cc: {  	v10 =	vld [tilespmem:s13+$0x0];
	v6 =	vadd.f32 v6, v5  }
0x2cd: {  	v5 =	vld [tilespmem:s11+$0x0]  }
0x2ce: {  	v12 =	vld [tilespmem:s11+$0xFFFFFFE0];
	v11 =	vadd.f32 v6, v6;
	_ =	sdelay $0x1  }
0x2cf: {  	v7 =	vadd.f32 v8, v7;
	v8 =	vmul.f32 $1.442695020e+00, v11  }
0x2d0: {  	s18 =	simm.s32 $0xE160  }
0x2d1: {  	s23 =	simm.s32 $0xEDE0;
	(erf) = vpow2.f32 v8;
	v8 =	vadd.f32 v10, v5;
	v5 =	vld [tilespmem:s18+$0x10]  }
0x2d2: {  	v9 =	vadd.f32 v9, v12;
	v11 =	vadd.f32 v7, v7;
	v10 =	vld [tilespmem:s23+$0x10];
	_ =	sdelay $0x1  }
0x2d3: {  	v14 =	vadd.f32 v9, v9;
	v11 =	vmul.f32 $1.442695020e+00, v11  }
0x2d4: {  	v13 =	vld [tilespmem:s23+$0xFFFFFFE0];
	v12 =	vadd.f32 v8, v8  }
0x2d5: {  	v15 =	vld [tilespmem:s18+$0xFFFFFFF0];
	v14 =	vmul.f32 $1.442695020e+00, v14;
	(erf) = vpow2.f32 v11  }
0x2d6: {  	v16 =	vld [tilespmem:s18+$0x0];
	v11 =	vmul.f32 $1.442695020e+00, v12;
	v17 =	vadd.f32 v10, v5  }
0x2d7: {  	v12 =	vld [tilespmem:s23+$0xFFFFFFF0]  }
0x2d8: {  	(erf) = vpow2.f32 v11;
	v11 =	vld [tilespmem:s23+$0x0];
	v10 =	vadd.f32 v17, v17  }
0x2d9: {  	v5 =	vld [tilespmem:s18+$0xFFFFFFE0];
	(erf) = vpow2.f32 v14;
	v14 =	vpop (erf)  }
0x2da: {  	v10 =	vmul.f32 $1.442695020e+00, v10;
	v14 =	vadd.f32 $1.000000000e+00, v14;
	_ =	sdelay $0x1  }
0x2db: {  	v12 =	vadd.f32 v12, v15;
	(erf) = vrcp.f32 v14  }
0x2dc: {  	s29 =	simm.s32 $0xEE20;
	v11 =	vadd.f32 v11, v16;
	(erf) = vpow2.f32 v10  }
0x2dd: {  	s28 =	simm.s32 $0xE1A0;
	v16 =	vld [tilespmem:s29+$0x10];
	v14 =	vadd.f32 v13, v5;
	v5 =	vadd.f32 v12, v12;
	v10 =	vpop (erf)  }
0x2de: {  	v13 =	vld [tilespmem:s28+$0x10];
	v15 =	vadd.f32 v11, v11;
	v10 =	vadd.f32 $1.000000000e+00, v10  }
0x2df: {  	v5 =	vmul.f32 $1.442695020e+00, v5  }
0x2e0: {  	v18 =	vadd.f32 v14, v14;
	v15 =	vmul.f32 $1.442695020e+00, v15;
	(erf) = vrcp.f32 v10  }
0x2e1: {  	v21 =	vld [tilespmem:s28+$0xFFFFFFF0];
	v19 =	vpop (erf);
	(erf) = vpow2.f32 v5  }
0x2e2: {  	v18 =	vmul.f32 $1.442695020e+00, v18;
	v10 =	vpop (erf);
	(erf) = vpow2.f32 v15;
	v15 =	vld [tilespmem:s29+$0xFFFFFFF0]  }
0x2e3: {  	v20 =	vld [tilespmem:s29+$0xFFFFFFE0];
	v22 =	vmul.f32 v7, v0;
	v5 =	vadd.f32 v16, v13;
	v10 =	vadd.f32 $1.000000000e+00, v10  }
0x2e4: {  	v23 =	vld [tilespmem:s28+$0xFFFFFFE0];
	v7 =	vadd.f32 $1.000000000e+00, v19;
	v19 =	vmul.f32 v9, v0;
	(erf) = vpow2.f32 v18;
	v16 =	vpop (erf)  }
0x2e5: {  	v13 =	vmul.f32 v8, v0;
	v18 =	vld [tilespmem:s28+$0x0];
	v9 =	vadd.f32 v5, v5;
	(erf) = vrcp.f32 v10;
	v8 =	vpop (erf)  }
0x2e6: {  	v10 =	vld [tilespmem:s29+$0x0];
	(erf) = vrcp.f32 v7;
	v7 =	vadd.f32 v16, v16;
	v16 =	vadd.f32 $1.000000000e+00, v8  }
0x2e7: {  	v8 =	vmul.f32 v12, v0;
	v12 =	vadd.f32 v15, v21;
	v15 =	vmul.f32 $1.442695020e+00, v9;
	_ =	sdelay $0x2  }
0x2e8: {  	(erf) = vrcp.f32 v16;
	v16 =	vpop (erf)  }
0x2e9: {  	v20 =	vadd.f32 v20, v23;
	v10 =	vadd.f32 v10, v18;
	(erf) = vpow2.f32 v15;
	v15 =	vpop (erf)  }
0x2ea: {  	v18 =	vadd.f32 v12, v12;
	v15 =	vadd.f32 $1.000000000e+00, v15  }
0x2eb: {  	s9 =	simm.s32 $0xEE60;
	v23 =	vmul.f32 v6, v0;
	v9 =	vmul.f32 v14, v0;
	v14 =	vsub.f32 $1.000000000e+00, v7  }
0x2ec: {  	s30 =	simm.s32 $0xE1E0;
	v25 =	vld [tilespmem:s9+$0x10];
	v7 =	vmul.f32 v11, v0;
	v24 =	vadd.f32 v10, v10;
	v18 =	vmul.f32 $1.442695020e+00, v18;
	v21 =	vpop (erf)  }
0x2ed: {  	v11 =	vld [tilespmem:s30+$0x10];
	v6 =	vmul.f32 v12, v0;
	v12 =	vadd.f32 v20, v20;
	v26 =	vpop (erf);
	(erf) = vrcp.f32 v15  }
0x2ee: {  	v27 =	vld [tilespmem:s9+$0xFFFFFFE0];
	v24 =	vmul.f32 $1.442695020e+00, v24;
	v15 =	vpop (erf);
	(erf) = vpow2.f32 v18;
	v18 =	vadd.f32 $1.000000000e+00, v21  }
0x2ef: {  	v28 =	vld [tilespmem:s30+$0xFFFFFFF0];
	s11 =	simm.s32 $0x106A0;
	v12 =	vmul.f32 $1.442695020e+00, v12;
	v21 =	vadd.f32 $1.000000000e+00, v26;
	v15 =	vadd.f32 v15, v15  }
0x2f0: {  	v60 =	vld [tilespmem:s9+$0xFFFFFFF0];
	[tilespmem:s11+$0x10] =	vst v14;
	v16 =	vadd.f32 v16, v16;
	v14 =	vpop (erf);
	(erf) = vpow2.f32 v24  }
0x2f1: {  	s6 =	simm.s32 $0xFA20;
	v61 =	vld [tilespmem:s30+$0x0];
	(erf) = vpow2.f32 v12;
	v15 =	vsub.f32 $1.000000000e+00, v15  }
0x2f2: {  	[tilespmem:s6+$0x10] =	vst v23;
	v23 =	vld [tilespmem:s9+$0x0];
	v11 =	vadd.f32 v25, v11;
	v16 =	vsub.f32 $1.000000000e+00, v16;
	(erf) = vrcp.f32 v21  }
0x2f3: {  	v14 =	vadd.f32 v14, v14;
	v12 =	vmul.f32 v20, v0;
	v20 =	vld [tilespmem:s30+$0xFFFFFFE0];
	v21 =	vpop (erf);
	(erf) = vrcp.f32 v18;
	[tilespmem:s11+$0xFFFFFFE0] =	vst v15  }
0x2f4: {  	v15 =	vadd.f32 v11, v11;
	v21 =	vadd.f32 v21, v21;
	[tilespmem:s6+$0xFFFFFFE0] =	vst v19;
	v19 =	vpop (erf)  }
0x2f5: {  	v10 =	vmul.f32 v10, v0;
	[tilespmem:s11+$0xFFFFFFF0] =	vst v16;
	v62 =	vsub.f32 $1.000000000e+00, v14;
	v18 =	vadd.f32 $1.000000000e+00, v19  }
0x2f6: {  	v16 =	vadd.f32 v60, v28;
	[tilespmem:s6+$0xFFFFFFF0] =	vst v22;
	v63 =	vmul.f32 $1.442695020e+00, v15;
	v21 =	vsub.f32 $1.000000000e+00, v21  }
0x2f7: {  	v14 =	vadd.f32 v23, v61;
	[tilespmem:s11+$0x0] =	vst v62;
	s11 =	simm.s32 $0x106E0;
	(erf) = vrcp.f32 v18;
	v18 =	vmul.f32 v17, v0;
	v17 =	vpop (erf)  }
0x2f8: {  	s10 =	simm.s32 $0xFA60;
	s13 =	simm.s32 $0xC0;
	s18 =	simm.s32 $0xE220;
	v15 =	vadd.f32 v27, v20;
	v19 =	vadd.f32 v16, v16;
	[tilespmem:s11+$0x10] =	vst v21;
	(erf) = vpow2.f32 v63;
	v20 =	vpop (erf)  }
.LBB2_20:
0x2f9: {  	v21 =	vld [tilespmem:s18+$0x10];
	v22 =	vmul.f32 v16, v0;
	v16 =	vadd.f32 v14, v14;
	s9 =	sadd.s32 $0x40, s9;
	v27 =	vadd.f32 $1.000000000e+00, v20;
	v23 =	vpop (erf);
	[tilespmem:s10+$0x10] =	vst v18  }
0x2fa: {  	v18 =	vld [tilespmem:s9+$0x10];
	v24 =	vadd.f32 v15, v15;
	v19 =	vmul.f32 $1.442695020e+00, v19;
	v23 =	vadd.f32 $1.000000000e+00, v23;
	v25 =	vpop (erf);
	[tilespmem:s6+$0x0] =	vst v13;
	s6 =	smov.u32 s10  }
0x2fb: {  	s13 =	sadd.s32 $0x40, s13;
	v26 =	vld [tilespmem:s9+$0xFFFFFFE0];
	v30 =	vmul.f32 $1.442695020e+00, v16;
	v16 =	vadd.f32 $1.000000000e+00, v25;
	(erf) = vrcp.f32 v27;
	v20 =	vpop (erf)  }
0x2fc: {  	p2 =	slt.u32 s13, $0xC40;
	v25 =	vld [tilespmem:s18+$0xFFFFFFF0];
	v24 =	vmul.f32 $1.442695020e+00, v24;
	(erf) = vpow2.f32 v19;
	v19 =	vadd.f32 v20, v20;
	v20 =	vpop (erf)  }
0x2fd: {  	v17 =	vadd.f32 v17, v17;
	v28 =	vmovc v5;
	v5 =	vmovc v11;
	v27 =	vld [tilespmem:s9+$0xFFFFFFF0];
	(erf) = vpow2.f32 v30;
	v20 =	vadd.f32 v20, v20  }
0x2fe: {  	v15 =	vmul.f32 v15, v0;
	v13 =	vmovc v7;
	v7 =	vmovc v10;
	v29 =	vld [tilespmem:s18+$0x0];
	(erf) = vpow2.f32 v24;
	v19 =	vsub.f32 $1.000000000e+00, v19  }
0x2ff: {  	v17 =	vsub.f32 $1.000000000e+00, v17;
	v24 =	vld [tilespmem:s9+$0x0];
	v11 =	vadd.f32 v18, v21;
	(erf) = vrcp.f32 v16  }
0x300: {  	v10 =	vmul.f32 v14, v0;
	v21 =	vld [tilespmem:s18+$0xFFFFFFE0];
	(erf) = vrcp.f32 v23;
	v14 =	vpop (erf);
	[tilespmem:s11+$0xFFFFFFE0] =	vst v19;
	v19 =	vsub.f32 $1.000000000e+00, v20  }
.Ltmp9:
0x301: {  	v18 =	vadd.f32 v11, v11;
	v20 =	vpop (erf);
	v14 =	vadd.f32 v14, v14;
	[tilespmem:s10+$0xFFFFFFE0] =	vst v9;
	v9 =	vmov v12;
	(pc) =	sbr.rel @p2 .LBB2_20-.Ltmp9, $4  }
0x302: {  	v12 =	vmov v15;
	v16 =	vadd.f32 v27, v25;
	v27 =	vadd.f32 $1.000000000e+00, v20;
	[tilespmem:s11+$0xFFFFFFF0] =	vst v17  }
0x303: {  	v23 =	vmul.f32 $1.442695020e+00, v18;
	v25 =	vsub.f32 $1.000000000e+00, v14;
	[tilespmem:s10+$0xFFFFFFF0] =	vst v8;
	v8 =	vmovc v6;
	v6 =	vmov v22  }
0x304: {  	v18 =	vmul.f32 v28, v0;
	v14 =	vadd.f32 v24, v29;
	(erf) = vrcp.f32 v27;
	v17 =	vpop (erf);
	[tilespmem:s11+$0x0] =	vst v19;
	s11 =	sadd.s32 $0x40, s11  }
0x305: {  	s18 =	sadd.s32 $0x40, s18;
	s10 =	sadd.s32 $0x40, s10;
	v19 =	vadd.f32 v16, v16;
	v15 =	vadd.f32 v26, v21;
	(erf) = vpow2.f32 v23;
	v20 =	vpop (erf);
	[tilespmem:s11+$0x10] =	vst v25  }
0x306: {  	v21 =	vadd.f32 v14, v14;
	v20 =	vadd.f32 $1.000000000e+00, v20  }
0x307: {  	v22 =	vadd.f32 v15, v15;
	v19 =	vmul.f32 $1.442695020e+00, v19  }
0x308: {  	v21 =	vmul.f32 $1.442695020e+00, v21;
	(erf) = vrcp.f32 v20  }
0x309: {  	v49 =	vmul.f32 $1.442695020e+00, v22;
	(erf) = vpow2.f32 v19  }
0x30a: {  	(erf) = vpow2.f32 v21  }
0x30b: {  	v50 =	vpop (erf);
	(erf) = vpow2.f32 v49  }
0x30c: {  	v51 =	vpop (erf)  }
0x30d: {  	v20 =	vadd.f32 $1.000000000e+00, v51;
	v52 =	vpop (erf)  }
0x30e: {  	v17 =	vadd.f32 v17, v17;
	v53 =	vpop (erf)  }
0x30f: {  	v21 =	vadd.f32 v52, v52;
	(erf) = vrcp.f32 v20;
	v54 =	vpop (erf)  }
0x310: {  	v17 =	vsub.f32 $1.000000000e+00, v17;
	v19 =	vadd.f32 $1.000000000e+00, v50;
	v23 =	vpop (erf)  }
0x311: {  	[tilespmem:s6+$0x0] =	vst v13;
	v55 =	vsub.f32 $1.000000000e+00, v21;
	v23 =	vadd.f32 $1.000000000e+00, v23;
	v24 =	vpop (erf)  }
0x312: {  	v13 =	vadd.f32 v53, v53;
	[tilespmem:s11+$0xFFFFFFF0] =	vst v17;
	(erf) = vrcp.f32 v19;
	v25 =	vpop (erf)  }
0x313: {  	[tilespmem:s11+$0xFFFFFFE0] =	vst v55;
	v20 =	vadd.f32 v54, v54;
	(erf) = vrcp.f32 v23;
	v56 =	vpop (erf)  }
0x314: {  	[tilespmem:s10+$0xFFFFFFE0] =	vst v9;
	v9 =	vsub.f32 $1.000000000e+00, v13;
	v57 =	vadd.f32 $1.000000000e+00, v25;
	v58 =	vpop (erf)  }
0x315: {  	[tilespmem:s10+$0xFFFFFFF0] =	vst v8;
	v13 =	vsub.f32 $1.000000000e+00, v20;
	v59 =	vadd.f32 $1.000000000e+00, v58  }
0x316: {  	v5 =	vmul.f32 v5, v0;
	s18 =	sadd.s32 $0x40, s11;
	[tilespmem:s11+$0x0] =	vst v9;
	(erf) = vrcp.f32 v57  }
0x317: {  	s9 =	sadd.s32 $0x40, s10;
	[tilespmem:s18+$0x10] =	vst v13;
	(erf) = vrcp.f32 v59  }
0x318: {  	[tilespmem:s9+$0x10] =	vst v5;
	v5 =	vadd.f32 v24, v24;
	v9 =	vadd.f32 $1.000000000e+00, v56;
	v8 =	vpop (erf)  }
0x319: {  	v8 =	vadd.f32 v8, v8  }
0x31a: {  	[tilespmem:s10+$0x10] =	vst v18;
	v5 =	vsub.f32 $1.000000000e+00, v5;
	(erf) = vrcp.f32 v9  }
0x31b: {  	[tilespmem:s10+$0x0] =	vst v7;
	v7 =	vpop (erf);
	v8 =	vsub.f32 $1.000000000e+00, v8  }
0x31c: {  	v7 =	vadd.f32 v7, v7;
	[tilespmem:s18+$0xFFFFFFF0] =	vst v5;
	v9 =	vpop (erf)  }
0x31d: {  	[tilespmem:s18+$0xFFFFFFE0] =	vst v8;
	v8 =	vadd.f32 v9, v9  }
0x31e: {  	[tilespmem:s9+$0xFFFFFFF0] =	vst v6;
	v7 =	vsub.f32 $1.000000000e+00, v7  }
0x31f: {  	[tilespmem:s9+$0xFFFFFFE0] =	vst v12;
	v8 =	vsub.f32 $1.000000000e+00, v8;
	v5 =	vpop (erf)  }
0x320: {  	[tilespmem:s18+$0x0] =	vst v7;
	v5 =	vadd.f32 v5, v5;
	v6 =	vpop (erf)  }
0x321: {  	s6 =	sadd.s32 $0x40, s18;
	v9 =	vmul.f32 v11, v0;
	[tilespmem:s9+$0x0] =	vst v10;
	v6 =	vadd.f32 v6, v6  }
0x322: {  	s23 =	sadd.s32 $0x40, s9;
	[tilespmem:s6+$0x10] =	vst v8;
	v5 =	vsub.f32 $1.000000000e+00, v5  }
0x323: {  	[tilespmem:s23+$0x10] =	vst v9;
	v8 =	vpop (erf);
	v6 =	vsub.f32 $1.000000000e+00, v6  }
0x324: {  	v7 =	vmul.f32 v15, v0;
	v8 =	vadd.f32 v8, v8;
	[tilespmem:s6+$0xFFFFFFF0] =	vst v5  }
0x325: {  	[tilespmem:s6+$0xFFFFFFE0] =	vst v6;
	v6 =	vmul.f32 v16, v0  }
0x326: {  	[tilespmem:s23+$0xFFFFFFE0] =	vst v7;
	v7 =	vsub.f32 $1.000000000e+00, v8  }
0x327: {  	v5 =	vmul.f32 v14, v0;
	[tilespmem:s23+$0xFFFFFFF0] =	vst v6  }
0x328: {  	[tilespmem:s6+$0x0] =	vst v7  }
0x329: {  	s28 =	simm.s32 $0xFA00;
	[tilespmem:s23+$0x0] =	vst v5  }
0x32a: {  	[spmem:s19] =	stream.linear.scatter [tilespmem:s28], [sflag:$0x8], $0xC80, $0x38;
	[tilespmem:$0x1EF00] =	vst v63  }
0x32b: {  	_ =	swait.ge [sflag:s20], $0xC80  }
0x32c: {  	[sflag:s20] =	ssyncset.done $0x0  }
0x32d: {  	s30 =	simm.s32 $0x10680;
	s29 =	rddreg [dreg:$0xf];
	[sflag:s20] =	ssyncadd.s32 $0xFFFFF380  }
0x32e: {  	[spmem:s29] =	stream.linear.scatter [tilespmem:s30], [sflag:$0x8], $0xC80, $0x38;
	[tilespmem:$0x1EF00] =	vst v63  }
0x32f: {  	_ =	swait.ge [sflag:s20], $0xC80  }
0x330: {  	[sflag:s20] =	ssyncset.done $0x0  }
0x331: {  	[sflag:s20] =	ssyncadd.s32 $0xFFFFF380  }
0x332: {  	[bflag:$0x0] =	sbarrier.arrive $0xFFFF  }
0x333: {  	s9 =	rddreg [dreg:$0x9]  }
0x334: {  	s10 =	rddreg [dreg:$0x12]  }
0x335: {  	[tilespmem:s3], [sflag:$0x3] =	stream.linear.gather [spmem:s9], $0xC800, $0x38;
	[tilespmem:$0x1EF00] =	vst v63  }
0x336: {  	s11 =	simm.s32 $0x12F00;
	s6 =	simm.s32 $0x0;
	s13 =	rddreg [dreg:$0x13]  }
0x337: {  	[tilespmem:s11], [sflag:$0x1] =	stream.linear.gather [hbm4b:s10+s6], $0x1000, $0x38;
	[tilespmem:$0x1EF00] =	vst v63  }
0x338: {  	s18 =	simm.s32 $0x15F00;
	s19 =	rddreg [dreg:$0x14]  }
0x339: {  	[tilespmem:s18], [sflag:$0x1] =	stream.linear.gather [hbm4b:s13+s6], $0x1000, $0x38;
	[tilespmem:$0x1EF00] =	vst v63  }
0x33a: {  	s20 =	sld [smem:$0x7FA]  }
0x33b: {  	[tilespmem:s12], [sflag:$0x1] =	stream.linear.gather [hbm4b:s19+s6], $0x800, $0x38;
	[tilespmem:$0x1EF00] =	vst v63  }
0x33c: {  	_ = 	snop  }
0x33d: {  	[tilespmem:s15], [sflag:$0x1] =	stream.linear.gather [hbm4b:s20+s6], $0x800, $0x38;
	[tilespmem:$0x1EF00] =	vst v63  }
0x33e: {  	_ =	swait.ge [sflag:s14], $0xC800  }
0x33f: {  	[sflag:s14] =	ssyncset.done $0x0;
	s23 =	rddreg [dreg:$0x16]  }
0x340: {  	s28 =	simm.s32 $0x13F00;
	s29 =	rddreg [dreg:$0x17];
	[sflag:s14] =	ssyncadd.s32 $0xFFFF3800  }
0x341: {  	[tilespmem:s28], [sflag:$0x2] =	stream.linear.gather [hbm4b:s23+s6], $0x1000, $0x38;
	[tilespmem:$0x1EF00] =	vst v63  }
0x342: {  	s30 =	simm.s32 $0x16F00;
	s11 =	rddreg [dreg:$0x18]  }
0x343: {  	[tilespmem:s30], [sflag:$0x2] =	stream.linear.gather [hbm4b:s29+s6], $0x1000, $0x38;
	[tilespmem:$0x1EF00] =	vst v63  }
0x344: {  	s13 =	sld [smem:$0x7FB]  }
0x345: {  	[tilespmem:s21], [sflag:$0x2] =	stream.linear.gather [hbm4b:s11+s6], $0x800, $0x38;
	[tilespmem:$0x1EF00] =	vst v63  }
0x346: {  	_ = 	snop  }
0x347: {  	[tilespmem:s22], [sflag:$0x2] =	stream.linear.gather [hbm4b:s13+s6], $0x800, $0x38;
	[tilespmem:$0x1EF00] =	vst v63  }
0x348: {  	_ =	swait.ge [sflag:s24], $0x1000  }
0x349: {  	[sflag:s24] =	ssyncset.done $0x0  }
0x34a: {  	[sflag:s24] =	ssyncadd.s32 $0xFFFFF000  }
0x34b: {  	_ =	swait.ge [sflag:s24], $0x1000  }
0x34c: {  	[sflag:s24] =	ssyncset.done $0x0  }
0x34d: {  	[sflag:s24] =	ssyncadd.s32 $0xFFFFF000  }
0x34e: {  	_ =	swait.ge [sflag:s24], $0x800  }
0x34f: {  	[sflag:s24] =	ssyncset.done $0x0  }
0x350: {  	[sflag:s24] =	ssyncadd.s32 $0xFFFFF800  }
0x351: {  	_ =	swait.ge [sflag:s24], $0x800  }
0x352: {  	[sflag:s24] =	ssyncset.done $0x0  }
0x353: {  	s18 =	simm.s32 $0x12F20;
	[sflag:s24] =	ssyncadd.s32 $0xFFFFF800  }
0x354: {  	v5 =	vld [tilespmem:s18+$0x10]  }
0x355: {  	v8 =	vld [tilespmem:s18+$0xFFFFFFF0]  }
0x356: {  	v9 =	vld [tilespmem:s18+$0x0]  }
0x357: {  	s19 =	simm.s32 $0x15F20;
	v10 =	vld [tilespmem:s18+$0xFFFFFFE0]  }
0x358: {  	v11 =	vld [tilespmem:s19+$0x10]  }
0x359: {  	v13 =	vld [tilespmem:s19+$0xFFFFFFE0]  }
0x35a: {  	v14 =	vld [tilespmem:s19+$0xFFFFFFF0]  }
0x35b: {  	s20 =	simm.s32 $0x12F60;
	v15 =	vld [tilespmem:s19+$0x0]  }
0x35c: {  	v16 =	vld [tilespmem:s20+$0x10]  }
0x35d: {  	v6 =	vld [tilespmem:s20+$0x0]  }
0x35e: {  	v7 =	vld [tilespmem:s20+$0xFFFFFFE0]  }
0x35f: {  	v12 =	vld.idx.msk [tilespmem:v5+s3+$0x0], $0xffff  }
0x360: {  	v5 =	vld [tilespmem:s20+$0xFFFFFFF0]  }
0x361: {  	v17 =	vld.idx.msk [tilespmem:v10+s3+$0x0], $0xffff  }
0x362: {  	s23 =	simm.s32 $0x30;
	s29 =	simm.s32 $0x20;
	v60 =	vld.idx.msk [tilespmem:v8+s3+$0x0], $0xffff  }
0x363: {  	s10 =	simm.s32 $0x15F60;
	v62 =	vor.u32 s29, v4;
	s13 =	simm.s32 $0x70;
	v10 =	vor.u32 s23, v4;
	v61 =	vld.idx.msk [tilespmem:v9+s3+$0x0], $0xffff  }
0x364: {  	s28 =	simm.s32 $0x10;
	v63 =	vor.u32 s13, v4;
	v8 =	vor.u32 s6, v4;
	v9 =	vld [tilespmem:s10+$0x10];
	vm1 =	vlt.u32 v10, v1  }
0x365: {  	vm0 =	vlt.u32 v8, v1;
	v10 =	vor.u32 s28, v4;
	v8 =	vld.idx.msk [tilespmem:v16+s3+$0x0], $0xffff;
	v11 =	vsel vm1, $0x0, v11  }
0x366: {  	v13 =	vsel vm0, $0x0, v13;
	vm0 =	vlt.u32 v10, v1;
	v12 =	vmul.f32 v11, v12;
	v11 =	vld [tilespmem:s10+$0xFFFFFFE0]  }
0x367: {  	s9 =	simm.s32 $0x1BF20;
	s30 =	simm.s32 $0x40;
	vm1 =	vlt.u32 v62, v1;
	v10 =	vld [tilespmem:s10+$0xFFFFFFF0];
	v14 =	vsel vm0, $0x0, v14;
	v16 =	vmul.f32 v13, v17  }
0x368: {  	s11 =	simm.s32 $0x12FA0;
	s13 =	simm.s32 $0xC0;
	v15 =	vsel vm1, $0x0, v15;
	v17 =	vor.u32 s30, v4;
	v14 =	vmul.f32 v14, v60;
	[tilespmem:s9+$0x10] =	vst v12;
	v12 =	vld [tilespmem:s10+$0x0]  }
0x369: {  	s19 =	simm.s32 $0x50;
	s18 =	simm.s32 $0x60;
	s6 =	simm.s32 $0x80;
	vm1 =	vlt.u32 v63, v1;
	v13 =	vld [tilespmem:s11+$0x10];
	v15 =	vmul.f32 v15, v61;
	vm0 =	vlt.u32 v17, v1;
	[tilespmem:s9+$0xFFFFFFE0] =	vst v16  }
.LBB2_22:
0x36a: {  	p2 =	slt.u32 s13, $0xFC0;
	v16 =	vld [tilespmem:s11+$0xFFFFFFF0];
	v17 =	vor.u32 s19, v4;
	v18 =	vor.u32 s18, v4;
	v9 =	vsel vm1, $0x0, v9;
	[tilespmem:s9+$0xFFFFFFF0] =	vst v14;
	s18 =	smov.u32 s6;
	s6 =	smov.u32 s13  }
0x36b: {  	v14 =	vld [tilespmem:s11+$0x0];
	v19 =	vsel vm0, $0x0, v11;
	vm0 =	vlt.u32 v17, v1;
	v8 =	vmul.f32 v9, v8;
	[tilespmem:s9+$0x0] =	vst v15  }
0x36c: {  	s9 =	sadd.s32 $0x40, s9;
	v11 =	vld [tilespmem:s11+$0xFFFFFFE0];
	v15 =	vsel vm0, $0x0, v10;
	vm0 =	vlt.u32 v18, v1  }
0x36d: {  	v17 =	vld.idx.msk [tilespmem:v7+s3+$0x0], $0xffff;
	v18 =	vsel vm0, $0x0, v12;
	[tilespmem:s9+$0x10] =	vst v8  }
0x36e: {  	v20 =	vld.idx.msk [tilespmem:v5+s3+$0x0], $0xffff  }
0x36f: {  	s10 =	sadd.s32 $0x40, s10;
	v21 =	vld.idx.msk [tilespmem:v6+s3+$0x0], $0xffff;
	v5 =	vmov v16  }
0x370: {  	v9 =	vld [tilespmem:s10+$0x10];
	v6 =	vmov v14  }
.Ltmp10:
0x371: {  	v8 =	vld.idx.msk [tilespmem:v13+s3+$0x0], $0xffff;
	v7 =	vmov v11;
	(pc) =	sbr.rel @p2 .LBB2_22-.Ltmp10, $4  }
0x372: {  	v11 =	vld [tilespmem:s10+$0xFFFFFFE0]  }
0x373: {  	s19 =	sadd.s32 $0x30, s18;
	v16 =	vmul.f32 v19, v17;
	v10 =	vld [tilespmem:s10+$0xFFFFFFF0]  }
0x374: {  	s11 =	sadd.s32 $0x40, s11;
	v17 =	vor.u32 s18, v4;
	v19 =	vor.u32 s19, v4;
	v14 =	vmul.f32 v15, v20;
	v12 =	vld [tilespmem:s10+$0x0]  }
0x375: {  	s13 =	sadd.s32 $0x40, s13;
	s19 =	sadd.s32 $0x10, s18;
	s18 =	sadd.s32 $0x20, s18;
	vm0 =	vlt.u32 v17, v1;
	vm1 =	vlt.u32 v19, v1;
	v15 =	vmul.f32 v18, v21;
	v13 =	vld [tilespmem:s11+$0x10];
	[tilespmem:s9+$0xFFFFFFE0] =	vst v16  }
0x376: {  	_ = 	snop  }
0x377: {  	v16 =	vld [tilespmem:s11+$0xFFFFFFF0]  }
0x378: {  	v17 =	vld [tilespmem:s11+$0x0]  }
0x379: {  	v18 =	vld [tilespmem:s11+$0xFFFFFFE0]  }
0x37a: {  	v7 =	vld.idx.msk [tilespmem:v7+s3+$0x0], $0xffff  }
0x37b: {  	v5 =	vld.idx.msk [tilespmem:v5+s3+$0x0], $0xffff  }
0x37c: {  	v6 =	vld.idx.msk [tilespmem:v6+s3+$0x0], $0xffff;
	s10 =	sadd.s32 $0x40, s10  }
0x37d: {  	v19 =	vld [tilespmem:s10+$0x10]  }
0x37e: {  	v21 =	vld [tilespmem:s10+$0xFFFFFFE0]  }
0x37f: {  	v20 =	vor.u32 s19, v4;
	v9 =	vsel vm1, $0x0, v9;
	v59 =	vld [tilespmem:s10+$0xFFFFFFF0]  }
0x380: {  	v22 =	vor.u32 s18, v4;
	v8 =	vmul.f32 v9, v8;
	v9 =	vsel vm0, $0x0, v11;
	v11 =	vld [tilespmem:s10+$0x0]  }
0x381: {  	[tilespmem:s9+$0xFFFFFFF0] =	vst v14;
	s30 =	sadd.s32 $0x30, s6;
	vm1 =	vlt.u32 v20, v1;
	vm0 =	vlt.u32 v22, v1;
	v13 =	vld.idx.msk [tilespmem:v13+s3+$0x0], $0xffff  }
0x382: {  	s29 =	sadd.s32 $0x40, s9;
	[tilespmem:s9+$0x0] =	vst v15;
	v14 =	vor.u32 s30, v4;
	v10 =	vsel vm1, $0x0, v10;
	v7 =	vmul.f32 v9, v7;
	v9 =	vld.idx.msk [tilespmem:v18+s3+$0x0], $0xffff  }
0x383: {  	v12 =	vsel vm0, $0x0, v12;
	[tilespmem:s29+$0x10] =	vst v8;
	v8 =	vor.u32 s6, v4;
	v5 =	vmul.f32 v10, v5;
	v10 =	vld.idx.msk [tilespmem:v16+s3+$0x0], $0xffff  }
0x384: {  	s11 =	sadd.s32 $0x10, s6;
	s13 =	sadd.s32 $0x20, s6;
	vm1 =	vlt.u32 v14, v1;
	vm0 =	vlt.u32 v8, v1;
	v6 =	vmul.f32 v12, v6;
	v8 =	vld.idx.msk [tilespmem:v17+s3+$0x0], $0xffff  }
0x385: {  	v12 =	vor.u32 s13, v4;
	v14 =	vsel vm1, $0x0, v19;
	[tilespmem:s29+$0xFFFFFFE0] =	vst v7;
	v7 =	vor.u32 s11, v4  }
0x386: {  	[tilespmem:s29+$0xFFFFFFF0] =	vst v5;
	v5 =	vsel vm0, $0x0, v21;
	vm0 =	vlt.u32 v7, v1;
	v7 =	vmul.f32 v14, v13  }
0x387: {  	s18 =	sadd.s32 $0x40, s29;
	[tilespmem:s29+$0x0] =	vst v6;
	v6 =	vsel vm0, $0x0, v59;
	vm0 =	vlt.u32 v12, v1;
	v5 =	vmul.f32 v5, v9  }
0x388: {  	[tilespmem:s18+$0x10] =	vst v7;
	v9 =	vsel vm0, $0x0, v11;
	v6 =	vmul.f32 v6, v10  }
0x389: {  	[tilespmem:s18+$0xFFFFFFE0] =	vst v5;
	v5 =	vmul.f32 v9, v8  }
0x38a: {  	[tilespmem:s18+$0xFFFFFFF0] =	vst v6  }
0x38b: {  	s19 =	simm.s32 $0x1BF00;
	[tilespmem:s18+$0x0] =	vst v5  }
0x38c: {  	[spmem:s5] =	stream.indirect.scatter.add.f32 [tilespmem:s19], [sflag:$0x4], $0x1, s12, s25, $0xb8;
	[tilespmem:$0x1EF00] =	vst v63  }
0x38d: {  	s20 =	simm.s32 $0x1C700;
	s23 =	rddreg [dreg:$0x19]  }
0x38e: {  	[spmem:s5] =	stream.indirect.scatter.add.f32 [tilespmem:s20], [sflag:$0x4], $0x1, s15, s25, $0xb8;
	[tilespmem:$0x1EF00] =	vst v63  }
0x38f: {  	s28 =	simm.s32 $0x14F00;
	s6 =	simm.s32 $0x0;
	s29 =	rddreg [dreg:$0x1a]  }
0x390: {  	[tilespmem:s28], [sflag:$0x3] =	stream.linear.gather [hbm4b:s23+s6], $0x1000, $0x38;
	[tilespmem:$0x1EF00] =	vst v63  }
0x391: {  	s30 =	simm.s32 $0x17F00;
	s10 =	rddreg [dreg:$0x1b]  }
0x392: {  	[tilespmem:s30], [sflag:$0x3] =	stream.linear.gather [hbm4b:s29+s6], $0x1000, $0x38;
	[tilespmem:$0x1EF00] =	vst v63  }
0x393: {  	s11 =	simm.s32 $0x1AF00;
	s13 =	sld [smem:$0x7FC]  }
0x394: {  	[tilespmem:s11], [sflag:$0x3] =	stream.linear.gather [hbm4b:s10+s6], $0x800, $0x38;
	[tilespmem:$0x1EF00] =	vst v63  }
0x395: {  	_ = 	snop  }
0x396: {  	[tilespmem:s26], [sflag:$0x3] =	stream.linear.gather [hbm4b:s13+s6], $0x800, $0x38;
	[tilespmem:$0x1EF00] =	vst v63  }
0x397: {  	_ =	swait.ge [sflag:s7], $0x1000  }
0x398: {  	[sflag:s7] =	ssyncset.done $0x0  }
0x399: {  	[sflag:s7] =	ssyncadd.s32 $0xFFFFF000  }
0x39a: {  	_ =	swait.ge [sflag:s7], $0x1000  }
0x39b: {  	[sflag:s7] =	ssyncset.done $0x0  }
0x39c: {  	[sflag:s7] =	ssyncadd.s32 $0xFFFFF000  }
0x39d: {  	_ =	swait.ge [sflag:s7], $0x800  }
0x39e: {  	[sflag:s7] =	ssyncset.done $0x0  }
0x39f: {  	[sflag:s7] =	ssyncadd.s32 $0xFFFFF800  }
0x3a0: {  	_ =	swait.ge [sflag:s7], $0x800  }
0x3a1: {  	[sflag:s7] =	ssyncset.done $0x0  }
0x3a2: {  	s18 =	simm.s32 $0x13F20;
	[sflag:s7] =	ssyncadd.s32 $0xFFFFF800  }
0x3a3: {  	v5 =	vld [tilespmem:s18+$0x10]  }
0x3a4: {  	v8 =	vld [tilespmem:s18+$0xFFFFFFF0]  }
0x3a5: {  	v9 =	vld [tilespmem:s18+$0x0]  }
0x3a6: {  	s19 =	simm.s32 $0x16F20;
	v10 =	vld [tilespmem:s18+$0xFFFFFFE0]  }
0x3a7: {  	v11 =	vld [tilespmem:s19+$0x10]  }
0x3a8: {  	v13 =	vld [tilespmem:s19+$0xFFFFFFE0]  }
0x3a9: {  	v14 =	vld [tilespmem:s19+$0xFFFFFFF0]  }
0x3aa: {  	s20 =	simm.s32 $0x13F60;
	v15 =	vld [tilespmem:s19+$0x0]  }
0x3ab: {  	v16 =	vld [tilespmem:s20+$0x10]  }
0x3ac: {  	v6 =	vld [tilespmem:s20+$0x0]  }
0x3ad: {  	v7 =	vld [tilespmem:s20+$0xFFFFFFE0]  }
0x3ae: {  	v12 =	vld.idx.msk [tilespmem:v5+s3+$0x0], $0xffff  }
0x3af: {  	v5 =	vld [tilespmem:s20+$0xFFFFFFF0]  }
0x3b0: {  	v17 =	vld.idx.msk [tilespmem:v10+s3+$0x0], $0xffff  }
0x3b1: {  	s23 =	simm.s32 $0x30;
	s29 =	simm.s32 $0x20;
	v60 =	vld.idx.msk [tilespmem:v8+s3+$0x0], $0xffff  }
0x3b2: {  	v62 =	vor.u32 s29, v4;
	s10 =	simm.s32 $0x16F60;
	s13 =	simm.s32 $0x70;
	v10 =	vor.u32 s23, v4;
	v61 =	vld.idx.msk [tilespmem:v9+s3+$0x0], $0xffff  }
0x3b3: {  	s28 =	simm.s32 $0x10;
	v63 =	vor.u32 s13, v4;
	v8 =	vor.u32 s6, v4;
	v9 =	vld [tilespmem:s10+$0x10];
	vm1 =	vlt.u32 v10, v2  }
0x3b4: {  	vm0 =	vlt.u32 v8, v2;
	v10 =	vor.u32 s28, v4;
	v8 =	vld.idx.msk [tilespmem:v16+s3+$0x0], $0xffff;
	v11 =	vsel vm1, $0x0, v11  }
0x3b5: {  	v13 =	vsel vm0, $0x0, v13;
	vm0 =	vlt.u32 v10, v2;
	v12 =	vmul.f32 v11, v12;
	v11 =	vld [tilespmem:s10+$0xFFFFFFE0]  }
0x3b6: {  	s9 =	simm.s32 $0x1CF20;
	s30 =	simm.s32 $0x40;
	vm1 =	vlt.u32 v62, v2;
	v10 =	vld [tilespmem:s10+$0xFFFFFFF0];
	v14 =	vsel vm0, $0x0, v14;
	v16 =	vmul.f32 v13, v17  }
0x3b7: {  	s11 =	simm.s32 $0x13FA0;
	s13 =	simm.s32 $0xC0;
	v15 =	vsel vm1, $0x0, v15;
	v17 =	vor.u32 s30, v4;
	v14 =	vmul.f32 v14, v60;
	[tilespmem:s9+$0x10] =	vst v12;
	v12 =	vld [tilespmem:s10+$0x0]  }
0x3b8: {  	s19 =	simm.s32 $0x50;
	s18 =	simm.s32 $0x60;
	s6 =	simm.s32 $0x80;
	vm1 =	vlt.u32 v63, v2;
	v13 =	vld [tilespmem:s11+$0x10];
	v15 =	vmul.f32 v15, v61;
	vm0 =	vlt.u32 v17, v2;
	[tilespmem:s9+$0xFFFFFFE0] =	vst v16  }
.LBB2_24:
0x3b9: {  	p2 =	slt.u32 s13, $0xFC0;
	v16 =	vld [tilespmem:s11+$0xFFFFFFF0];
	v17 =	vor.u32 s19, v4;
	v18 =	vor.u32 s18, v4;
	v9 =	vsel vm1, $0x0, v9;
	[tilespmem:s9+$0xFFFFFFF0] =	vst v14;
	s18 =	smov.u32 s6;
	s6 =	smov.u32 s13  }
0x3ba: {  	v14 =	vld [tilespmem:s11+$0x0];
	v19 =	vsel vm0, $0x0, v11;
	vm0 =	vlt.u32 v17, v2;
	v8 =	vmul.f32 v9, v8;
	[tilespmem:s9+$0x0] =	vst v15  }
0x3bb: {  	s9 =	sadd.s32 $0x40, s9;
	v11 =	vld [tilespmem:s11+$0xFFFFFFE0];
	v15 =	vsel vm0, $0x0, v10;
	vm0 =	vlt.u32 v18, v2  }
0x3bc: {  	v17 =	vld.idx.msk [tilespmem:v7+s3+$0x0], $0xffff;
	v18 =	vsel vm0, $0x0, v12;
	[tilespmem:s9+$0x10] =	vst v8  }
0x3bd: {  	v20 =	vld.idx.msk [tilespmem:v5+s3+$0x0], $0xffff  }
0x3be: {  	s10 =	sadd.s32 $0x40, s10;
	v21 =	vld.idx.msk [tilespmem:v6+s3+$0x0], $0xffff;
	v5 =	vmov v16  }
0x3bf: {  	v9 =	vld [tilespmem:s10+$0x10];
	v6 =	vmov v14  }
.Ltmp11:
0x3c0: {  	v8 =	vld.idx.msk [tilespmem:v13+s3+$0x0], $0xffff;
	v7 =	vmov v11;
	(pc) =	sbr.rel @p2 .LBB2_24-.Ltmp11, $4  }
0x3c1: {  	v11 =	vld [tilespmem:s10+$0xFFFFFFE0]  }
0x3c2: {  	s19 =	sadd.s32 $0x30, s18;
	v16 =	vmul.f32 v19, v17;
	v10 =	vld [tilespmem:s10+$0xFFFFFFF0]  }
0x3c3: {  	s11 =	sadd.s32 $0x40, s11;
	v17 =	vor.u32 s18, v4;
	v19 =	vor.u32 s19, v4;
	v14 =	vmul.f32 v15, v20;
	v12 =	vld [tilespmem:s10+$0x0]  }
0x3c4: {  	s13 =	sadd.s32 $0x40, s13;
	s19 =	sadd.s32 $0x10, s18;
	s18 =	sadd.s32 $0x20, s18;
	vm0 =	vlt.u32 v17, v2;
	vm1 =	vlt.u32 v19, v2;
	v15 =	vmul.f32 v18, v21;
	v13 =	vld [tilespmem:s11+$0x10];
	[tilespmem:s9+$0xFFFFFFE0] =	vst v16  }
0x3c5: {  	_ = 	snop  }
0x3c6: {  	v16 =	vld [tilespmem:s11+$0xFFFFFFF0]  }
0x3c7: {  	v17 =	vld [tilespmem:s11+$0x0]  }
0x3c8: {  	v18 =	vld [tilespmem:s11+$0xFFFFFFE0]  }
0x3c9: {  	v7 =	vld.idx.msk [tilespmem:v7+s3+$0x0], $0xffff  }
0x3ca: {  	v5 =	vld.idx.msk [tilespmem:v5+s3+$0x0], $0xffff  }
0x3cb: {  	v6 =	vld.idx.msk [tilespmem:v6+s3+$0x0], $0xffff;
	s10 =	sadd.s32 $0x40, s10  }
0x3cc: {  	v19 =	vld [tilespmem:s10+$0x10]  }
0x3cd: {  	v21 =	vld [tilespmem:s10+$0xFFFFFFE0]  }
0x3ce: {  	v20 =	vor.u32 s19, v4;
	v54 =	vld [tilespmem:s10+$0xFFFFFFF0]  }
0x3cf: {  	v22 =	vor.u32 s18, v4;
	v9 =	vsel vm1, $0x0, v9;
	v58 =	vor.u32 s6, v4;
	v56 =	vld [tilespmem:s10+$0x0]  }
0x3d0: {  	s19 =	sadd.s32 $0x30, s6;
	vm10 =	vlt.u32 v20, v2;
	v8 =	vmul.f32 v9, v8;
	v55 =	vsel vm0, $0x0, v11;
	v13 =	vld.idx.msk [tilespmem:v13+s3+$0x0], $0xffff  }
0x3d1: {  	[tilespmem:s9+$0xFFFFFFF0] =	vst v14;
	s23 =	sadd.s32 $0x20, s6;
	vm11 =	vlt.u32 v22, v2;
	v59 =	vor.u32 s19, v4;
	vm12 =	vlt.u32 v58, v2;
	v57 =	vld.idx.msk [tilespmem:v18+s3+$0x0], $0xffff  }
0x3d2: {  	s18 =	sadd.s32 $0x40, s9;
	[tilespmem:s9+$0x0] =	vst v15;
	v62 =	vor.u32 s23, v4;
	v10 =	vsel vm10, $0x0, v10;
	v7 =	vmul.f32 v55, v7;
	v60 =	vld.idx.msk [tilespmem:v16+s3+$0x0], $0xffff  }
0x3d3: {  	s20 =	sadd.s32 $0x10, s6;
	vm13 =	vlt.u32 v59, v2;
	v12 =	vsel vm11, $0x0, v12;
	[tilespmem:s18+$0x10] =	vst v8;
	v5 =	vmul.f32 v10, v5;
	v61 =	vld.idx.msk [tilespmem:v17+s3+$0x0], $0xffff  }
0x3d4: {  	v6 =	vmul.f32 v12, v6;
	v14 =	vsel vm13, $0x0, v19;
	[tilespmem:s18+$0xFFFFFFE0] =	vst v7;
	v7 =	vor.u32 s20, v4  }
0x3d5: {  	[tilespmem:s18+$0xFFFFFFF0] =	vst v5;
	v5 =	vsel vm12, $0x0, v21;
	vm14 =	vlt.u32 v7, v2;
	v7 =	vmul.f32 v14, v13  }
0x3d6: {  	s28 =	sadd.s32 $0x40, s18;
	vm15 =	vlt.u32 v62, v2;
	[tilespmem:s18+$0x0] =	vst v6;
	v6 =	vsel vm14, $0x0, v54;
	v5 =	vmul.f32 v5, v57  }
0x3d7: {  	v63 =	vsel vm15, $0x0, v56;
	[tilespmem:s28+$0x10] =	vst v7;
	v6 =	vmul.f32 v6, v60  }
0x3d8: {  	[tilespmem:s28+$0xFFFFFFE0] =	vst v5;
	v5 =	vmul.f32 v63, v61  }
0x3d9: {  	[tilespmem:s28+$0xFFFFFFF0] =	vst v6  }
0x3da: {  	s29 =	simm.s32 $0x1CF00;
	[tilespmem:s28+$0x0] =	vst v5  }
0x3db: {  	[spmem:s5] =	stream.indirect.scatter.add.f32 [tilespmem:s29], [sflag:$0x5], $0x1, s21, s25, $0xb8;
	[tilespmem:$0x1EF00] =	vst v63  }
0x3dc: {  	s30 =	simm.s32 $0x1D700;
	s6 =	simm.s32 $0x0;
	s18 =	simm.s32 $0x0  }
0x3dd: {  	[spmem:s5] =	stream.indirect.scatter.add.f32 [tilespmem:s30], [sflag:$0x5], $0x1, s22, s25, $0xb8;
	[tilespmem:$0x1EF00] =	vst v63  }
.LBB2_26:
0x3de: {  	s10 =	smul.u32 $0x3000, s6;
	_ =	swait.ge [sflag:s0], $0x800  }
0x3df: {  	s9 =	rddreg [dreg:$0x1c]  }
0x3e0: {  	[sflag:s0] =	ssyncset.done $0x0;
	s11 =	sadd.s32 s10, s9  }
0x3e1: {  	[sflag:s0] =	ssyncadd.s32 $0xFFFFF800;
	s9 =	smov.u32 s16;
	p2 =	slt.s32 s11, s16  }
0x3e2: {  	_ =	swait.ge [sflag:s0], $0x800;
	s9 =	smov.u32 @p2 s11  }
0x3e3: {  	[sflag:s0] =	ssyncset.done $0x0;
	s13 =	sshrl.u32 s9, $0x3  }
0x3e4: {  	s20 =	simm.s32 $0x12F00;
	[sflag:s0] =	ssyncadd.s32 $0xFFFFF800;
	s19 =	sadd.s32 s1, s13  }
0x3e5: {  	[tilespmem:s20], [sflag:$0x1] =	stream.linear.gather [hbm4b:s19+s18], $0x1000, $0x38;
	[tilespmem:$0x1EF00] =	vst v63  }
0x3e6: {  	s23 =	simm.s32 $0x15F00;
	s20 =	sadd.s32 s4, s13  }
0x3e7: {  	[tilespmem:s23], [sflag:$0x1] =	stream.linear.gather [hbm4b:s20+s18], $0x1000, $0x38;
	[tilespmem:$0x1EF00] =	vst v63  }
0x3e8: {  	s13 =	sadd.s32 s2, s13  }
0x3e9: {  	[tilespmem:s12], [sflag:$0x1] =	stream.linear.gather [hbm4b:s13+s18], $0x800, $0x38;
	[tilespmem:$0x1EF00] =	vst v63  }
0x3ea: {  	s13 =	sadd.s32 $0x100, s13  }
0x3eb: {  	[tilespmem:s15], [sflag:$0x1] =	stream.linear.gather [hbm4b:s13+s18], $0x800, $0x38;
	[tilespmem:$0x1EF00] =	vst v63  }
0x3ec: {  	_ =	swait.ge [sflag:s14], $0x1000  }
0x3ed: {  	[sflag:s14] =	ssyncset.done $0x0  }
0x3ee: {  	[sflag:s14] =	ssyncadd.s32 $0xFFFFF000  }
0x3ef: {  	_ =	swait.ge [sflag:s14], $0x1000  }
0x3f0: {  	[sflag:s14] =	ssyncset.done $0x0  }
0x3f1: {  	[sflag:s14] =	ssyncadd.s32 $0xFFFFF000  }
0x3f2: {  	_ =	swait.ge [sflag:s14], $0x800  }
0x3f3: {  	[sflag:s14] =	ssyncset.done $0x0  }
0x3f4: {  	[sflag:s14] =	ssyncadd.s32 $0xFFFFF800  }
0x3f5: {  	_ =	swait.ge [sflag:s14], $0x800  }
0x3f6: {  	[sflag:s14] =	ssyncset.done $0x0  }
0x3f7: {  	s19 =	simm.s32 $0x14F20;
	[sflag:s14] =	ssyncadd.s32 $0xFFFFF800  }
0x3f8: {  	v5 =	vld [tilespmem:s19+$0x10]  }
0x3f9: {  	v9 =	vld [tilespmem:s19+$0xFFFFFFF0]  }
0x3fa: {  	v10 =	vld [tilespmem:s19+$0x0]  }
0x3fb: {  	s20 =	simm.s32 $0x17F20;
	v11 =	vld [tilespmem:s19+$0xFFFFFFE0]  }
0x3fc: {  	v12 =	vld [tilespmem:s20+$0x10]  }
0x3fd: {  	v14 =	vld [tilespmem:s20+$0xFFFFFFE0]  }
0x3fe: {  	v15 =	vld [tilespmem:s20+$0xFFFFFFF0]  }
0x3ff: {  	s13 =	simm.s32 $0x14F60;
	v16 =	vld [tilespmem:s20+$0x0]  }
0x400: {  	v17 =	vld [tilespmem:s13+$0x10]  }
0x401: {  	v6 =	vld [tilespmem:s13+$0xFFFFFFF0]  }
0x402: {  	s23 =	rddreg [dreg:$0x15];
	v7 =	vld [tilespmem:s13+$0x0]  }
0x403: {  	s19 =	sadd.s32 s10, s23;
	v8 =	vld [tilespmem:s13+$0xFFFFFFE0]  }
0x404: {  	s20 =	smov.u32 s16;
	p2 =	slt.s32 s19, s16;
	v13 =	vld.idx.msk [tilespmem:v5+s3+$0x0], $0xffff  }
0x405: {  	s20 =	smov.u32 @p2 s19;
	v18 =	vld.idx.msk [tilespmem:v11+s3+$0x0], $0xffff  }
0x406: {  	s23 =	simm.s32 $0x30;
	s20 =	ssub.s32 s19, s20;
	v19 =	vld.idx.msk [tilespmem:v9+s3+$0x0], $0xffff  }
0x407: {  	s28 =	simm.s32 $0x70;
	v5 =	vmov s20;
	v11 =	vor.u32 s23, v4;
	v9 =	vor.u32 s18, v4;
	v20 =	vld.idx.msk [tilespmem:v10+s3+$0x0], $0xffff;
	s20 =	simm.s32 $0x17F60  }
0x408: {  	v63 =	vor.u32 s28, v4;
	s19 =	simm.s32 $0x10;
	s23 =	simm.s32 $0x20;
	vm0 =	vlt.u32 v11, v5;
	vm1 =	vlt.u32 v9, v5;
	v10 =	vld [tilespmem:s20+$0x10]  }
0x409: {  	v21 =	vor.u32 s23, v4;
	v9 =	vld.idx.msk [tilespmem:v17+s3+$0x0], $0xffff;
	v11 =	vsel vm0, $0x0, v12;
	v12 =	vor.u32 s19, v4  }
0x40a: {  	v14 =	vsel vm1, $0x0, v14;
	vm0 =	vlt.u32 v12, v5;
	v12 =	vld [tilespmem:s20+$0xFFFFFFE0];
	v13 =	vmul.f32 v11, v13  }
0x40b: {  	s23 =	simm.s32 $0x40;
	vm1 =	vlt.u32 v21, v5;
	s19 =	simm.s32 $0x1DF20;
	v15 =	vsel vm0, $0x0, v15;
	v11 =	vld [tilespmem:s20+$0xFFFFFFF0];
	v17 =	vmul.f32 v14, v18  }
0x40c: {  	s29 =	simm.s32 $0xC0;
	s28 =	simm.s32 $0x14FA0;
	v16 =	vsel vm1, $0x0, v16;
	v18 =	vor.u32 s23, v4;
	v15 =	vmul.f32 v15, v19;
	[tilespmem:s19+$0x10] =	vst v13;
	v13 =	vld [tilespmem:s20+$0x0]  }
0x40d: {  	s30 =	simm.s32 $0x60;
	s13 =	simm.s32 $0x80;
	vm1 =	vlt.u32 v63, v5;
	v14 =	vld [tilespmem:s28+$0x10];
	s23 =	simm.s32 $0x50;
	v16 =	vmul.f32 v16, v20;
	vm0 =	vlt.u32 v18, v5;
	[tilespmem:s19+$0xFFFFFFE0] =	vst v17  }
.LBB2_27:
0x40e: {  	p2 =	slt.u32 s29, $0xFC0;
	v17 =	vld [tilespmem:s28+$0xFFFFFFF0];
	v18 =	vor.u32 s23, v4;
	v19 =	vor.u32 s30, v4;
	v10 =	vsel vm1, $0x0, v10;
	[tilespmem:s19+$0xFFFFFFF0] =	vst v15;
	s30 =	smov.u32 s13;
	s13 =	smov.u32 s29  }
0x40f: {  	v15 =	vld [tilespmem:s28+$0x0];
	v20 =	vsel vm0, $0x0, v12;
	vm0 =	vlt.u32 v18, v5;
	v9 =	vmul.f32 v10, v9;
	[tilespmem:s19+$0x0] =	vst v16  }
0x410: {  	s19 =	sadd.s32 $0x40, s19;
	v12 =	vld [tilespmem:s28+$0xFFFFFFE0];
	v16 =	vsel vm0, $0x0, v11;
	vm0 =	vlt.u32 v19, v5  }
0x411: {  	v18 =	vld.idx.msk [tilespmem:v8+s3+$0x0], $0xffff;
	v19 =	vsel vm0, $0x0, v13;
	[tilespmem:s19+$0x10] =	vst v9  }
0x412: {  	v21 =	vld.idx.msk [tilespmem:v6+s3+$0x0], $0xffff  }
0x413: {  	s20 =	sadd.s32 $0x40, s20;
	v22 =	vld.idx.msk [tilespmem:v7+s3+$0x0], $0xffff;
	v6 =	vmov v17  }
0x414: {  	v10 =	vld [tilespmem:s20+$0x10];
	v7 =	vmov v15  }
.Ltmp12:
0x415: {  	v9 =	vld.idx.msk [tilespmem:v14+s3+$0x0], $0xffff;
	v8 =	vmov v12;
	(pc) =	sbr.rel @p2 .LBB2_27-.Ltmp12, $4  }
0x416: {  	v12 =	vld [tilespmem:s20+$0xFFFFFFE0]  }
0x417: {  	s23 =	sadd.s32 $0x30, s30;
	v17 =	vmul.f32 v20, v18;
	v11 =	vld [tilespmem:s20+$0xFFFFFFF0]  }
0x418: {  	s28 =	sadd.s32 $0x40, s28;
	v18 =	vor.u32 s30, v4;
	v20 =	vor.u32 s23, v4;
	v15 =	vmul.f32 v16, v21;
	v13 =	vld [tilespmem:s20+$0x0]  }
0x419: {  	s29 =	sadd.s32 $0x40, s29;
	s23 =	sadd.s32 $0x10, s30;
	s30 =	sadd.s32 $0x20, s30;
	vm0 =	vlt.u32 v18, v5;
	vm1 =	vlt.u32 v20, v5;
	v16 =	vmul.f32 v19, v22;
	v14 =	vld [tilespmem:s28+$0x10];
	[tilespmem:s19+$0xFFFFFFE0] =	vst v17  }
0x41a: {  	_ = 	snop  }
0x41b: {  	v17 =	vld [tilespmem:s28+$0xFFFFFFF0]  }
0x41c: {  	v18 =	vld [tilespmem:s28+$0x0]  }
0x41d: {  	v19 =	vld [tilespmem:s28+$0xFFFFFFE0]  }
0x41e: {  	v8 =	vld.idx.msk [tilespmem:v8+s3+$0x0], $0xffff  }
0x41f: {  	v6 =	vld.idx.msk [tilespmem:v6+s3+$0x0], $0xffff  }
0x420: {  	v7 =	vld.idx.msk [tilespmem:v7+s3+$0x0], $0xffff;
	s20 =	sadd.s32 $0x40, s20  }
0x421: {  	v20 =	vld [tilespmem:s20+$0x10]  }
0x422: {  	v22 =	vld [tilespmem:s20+$0xFFFFFFE0]  }
0x423: {  	v21 =	vor.u32 s23, v4;
	v10 =	vsel vm1, $0x0, v10;
	v60 =	vld [tilespmem:s20+$0xFFFFFFF0]  }
0x424: {  	v23 =	vor.u32 s30, v4;
	v9 =	vmul.f32 v10, v9;
	v10 =	vsel vm0, $0x0, v12;
	v12 =	vld [tilespmem:s20+$0x0]  }
0x425: {  	[tilespmem:s19+$0xFFFFFFF0] =	vst v15;
	s23 =	sadd.s32 $0x30, s13;
	vm1 =	vlt.u32 v21, v5;
	vm0 =	vlt.u32 v23, v5;
	v14 =	vld.idx.msk [tilespmem:v14+s3+$0x0], $0xffff  }
0x426: {  	[tilespmem:s19+$0x0] =	vst v16;
	s19 =	sadd.s32 $0x40, s19;
	v15 =	vor.u32 s23, v4;
	v11 =	vsel vm1, $0x0, v11;
	v8 =	vmul.f32 v10, v8;
	v10 =	vld.idx.msk [tilespmem:v19+s3+$0x0], $0xffff  }
0x427: {  	v13 =	vsel vm0, $0x0, v13;
	[tilespmem:s19+$0x10] =	vst v9;
	v9 =	vor.u32 s13, v4;
	v6 =	vmul.f32 v11, v6;
	v11 =	vld.idx.msk [tilespmem:v17+s3+$0x0], $0xffff  }
0x428: {  	s20 =	sadd.s32 $0x10, s13;
	s23 =	sadd.s32 $0x20, s13;
	vm1 =	vlt.u32 v15, v5;
	vm0 =	vlt.u32 v9, v5;
	v7 =	vmul.f32 v13, v7;
	v9 =	vld.idx.msk [tilespmem:v18+s3+$0x0], $0xffff  }
0x429: {  	v13 =	vor.u32 s23, v4;
	v15 =	vsel vm1, $0x0, v20;
	[tilespmem:s19+$0xFFFFFFE0] =	vst v8;
	v8 =	vor.u32 s20, v4  }
0x42a: {  	[tilespmem:s19+$0xFFFFFFF0] =	vst v6;
	v6 =	vsel vm0, $0x0, v22;
	vm0 =	vlt.u32 v8, v5;
	v8 =	vmul.f32 v15, v14  }
0x42b: {  	[tilespmem:s19+$0x0] =	vst v7;
	s19 =	sadd.s32 $0x40, s19;
	v7 =	vsel vm0, $0x0, v60;
	vm0 =	vlt.u32 v13, v5;
	v5 =	vmul.f32 v6, v10  }
0x42c: {  	[tilespmem:s19+$0x10] =	vst v8;
	v6 =	vsel vm0, $0x0, v12;
	v7 =	vmul.f32 v7, v11  }
0x42d: {  	[tilespmem:s19+$0xFFFFFFE0] =	vst v5;
	v5 =	vmul.f32 v6, v9  }
0x42e: {  	[tilespmem:s19+$0xFFFFFFF0] =	vst v7  }
0x42f: {  	s23 =	simm.s32 $0x1DF00;
	s20 =	simm.s32 $0x1AF00;
	[tilespmem:s19+$0x0] =	vst v5  }
0x430: {  	[spmem:s5] =	stream.indirect.scatter.add.f32 [tilespmem:s23], [sflag:$0x6], $0x1, s20, s25, $0xb8;
	[tilespmem:$0x1EF00] =	vst v63  }
0x431: {  	s19 =	simm.s32 $0x1E700  }
0x432: {  	[spmem:s5] =	stream.indirect.scatter.add.f32 [tilespmem:s19], [sflag:$0x6], $0x1, s26, s25, $0xb8;
	[tilespmem:$0x1EF00] =	vst v63  }
0x433: {  	_ =	swait.ge [sflag:s8], $0x800  }
0x434: {  	s20 =	rddreg [dreg:$0x1d]  }
0x435: {  	[sflag:s8] =	ssyncset.done $0x0;
	s13 =	sadd.s32 s10, s20  }
0x436: {  	s19 =	smov.u32 s16;
	[sflag:s8] =	ssyncadd.s32 $0xFFFFF800;
	p2 =	slt.s32 s13, s16  }
0x437: {  	_ =	swait.ge [sflag:s8], $0x800;
	s19 =	smov.u32 @p2 s13  }
0x438: {  	s28 =	simm.s32 $0x0;
	[sflag:s8] =	ssyncset.done $0x0;
	s20 =	sshrl.u32 s19, $0x3  }
0x439: {  	s29 =	simm.s32 $0x13F00;
	[sflag:s8] =	ssyncadd.s32 $0xFFFFF800;
	s23 =	sadd.s32 s1, s20  }
0x43a: {  	[tilespmem:s29], [sflag:$0x2] =	stream.linear.gather [hbm4b:s23+s28], $0x1000, $0x38;
	[tilespmem:$0x1EF00] =	vst v63  }
0x43b: {  	s23 =	sadd.s32 s4, s20;
	s29 =	simm.s32 $0x16F00  }
0x43c: {  	[tilespmem:s29], [sflag:$0x2] =	stream.linear.gather [hbm4b:s23+s28], $0x1000, $0x38;
	[tilespmem:$0x1EF00] =	vst v63  }
0x43d: {  	s20 =	sadd.s32 s2, s20  }
0x43e: {  	[tilespmem:s21], [sflag:$0x2] =	stream.linear.gather [hbm4b:s20+s28], $0x800, $0x38;
	[tilespmem:$0x1EF00] =	vst v63  }
0x43f: {  	s20 =	sadd.s32 $0x100, s20  }
0x440: {  	[tilespmem:s22], [sflag:$0x2] =	stream.linear.gather [hbm4b:s20+s28], $0x800, $0x38;
	[tilespmem:$0x1EF00] =	vst v63  }
0x441: {  	_ =	swait.ge [sflag:s24], $0x1000  }
0x442: {  	[sflag:s24] =	ssyncset.done $0x0  }
0x443: {  	[sflag:s24] =	ssyncadd.s32 $0xFFFFF000  }
0x444: {  	_ =	swait.ge [sflag:s24], $0x1000  }
0x445: {  	[sflag:s24] =	ssyncset.done $0x0  }
0x446: {  	[sflag:s24] =	ssyncadd.s32 $0xFFFFF000  }
0x447: {  	_ =	swait.ge [sflag:s24], $0x800  }
0x448: {  	[sflag:s24] =	ssyncset.done $0x0  }
0x449: {  	[sflag:s24] =	ssyncadd.s32 $0xFFFFF800  }
0x44a: {  	_ =	swait.ge [sflag:s24], $0x800  }
0x44b: {  	[sflag:s24] =	ssyncset.done $0x0  }
0x44c: {  	s20 =	simm.s32 $0x12F20;
	[sflag:s24] =	ssyncadd.s32 $0xFFFFF800  }
0x44d: {  	v5 =	vld [tilespmem:s20+$0x10]  }
0x44e: {  	v9 =	vld [tilespmem:s20+$0xFFFFFFF0]  }
0x44f: {  	v10 =	vld [tilespmem:s20+$0x0]  }
0x450: {  	s23 =	simm.s32 $0x15F20;
	v11 =	vld [tilespmem:s20+$0xFFFFFFE0]  }
0x451: {  	v12 =	vld [tilespmem:s23+$0x10]  }
0x452: {  	v14 =	vld [tilespmem:s23+$0xFFFFFFE0]  }
0x453: {  	v15 =	vld [tilespmem:s23+$0xFFFFFFF0]  }
0x454: {  	v16 =	vld [tilespmem:s23+$0x0];
	s23 =	simm.s32 $0x12F60  }
0x455: {  	v17 =	vld [tilespmem:s23+$0x10]  }
0x456: {  	v6 =	vld [tilespmem:s23+$0xFFFFFFF0]  }
0x457: {  	v7 =	vld [tilespmem:s23+$0x0]  }
0x458: {  	v8 =	vld [tilespmem:s23+$0xFFFFFFE0]  }
0x459: {  	v13 =	vld.idx.msk [tilespmem:v5+s3+$0x0], $0xffff  }
0x45a: {  	v18 =	vld.idx.msk [tilespmem:v11+s3+$0x0], $0xffff  }
0x45b: {  	s9 =	ssub.s32 s11, s9;
	s23 =	simm.s32 $0x30;
	v19 =	vld.idx.msk [tilespmem:v9+s3+$0x0], $0xffff  }
0x45c: {  	s11 =	simm.s32 $0x10;
	s20 =	simm.s32 $0x15F60;
	v5 =	vmov s9;
	v9 =	vor.u32 s28, v4;
	v11 =	vor.u32 s23, v4;
	v61 =	vld.idx.msk [tilespmem:v10+s3+$0x0], $0xffff  }
0x45d: {  	s23 =	simm.s32 $0x20;
	v10 =	vld [tilespmem:s20+$0x10];
	s28 =	simm.s32 $0x70;
	vm0 =	vlt.u32 v9, v5;
	vm1 =	vlt.u32 v11, v5;
	v11 =	vor.u32 s11, v4  }
0x45e: {  	v62 =	vor.u32 s23, v4;
	v9 =	vld.idx.msk [tilespmem:v17+s3+$0x0], $0xffff;
	v63 =	vor.u32 s28, v4;
	v12 =	vsel vm1, $0x0, v12  }
0x45f: {  	v14 =	vsel vm0, $0x0, v14;
	vm0 =	vlt.u32 v11, v5;
	v13 =	vmul.f32 v12, v13;
	v12 =	vld [tilespmem:s20+$0xFFFFFFE0]  }
0x460: {  	s11 =	simm.s32 $0x1BF20;
	s23 =	simm.s32 $0x40;
	vm1 =	vlt.u32 v62, v5;
	v11 =	vld [tilespmem:s20+$0xFFFFFFF0];
	v15 =	vsel vm0, $0x0, v15;
	v17 =	vmul.f32 v14, v18  }
0x461: {  	s30 =	simm.s32 $0x60;
	s28 =	simm.s32 $0x12FA0;
	v16 =	vsel vm1, $0x0, v16;
	v18 =	vor.u32 s23, v4;
	v15 =	vmul.f32 v15, v19;
	[tilespmem:s11+$0x10] =	vst v13;
	v13 =	vld [tilespmem:s20+$0x0]  }
0x462: {  	s29 =	simm.s32 $0xC0;
	s9 =	simm.s32 $0x80;
	vm1 =	vlt.u32 v63, v5;
	v14 =	vld [tilespmem:s28+$0x10];
	s23 =	simm.s32 $0x50;
	v16 =	vmul.f32 v16, v61;
	vm0 =	vlt.u32 v18, v5;
	[tilespmem:s11+$0xFFFFFFE0] =	vst v17  }
.LBB2_29:
0x463: {  	p2 =	slt.u32 s29, $0xFC0;
	v17 =	vld [tilespmem:s28+$0xFFFFFFF0];
	v18 =	vor.u32 s23, v4;
	v19 =	vor.u32 s30, v4;
	v10 =	vsel vm1, $0x0, v10;
	[tilespmem:s11+$0xFFFFFFF0] =	vst v15;
	s30 =	smov.u32 s9;
	s9 =	smov.u32 s29  }
0x464: {  	v15 =	vld [tilespmem:s28+$0x0];
	v20 =	vsel vm0, $0x0, v12;
	vm0 =	vlt.u32 v18, v5;
	v9 =	vmul.f32 v10, v9;
	[tilespmem:s11+$0x0] =	vst v16  }
0x465: {  	s11 =	sadd.s32 $0x40, s11;
	v12 =	vld [tilespmem:s28+$0xFFFFFFE0];
	v16 =	vsel vm0, $0x0, v11;
	vm0 =	vlt.u32 v19, v5  }
0x466: {  	v18 =	vld.idx.msk [tilespmem:v8+s3+$0x0], $0xffff;
	v19 =	vsel vm0, $0x0, v13;
	[tilespmem:s11+$0x10] =	vst v9  }
0x467: {  	v21 =	vld.idx.msk [tilespmem:v6+s3+$0x0], $0xffff  }
0x468: {  	s20 =	sadd.s32 $0x40, s20;
	v22 =	vld.idx.msk [tilespmem:v7+s3+$0x0], $0xffff;
	v6 =	vmov v17  }
0x469: {  	v10 =	vld [tilespmem:s20+$0x10];
	v7 =	vmov v15  }
.Ltmp13:
0x46a: {  	v9 =	vld.idx.msk [tilespmem:v14+s3+$0x0], $0xffff;
	v8 =	vmov v12;
	(pc) =	sbr.rel @p2 .LBB2_29-.Ltmp13, $4  }
0x46b: {  	v12 =	vld [tilespmem:s20+$0xFFFFFFE0]  }
0x46c: {  	s23 =	sadd.s32 $0x30, s30;
	v17 =	vmul.f32 v20, v18;
	v11 =	vld [tilespmem:s20+$0xFFFFFFF0]  }
0x46d: {  	s28 =	sadd.s32 $0x40, s28;
	v18 =	vor.u32 s30, v4;
	v20 =	vor.u32 s23, v4;
	v15 =	vmul.f32 v16, v21;
	v13 =	vld [tilespmem:s20+$0x0]  }
0x46e: {  	s29 =	sadd.s32 $0x40, s29;
	s23 =	sadd.s32 $0x10, s30;
	s30 =	sadd.s32 $0x20, s30;
	vm0 =	vlt.u32 v18, v5;
	vm1 =	vlt.u32 v20, v5;
	v16 =	vmul.f32 v19, v22;
	v14 =	vld [tilespmem:s28+$0x10];
	[tilespmem:s11+$0xFFFFFFE0] =	vst v17  }
0x46f: {  	_ = 	snop  }
0x470: {  	v17 =	vld [tilespmem:s28+$0xFFFFFFF0]  }
0x471: {  	v18 =	vld [tilespmem:s28+$0x0]  }
0x472: {  	v19 =	vld [tilespmem:s28+$0xFFFFFFE0]  }
0x473: {  	v8 =	vld.idx.msk [tilespmem:v8+s3+$0x0], $0xffff  }
0x474: {  	v6 =	vld.idx.msk [tilespmem:v6+s3+$0x0], $0xffff  }
0x475: {  	v7 =	vld.idx.msk [tilespmem:v7+s3+$0x0], $0xffff;
	s20 =	sadd.s32 $0x40, s20  }
0x476: {  	v20 =	vld [tilespmem:s20+$0x10]  }
0x477: {  	v22 =	vld [tilespmem:s20+$0xFFFFFFE0]  }
0x478: {  	v21 =	vor.u32 s23, v4;
	v10 =	vsel vm1, $0x0, v10;
	v60 =	vld [tilespmem:s20+$0xFFFFFFF0]  }
0x479: {  	v23 =	vor.u32 s30, v4;
	v9 =	vmul.f32 v10, v9;
	v10 =	vsel vm0, $0x0, v12;
	v12 =	vld [tilespmem:s20+$0x0]  }
0x47a: {  	[tilespmem:s11+$0xFFFFFFF0] =	vst v15;
	s28 =	sadd.s32 $0x30, s9;
	vm1 =	vlt.u32 v21, v5;
	vm0 =	vlt.u32 v23, v5;
	v14 =	vld.idx.msk [tilespmem:v14+s3+$0x0], $0xffff  }
0x47b: {  	s23 =	sadd.s32 $0x40, s11;
	[tilespmem:s11+$0x0] =	vst v16;
	v15 =	vor.u32 s28, v4;
	v11 =	vsel vm1, $0x0, v11;
	v8 =	vmul.f32 v10, v8;
	v10 =	vld.idx.msk [tilespmem:v19+s3+$0x0], $0xffff  }
0x47c: {  	v13 =	vsel vm0, $0x0, v13;
	[tilespmem:s23+$0x10] =	vst v9;
	v9 =	vor.u32 s9, v4;
	v6 =	vmul.f32 v11, v6;
	v11 =	vld.idx.msk [tilespmem:v17+s3+$0x0], $0xffff  }
0x47d: {  	s29 =	sadd.s32 $0x10, s9;
	s30 =	sadd.s32 $0x20, s9;
	vm1 =	vlt.u32 v15, v5;
	vm0 =	vlt.u32 v9, v5;
	v7 =	vmul.f32 v13, v7;
	v9 =	vld.idx.msk [tilespmem:v18+s3+$0x0], $0xffff  }
0x47e: {  	v13 =	vor.u32 s30, v4;
	v15 =	vsel vm1, $0x0, v20;
	[tilespmem:s23+$0xFFFFFFE0] =	vst v8;
	v8 =	vor.u32 s29, v4  }
0x47f: {  	[tilespmem:s23+$0xFFFFFFF0] =	vst v6;
	v6 =	vsel vm0, $0x0, v22;
	vm0 =	vlt.u32 v8, v5;
	v8 =	vmul.f32 v15, v14  }
0x480: {  	s20 =	sadd.s32 $0x40, s23;
	[tilespmem:s23+$0x0] =	vst v7;
	v7 =	vsel vm0, $0x0, v60;
	vm0 =	vlt.u32 v13, v5;
	v5 =	vmul.f32 v6, v10  }
0x481: {  	[tilespmem:s20+$0x10] =	vst v8;
	v6 =	vsel vm0, $0x0, v12;
	v7 =	vmul.f32 v7, v11  }
0x482: {  	[tilespmem:s20+$0xFFFFFFE0] =	vst v5;
	v5 =	vmul.f32 v6, v9  }
0x483: {  	[tilespmem:s20+$0xFFFFFFF0] =	vst v7  }
0x484: {  	s23 =	simm.s32 $0x1BF00;
	[tilespmem:s20+$0x0] =	vst v5  }
0x485: {  	[spmem:s5] =	stream.indirect.scatter.add.f32 [tilespmem:s23], [sflag:$0x4], $0x1, s12, s25, $0xb8;
	[tilespmem:$0x1EF00] =	vst v63  }
0x486: {  	s28 =	simm.s32 $0x1C700  }
0x487: {  	[spmem:s5] =	stream.indirect.scatter.add.f32 [tilespmem:s28], [sflag:$0x4], $0x1, s15, s25, $0xb8;
	[tilespmem:$0x1EF00] =	vst v63  }
0x488: {  	_ =	swait.ge [sflag:s17], $0x800  }
0x489: {  	s29 =	rddreg [dreg:$0x1e]  }
0x48a: {  	[sflag:s17] =	ssyncset.done $0x0;
	s9 =	sadd.s32 s10, s29  }
0x48b: {  	[sflag:s17] =	ssyncadd.s32 $0xFFFFF800;
	s10 =	smov.u32 s16;
	p2 =	slt.s32 s9, s16  }
0x48c: {  	_ =	swait.ge [sflag:s17], $0x800;
	s10 =	smov.u32 @p2 s9  }
0x48d: {  	s11 =	simm.s32 $0x0;
	[sflag:s17] =	ssyncset.done $0x0;
	s9 =	sshrl.u32 s10, $0x3  }
0x48e: {  	s30 =	simm.s32 $0x14F00;
	[sflag:s17] =	ssyncadd.s32 $0xFFFFF800;
	s10 =	sadd.s32 s1, s9  }
0x48f: {  	[tilespmem:s30], [sflag:$0x3] =	stream.linear.gather [hbm4b:s10+s11], $0x1000, $0x38;
	[tilespmem:$0x1EF00] =	vst v63  }
0x490: {  	s23 =	simm.s32 $0x17F00;
	s20 =	sadd.s32 s4, s9  }
0x491: {  	[tilespmem:s23], [sflag:$0x3] =	stream.linear.gather [hbm4b:s20+s11], $0x1000, $0x38;
	[tilespmem:$0x1EF00] =	vst v63  }
0x492: {  	s28 =	simm.s32 $0x1AF00;
	s9 =	sadd.s32 s2, s9  }
0x493: {  	[tilespmem:s28], [sflag:$0x3] =	stream.linear.gather [hbm4b:s9+s11], $0x800, $0x38;
	[tilespmem:$0x1EF00] =	vst v63  }
0x494: {  	s9 =	sadd.s32 $0x100, s9  }
0x495: {  	[tilespmem:s26], [sflag:$0x3] =	stream.linear.gather [hbm4b:s9+s11], $0x800, $0x38;
	[tilespmem:$0x1EF00] =	vst v63  }
0x496: {  	_ =	swait.ge [sflag:s7], $0x1000  }
0x497: {  	[sflag:s7] =	ssyncset.done $0x0  }
0x498: {  	[sflag:s7] =	ssyncadd.s32 $0xFFFFF000  }
0x499: {  	_ =	swait.ge [sflag:s7], $0x1000  }
0x49a: {  	[sflag:s7] =	ssyncset.done $0x0  }
0x49b: {  	[sflag:s7] =	ssyncadd.s32 $0xFFFFF000  }
0x49c: {  	_ =	swait.ge [sflag:s7], $0x800  }
0x49d: {  	[sflag:s7] =	ssyncset.done $0x0  }
0x49e: {  	[sflag:s7] =	ssyncadd.s32 $0xFFFFF800  }
0x49f: {  	_ =	swait.ge [sflag:s7], $0x800  }
0x4a0: {  	[sflag:s7] =	ssyncset.done $0x0  }
0x4a1: {  	s29 =	simm.s32 $0x13F20;
	[sflag:s7] =	ssyncadd.s32 $0xFFFFF800  }
0x4a2: {  	v5 =	vld [tilespmem:s29+$0x10]  }
0x4a3: {  	v9 =	vld [tilespmem:s29+$0xFFFFFFF0]  }
0x4a4: {  	v10 =	vld [tilespmem:s29+$0x0]  }
0x4a5: {  	s30 =	simm.s32 $0x16F20;
	v11 =	vld [tilespmem:s29+$0xFFFFFFE0]  }
0x4a6: {  	v12 =	vld [tilespmem:s30+$0x10]  }
0x4a7: {  	v14 =	vld [tilespmem:s30+$0xFFFFFFE0]  }
0x4a8: {  	v15 =	vld [tilespmem:s30+$0xFFFFFFF0]  }
0x4a9: {  	s10 =	simm.s32 $0x13F60;
	v16 =	vld [tilespmem:s30+$0x0]  }
0x4aa: {  	v17 =	vld [tilespmem:s10+$0x10]  }
0x4ab: {  	v6 =	vld [tilespmem:s10+$0xFFFFFFF0]  }
0x4ac: {  	v7 =	vld [tilespmem:s10+$0x0]  }
0x4ad: {  	v8 =	vld [tilespmem:s10+$0xFFFFFFE0]  }
0x4ae: {  	v13 =	vld.idx.msk [tilespmem:v5+s3+$0x0], $0xffff  }
0x4af: {  	v18 =	vld.idx.msk [tilespmem:v11+s3+$0x0], $0xffff  }
0x4b0: {  	s19 =	ssub.s32 s13, s19;
	s20 =	simm.s32 $0x30;
	v19 =	vld.idx.msk [tilespmem:v9+s3+$0x0], $0xffff  }
0x4b1: {  	s28 =	simm.s32 $0x20;
	s30 =	simm.s32 $0x70;
	v5 =	vmov s19;
	v9 =	vor.u32 s11, v4;
	v11 =	vor.u32 s20, v4;
	v61 =	vld.idx.msk [tilespmem:v10+s3+$0x0], $0xffff;
	s11 =	simm.s32 $0x16F60  }
0x4b2: {  	s23 =	simm.s32 $0x10;
	v62 =	vor.u32 s28, v4;
	v63 =	vor.u32 s30, v4;
	vm1 =	vlt.u32 v11, v5;
	v10 =	vld [tilespmem:s11+$0x10]  }
0x4b3: {  	vm0 =	vlt.u32 v9, v5;
	v11 =	vor.u32 s23, v4;
	v9 =	vld.idx.msk [tilespmem:v17+s3+$0x0], $0xffff;
	v12 =	vsel vm1, $0x0, v12  }
0x4b4: {  	v14 =	vsel vm0, $0x0, v14;
	vm0 =	vlt.u32 v11, v5;
	v13 =	vmul.f32 v12, v13;
	v12 =	vld [tilespmem:s11+$0xFFFFFFE0]  }
0x4b5: {  	s10 =	simm.s32 $0x1CF20;
	s29 =	simm.s32 $0x40;
	vm1 =	vlt.u32 v62, v5;
	v11 =	vld [tilespmem:s11+$0xFFFFFFF0];
	v15 =	vsel vm0, $0x0, v15;
	v17 =	vmul.f32 v14, v18  }
0x4b6: {  	s13 =	simm.s32 $0x13FA0;
	s9 =	simm.s32 $0x80;
	v16 =	vsel vm1, $0x0, v16;
	v18 =	vor.u32 s29, v4;
	v15 =	vmul.f32 v15, v19;
	[tilespmem:s10+$0x10] =	vst v13;
	v13 =	vld [tilespmem:s11+$0x0]  }
0x4b7: {  	s19 =	simm.s32 $0xC0;
	s20 =	simm.s32 $0x60;
	s23 =	simm.s32 $0x50;
	vm1 =	vlt.u32 v63, v5;
	v14 =	vld [tilespmem:s13+$0x10];
	v16 =	vmul.f32 v16, v61;
	vm0 =	vlt.u32 v18, v5;
	[tilespmem:s10+$0xFFFFFFE0] =	vst v17  }
.LBB2_31:
0x4b8: {  	p2 =	slt.u32 s19, $0xFC0;
	v17 =	vld [tilespmem:s13+$0xFFFFFFF0];
	v18 =	vor.u32 s23, v4;
	v19 =	vor.u32 s20, v4;
	v10 =	vsel vm1, $0x0, v10;
	[tilespmem:s10+$0xFFFFFFF0] =	vst v15;
	s20 =	smov.u32 s9;
	s9 =	smov.u32 s19  }
0x4b9: {  	v15 =	vld [tilespmem:s13+$0x0];
	v20 =	vsel vm0, $0x0, v12;
	vm0 =	vlt.u32 v18, v5;
	v9 =	vmul.f32 v10, v9;
	[tilespmem:s10+$0x0] =	vst v16  }
0x4ba: {  	s10 =	sadd.s32 $0x40, s10;
	v12 =	vld [tilespmem:s13+$0xFFFFFFE0];
	v16 =	vsel vm0, $0x0, v11;
	vm0 =	vlt.u32 v19, v5  }
0x4bb: {  	v18 =	vld.idx.msk [tilespmem:v8+s3+$0x0], $0xffff;
	v19 =	vsel vm0, $0x0, v13;
	[tilespmem:s10+$0x10] =	vst v9  }
0x4bc: {  	v21 =	vld.idx.msk [tilespmem:v6+s3+$0x0], $0xffff  }
0x4bd: {  	s11 =	sadd.s32 $0x40, s11;
	v22 =	vld.idx.msk [tilespmem:v7+s3+$0x0], $0xffff;
	v6 =	vmov v17  }
0x4be: {  	v10 =	vld [tilespmem:s11+$0x10];
	v7 =	vmov v15  }
.Ltmp14:
0x4bf: {  	v9 =	vld.idx.msk [tilespmem:v14+s3+$0x0], $0xffff;
	v8 =	vmov v12;
	(pc) =	sbr.rel @p2 .LBB2_31-.Ltmp14, $4  }
0x4c0: {  	v12 =	vld [tilespmem:s11+$0xFFFFFFE0]  }
0x4c1: {  	s23 =	sadd.s32 $0x30, s20;
	v17 =	vmul.f32 v20, v18;
	v11 =	vld [tilespmem:s11+$0xFFFFFFF0]  }
0x4c2: {  	s13 =	sadd.s32 $0x40, s13;
	v18 =	vor.u32 s20, v4;
	v20 =	vor.u32 s23, v4;
	v15 =	vmul.f32 v16, v21;
	v13 =	vld [tilespmem:s11+$0x0]  }
0x4c3: {  	s19 =	sadd.s32 $0x40, s19;
	s23 =	sadd.s32 $0x10, s20;
	s20 =	sadd.s32 $0x20, s20;
	vm0 =	vlt.u32 v18, v5;
	vm1 =	vlt.u32 v20, v5;
	v16 =	vmul.f32 v19, v22;
	v14 =	vld [tilespmem:s13+$0x10];
	[tilespmem:s10+$0xFFFFFFE0] =	vst v17  }
0x4c4: {  	_ = 	snop  }
0x4c5: {  	v17 =	vld [tilespmem:s13+$0xFFFFFFF0]  }
0x4c6: {  	v18 =	vld [tilespmem:s13+$0x0]  }
0x4c7: {  	v19 =	vld [tilespmem:s13+$0xFFFFFFE0]  }
0x4c8: {  	v8 =	vld.idx.msk [tilespmem:v8+s3+$0x0], $0xffff  }
0x4c9: {  	v6 =	vld.idx.msk [tilespmem:v6+s3+$0x0], $0xffff  }
0x4ca: {  	v7 =	vld.idx.msk [tilespmem:v7+s3+$0x0], $0xffff;
	s11 =	sadd.s32 $0x40, s11  }
0x4cb: {  	v20 =	vld [tilespmem:s11+$0x10]  }
0x4cc: {  	v22 =	vld [tilespmem:s11+$0xFFFFFFE0]  }
0x4cd: {  	v21 =	vor.u32 s23, v4;
	v53 =	vld [tilespmem:s11+$0xFFFFFFF0]  }
0x4ce: {  	v23 =	vor.u32 s20, v4;
	v10 =	vsel vm1, $0x0, v10;
	v57 =	vor.u32 s9, v4;
	v55 =	vld [tilespmem:s11+$0x0]  }
0x4cf: {  	s19 =	sadd.s32 $0x30, s9;
	vm10 =	vlt.u32 v21, v5;
	v9 =	vmul.f32 v10, v9;
	v54 =	vsel vm0, $0x0, v12;
	v14 =	vld.idx.msk [tilespmem:v14+s3+$0x0], $0xffff  }
0x4d0: {  	[tilespmem:s10+$0xFFFFFFF0] =	vst v15;
	s20 =	sadd.s32 $0x10, s9;
	vm11 =	vlt.u32 v23, v5;
	v58 =	vor.u32 s19, v4;
	vm12 =	vlt.u32 v57, v5;
	v56 =	vld.idx.msk [tilespmem:v19+s3+$0x0], $0xffff  }
0x4d1: {  	s13 =	sadd.s32 $0x40, s10;
	[tilespmem:s10+$0x0] =	vst v16;
	v61 =	vor.u32 s20, v4;
	v11 =	vsel vm10, $0x0, v11;
	v8 =	vmul.f32 v54, v8;
	v59 =	vld.idx.msk [tilespmem:v17+s3+$0x0], $0xffff  }
0x4d2: {  	s23 =	sadd.s32 $0x20, s9;
	vm13 =	vlt.u32 v58, v5;
	v13 =	vsel vm11, $0x0, v13;
	[tilespmem:s13+$0x10] =	vst v9;
	v6 =	vmul.f32 v11, v6;
	v60 =	vld.idx.msk [tilespmem:v18+s3+$0x0], $0xffff  }
0x4d3: {  	v62 =	vor.u32 s23, v4;
	v7 =	vmul.f32 v13, v7;
	v15 =	vsel vm13, $0x0, v20;
	[tilespmem:s13+$0xFFFFFFE0] =	vst v8  }
0x4d4: {  	vm14 =	vlt.u32 v61, v5;
	[tilespmem:s13+$0xFFFFFFF0] =	vst v6;
	v6 =	vsel vm12, $0x0, v22;
	v63 =	vmul.f32 v15, v14  }
0x4d5: {  	s28 =	sadd.s32 $0x40, s13;
	vm15 =	vlt.u32 v62, v5;
	[tilespmem:s13+$0x0] =	vst v7;
	v7 =	vsel vm14, $0x0, v53;
	v5 =	vmul.f32 v6, v56  }
0x4d6: {  	s6 =	sadd.s32 $0x1, s6;
	[tilespmem:s28+$0x10] =	vst v63;
	v6 =	vsel vm15, $0x0, v55;
	v7 =	vmul.f32 v7, v59  }
0x4d7: {  	p2 =	sne.s32 s6, $0x6;
	[tilespmem:s28+$0xFFFFFFE0] =	vst v5;
	v5 =	vmul.f32 v6, v60  }
.Ltmp15:
0x4d8: {  	[tilespmem:s28+$0xFFFFFFF0] =	vst v7;
	(pc) =	sbr.rel @p2 .LBB2_26-.Ltmp15, $4  }
0x4d9: {  	s29 =	simm.s32 $0x1CF00;
	[tilespmem:s28+$0x0] =	vst v5  }
0x4da: {  	[spmem:s5] =	stream.indirect.scatter.add.f32 [tilespmem:s29], [sflag:$0x5], $0x1, s21, s25, $0xb8;
	[tilespmem:$0x1EF00] =	vst v63  }
0x4db: {  	s30 =	simm.s32 $0x1D700  }
0x4dc: {  	[spmem:s5] =	stream.indirect.scatter.add.f32 [tilespmem:s30], [sflag:$0x5], $0x1, s22, s25, $0xb8;
	[tilespmem:$0x1EF00] =	vst v63  }
0x4dd: {  	_ =	swait.ge [sflag:s0], $0x800  }
0x4de: {  	[sflag:s0] =	ssyncset.done $0x0  }
0x4df: {  	[sflag:s0] =	ssyncadd.s32 $0xFFFFF800  }
0x4e0: {  	_ =	swait.ge [sflag:s0], $0x800  }
0x4e1: {  	[sflag:s0] =	ssyncset.done $0x0  }
0x4e2: {  	[sflag:s0] =	ssyncadd.s32 $0xFFFFF800  }
0x4e3: {  	_ =	swait.ge [sflag:s8], $0x800  }
0x4e4: {  	[sflag:s8] =	ssyncset.done $0x0  }
0x4e5: {  	[sflag:s8] =	ssyncadd.s32 $0xFFFFF800  }
0x4e6: {  	_ =	swait.ge [sflag:s8], $0x800  }
0x4e7: {  	[sflag:s8] =	ssyncset.done $0x0  }
0x4e8: {  	[sflag:s8] =	ssyncadd.s32 $0xFFFFF800  }
0x4e9: {  	_ =	swait.ge [sflag:s14], $0x1000  }
0x4ea: {  	[sflag:s14] =	ssyncset.done $0x0  }
0x4eb: {  	[sflag:s14] =	ssyncadd.s32 $0xFFFFF000  }
0x4ec: {  	_ =	swait.ge [sflag:s14], $0x1000  }
0x4ed: {  	[sflag:s14] =	ssyncset.done $0x0  }
0x4ee: {  	[sflag:s14] =	ssyncadd.s32 $0xFFFFF000  }
0x4ef: {  	_ =	swait.ge [sflag:s14], $0x800  }
0x4f0: {  	[sflag:s14] =	ssyncset.done $0x0  }
0x4f1: {  	[sflag:s14] =	ssyncadd.s32 $0xFFFFF800  }
0x4f2: {  	_ =	swait.ge [sflag:s14], $0x800  }
0x4f3: {  	[sflag:s14] =	ssyncset.done $0x0  }
0x4f4: {  	[sflag:s14] =	ssyncadd.s32 $0xFFFFF800  }
0x4f5: {  	[bflag:$0x0] =	sbarrier.arrive $0xFFFF  }
0x4f6: {  	s9 =	sld [smem:$0x7FD];
	_ =	sdelay $0x1  }
0x4f7: {  	s6 =	simm.s32 @!p1 $0xE100  }
0x4f8: {  	[tilespmem:s6], [sflag:$0x8] =	stream.linear.gather @!p1 [spmem:s9], $0xC80, $0x38;
	[tilespmem:$0x1EF00] =	vst v63  }
0x4f9: {  	s6 =	simm.s32 @!p1 $0x8  }
0x4fa: {  	_ =	swait.ge @!p1 [sflag:s6], $0xC80  }
0x4fb: {  	s11 =	sld [smem:$0x7F7]  }
0x4fc: {  	[sflag:s6] =	ssyncset.done @!p1 $0x0  }
0x4fd: {  	s10 =	simm.s32 @!p1 $0xEAD0;
	s9 =	simm.s32 @!p1 $0x0;
	[sflag:s6] =	ssyncadd.s32 @!p1 $0xFFFFF380  }
0x4fe: {  	[hbm4b:s11+s9] =	stream.linear.scatter @!p1 [tilespmem:s10], [sflag:$0x8], $0x200, $0x38;
	[tilespmem:$0x1EF00] =	vst v63  }
0x4ff: {  	_ =	swait.ge @!p1 [sflag:s6], $0x200  }
0x500: {  	s29 =	sld [smem:$0x7F6]  }
0x501: {  	s30 =	sld [smem:$0x7F8];
	_ =	sdelay $0x1  }
0x502: {  	s10 =	sadd.s32 $0x1, s29  }
0x503: {  	p2 =	sne.s32 s10, s30  }
.Ltmp16:
0x504: {  	_ = 	snop;
	(pc) =	sbr.rel @p2 .LBB2_1-.Ltmp16, $3  }
0x505: {  	_ =	sdelay $0x1  }
0x506: {  	s18 =	simm.s32 $0x8;
	[sflag:s6] =	ssyncset.done @!p1 $0x0  }
0x507: {  	s20 =	simm.s32 $0x11B80;
	s19 =	rddreg [dreg:$0xb];
	[sflag:s6] =	ssyncadd.s32 @!p1 $0xFFFFFE00  }
0x508: {  	_ =	sfence.sel $0x180000  }
0x509: {  	[bflag:$0x0] =	sbarrier.arrive $0xFFFF  }
0x50a: {  	_ =	strace $0x90000047  }
0x50b: {  	[bflag:$0x2] =	sbarrier.arrive $0xFFFF  }
0x50c: {  	s0 =	rddreg [dreg:$0xa]  }
0x50d: {  	s0 =	sadd.s32 @!p0 $0x100000, s0  }
0x50e: {  	[sflag:s0] =	ssyncadd.tile.s32 @!p0 $0x1;
	_ =	shalt  }
.Lfunc_end2:
_tile_overlayer_lowered:
.L_overlay_start_2:
0x50f: {  	(tag) =	ssettag $0x2  }
0x510: {  	s0 =	rddreg [dreg:$0x0];
	s2 =	stileid.u32  }
0x511: {  	s1 =	rddreg [dreg:$0x1];
	p0 =	sne.s32 s2, $0x0  }
0x512: {  	s3 =	rddreg [dreg:$0x2];
	[bflag:$0x3] =	sbarrier.arrive $0xFFFF;
	s2 =	simm.s32 @!p0 $0x1C08  }
0x513: {  	[timem:s3], [sflag:s2] =	dma.local @!p0 [hbm:s0], s1  }
0x514: {  	s0 =	simm.s32 @!p0 $0x8  }
0x515: {  	_ =	swait.ge @!p0 [sflag:s0], s1  }
0x516: {  	s1 =	ssub.s32 @!p0 $0x0, s1;
	[sflag:s0] =	ssyncset.done @!p0 $0x0  }
0x517: {  	[sflag:s0] =	ssyncadd.s32 @!p0 s1  }
0x518: {  	[bflag:$0x3] =	sbarrier.arrive $0xFFFF  }
0x519: {  	_ =	shalt  }

</sc_bundles>
